<compile_context>
chip_gen: v7x
topology: tpu7x:2x2x1
jax: 0.10.2.dev20260603
libtpu: 0.0.44.dev20260713+nightly
codegen_flags: <defaults>
</compile_context>

<pallas_src>
import functools

import numpy as np
import jax
import jax.numpy as jnp
from jax import lax
from jax.experimental import pallas as pl
from jax.experimental.pallas import tpu as pltpu
from jax.experimental.pallas import tpu_sc as plsc

_N = 10000
_E = 320000
_D = 128
_H = 8
_DH = 16

_NC = 2
_NS = 16
_NW = _NC * _NS
_EPW = _E // _NW
_BE = 40
_NBLK = _EPW // _BE
_NPAIR = _NBLK // 2
_RPT = 624
_TAIL = _N - _NS * _RPT

_f32 = jnp.float32
_i32 = jnp.int32


def _proj_body(x_ref, wkv_ref, wq_ref, kv_ref, q_ref):
    xb = x_ref[...]
    kv_ref[...] = jnp.dot(xb, wkv_ref[...], preferred_element_type=_f32)
    q_ref[...] = jnp.dot(xb, wq_ref[...], preferred_element_type=_f32) * 0.25


_proj = pl.pallas_call(
    _proj_body,
    grid=(10,),
    in_specs=[
        pl.BlockSpec((1000, _D), lambda i: (i, 0)),
        pl.BlockSpec((_D, 2 * _D), lambda i: (0, 0)),
        pl.BlockSpec((_D, _D), lambda i: (0, 0)),
    ],
    out_specs=[
        pl.BlockSpec((1000, 2 * _D), lambda i: (i, 0)),
        pl.BlockSpec((1000, _D), lambda i: (i, 0)),
    ],
    out_shape=[
        jax.ShapeDtypeStruct((_N, 2 * _D), _f32),
        jax.ShapeDtypeStruct((_N, _D), _f32),
    ],
)


def _ehm_body(ea_ref, we_ref, out_ref):
    out_ref[...] = jnp.dot(ea_ref[...], we_ref[...],
                           preferred_element_type=_f32)


_ehm = pl.pallas_call(
    _ehm_body,
    grid=(160,),
    in_specs=[
        pl.BlockSpec((2000, _DH), lambda i: (i, 0)),
        pl.BlockSpec((_DH, _D), lambda i: (0, 0)),
    ],
    out_specs=pl.BlockSpec((2000, _D), lambda i: (i, 0)),
    out_shape=jax.ShapeDtypeStruct((_E, _D), _f32),
)


def _sc_body(kv_hbm, q_hbm, eh_hbm, pidx_hbm,
             wv_out, z_out,
             pidx0, kv0, q0, eh0, zr0, didxs0,
             pidx1, kv1, q1, eh1, zr1, didxs1,
             wv_sh, z_sh, semi, semg0, semg1, sems):
    c = lax.axis_index("c")
    s = lax.axis_index("s")
    wid = s * _NC + c
    b_w0 = wid * _NBLK

    iota16 = lax.iota(_i32, 16)
    zeros16 = jnp.zeros((16,), _f32)
    ones16 = jnp.full((16,), 1, _i32)
    fifteen16 = jnp.full((16,), 15, _i32)
    v128 = jnp.full((16,), _D, _i32)

    def _zero_eh(r, carry):
        for cc in range(8):
            eh0[r, pl.ds(cc * 16, 16)] = zeros16
        return carry

    lax.fori_loop(0, _BE, _zero_eh, 0)
    rz = iota16 >> 3
    cz = iota16 & 7
    for k in range(_BE // 2):
        plsc.store_scatter(zr0, [rz + 2 * k, cz], zeros16)

    start = s * _RPT
    for i in range(15):
        pltpu.sync_copy(eh0, wv_sh.at[pl.ds(start + i * _BE, _BE), :])
        pltpu.sync_copy(zr0, z_sh.at[pl.ds(start + i * _BE, _BE), :])
    pltpu.sync_copy(eh0.at[pl.ds(0, 24), :],
                    wv_sh.at[pl.ds(start + 600, 24), :])
    pltpu.sync_copy(zr0.at[pl.ds(0, 24), :],
                    z_sh.at[pl.ds(start + 600, 24), :])

    @pl.when(s == _NS - 1)
    def _zero_tail():
        pltpu.sync_copy(eh0.at[pl.ds(0, _TAIL), :],
                        wv_sh.at[pl.ds(_NS * _RPT, _TAIL), :])
        pltpu.sync_copy(zr0.at[pl.ds(0, _TAIL), :],
                        z_sh.at[pl.ds(_NS * _RPT, _TAIL), :])

    plsc.subcore_barrier()

    def _load_idx(bid, pidx):
        pltpu.async_copy(pidx_hbm.at[bid], pidx, semi).wait()

    def _issue_gathers(bid, pidx, kv, q, eh, semg):
        pltpu.async_copy(kv_hbm.at[pidx.at[0]], kv, semg)
        pltpu.async_copy(q_hbm.at[pidx.at[1]], q, semg)
        pltpu.async_copy(eh_hbm.at[pl.ds(bid * _BE, _BE), :], eh, semg)

    def _drain_gathers(bid, pidx, kv, q, eh, semg):
        pltpu.make_async_copy(kv_hbm.at[pidx.at[0]], kv, semg).wait()
        pltpu.make_async_copy(q_hbm.at[pidx.at[1]], q, semg).wait()
        pltpu.make_async_copy(
            eh_hbm.at[pl.ds(bid * _BE, _BE), :], eh, semg).wait()

    def _compute(kv, q, eh, zr):
        def grp(g, carry):
            el = g * 16
            rows = iota16 + el
            mask = rows < _BE

            def head(h, counters):
                cb, hcol = counters
                rot = iota16
                acc = zeros16
                for d in range(_DH):
                    cv = cb | rot
                    kc = plsc.load_gather(kv, [rows, cv], mask=mask)
                    qc = plsc.load_gather(q, [rows, cv], mask=mask)
                    ec = plsc.load_gather(eh, [rows, cv], mask=mask)
                    acc = acc + kc * qc * ec
                    if d < _DH - 1:
                        rot = (rot + ones16) & fifteen16
                sv = jnp.exp(jnp.clip(acc, -5.0, 5.0))
                plsc.store_scatter(zr, [rows, hcol], sv, mask=mask)
                rot = iota16
                for d in range(_DH):
                    cv = cb | rot
                    vc = plsc.load_gather(kv, [rows, cv + v128], mask=mask)
                    plsc.store_scatter(eh, [rows, cv], vc * sv, mask=mask)
                    if d < _DH - 1:
                        rot = (rot + ones16) & fifteen16
                return (cb + _DH, hcol + ones16)

            lax.fori_loop(0, _H, head,
                          (jnp.zeros((16,), _i32), jnp.zeros((16,), _i32)))
            return carry

        lax.fori_loop(0, 3, grp, 0)

    def _save_didx(pidx, didxs):
        didxs[pl.ds(0, 16)] = pidx[1, pl.ds(0, 16)]
        didxs[pl.ds(16, 16)] = pidx[1, pl.ds(16, 16)]
        didxs[pl.ds(24, 16)] = pidx[1, pl.ds(24, 16)]

    def _scatter_sync(eh, zr, didxs):
        c1 = pltpu.async_copy(eh, wv_sh.at[didxs], sems, add=True)
        c2 = pltpu.async_copy(zr, z_sh.at[didxs], sems, add=True)
        c1.wait()
        c2.wait()

    _load_idx(b_w0, pidx0)
    _issue_gathers(b_w0, pidx0, kv0, q0, eh0, semg0)
    _load_idx(b_w0 + 1, pidx1)
    _issue_gathers(b_w0 + 1, pidx1, kv1, q1, eh1, semg1)

    def pair(i, carry):
        bid0 = b_w0 + i * 2
        bid1 = bid0 + 1
        bid2 = bid0 + 2
        bid3 = bid0 + 3
        not_last = i < _NPAIR - 1
        _save_didx(pidx0, didxs0)
        _drain_gathers(bid0, pidx0, kv0, q0, eh0, semg0)

        @pl.when(not_last)
        def _pref0():
            pltpu.async_copy(pidx_hbm.at[bid2], pidx0, semi)

        _compute(kv0, q0, eh0, zr0)
        _scatter_sync(eh0, zr0, didxs0)

        @pl.when(not_last)
        def _refill0():
            pltpu.make_async_copy(pidx_hbm.at[bid2], pidx0, semi).wait()
            _issue_gathers(bid2, pidx0, kv0, q0, eh0, semg0)

        _save_didx(pidx1, didxs1)
        _drain_gathers(bid1, pidx1, kv1, q1, eh1, semg1)

        @pl.when(not_last)
        def _pref1():
            pltpu.async_copy(pidx_hbm.at[bid3], pidx1, semi)

        _compute(kv1, q1, eh1, zr1)
        _scatter_sync(eh1, zr1, didxs1)

        @pl.when(not_last)
        def _refill1():
            pltpu.make_async_copy(pidx_hbm.at[bid3], pidx1, semi).wait()
            _issue_gathers(bid3, pidx1, kv1, q1, eh1, semg1)

        return carry

    lax.fori_loop(0, _NPAIR, pair, 0)

    plsc.subcore_barrier()
    pltpu.sync_copy(wv_sh.at[pl.ds(start, _RPT), :],
                    wv_out.at[c, pl.ds(start, _RPT), :])
    pltpu.sync_copy(z_sh.at[pl.ds(start, _RPT), :],
                    z_out.at[c, pl.ds(start, _RPT), :])

    @pl.when(s == _NS - 1)
    def _copy_tail():
        pltpu.sync_copy(wv_sh.at[pl.ds(_NS * _RPT, _TAIL), :],
                        wv_out.at[c, pl.ds(_NS * _RPT, _TAIL), :])
        pltpu.sync_copy(z_sh.at[pl.ds(_NS * _RPT, _TAIL), :],
                        z_out.at[c, pl.ds(_NS * _RPT, _TAIL), :])


_sc = functools.partial(
    pl.kernel,
    mesh=plsc.VectorSubcoreMesh(core_axis_name="c", subcore_axis_name="s"),
    compiler_params=pltpu.CompilerParams(
        use_tc_tiling_on_sc=False, needs_layout_passes=False),
    out_type=[
        jax.ShapeDtypeStruct((_NC, _N, _D), _f32),
        jax.ShapeDtypeStruct((_NC, _N, _H), _f32),
    ],
    scratch_types=[
        pltpu.VMEM((2, _BE), _i32),
        pltpu.VMEM((_BE, 2 * _D), _f32),
        pltpu.VMEM((_BE, _D), _f32),
        pltpu.VMEM((_BE, _D), _f32),
        pltpu.VMEM((_BE, _H), _f32),
        pltpu.VMEM((_BE,), _i32),
        pltpu.VMEM((2, _BE), _i32),
        pltpu.VMEM((_BE, 2 * _D), _f32),
        pltpu.VMEM((_BE, _D), _f32),
        pltpu.VMEM((_BE, _D), _f32),
        pltpu.VMEM((_BE, _H), _f32),
        pltpu.VMEM((_BE,), _i32),
        pltpu.VMEM_SHARED((_N, _D), _f32),
        pltpu.VMEM_SHARED((_N, _H), _f32),
        pltpu.SemaphoreType.DMA,
        pltpu.SemaphoreType.DMA,
        pltpu.SemaphoreType.DMA,
        pltpu.SemaphoreType.DMA,
    ],
)(_sc_body)


def _fin_body(wv_ref, z_ref, r_ref, o_ref):
    zs = z_ref[0] + z_ref[1]
    recip = 1.0 / (zs + 1e-6)
    zb = jnp.dot(recip, r_ref[...], preferred_element_type=_f32)
    o_ref[...] = (wv_ref[0] + wv_ref[1]) * zb


_fin = pl.pallas_call(
    _fin_body,
    grid=(10,),
    in_specs=[
        pl.BlockSpec((_NC, 1000, _D), lambda i: (0, i, 0)),
        pl.BlockSpec((_NC, 1000, _H), lambda i: (0, i, 0)),
        pl.BlockSpec((_H, _D), lambda i: (0, 0)),
    ],
    out_specs=pl.BlockSpec((1000, _D), lambda i: (i, 0)),
    out_shape=jax.ShapeDtypeStruct((_N, _D), _f32),
)

_RNP = np.kron(np.eye(_H), np.ones((1, _DH))).astype(np.float32)


def kernel(x, edge_index, edge_attr, WQ, WK, WE, WV):
    wkv = jnp.concatenate([WK, WV], axis=1)
    kv, q = _proj(x, wkv, WQ)
    eh = _ehm(edge_attr, WE)
    pidx = jnp.swapaxes(edge_index.reshape(2, _E // _BE, _BE), 0, 1)
    wv_p, z_p = _sc(kv, q, eh, pidx)
    return _fin(wv_p, z_p, jnp.asarray(_RNP))

# --- scband reference (transcript-rebuilt; emitter-appended) ---
"""Pipeline reference for scband-exp-linear-11476152615033 (READ-ONLY COPY).

The authoritative reference and input builder live on the scoring server;
editing this copy changes nothing except your own understanding.
"""

import jax, jax.numpy as jnp
import numpy as np

N = 10000
E = 320000
D = 128
DE = 16
H = 8
DH = D // H  # 16


def setup_inputs(seed: int = 0) -> dict:
    key = jax.random.key(seed)
    ks = jax.random.split(key, 8)
    x = jax.random.normal(ks[0], (N, D), dtype=jnp.float32)
    edge_index = jax.random.randint(ks[1], (2, E), 0, N, dtype=jnp.int32)
    edge_attr = jax.random.normal(ks[2], (E, DE), dtype=jnp.float32)
    # learned projection weights (no bias, matching use_bias=False)
    WQ = jax.random.normal(ks[3], (D, H * DH), dtype=jnp.float32) * 0.05
    WK = jax.random.normal(ks[4], (D, H * DH), dtype=jnp.float32) * 0.05
    WE = jax.random.normal(ks[5], (DE, H * DH), dtype=jnp.float32) * 0.05
    WV = jax.random.normal(ks[6], (D, H * DH), dtype=jnp.float32) * 0.05
    return {"x": x, "edge_index": edge_index, "edge_attr": edge_attr,
            "WQ": WQ, "WK": WK, "WE": WE, "WV": WV}


def reference(x, edge_index, edge_attr, WQ, WK, WE, WV):
    # ExphormerAttention core: per-edge gather, score, exp, scatter-add softmax
    n = x.shape[0]
    Qh = (x @ WQ).reshape(n, H, DH)
    Kh = (x @ WK).reshape(n, H, DH)
    Vh = (x @ WV).reshape(n, H, DH)
    Eh = (edge_attr @ WE).reshape(-1, H, DH)
    src_idx = edge_index[0]
    dst_idx = edge_index[1]
    src = jnp.take(Kh, src_idx, axis=0)        # [E, H, DH]
    dest = jnp.take(Qh, dst_idx, axis=0)       # [E, H, DH]
    score = src * dest
    score = score / np.sqrt(DH)
    score = score * Eh
    score = jnp.exp(jnp.clip(jnp.sum(score, axis=-1, keepdims=True), -5.0, 5.0))  # [E, H, 1]
    msg = jnp.take(Vh, src_idx, axis=0) * score  # [E, H, DH]
    wV = jax.ops.segment_sum(msg, dst_idx, num_segments=n)     # [N, H, DH]
    Z = jax.ops.segment_sum(score, dst_idx, num_segments=n)    # [N, H, 1]
    h_out = wV / (Z + 1e-06)
    h_out = h_out.reshape(n, H * DH)
    return h_out

if __name__ == "__main__":
    import jax
    _d = setup_inputs()
    print(jax.jit(kernel)(*tuple(_d.values())))

</pallas_src>

<mosaic_0001>
#map = affine_map<(d0, d1) -> (0, 0)>
#map1 = affine_map<(d0, d1) -> (0, 0, 0)>
module attributes {stable_mosaic.version = 14 : i64} {
  func.func @_sc_body(%arg0: i32, %arg1: i32, %arg2: memref<10000x256xf32, #tpu.memory_space<hbm>>, %arg3: memref<10000x128xf32, #tpu.memory_space<hbm>>, %arg4: memref<320000x128xf32, #tpu.memory_space<hbm>>, %arg5: memref<8000x2x40xi32, #tpu.memory_space<hbm>>, %arg6: memref<2x10000x128xf32, #tpu.memory_space<hbm>>, %arg7: memref<2x10000x8xf32, #tpu.memory_space<hbm>>, %arg8: memref<2x40xi32, #tpu.memory_space<vmem>>, %arg9: memref<40x256xf32, #tpu.memory_space<vmem>>, %arg10: memref<40x128xf32, #tpu.memory_space<vmem>>, %arg11: memref<40x128xf32, #tpu.memory_space<vmem>>, %arg12: memref<40x8xf32, #tpu.memory_space<vmem>>, %arg13: memref<40xi32, #tpu.memory_space<vmem>>, %arg14: memref<2x40xi32, #tpu.memory_space<vmem>>, %arg15: memref<40x256xf32, #tpu.memory_space<vmem>>, %arg16: memref<40x128xf32, #tpu.memory_space<vmem>>, %arg17: memref<40x128xf32, #tpu.memory_space<vmem>>, %arg18: memref<40x8xf32, #tpu.memory_space<vmem>>, %arg19: memref<40xi32, #tpu.memory_space<vmem>>, %arg20: memref<10000x128xf32, #tpu.memory_space<vmem_shared>>, %arg21: memref<10000x8xf32, #tpu.memory_space<vmem_shared>>, %arg22: memref<!tpu.dma_semaphore, #tpu.memory_space<semaphore_mem>>, %arg23: memref<!tpu.dma_semaphore, #tpu.memory_space<semaphore_mem>>, %arg24: memref<!tpu.dma_semaphore, #tpu.memory_space<semaphore_mem>>, %arg25: memref<!tpu.dma_semaphore, #tpu.memory_space<semaphore_mem>>) attributes {dimension_semantics = [#tpu.dimension_semantics<core_parallel>, #tpu.dimension_semantics<subcore_parallel>], iteration_bounds = array<i64: 2, 16>, scalar_prefetch = 0 : i64, scratch_operands = 18 : i64, tpu.core_type = #tpu.core_type<sc_vector_subcore>, window_params = [{transform_indices = #map}, {transform_indices = #map}, {transform_indices = #map}, {transform_indices = #map1}, {transform_indices = #map1}, {transform_indices = #map1}]} {
    %mul3A = arith.constant 2 : i32
    %mul3A_0 = arith.muli %arg1, %mul3A : i32
    %add3A = arith.addi %mul3A_0, %arg0 : i32
    %mul3A_1 = arith.constant 250 : i32
    %mul3A_2 = arith.muli %add3A, %mul3A_1 : i32
    %iota3A = tpu.iota {dimensions = array<i32: 0>} : vector<16xi32>
    %broadcast_in_dim3A = arith.constant 0.000000e+00 : f32
    %broadcast_in_dim3A_3 = vector.broadcast %broadcast_in_dim3A : f32 to vector<16xf32>
    %broadcast_in_dim3A_4 = arith.constant 1 : i32
    %broadcast_in_dim3A_5 = vector.broadcast %broadcast_in_dim3A_4 : i32 to vector<16xi32>
    %broadcast_in_dim3A_6 = arith.constant 15 : i32
    %broadcast_in_dim3A_7 = vector.broadcast %broadcast_in_dim3A_6 : i32 to vector<16xi32>
    %broadcast_in_dim3A_8 = arith.constant 128 : i32
    %broadcast_in_dim3A_9 = vector.broadcast %broadcast_in_dim3A_8 : i32 to vector<16xi32>
    %scan3A = arith.constant 0 : i32
    %scan3A_10 = arith.constant 0 : i32
    %scan3A_11 = arith.constant 40 : i32
    %scan3A_12 = arith.addi %scan3A_10, %scan3A_11 : i32
    %scan3A_13 = arith.constant 1 : i32
    scf.for %scan3A_233 = %scan3A_10 to %scan3A_12 step %scan3A_13  : i32 {
      %swap3A = arith.index_cast %scan3A_233 : i32 to index
      %swap3A_234 = arith.constant 0 : index
      %swap3A_235 = tpu.vector_load %arg11[%swap3A, %swap3A_234] {strides = array<i32>} : memref<40x128xf32, #tpu.memory_space<vmem>>, vector<16xf32>,
      tpu.vector_store %arg11[%swap3A, %swap3A_234], %broadcast_in_dim3A_3 {strides = array<i32>} : memref<40x128xf32, #tpu.memory_space<vmem>>, vector<16xf32>,
      %swap3A_236 = arith.index_cast %scan3A_233 : i32 to index
      %swap3A_237 = arith.constant 16 : index
      %swap3A_238 = tpu.vector_load %arg11[%swap3A_236, %swap3A_237] {strides = array<i32>} : memref<40x128xf32, #tpu.memory_space<vmem>>, vector<16xf32>,
      tpu.vector_store %arg11[%swap3A_236, %swap3A_237], %broadcast_in_dim3A_3 {strides = array<i32>} : memref<40x128xf32, #tpu.memory_space<vmem>>, vector<16xf32>,
      %swap3A_239 = arith.index_cast %scan3A_233 : i32 to index
      %swap3A_240 = arith.constant 32 : index
      %swap3A_241 = tpu.vector_load %arg11[%swap3A_239, %swap3A_240] {strides = array<i32>} : memref<40x128xf32, #tpu.memory_space<vmem>>, vector<16xf32>,
      tpu.vector_store %arg11[%swap3A_239, %swap3A_240], %broadcast_in_dim3A_3 {strides = array<i32>} : memref<40x128xf32, #tpu.memory_space<vmem>>, vector<16xf32>,
      %swap3A_242 = arith.index_cast %scan3A_233 : i32 to index
      %swap3A_243 = arith.constant 48 : index
      %swap3A_244 = tpu.vector_load %arg11[%swap3A_242, %swap3A_243] {strides = array<i32>} : memref<40x128xf32, #tpu.memory_space<vmem>>, vector<16xf32>,
      tpu.vector_store %arg11[%swap3A_242, %swap3A_243], %broadcast_in_dim3A_3 {strides = array<i32>} : memref<40x128xf32, #tpu.memory_space<vmem>>, vector<16xf32>,
      %swap3A_245 = arith.index_cast %scan3A_233 : i32 to index
      %swap3A_246 = arith.constant 64 : index
      %swap3A_247 = tpu.vector_load %arg11[%swap3A_245, %swap3A_246] {strides = array<i32>} : memref<40x128xf32, #tpu.memory_space<vmem>>, vector<16xf32>,
      tpu.vector_store %arg11[%swap3A_245, %swap3A_246], %broadcast_in_dim3A_3 {strides = array<i32>} : memref<40x128xf32, #tpu.memory_space<vmem>>, vector<16xf32>,
      %swap3A_248 = arith.index_cast %scan3A_233 : i32 to index
      %swap3A_249 = arith.constant 80 : index
      %swap3A_250 = tpu.vector_load %arg11[%swap3A_248, %swap3A_249] {strides = array<i32>} : memref<40x128xf32, #tpu.memory_space<vmem>>, vector<16xf32>,
      tpu.vector_store %arg11[%swap3A_248, %swap3A_249], %broadcast_in_dim3A_3 {strides = array<i32>} : memref<40x128xf32, #tpu.memory_space<vmem>>, vector<16xf32>,
      %swap3A_251 = arith.index_cast %scan3A_233 : i32 to index
      %swap3A_252 = arith.constant 96 : index
      %swap3A_253 = tpu.vector_load %arg11[%swap3A_251, %swap3A_252] {strides = array<i32>} : memref<40x128xf32, #tpu.memory_space<vmem>>, vector<16xf32>,
      tpu.vector_store %arg11[%swap3A_251, %swap3A_252], %broadcast_in_dim3A_3 {strides = array<i32>} : memref<40x128xf32, #tpu.memory_space<vmem>>, vector<16xf32>,
      %swap3A_254 = arith.index_cast %scan3A_233 : i32 to index
      %swap3A_255 = arith.constant 112 : index
      %swap3A_256 = tpu.vector_load %arg11[%swap3A_254, %swap3A_255] {strides = array<i32>} : memref<40x128xf32, #tpu.memory_space<vmem>>, vector<16xf32>,
      tpu.vector_store %arg11[%swap3A_254, %swap3A_255], %broadcast_in_dim3A_3 {strides = array<i32>} : memref<40x128xf32, #tpu.memory_space<vmem>>, vector<16xf32>,
    }
    %scan3A_14 = arith.constant 40 : i32
    %shift_right_arithmetic3A = arith.constant 3 : i32
    %shift_right_arithmetic3A_15 = vector.broadcast %shift_right_arithmetic3A : i32 to vector<16xi32>
    %shift_right_arithmetic3A_16 = arith.shrsi %iota3A, %shift_right_arithmetic3A_15 : vector<16xi32>
    %and3A = arith.constant 7 : i32
    %and3A_17 = vector.broadcast %and3A : i32 to vector<16xi32>
    %and3A_18 = arith.andi %iota3A, %and3A_17 : vector<16xi32>
    %add3A_19 = arith.constant 0 : i32
    %add3A_20 = vector.broadcast %add3A_19 : i32 to vector<16xi32>
    %add3A_21 = arith.addi %shift_right_arithmetic3A_16, %add3A_20 : vector<16xi32>
    tpu.vector_store_idx %arg12[%add3A_21, %and3A_18], %broadcast_in_dim3A_3 : memref<40x8xf32, #tpu.memory_space<vmem>>[vector<16xi32>, vector<16xi32>], vector<16xf32>,
    %add3A_22 = arith.constant 2 : i32
    %add3A_23 = vector.broadcast %add3A_22 : i32 to vector<16xi32>
    %add3A_24 = arith.addi %shift_right_arithmetic3A_16, %add3A_23 : vector<16xi32>
    tpu.vector_store_idx %arg12[%add3A_24, %and3A_18], %broadcast_in_dim3A_3 : memref<40x8xf32, #tpu.memory_space<vmem>>[vector<16xi32>, vector<16xi32>], vector<16xf32>,
    %add3A_25 = arith.constant 4 : i32
    %add3A_26 = vector.broadcast %add3A_25 : i32 to vector<16xi32>
    %add3A_27 = arith.addi %shift_right_arithmetic3A_16, %add3A_26 : vector<16xi32>
    tpu.vector_store_idx %arg12[%add3A_27, %and3A_18], %broadcast_in_dim3A_3 : memref<40x8xf32, #tpu.memory_space<vmem>>[vector<16xi32>, vector<16xi32>], vector<16xf32>,
    %add3A_28 = arith.constant 6 : i32
    %add3A_29 = vector.broadcast %add3A_28 : i32 to vector<16xi32>
    %add3A_30 = arith.addi %shift_right_arithmetic3A_16, %add3A_29 : vector<16xi32>
    tpu.vector_store_idx %arg12[%add3A_30, %and3A_18], %broadcast_in_dim3A_3 : memref<40x8xf32, #tpu.memory_space<vmem>>[vector<16xi32>, vector<16xi32>], vector<16xf32>,
    %add3A_31 = arith.constant 8 : i32
    %add3A_32 = vector.broadcast %add3A_31 : i32 to vector<16xi32>
    %add3A_33 = arith.addi %shift_right_arithmetic3A_16, %add3A_32 : vector<16xi32>
    tpu.vector_store_idx %arg12[%add3A_33, %and3A_18], %broadcast_in_dim3A_3 : memref<40x8xf32, #tpu.memory_space<vmem>>[vector<16xi32>, vector<16xi32>], vector<16xf32>,
    %add3A_34 = arith.constant 10 : i32
    %add3A_35 = vector.broadcast %add3A_34 : i32 to vector<16xi32>
    %add3A_36 = arith.addi %shift_right_arithmetic3A_16, %add3A_35 : vector<16xi32>
    tpu.vector_store_idx %arg12[%add3A_36, %and3A_18], %broadcast_in_dim3A_3 : memref<40x8xf32, #tpu.memory_space<vmem>>[vector<16xi32>, vector<16xi32>], vector<16xf32>,
    %add3A_37 = arith.constant 12 : i32
    %add3A_38 = vector.broadcast %add3A_37 : i32 to vector<16xi32>
    %add3A_39 = arith.addi %shift_right_arithmetic3A_16, %add3A_38 : vector<16xi32>
    tpu.vector_store_idx %arg12[%add3A_39, %and3A_18], %broadcast_in_dim3A_3 : memref<40x8xf32, #tpu.memory_space<vmem>>[vector<16xi32>, vector<16xi32>], vector<16xf32>,
    %add3A_40 = arith.constant 14 : i32
    %add3A_41 = vector.broadcast %add3A_40 : i32 to vector<16xi32>
    %add3A_42 = arith.addi %shift_right_arithmetic3A_16, %add3A_41 : vector<16xi32>
    tpu.vector_store_idx %arg12[%add3A_42, %and3A_18], %broadcast_in_dim3A_3 : memref<40x8xf32, #tpu.memory_space<vmem>>[vector<16xi32>, vector<16xi32>], vector<16xf32>,
    %add3A_43 = arith.constant 16 : i32
    %add3A_44 = vector.broadcast %add3A_43 : i32 to vector<16xi32>
    %add3A_45 = arith.addi %shift_right_arithmetic3A_16, %add3A_44 : vector<16xi32>
    tpu.vector_store_idx %arg12[%add3A_45, %and3A_18], %broadcast_in_dim3A_3 : memref<40x8xf32, #tpu.memory_space<vmem>>[vector<16xi32>, vector<16xi32>], vector<16xf32>,
    %add3A_46 = arith.constant 18 : i32
    %add3A_47 = vector.broadcast %add3A_46 : i32 to vector<16xi32>
    %add3A_48 = arith.addi %shift_right_arithmetic3A_16, %add3A_47 : vector<16xi32>
    tpu.vector_store_idx %arg12[%add3A_48, %and3A_18], %broadcast_in_dim3A_3 : memref<40x8xf32, #tpu.memory_space<vmem>>[vector<16xi32>, vector<16xi32>], vector<16xf32>,
    %add3A_49 = arith.constant 20 : i32
    %add3A_50 = vector.broadcast %add3A_49 : i32 to vector<16xi32>
    %add3A_51 = arith.addi %shift_right_arithmetic3A_16, %add3A_50 : vector<16xi32>
    tpu.vector_store_idx %arg12[%add3A_51, %and3A_18], %broadcast_in_dim3A_3 : memref<40x8xf32, #tpu.memory_space<vmem>>[vector<16xi32>, vector<16xi32>], vector<16xf32>,
    %add3A_52 = arith.constant 22 : i32
    %add3A_53 = vector.broadcast %add3A_52 : i32 to vector<16xi32>
    %add3A_54 = arith.addi %shift_right_arithmetic3A_16, %add3A_53 : vector<16xi32>
    tpu.vector_store_idx %arg12[%add3A_54, %and3A_18], %broadcast_in_dim3A_3 : memref<40x8xf32, #tpu.memory_space<vmem>>[vector<16xi32>, vector<16xi32>], vector<16xf32>,
    %add3A_55 = arith.constant 24 : i32
    %add3A_56 = vector.broadcast %add3A_55 : i32 to vector<16xi32>
    %add3A_57 = arith.addi %shift_right_arithmetic3A_16, %add3A_56 : vector<16xi32>
    tpu.vector_store_idx %arg12[%add3A_57, %and3A_18], %broadcast_in_dim3A_3 : memref<40x8xf32, #tpu.memory_space<vmem>>[vector<16xi32>, vector<16xi32>], vector<16xf32>,
    %add3A_58 = arith.constant 26 : i32
    %add3A_59 = vector.broadcast %add3A_58 : i32 to vector<16xi32>
    %add3A_60 = arith.addi %shift_right_arithmetic3A_16, %add3A_59 : vector<16xi32>
    tpu.vector_store_idx %arg12[%add3A_60, %and3A_18], %broadcast_in_dim3A_3 : memref<40x8xf32, #tpu.memory_space<vmem>>[vector<16xi32>, vector<16xi32>], vector<16xf32>,
    %add3A_61 = arith.constant 28 : i32
    %add3A_62 = vector.broadcast %add3A_61 : i32 to vector<16xi32>
    %add3A_63 = arith.addi %shift_right_arithmetic3A_16, %add3A_62 : vector<16xi32>
    tpu.vector_store_idx %arg12[%add3A_63, %and3A_18], %broadcast_in_dim3A_3 : memref<40x8xf32, #tpu.memory_space<vmem>>[vector<16xi32>, vector<16xi32>], vector<16xf32>,
    %add3A_64 = arith.constant 30 : i32
    %add3A_65 = vector.broadcast %add3A_64 : i32 to vector<16xi32>
    %add3A_66 = arith.addi %shift_right_arithmetic3A_16, %add3A_65 : vector<16xi32>
    tpu.vector_store_idx %arg12[%add3A_66, %and3A_18], %broadcast_in_dim3A_3 : memref<40x8xf32, #tpu.memory_space<vmem>>[vector<16xi32>, vector<16xi32>], vector<16xf32>,
    %add3A_67 = arith.constant 32 : i32
    %add3A_68 = vector.broadcast %add3A_67 : i32 to vector<16xi32>
    %add3A_69 = arith.addi %shift_right_arithmetic3A_16, %add3A_68 : vector<16xi32>
    tpu.vector_store_idx %arg12[%add3A_69, %and3A_18], %broadcast_in_dim3A_3 : memref<40x8xf32, #tpu.memory_space<vmem>>[vector<16xi32>, vector<16xi32>], vector<16xf32>,
    %add3A_70 = arith.constant 34 : i32
    %add3A_71 = vector.broadcast %add3A_70 : i32 to vector<16xi32>
    %add3A_72 = arith.addi %shift_right_arithmetic3A_16, %add3A_71 : vector<16xi32>
    tpu.vector_store_idx %arg12[%add3A_72, %and3A_18], %broadcast_in_dim3A_3 : memref<40x8xf32, #tpu.memory_space<vmem>>[vector<16xi32>, vector<16xi32>], vector<16xf32>,
    %add3A_73 = arith.constant 36 : i32
    %add3A_74 = vector.broadcast %add3A_73 : i32 to vector<16xi32>
    %add3A_75 = arith.addi %shift_right_arithmetic3A_16, %add3A_74 : vector<16xi32>
    tpu.vector_store_idx %arg12[%add3A_75, %and3A_18], %broadcast_in_dim3A_3 : memref<40x8xf32, #tpu.memory_space<vmem>>[vector<16xi32>, vector<16xi32>], vector<16xf32>,
    %add3A_76 = arith.constant 38 : i32
    %add3A_77 = vector.broadcast %add3A_76 : i32 to vector<16xi32>
    %add3A_78 = arith.addi %shift_right_arithmetic3A_16, %add3A_77 : vector<16xi32>
    tpu.vector_store_idx %arg12[%add3A_78, %and3A_18], %broadcast_in_dim3A_3 : memref<40x8xf32, #tpu.memory_space<vmem>>[vector<16xi32>, vector<16xi32>], vector<16xf32>,
    %mul3A_79 = arith.constant 624 : i32
    %mul3A_80 = arith.muli %arg1, %mul3A_79 : i32
    %add3A_81 = arith.constant 0 : i32
    %add3A_82 = arith.addi %mul3A_80, %add3A_81 : i32
    "tpu.region"() ({
      %run_scoped3A = tpu.sem_alloc : memref<!tpu.dma_semaphore, #tpu.memory_space<semaphore_mem>>
      %dma_start3A_233 = arith.constant 0 : i32
      %dma_start3A_234 = tpu.memref_slice %arg20[%add3A_82, %dma_start3A_233] : memref<10000x128xf32, #tpu.memory_space<vmem_shared>> -> memref<40x128xf32, #tpu.memory_space<vmem_shared>>
      %dma_start3A_235 = arith.constant 0 : i32
      %dma_start3A_236 = tpu.memref_slice %arg20[%add3A_82, %dma_start3A_235] : memref<10000x128xf32, #tpu.memory_space<vmem_shared>> -> memref<40x128xf32, #tpu.memory_space<vmem_shared>>
      tpu.enqueue_dma source(%arg11 : memref<40x128xf32, #tpu.memory_space<vmem>>) target(%dma_start3A_236 : memref<40x128xf32, #tpu.memory_space<vmem_shared>>) target_semaphore(%run_scoped3A : memref<!tpu.dma_semaphore, #tpu.memory_space<semaphore_mem>>)
      %dma_wait3A_237 = arith.constant 0 : i32
      %dma_wait3A_238 = tpu.memref_slice %arg20[%add3A_82, %dma_wait3A_237] : memref<10000x128xf32, #tpu.memory_space<vmem_shared>> -> memref<40x128xf32, #tpu.memory_space<vmem_shared>>
      %dma_wait3A_239 = arith.constant 0 : i32
      %dma_wait3A_240 = tpu.memref_slice %arg20[%add3A_82, %dma_wait3A_239] : memref<10000x128xf32, #tpu.memory_space<vmem_shared>> -> memref<40x128xf32, #tpu.memory_space<vmem_shared>>
      tpu.wait_dma2 semaphore(%run_scoped3A : memref<!tpu.dma_semaphore, #tpu.memory_space<semaphore_mem>>) src(%arg11 : memref<40x128xf32, #tpu.memory_space<vmem>>) dst(%dma_wait3A_240 : memref<40x128xf32, #tpu.memory_space<vmem_shared>>)
      tpu.yield
    }) : () -> ()
    %add3A_83 = arith.constant 0 : i32
    %add3A_84 = arith.addi %mul3A_80, %add3A_83 : i32
    "tpu.region"() ({
      %run_scoped3A = tpu.sem_alloc : memref<!tpu.dma_semaphore, #tpu.memory_space<semaphore_mem>>
      %dma_start3A_233 = arith.constant 0 : i32
      %dma_start3A_234 = tpu.memref_slice %arg21[%add3A_84, %dma_start3A_233] : memref<10000x8xf32, #tpu.memory_space<vmem_shared>> -> memref<40x8xf32, #tpu.memory_space<vmem_shared>>
      %dma_start3A_235 = arith.constant 0 : i32
      %dma_start3A_236 = tpu.memref_slice %arg21[%add3A_84, %dma_start3A_235] : memref<10000x8xf32, #tpu.memory_space<vmem_shared>> -> memref<40x8xf32, #tpu.memory_space<vmem_shared>>
      tpu.enqueue_dma source(%arg12 : memref<40x8xf32, #tpu.memory_space<vmem>>) target(%dma_start3A_236 : memref<40x8xf32, #tpu.memory_space<vmem_shared>>) target_semaphore(%run_scoped3A : memref<!tpu.dma_semaphore, #tpu.memory_space<semaphore_mem>>)
      %dma_wait3A_237 = arith.constant 0 : i32
      %dma_wait3A_238 = tpu.memref_slice %arg21[%add3A_84, %dma_wait3A_237] : memref<10000x8xf32, #tpu.memory_space<vmem_shared>> -> memref<40x8xf32, #tpu.memory_space<vmem_shared>>
      %dma_wait3A_239 = arith.constant 0 : i32
      %dma_wait3A_240 = tpu.memref_slice %arg21[%add3A_84, %dma_wait3A_239] : memref<10000x8xf32, #tpu.memory_space<vmem_shared>> -> memref<40x8xf32, #tpu.memory_space<vmem_shared>>
      tpu.wait_dma2 semaphore(%run_scoped3A : memref<!tpu.dma_semaphore, #tpu.memory_space<semaphore_mem>>) src(%arg12 : memref<40x8xf32, #tpu.memory_space<vmem>>) dst(%dma_wait3A_240 : memref<40x8xf32, #tpu.memory_space<vmem_shared>>)
      tpu.yield
    }) : () -> ()
    %add3A_85 = arith.constant 40 : i32
    %add3A_86 = arith.addi %mul3A_80, %add3A_85 : i32
    "tpu.region"() ({
      %run_scoped3A = tpu.sem_alloc : memref<!tpu.dma_semaphore, #tpu.memory_space<semaphore_mem>>
      %dma_start3A_233 = arith.constant 0 : i32
      %dma_start3A_234 = tpu.memref_slice %arg20[%add3A_86, %dma_start3A_233] : memref<10000x128xf32, #tpu.memory_space<vmem_shared>> -> memref<40x128xf32, #tpu.memory_space<vmem_shared>>
      %dma_start3A_235 = arith.constant 0 : i32
      %dma_start3A_236 = tpu.memref_slice %arg20[%add3A_86, %dma_start3A_235] : memref<10000x128xf32, #tpu.memory_space<vmem_shared>> -> memref<40x128xf32, #tpu.memory_space<vmem_shared>>
      tpu.enqueue_dma source(%arg11 : memref<40x128xf32, #tpu.memory_space<vmem>>) target(%dma_start3A_236 : memref<40x128xf32, #tpu.memory_space<vmem_shared>>) target_semaphore(%run_scoped3A : memref<!tpu.dma_semaphore, #tpu.memory_space<semaphore_mem>>)
      %dma_wait3A_237 = arith.constant 0 : i32
      %dma_wait3A_238 = tpu.memref_slice %arg20[%add3A_86, %dma_wait3A_237] : memref<10000x128xf32, #tpu.memory_space<vmem_shared>> -> memref<40x128xf32, #tpu.memory_space<vmem_shared>>
      %dma_wait3A_239 = arith.constant 0 : i32
      %dma_wait3A_240 = tpu.memref_slice %arg20[%add3A_86, %dma_wait3A_239] : memref<10000x128xf32, #tpu.memory_space<vmem_shared>> -> memref<40x128xf32, #tpu.memory_space<vmem_shared>>
      tpu.wait_dma2 semaphore(%run_scoped3A : memref<!tpu.dma_semaphore, #tpu.memory_space<semaphore_mem>>) src(%arg11 : memref<40x128xf32, #tpu.memory_space<vmem>>) dst(%dma_wait3A_240 : memref<40x128xf32, #tpu.memory_space<vmem_shared>>)
      tpu.yield
    }) : () -> ()
    %add3A_87 = arith.constant 40 : i32
    %add3A_88 = arith.addi %mul3A_80, %add3A_87 : i32
    "tpu.region"() ({
      %run_scoped3A = tpu.sem_alloc : memref<!tpu.dma_semaphore, #tpu.memory_space<semaphore_mem>>
      %dma_start3A_233 = arith.constant 0 : i32
      %dma_start3A_234 = tpu.memref_slice %arg21[%add3A_88, %dma_start3A_233] : memref<10000x8xf32, #tpu.memory_space<vmem_shared>> -> memref<40x8xf32, #tpu.memory_space<vmem_shared>>
      %dma_start3A_235 = arith.constant 0 : i32
      %dma_start3A_236 = tpu.memref_slice %arg21[%add3A_88, %dma_start3A_235] : memref<10000x8xf32, #tpu.memory_space<vmem_shared>> -> memref<40x8xf32, #tpu.memory_space<vmem_shared>>
      tpu.enqueue_dma source(%arg12 : memref<40x8xf32, #tpu.memory_space<vmem>>) target(%dma_start3A_236 : memref<40x8xf32, #tpu.memory_space<vmem_shared>>) target_semaphore(%run_scoped3A : memref<!tpu.dma_semaphore, #tpu.memory_space<semaphore_mem>>)
      %dma_wait3A_237 = arith.constant 0 : i32
      %dma_wait3A_238 = tpu.memref_slice %arg21[%add3A_88, %dma_wait3A_237] : memref<10000x8xf32, #tpu.memory_space<vmem_shared>> -> memref<40x8xf32, #tpu.memory_space<vmem_shared>>
      %dma_wait3A_239 = arith.constant 0 : i32
      %dma_wait3A_240 = tpu.memref_slice %arg21[%add3A_88, %dma_wait3A_239] : memref<10000x8xf32, #tpu.memory_space<vmem_shared>> -> memref<40x8xf32, #tpu.memory_space<vmem_shared>>
      tpu.wait_dma2 semaphore(%run_scoped3A : memref<!tpu.dma_semaphore, #tpu.memory_space<semaphore_mem>>) src(%arg12 : memref<40x8xf32, #tpu.memory_space<vmem>>) dst(%dma_wait3A_240 : memref<40x8xf32, #tpu.memory_space<vmem_shared>>)
      tpu.yield
    }) : () -> ()
    %add3A_89 = arith.constant 80 : i32
    %add3A_90 = arith.addi %mul3A_80, %add3A_89 : i32
    "tpu.region"() ({
      %run_scoped3A = tpu.sem_alloc : memref<!tpu.dma_semaphore, #tpu.memory_space<semaphore_mem>>
      %dma_start3A_233 = arith.constant 0 : i32
      %dma_start3A_234 = tpu.memref_slice %arg20[%add3A_90, %dma_start3A_233] : memref<10000x128xf32, #tpu.memory_space<vmem_shared>> -> memref<40x128xf32, #tpu.memory_space<vmem_shared>>
      %dma_start3A_235 = arith.constant 0 : i32
      %dma_start3A_236 = tpu.memref_slice %arg20[%add3A_90, %dma_start3A_235] : memref<10000x128xf32, #tpu.memory_space<vmem_shared>> -> memref<40x128xf32, #tpu.memory_space<vmem_shared>>
      tpu.enqueue_dma source(%arg11 : memref<40x128xf32, #tpu.memory_space<vmem>>) target(%dma_start3A_236 : memref<40x128xf32, #tpu.memory_space<vmem_shared>>) target_semaphore(%run_scoped3A : memref<!tpu.dma_semaphore, #tpu.memory_space<semaphore_mem>>)
      %dma_wait3A_237 = arith.constant 0 : i32
      %dma_wait3A_238 = tpu.memref_slice %arg20[%add3A_90, %dma_wait3A_237] : memref<10000x128xf32, #tpu.memory_space<vmem_shared>> -> memref<40x128xf32, #tpu.memory_space<vmem_shared>>
      %dma_wait3A_239 = arith.constant 0 : i32
      %dma_wait3A_240 = tpu.memref_slice %arg20[%add3A_90, %dma_wait3A_239] : memref<10000x128xf32, #tpu.memory_space<vmem_shared>> -> memref<40x128xf32, #tpu.memory_space<vmem_shared>>
      tpu.wait_dma2 semaphore(%run_scoped3A : memref<!tpu.dma_semaphore, #tpu.memory_space<semaphore_mem>>) src(%arg11 : memref<40x128xf32, #tpu.memory_space<vmem>>) dst(%dma_wait3A_240 : memref<40x128xf32, #tpu.memory_space<vmem_shared>>)
      tpu.yield
    }) : () -> ()
    %add3A_91 = arith.constant 80 : i32
    %add3A_92 = arith.addi %mul3A_80, %add3A_91 : i32
    "tpu.region"() ({
      %run_scoped3A = tpu.sem_alloc : memref<!tpu.dma_semaphore, #tpu.memory_space<semaphore_mem>>
      %dma_start3A_233 = arith.constant 0 : i32
      %dma_start3A_234 = tpu.memref_slice %arg21[%add3A_92, %dma_start3A_233] : memref<10000x8xf32, #tpu.memory_space<vmem_shared>> -> memref<40x8xf32, #tpu.memory_space<vmem_shared>>
      %dma_start3A_235 = arith.constant 0 : i32
      %dma_start3A_236 = tpu.memref_slice %arg21[%add3A_92, %dma_start3A_235] : memref<10000x8xf32, #tpu.memory_space<vmem_shared>> -> memref<40x8xf32, #tpu.memory_space<vmem_shared>>
      tpu.enqueue_dma source(%arg12 : memref<40x8xf32, #tpu.memory_space<vmem>>) target(%dma_start3A_236 : memref<40x8xf32, #tpu.memory_space<vmem_shared>>) target_semaphore(%run_scoped3A : memref<!tpu.dma_semaphore, #tpu.memory_space<semaphore_mem>>)
      %dma_wait3A_237 = arith.constant 0 : i32
      %dma_wait3A_238 = tpu.memref_slice %arg21[%add3A_92, %dma_wait3A_237] : memref<10000x8xf32, #tpu.memory_space<vmem_shared>> -> memref<40x8xf32, #tpu.memory_space<vmem_shared>>
      %dma_wait3A_239 = arith.constant 0 : i32
      %dma_wait3A_240 = tpu.memref_slice %arg21[%add3A_92, %dma_wait3A_239] : memref<10000x8xf32, #tpu.memory_space<vmem_shared>> -> memref<40x8xf32, #tpu.memory_space<vmem_shared>>
      tpu.wait_dma2 semaphore(%run_scoped3A : memref<!tpu.dma_semaphore, #tpu.memory_space<semaphore_mem>>) src(%arg12 : memref<40x8xf32, #tpu.memory_space<vmem>>) dst(%dma_wait3A_240 : memref<40x8xf32, #tpu.memory_space<vmem_shared>>)
      tpu.yield
    }) : () -> ()
    %add3A_93 = arith.constant 120 : i32
    %add3A_94 = arith.addi %mul3A_80, %add3A_93 : i32
    "tpu.region"() ({
      %run_scoped3A = tpu.sem_alloc : memref<!tpu.dma_semaphore, #tpu.memory_space<semaphore_mem>>
      %dma_start3A_233 = arith.constant 0 : i32
      %dma_start3A_234 = tpu.memref_slice %arg20[%add3A_94, %dma_start3A_233] : memref<10000x128xf32, #tpu.memory_space<vmem_shared>> -> memref<40x128xf32, #tpu.memory_space<vmem_shared>>
      %dma_start3A_235 = arith.constant 0 : i32
      %dma_start3A_236 = tpu.memref_slice %arg20[%add3A_94, %dma_start3A_235] : memref<10000x128xf32, #tpu.memory_space<vmem_shared>> -> memref<40x128xf32, #tpu.memory_space<vmem_shared>>
      tpu.enqueue_dma source(%arg11 : memref<40x128xf32, #tpu.memory_space<vmem>>) target(%dma_start3A_236 : memref<40x128xf32, #tpu.memory_space<vmem_shared>>) target_semaphore(%run_scoped3A : memref<!tpu.dma_semaphore, #tpu.memory_space<semaphore_mem>>)
      %dma_wait3A_237 = arith.constant 0 : i32
      %dma_wait3A_238 = tpu.memref_slice %arg20[%add3A_94, %dma_wait3A_237] : memref<10000x128xf32, #tpu.memory_space<vmem_shared>> -> memref<40x128xf32, #tpu.memory_space<vmem_shared>>
      %dma_wait3A_239 = arith.constant 0 : i32
      %dma_wait3A_240 = tpu.memref_slice %arg20[%add3A_94, %dma_wait3A_239] : memref<10000x128xf32, #tpu.memory_space<vmem_shared>> -> memref<40x128xf32, #tpu.memory_space<vmem_shared>>
      tpu.wait_dma2 semaphore(%run_scoped3A : memref<!tpu.dma_semaphore, #tpu.memory_space<semaphore_mem>>) src(%arg11 : memref<40x128xf32, #tpu.memory_space<vmem>>) dst(%dma_wait3A_240 : memref<40x128xf32, #tpu.memory_space<vmem_shared>>)
      tpu.yield
    }) : () -> ()
    %add3A_95 = arith.constant 120 : i32
    %add3A_96 = arith.addi %mul3A_80, %add3A_95 : i32
    "tpu.region"() ({
      %run_scoped3A = tpu.sem_alloc : memref<!tpu.dma_semaphore, #tpu.memory_space<semaphore_mem>>
      %dma_start3A_233 = arith.constant 0 : i32
      %dma_start3A_234 = tpu.memref_slice %arg21[%add3A_96, %dma_start3A_233] : memref<10000x8xf32, #tpu.memory_space<vmem_shared>> -> memref<40x8xf32, #tpu.memory_space<vmem_shared>>
      %dma_start3A_235 = arith.constant 0 : i32
      %dma_start3A_236 = tpu.memref_slice %arg21[%add3A_96, %dma_start3A_235] : memref<10000x8xf32, #tpu.memory_space<vmem_shared>> -> memref<40x8xf32, #tpu.memory_space<vmem_shared>>
      tpu.enqueue_dma source(%arg12 : memref<40x8xf32, #tpu.memory_space<vmem>>) target(%dma_start3A_236 : memref<40x8xf32, #tpu.memory_space<vmem_shared>>) target_semaphore(%run_scoped3A : memref<!tpu.dma_semaphore, #tpu.memory_space<semaphore_mem>>)
      %dma_wait3A_237 = arith.constant 0 : i32
      %dma_wait3A_238 = tpu.memref_slice %arg21[%add3A_96, %dma_wait3A_237] : memref<10000x8xf32, #tpu.memory_space<vmem_shared>> -> memref<40x8xf32, #tpu.memory_space<vmem_shared>>
      %dma_wait3A_239 = arith.constant 0 : i32
      %dma_wait3A_240 = tpu.memref_slice %arg21[%add3A_96, %dma_wait3A_239] : memref<10000x8xf32, #tpu.memory_space<vmem_shared>> -> memref<40x8xf32, #tpu.memory_space<vmem_shared>>
      tpu.wait_dma2 semaphore(%run_scoped3A : memref<!tpu.dma_semaphore, #tpu.memory_space<semaphore_mem>>) src(%arg12 : memref<40x8xf32, #tpu.memory_space<vmem>>) dst(%dma_wait3A_240 : memref<40x8xf32, #tpu.memory_space<vmem_shared>>)
      tpu.yield
    }) : () -> ()
    %add3A_97 = arith.constant 160 : i32
    %add3A_98 = arith.addi %mul3A_80, %add3A_97 : i32
    "tpu.region"() ({
      %run_scoped3A = tpu.sem_alloc : memref<!tpu.dma_semaphore, #tpu.memory_space<semaphore_mem>>
      %dma_start3A_233 = arith.constant 0 : i32
      %dma_start3A_234 = tpu.memref_slice %arg20[%add3A_98, %dma_start3A_233] : memref<10000x128xf32, #tpu.memory_space<vmem_shared>> -> memref<40x128xf32, #tpu.memory_space<vmem_shared>>
      %dma_start3A_235 = arith.constant 0 : i32
      %dma_start3A_236 = tpu.memref_slice %arg20[%add3A_98, %dma_start3A_235] : memref<10000x128xf32, #tpu.memory_space<vmem_shared>> -> memref<40x128xf32, #tpu.memory_space<vmem_shared>>
      tpu.enqueue_dma source(%arg11 : memref<40x128xf32, #tpu.memory_space<vmem>>) target(%dma_start3A_236 : memref<40x128xf32, #tpu.memory_space<vmem_shared>>) target_semaphore(%run_scoped3A : memref<!tpu.dma_semaphore, #tpu.memory_space<semaphore_mem>>)
      %dma_wait3A_237 = arith.constant 0 : i32
      %dma_wait3A_238 = tpu.memref_slice %arg20[%add3A_98, %dma_wait3A_237] : memref<10000x128xf32, #tpu.memory_space<vmem_shared>> -> memref<40x128xf32, #tpu.memory_space<vmem_shared>>
      %dma_wait3A_239 = arith.constant 0 : i32
      %dma_wait3A_240 = tpu.memref_slice %arg20[%add3A_98, %dma_wait3A_239] : memref<10000x128xf32, #tpu.memory_space<vmem_shared>> -> memref<40x128xf32, #tpu.memory_space<vmem_shared>>
      tpu.wait_dma2 semaphore(%run_scoped3A : memref<!tpu.dma_semaphore, #tpu.memory_space<semaphore_mem>>) src(%arg11 : memref<40x128xf32, #tpu.memory_space<vmem>>) dst(%dma_wait3A_240 : memref<40x128xf32, #tpu.memory_space<vmem_shared>>)
      tpu.yield
    }) : () -> ()
    %add3A_99 = arith.constant 160 : i32
    %add3A_100 = arith.addi %mul3A_80, %add3A_99 : i32
    "tpu.region"() ({
      %run_scoped3A = tpu.sem_alloc : memref<!tpu.dma_semaphore, #tpu.memory_space<semaphore_mem>>
      %dma_start3A_233 = arith.constant 0 : i32
      %dma_start3A_234 = tpu.memref_slice %arg21[%add3A_100, %dma_start3A_233] : memref<10000x8xf32, #tpu.memory_space<vmem_shared>> -> memref<40x8xf32, #tpu.memory_space<vmem_shared>>
      %dma_start3A_235 = arith.constant 0 : i32
      %dma_start3A_236 = tpu.memref_slice %arg21[%add3A_100, %dma_start3A_235] : memref<10000x8xf32, #tpu.memory_space<vmem_shared>> -> memref<40x8xf32, #tpu.memory_space<vmem_shared>>
      tpu.enqueue_dma source(%arg12 : memref<40x8xf32, #tpu.memory_space<vmem>>) target(%dma_start3A_236 : memref<40x8xf32, #tpu.memory_space<vmem_shared>>) target_semaphore(%run_scoped3A : memref<!tpu.dma_semaphore, #tpu.memory_space<semaphore_mem>>)
      %dma_wait3A_237 = arith.constant 0 : i32
      %dma_wait3A_238 = tpu.memref_slice %arg21[%add3A_100, %dma_wait3A_237] : memref<10000x8xf32, #tpu.memory_space<vmem_shared>> -> memref<40x8xf32, #tpu.memory_space<vmem_shared>>
      %dma_wait3A_239 = arith.constant 0 : i32
      %dma_wait3A_240 = tpu.memref_slice %arg21[%add3A_100, %dma_wait3A_239] : memref<10000x8xf32, #tpu.memory_space<vmem_shared>> -> memref<40x8xf32, #tpu.memory_space<vmem_shared>>
      tpu.wait_dma2 semaphore(%run_scoped3A : memref<!tpu.dma_semaphore, #tpu.memory_space<semaphore_mem>>) src(%arg12 : memref<40x8xf32, #tpu.memory_space<vmem>>) dst(%dma_wait3A_240 : memref<40x8xf32, #tpu.memory_space<vmem_shared>>)
      tpu.yield
    }) : () -> ()
    %add3A_101 = arith.constant 200 : i32
    %add3A_102 = arith.addi %mul3A_80, %add3A_101 : i32
    "tpu.region"() ({
      %run_scoped3A = tpu.sem_alloc : memref<!tpu.dma_semaphore, #tpu.memory_space<semaphore_mem>>
      %dma_start3A_233 = arith.constant 0 : i32
      %dma_start3A_234 = tpu.memref_slice %arg20[%add3A_102, %dma_start3A_233] : memref<10000x128xf32, #tpu.memory_space<vmem_shared>> -> memref<40x128xf32, #tpu.memory_space<vmem_shared>>
      %dma_start3A_235 = arith.constant 0 : i32
      %dma_start3A_236 = tpu.memref_slice %arg20[%add3A_102, %dma_start3A_235] : memref<10000x128xf32, #tpu.memory_space<vmem_shared>> -> memref<40x128xf32, #tpu.memory_space<vmem_shared>>
      tpu.enqueue_dma source(%arg11 : memref<40x128xf32, #tpu.memory_space<vmem>>) target(%dma_start3A_236 : memref<40x128xf32, #tpu.memory_space<vmem_shared>>) target_semaphore(%run_scoped3A : memref<!tpu.dma_semaphore, #tpu.memory_space<semaphore_mem>>)
      %dma_wait3A_237 = arith.constant 0 : i32
      %dma_wait3A_238 = tpu.memref_slice %arg20[%add3A_102, %dma_wait3A_237] : memref<10000x128xf32, #tpu.memory_space<vmem_shared>> -> memref<40x128xf32, #tpu.memory_space<vmem_shared>>
      %dma_wait3A_239 = arith.constant 0 : i32
      %dma_wait3A_240 = tpu.memref_slice %arg20[%add3A_102, %dma_wait3A_239] : memref<10000x128xf32, #tpu.memory_space<vmem_shared>> -> memref<40x128xf32, #tpu.memory_space<vmem_shared>>
      tpu.wait_dma2 semaphore(%run_scoped3A : memref<!tpu.dma_semaphore, #tpu.memory_space<semaphore_mem>>) src(%arg11 : memref<40x128xf32, #tpu.memory_space<vmem>>) dst(%dma_wait3A_240 : memref<40x128xf32, #tpu.memory_space<vmem_shared>>)
      tpu.yield
    }) : () -> ()
    %add3A_103 = arith.constant 200 : i32
    %add3A_104 = arith.addi %mul3A_80, %add3A_103 : i32
    "tpu.region"() ({
      %run_scoped3A = tpu.sem_alloc : memref<!tpu.dma_semaphore, #tpu.memory_space<semaphore_mem>>
      %dma_start3A_233 = arith.constant 0 : i32
      %dma_start3A_234 = tpu.memref_slice %arg21[%add3A_104, %dma_start3A_233] : memref<10000x8xf32, #tpu.memory_space<vmem_shared>> -> memref<40x8xf32, #tpu.memory_space<vmem_shared>>
      %dma_start3A_235 = arith.constant 0 : i32
      %dma_start3A_236 = tpu.memref_slice %arg21[%add3A_104, %dma_start3A_235] : memref<10000x8xf32, #tpu.memory_space<vmem_shared>> -> memref<40x8xf32, #tpu.memory_space<vmem_shared>>
      tpu.enqueue_dma source(%arg12 : memref<40x8xf32, #tpu.memory_space<vmem>>) target(%dma_start3A_236 : memref<40x8xf32, #tpu.memory_space<vmem_shared>>) target_semaphore(%run_scoped3A : memref<!tpu.dma_semaphore, #tpu.memory_space<semaphore_mem>>)
      %dma_wait3A_237 = arith.constant 0 : i32
      %dma_wait3A_238 = tpu.memref_slice %arg21[%add3A_104, %dma_wait3A_237] : memref<10000x8xf32, #tpu.memory_space<vmem_shared>> -> memref<40x8xf32, #tpu.memory_space<vmem_shared>>
      %dma_wait3A_239 = arith.constant 0 : i32
      %dma_wait3A_240 = tpu.memref_slice %arg21[%add3A_104, %dma_wait3A_239] : memref<10000x8xf32, #tpu.memory_space<vmem_shared>> -> memref<40x8xf32, #tpu.memory_space<vmem_shared>>
      tpu.wait_dma2 semaphore(%run_scoped3A : memref<!tpu.dma_semaphore, #tpu.memory_space<semaphore_mem>>) src(%arg12 : memref<40x8xf32, #tpu.memory_space<vmem>>) dst(%dma_wait3A_240 : memref<40x8xf32, #tpu.memory_space<vmem_shared>>)
      tpu.yield
    }) : () -> ()
    %add3A_105 = arith.constant 240 : i32
    %add3A_106 = arith.addi %mul3A_80, %add3A_105 : i32
    "tpu.region"() ({
      %run_scoped3A = tpu.sem_alloc : memref<!tpu.dma_semaphore, #tpu.memory_space<semaphore_mem>>
      %dma_start3A_233 = arith.constant 0 : i32
      %dma_start3A_234 = tpu.memref_slice %arg20[%add3A_106, %dma_start3A_233] : memref<10000x128xf32, #tpu.memory_space<vmem_shared>> -> memref<40x128xf32, #tpu.memory_space<vmem_shared>>
      %dma_start3A_235 = arith.constant 0 : i32
      %dma_start3A_236 = tpu.memref_slice %arg20[%add3A_106, %dma_start3A_235] : memref<10000x128xf32, #tpu.memory_space<vmem_shared>> -> memref<40x128xf32, #tpu.memory_space<vmem_shared>>
      tpu.enqueue_dma source(%arg11 : memref<40x128xf32, #tpu.memory_space<vmem>>) target(%dma_start3A_236 : memref<40x128xf32, #tpu.memory_space<vmem_shared>>) target_semaphore(%run_scoped3A : memref<!tpu.dma_semaphore, #tpu.memory_space<semaphore_mem>>)
      %dma_wait3A_237 = arith.constant 0 : i32
      %dma_wait3A_238 = tpu.memref_slice %arg20[%add3A_106, %dma_wait3A_237] : memref<10000x128xf32, #tpu.memory_space<vmem_shared>> -> memref<40x128xf32, #tpu.memory_space<vmem_shared>>
      %dma_wait3A_239 = arith.constant 0 : i32
      %dma_wait3A_240 = tpu.memref_slice %arg20[%add3A_106, %dma_wait3A_239] : memref<10000x128xf32, #tpu.memory_space<vmem_shared>> -> memref<40x128xf32, #tpu.memory_space<vmem_shared>>
      tpu.wait_dma2 semaphore(%run_scoped3A : memref<!tpu.dma_semaphore, #tpu.memory_space<semaphore_mem>>) src(%arg11 : memref<40x128xf32, #tpu.memory_space<vmem>>) dst(%dma_wait3A_240 : memref<40x128xf32, #tpu.memory_space<vmem_shared>>)
      tpu.yield
    }) : () -> ()
    %add3A_107 = arith.constant 240 : i32
    %add3A_108 = arith.addi %mul3A_80, %add3A_107 : i32
    "tpu.region"() ({
      %run_scoped3A = tpu.sem_alloc : memref<!tpu.dma_semaphore, #tpu.memory_space<semaphore_mem>>
      %dma_start3A_233 = arith.constant 0 : i32
      %dma_start3A_234 = tpu.memref_slice %arg21[%add3A_108, %dma_start3A_233] : memref<10000x8xf32, #tpu.memory_space<vmem_shared>> -> memref<40x8xf32, #tpu.memory_space<vmem_shared>>
      %dma_start3A_235 = arith.constant 0 : i32
      %dma_start3A_236 = tpu.memref_slice %arg21[%add3A_108, %dma_start3A_235] : memref<10000x8xf32, #tpu.memory_space<vmem_shared>> -> memref<40x8xf32, #tpu.memory_space<vmem_shared>>
      tpu.enqueue_dma source(%arg12 : memref<40x8xf32, #tpu.memory_space<vmem>>) target(%dma_start3A_236 : memref<40x8xf32, #tpu.memory_space<vmem_shared>>) target_semaphore(%run_scoped3A : memref<!tpu.dma_semaphore, #tpu.memory_space<semaphore_mem>>)
      %dma_wait3A_237 = arith.constant 0 : i32
      %dma_wait3A_238 = tpu.memref_slice %arg21[%add3A_108, %dma_wait3A_237] : memref<10000x8xf32, #tpu.memory_space<vmem_shared>> -> memref<40x8xf32, #tpu.memory_space<vmem_shared>>
      %dma_wait3A_239 = arith.constant 0 : i32
      %dma_wait3A_240 = tpu.memref_slice %arg21[%add3A_108, %dma_wait3A_239] : memref<10000x8xf32, #tpu.memory_space<vmem_shared>> -> memref<40x8xf32, #tpu.memory_space<vmem_shared>>
      tpu.wait_dma2 semaphore(%run_scoped3A : memref<!tpu.dma_semaphore, #tpu.memory_space<semaphore_mem>>) src(%arg12 : memref<40x8xf32, #tpu.memory_space<vmem>>) dst(%dma_wait3A_240 : memref<40x8xf32, #tpu.memory_space<vmem_shared>>)
      tpu.yield
    }) : () -> ()
    %add3A_109 = arith.constant 280 : i32
    %add3A_110 = arith.addi %mul3A_80, %add3A_109 : i32
    "tpu.region"() ({
      %run_scoped3A = tpu.sem_alloc : memref<!tpu.dma_semaphore, #tpu.memory_space<semaphore_mem>>
      %dma_start3A_233 = arith.constant 0 : i32
      %dma_start3A_234 = tpu.memref_slice %arg20[%add3A_110, %dma_start3A_233] : memref<10000x128xf32, #tpu.memory_space<vmem_shared>> -> memref<40x128xf32, #tpu.memory_space<vmem_shared>>
      %dma_start3A_235 = arith.constant 0 : i32
      %dma_start3A_236 = tpu.memref_slice %arg20[%add3A_110, %dma_start3A_235] : memref<10000x128xf32, #tpu.memory_space<vmem_shared>> -> memref<40x128xf32, #tpu.memory_space<vmem_shared>>
      tpu.enqueue_dma source(%arg11 : memref<40x128xf32, #tpu.memory_space<vmem>>) target(%dma_start3A_236 : memref<40x128xf32, #tpu.memory_space<vmem_shared>>) target_semaphore(%run_scoped3A : memref<!tpu.dma_semaphore, #tpu.memory_space<semaphore_mem>>)
      %dma_wait3A_237 = arith.constant 0 : i32
      %dma_wait3A_238 = tpu.memref_slice %arg20[%add3A_110, %dma_wait3A_237] : memref<10000x128xf32, #tpu.memory_space<vmem_shared>> -> memref<40x128xf32, #tpu.memory_space<vmem_shared>>
      %dma_wait3A_239 = arith.constant 0 : i32
      %dma_wait3A_240 = tpu.memref_slice %arg20[%add3A_110, %dma_wait3A_239] : memref<10000x128xf32, #tpu.memory_space<vmem_shared>> -> memref<40x128xf32, #tpu.memory_space<vmem_shared>>
      tpu.wait_dma2 semaphore(%run_scoped3A : memref<!tpu.dma_semaphore, #tpu.memory_space<semaphore_mem>>) src(%arg11 : memref<40x128xf32, #tpu.memory_space<vmem>>) dst(%dma_wait3A_240 : memref<40x128xf32, #tpu.memory_space<vmem_shared>>)
      tpu.yield
    }) : () -> ()
    %add3A_111 = arith.constant 280 : i32
    %add3A_112 = arith.addi %mul3A_80, %add3A_111 : i32
    "tpu.region"() ({
      %run_scoped3A = tpu.sem_alloc : memref<!tpu.dma_semaphore, #tpu.memory_space<semaphore_mem>>
      %dma_start3A_233 = arith.constant 0 : i32
      %dma_start3A_234 = tpu.memref_slice %arg21[%add3A_112, %dma_start3A_233] : memref<10000x8xf32, #tpu.memory_space<vmem_shared>> -> memref<40x8xf32, #tpu.memory_space<vmem_shared>>
      %dma_start3A_235 = arith.constant 0 : i32
      %dma_start3A_236 = tpu.memref_slice %arg21[%add3A_112, %dma_start3A_235] : memref<10000x8xf32, #tpu.memory_space<vmem_shared>> -> memref<40x8xf32, #tpu.memory_space<vmem_shared>>
      tpu.enqueue_dma source(%arg12 : memref<40x8xf32, #tpu.memory_space<vmem>>) target(%dma_start3A_236 : memref<40x8xf32, #tpu.memory_space<vmem_shared>>) target_semaphore(%run_scoped3A : memref<!tpu.dma_semaphore, #tpu.memory_space<semaphore_mem>>)
      %dma_wait3A_237 = arith.constant 0 : i32
      %dma_wait3A_238 = tpu.memref_slice %arg21[%add3A_112, %dma_wait3A_237] : memref<10000x8xf32, #tpu.memory_space<vmem_shared>> -> memref<40x8xf32, #tpu.memory_space<vmem_shared>>
      %dma_wait3A_239 = arith.constant 0 : i32
      %dma_wait3A_240 = tpu.memref_slice %arg21[%add3A_112, %dma_wait3A_239] : memref<10000x8xf32, #tpu.memory_space<vmem_shared>> -> memref<40x8xf32, #tpu.memory_space<vmem_shared>>
      tpu.wait_dma2 semaphore(%run_scoped3A : memref<!tpu.dma_semaphore, #tpu.memory_space<semaphore_mem>>) src(%arg12 : memref<40x8xf32, #tpu.memory_space<vmem>>) dst(%dma_wait3A_240 : memref<40x8xf32, #tpu.memory_space<vmem_shared>>)
      tpu.yield
    }) : () -> ()
    %add3A_113 = arith.constant 320 : i32
    %add3A_114 = arith.addi %mul3A_80, %add3A_113 : i32
    "tpu.region"() ({
      %run_scoped3A = tpu.sem_alloc : memref<!tpu.dma_semaphore, #tpu.memory_space<semaphore_mem>>
      %dma_start3A_233 = arith.constant 0 : i32
      %dma_start3A_234 = tpu.memref_slice %arg20[%add3A_114, %dma_start3A_233] : memref<10000x128xf32, #tpu.memory_space<vmem_shared>> -> memref<40x128xf32, #tpu.memory_space<vmem_shared>>
      %dma_start3A_235 = arith.constant 0 : i32
      %dma_start3A_236 = tpu.memref_slice %arg20[%add3A_114, %dma_start3A_235] : memref<10000x128xf32, #tpu.memory_space<vmem_shared>> -> memref<40x128xf32, #tpu.memory_space<vmem_shared>>
      tpu.enqueue_dma source(%arg11 : memref<40x128xf32, #tpu.memory_space<vmem>>) target(%dma_start3A_236 : memref<40x128xf32, #tpu.memory_space<vmem_shared>>) target_semaphore(%run_scoped3A : memref<!tpu.dma_semaphore, #tpu.memory_space<semaphore_mem>>)
      %dma_wait3A_237 = arith.constant 0 : i32
      %dma_wait3A_238 = tpu.memref_slice %arg20[%add3A_114, %dma_wait3A_237] : memref<10000x128xf32, #tpu.memory_space<vmem_shared>> -> memref<40x128xf32, #tpu.memory_space<vmem_shared>>
      %dma_wait3A_239 = arith.constant 0 : i32
      %dma_wait3A_240 = tpu.memref_slice %arg20[%add3A_114, %dma_wait3A_239] : memref<10000x128xf32, #tpu.memory_space<vmem_shared>> -> memref<40x128xf32, #tpu.memory_space<vmem_shared>>
      tpu.wait_dma2 semaphore(%run_scoped3A : memref<!tpu.dma_semaphore, #tpu.memory_space<semaphore_mem>>) src(%arg11 : memref<40x128xf32, #tpu.memory_space<vmem>>) dst(%dma_wait3A_240 : memref<40x128xf32, #tpu.memory_space<vmem_shared>>)
      tpu.yield
    }) : () -> ()
    %add3A_115 = arith.constant 320 : i32
    %add3A_116 = arith.addi %mul3A_80, %add3A_115 : i32
    "tpu.region"() ({
      %run_scoped3A = tpu.sem_alloc : memref<!tpu.dma_semaphore, #tpu.memory_space<semaphore_mem>>
      %dma_start3A_233 = arith.constant 0 : i32
      %dma_start3A_234 = tpu.memref_slice %arg21[%add3A_116, %dma_start3A_233] : memref<10000x8xf32, #tpu.memory_space<vmem_shared>> -> memref<40x8xf32, #tpu.memory_space<vmem_shared>>
      %dma_start3A_235 = arith.constant 0 : i32
      %dma_start3A_236 = tpu.memref_slice %arg21[%add3A_116, %dma_start3A_235] : memref<10000x8xf32, #tpu.memory_space<vmem_shared>> -> memref<40x8xf32, #tpu.memory_space<vmem_shared>>
      tpu.enqueue_dma source(%arg12 : memref<40x8xf32, #tpu.memory_space<vmem>>) target(%dma_start3A_236 : memref<40x8xf32, #tpu.memory_space<vmem_shared>>) target_semaphore(%run_scoped3A : memref<!tpu.dma_semaphore, #tpu.memory_space<semaphore_mem>>)
      %dma_wait3A_237 = arith.constant 0 : i32
      %dma_wait3A_238 = tpu.memref_slice %arg21[%add3A_116, %dma_wait3A_237] : memref<10000x8xf32, #tpu.memory_space<vmem_shared>> -> memref<40x8xf32, #tpu.memory_space<vmem_shared>>
      %dma_wait3A_239 = arith.constant 0 : i32
      %dma_wait3A_240 = tpu.memref_slice %arg21[%add3A_116, %dma_wait3A_239] : memref<10000x8xf32, #tpu.memory_space<vmem_shared>> -> memref<40x8xf32, #tpu.memory_space<vmem_shared>>
      tpu.wait_dma2 semaphore(%run_scoped3A : memref<!tpu.dma_semaphore, #tpu.memory_space<semaphore_mem>>) src(%arg12 : memref<40x8xf32, #tpu.memory_space<vmem>>) dst(%dma_wait3A_240 : memref<40x8xf32, #tpu.memory_space<vmem_shared>>)
      tpu.yield
    }) : () -> ()
    %add3A_117 = arith.constant 360 : i32
    %add3A_118 = arith.addi %mul3A_80, %add3A_117 : i32
    "tpu.region"() ({
      %run_scoped3A = tpu.sem_alloc : memref<!tpu.dma_semaphore, #tpu.memory_space<semaphore_mem>>
      %dma_start3A_233 = arith.constant 0 : i32
      %dma_start3A_234 = tpu.memref_slice %arg20[%add3A_118, %dma_start3A_233] : memref<10000x128xf32, #tpu.memory_space<vmem_shared>> -> memref<40x128xf32, #tpu.memory_space<vmem_shared>>
      %dma_start3A_235 = arith.constant 0 : i32
      %dma_start3A_236 = tpu.memref_slice %arg20[%add3A_118, %dma_start3A_235] : memref<10000x128xf32, #tpu.memory_space<vmem_shared>> -> memref<40x128xf32, #tpu.memory_space<vmem_shared>>
      tpu.enqueue_dma source(%arg11 : memref<40x128xf32, #tpu.memory_space<vmem>>) target(%dma_start3A_236 : memref<40x128xf32, #tpu.memory_space<vmem_shared>>) target_semaphore(%run_scoped3A : memref<!tpu.dma_semaphore, #tpu.memory_space<semaphore_mem>>)
      %dma_wait3A_237 = arith.constant 0 : i32
      %dma_wait3A_238 = tpu.memref_slice %arg20[%add3A_118, %dma_wait3A_237] : memref<10000x128xf32, #tpu.memory_space<vmem_shared>> -> memref<40x128xf32, #tpu.memory_space<vmem_shared>>
      %dma_wait3A_239 = arith.constant 0 : i32
      %dma_wait3A_240 = tpu.memref_slice %arg20[%add3A_118, %dma_wait3A_239] : memref<10000x128xf32, #tpu.memory_space<vmem_shared>> -> memref<40x128xf32, #tpu.memory_space<vmem_shared>>
      tpu.wait_dma2 semaphore(%run_scoped3A : memref<!tpu.dma_semaphore, #tpu.memory_space<semaphore_mem>>) src(%arg11 : memref<40x128xf32, #tpu.memory_space<vmem>>) dst(%dma_wait3A_240 : memref<40x128xf32, #tpu.memory_space<vmem_shared>>)
      tpu.yield
    }) : () -> ()
    %add3A_119 = arith.constant 360 : i32
    %add3A_120 = arith.addi %mul3A_80, %add3A_119 : i32
    "tpu.region"() ({
      %run_scoped3A = tpu.sem_alloc : memref<!tpu.dma_semaphore, #tpu.memory_space<semaphore_mem>>
      %dma_start3A_233 = arith.constant 0 : i32
      %dma_start3A_234 = tpu.memref_slice %arg21[%add3A_120, %dma_start3A_233] : memref<10000x8xf32, #tpu.memory_space<vmem_shared>> -> memref<40x8xf32, #tpu.memory_space<vmem_shared>>
      %dma_start3A_235 = arith.constant 0 : i32
      %dma_start3A_236 = tpu.memref_slice %arg21[%add3A_120, %dma_start3A_235] : memref<10000x8xf32, #tpu.memory_space<vmem_shared>> -> memref<40x8xf32, #tpu.memory_space<vmem_shared>>
      tpu.enqueue_dma source(%arg12 : memref<40x8xf32, #tpu.memory_space<vmem>>) target(%dma_start3A_236 : memref<40x8xf32, #tpu.memory_space<vmem_shared>>) target_semaphore(%run_scoped3A : memref<!tpu.dma_semaphore, #tpu.memory_space<semaphore_mem>>)
      %dma_wait3A_237 = arith.constant 0 : i32
      %dma_wait3A_238 = tpu.memref_slice %arg21[%add3A_120, %dma_wait3A_237] : memref<10000x8xf32, #tpu.memory_space<vmem_shared>> -> memref<40x8xf32, #tpu.memory_space<vmem_shared>>
      %dma_wait3A_239 = arith.constant 0 : i32
      %dma_wait3A_240 = tpu.memref_slice %arg21[%add3A_120, %dma_wait3A_239] : memref<10000x8xf32, #tpu.memory_space<vmem_shared>> -> memref<40x8xf32, #tpu.memory_space<vmem_shared>>
      tpu.wait_dma2 semaphore(%run_scoped3A : memref<!tpu.dma_semaphore, #tpu.memory_space<semaphore_mem>>) src(%arg12 : memref<40x8xf32, #tpu.memory_space<vmem>>) dst(%dma_wait3A_240 : memref<40x8xf32, #tpu.memory_space<vmem_shared>>)
      tpu.yield
    }) : () -> ()
    %add3A_121 = arith.constant 400 : i32
    %add3A_122 = arith.addi %mul3A_80, %add3A_121 : i32
    "tpu.region"() ({
      %run_scoped3A = tpu.sem_alloc : memref<!tpu.dma_semaphore, #tpu.memory_space<semaphore_mem>>
      %dma_start3A_233 = arith.constant 0 : i32
      %dma_start3A_234 = tpu.memref_slice %arg20[%add3A_122, %dma_start3A_233] : memref<10000x128xf32, #tpu.memory_space<vmem_shared>> -> memref<40x128xf32, #tpu.memory_space<vmem_shared>>
      %dma_start3A_235 = arith.constant 0 : i32
      %dma_start3A_236 = tpu.memref_slice %arg20[%add3A_122, %dma_start3A_235] : memref<10000x128xf32, #tpu.memory_space<vmem_shared>> -> memref<40x128xf32, #tpu.memory_space<vmem_shared>>
      tpu.enqueue_dma source(%arg11 : memref<40x128xf32, #tpu.memory_space<vmem>>) target(%dma_start3A_236 : memref<40x128xf32, #tpu.memory_space<vmem_shared>>) target_semaphore(%run_scoped3A : memref<!tpu.dma_semaphore, #tpu.memory_space<semaphore_mem>>)
      %dma_wait3A_237 = arith.constant 0 : i32
      %dma_wait3A_238 = tpu.memref_slice %arg20[%add3A_122, %dma_wait3A_237] : memref<10000x128xf32, #tpu.memory_space<vmem_shared>> -> memref<40x128xf32, #tpu.memory_space<vmem_shared>>
      %dma_wait3A_239 = arith.constant 0 : i32
      %dma_wait3A_240 = tpu.memref_slice %arg20[%add3A_122, %dma_wait3A_239] : memref<10000x128xf32, #tpu.memory_space<vmem_shared>> -> memref<40x128xf32, #tpu.memory_space<vmem_shared>>
      tpu.wait_dma2 semaphore(%run_scoped3A : memref<!tpu.dma_semaphore, #tpu.memory_space<semaphore_mem>>) src(%arg11 : memref<40x128xf32, #tpu.memory_space<vmem>>) dst(%dma_wait3A_240 : memref<40x128xf32, #tpu.memory_space<vmem_shared>>)
      tpu.yield
    }) : () -> ()
    %add3A_123 = arith.constant 400 : i32
    %add3A_124 = arith.addi %mul3A_80, %add3A_123 : i32
    "tpu.region"() ({
      %run_scoped3A = tpu.sem_alloc : memref<!tpu.dma_semaphore, #tpu.memory_space<semaphore_mem>>
      %dma_start3A_233 = arith.constant 0 : i32
      %dma_start3A_234 = tpu.memref_slice %arg21[%add3A_124, %dma_start3A_233] : memref<10000x8xf32, #tpu.memory_space<vmem_shared>> -> memref<40x8xf32, #tpu.memory_space<vmem_shared>>
      %dma_start3A_235 = arith.constant 0 : i32
      %dma_start3A_236 = tpu.memref_slice %arg21[%add3A_124, %dma_start3A_235] : memref<10000x8xf32, #tpu.memory_space<vmem_shared>> -> memref<40x8xf32, #tpu.memory_space<vmem_shared>>
      tpu.enqueue_dma source(%arg12 : memref<40x8xf32, #tpu.memory_space<vmem>>) target(%dma_start3A_236 : memref<40x8xf32, #tpu.memory_space<vmem_shared>>) target_semaphore(%run_scoped3A : memref<!tpu.dma_semaphore, #tpu.memory_space<semaphore_mem>>)
      %dma_wait3A_237 = arith.constant 0 : i32
      %dma_wait3A_238 = tpu.memref_slice %arg21[%add3A_124, %dma_wait3A_237] : memref<10000x8xf32, #tpu.memory_space<vmem_shared>> -> memref<40x8xf32, #tpu.memory_space<vmem_shared>>
      %dma_wait3A_239 = arith.constant 0 : i32
      %dma_wait3A_240 = tpu.memref_slice %arg21[%add3A_124, %dma_wait3A_239] : memref<10000x8xf32, #tpu.memory_space<vmem_shared>> -> memref<40x8xf32, #tpu.memory_space<vmem_shared>>
      tpu.wait_dma2 semaphore(%run_scoped3A : memref<!tpu.dma_semaphore, #tpu.memory_space<semaphore_mem>>) src(%arg12 : memref<40x8xf32, #tpu.memory_space<vmem>>) dst(%dma_wait3A_240 : memref<40x8xf32, #tpu.memory_space<vmem_shared>>)
      tpu.yield
    }) : () -> ()
    %add3A_125 = arith.constant 440 : i32
    %add3A_126 = arith.addi %mul3A_80, %add3A_125 : i32
    "tpu.region"() ({
      %run_scoped3A = tpu.sem_alloc : memref<!tpu.dma_semaphore, #tpu.memory_space<semaphore_mem>>
      %dma_start3A_233 = arith.constant 0 : i32
      %dma_start3A_234 = tpu.memref_slice %arg20[%add3A_126, %dma_start3A_233] : memref<10000x128xf32, #tpu.memory_space<vmem_shared>> -> memref<40x128xf32, #tpu.memory_space<vmem_shared>>
      %dma_start3A_235 = arith.constant 0 : i32
      %dma_start3A_236 = tpu.memref_slice %arg20[%add3A_126, %dma_start3A_235] : memref<10000x128xf32, #tpu.memory_space<vmem_shared>> -> memref<40x128xf32, #tpu.memory_space<vmem_shared>>
      tpu.enqueue_dma source(%arg11 : memref<40x128xf32, #tpu.memory_space<vmem>>) target(%dma_start3A_236 : memref<40x128xf32, #tpu.memory_space<vmem_shared>>) target_semaphore(%run_scoped3A : memref<!tpu.dma_semaphore, #tpu.memory_space<semaphore_mem>>)
      %dma_wait3A_237 = arith.constant 0 : i32
      %dma_wait3A_238 = tpu.memref_slice %arg20[%add3A_126, %dma_wait3A_237] : memref<10000x128xf32, #tpu.memory_space<vmem_shared>> -> memref<40x128xf32, #tpu.memory_space<vmem_shared>>
      %dma_wait3A_239 = arith.constant 0 : i32
      %dma_wait3A_240 = tpu.memref_slice %arg20[%add3A_126, %dma_wait3A_239] : memref<10000x128xf32, #tpu.memory_space<vmem_shared>> -> memref<40x128xf32, #tpu.memory_space<vmem_shared>>
      tpu.wait_dma2 semaphore(%run_scoped3A : memref<!tpu.dma_semaphore, #tpu.memory_space<semaphore_mem>>) src(%arg11 : memref<40x128xf32, #tpu.memory_space<vmem>>) dst(%dma_wait3A_240 : memref<40x128xf32, #tpu.memory_space<vmem_shared>>)
      tpu.yield
    }) : () -> ()
    %add3A_127 = arith.constant 440 : i32
    %add3A_128 = arith.addi %mul3A_80, %add3A_127 : i32
    "tpu.region"() ({
      %run_scoped3A = tpu.sem_alloc : memref<!tpu.dma_semaphore, #tpu.memory_space<semaphore_mem>>
      %dma_start3A_233 = arith.constant 0 : i32
      %dma_start3A_234 = tpu.memref_slice %arg21[%add3A_128, %dma_start3A_233] : memref<10000x8xf32, #tpu.memory_space<vmem_shared>> -> memref<40x8xf32, #tpu.memory_space<vmem_shared>>
      %dma_start3A_235 = arith.constant 0 : i32
      %dma_start3A_236 = tpu.memref_slice %arg21[%add3A_128, %dma_start3A_235] : memref<10000x8xf32, #tpu.memory_space<vmem_shared>> -> memref<40x8xf32, #tpu.memory_space<vmem_shared>>
      tpu.enqueue_dma source(%arg12 : memref<40x8xf32, #tpu.memory_space<vmem>>) target(%dma_start3A_236 : memref<40x8xf32, #tpu.memory_space<vmem_shared>>) target_semaphore(%run_scoped3A : memref<!tpu.dma_semaphore, #tpu.memory_space<semaphore_mem>>)
      %dma_wait3A_237 = arith.constant 0 : i32
      %dma_wait3A_238 = tpu.memref_slice %arg21[%add3A_128, %dma_wait3A_237] : memref<10000x8xf32, #tpu.memory_space<vmem_shared>> -> memref<40x8xf32, #tpu.memory_space<vmem_shared>>
      %dma_wait3A_239 = arith.constant 0 : i32
      %dma_wait3A_240 = tpu.memref_slice %arg21[%add3A_128, %dma_wait3A_239] : memref<10000x8xf32, #tpu.memory_space<vmem_shared>> -> memref<40x8xf32, #tpu.memory_space<vmem_shared>>
      tpu.wait_dma2 semaphore(%run_scoped3A : memref<!tpu.dma_semaphore, #tpu.memory_space<semaphore_mem>>) src(%arg12 : memref<40x8xf32, #tpu.memory_space<vmem>>) dst(%dma_wait3A_240 : memref<40x8xf32, #tpu.memory_space<vmem_shared>>)
      tpu.yield
    }) : () -> ()
    %add3A_129 = arith.constant 480 : i32
    %add3A_130 = arith.addi %mul3A_80, %add3A_129 : i32
    "tpu.region"() ({
      %run_scoped3A = tpu.sem_alloc : memref<!tpu.dma_semaphore, #tpu.memory_space<semaphore_mem>>
      %dma_start3A_233 = arith.constant 0 : i32
      %dma_start3A_234 = tpu.memref_slice %arg20[%add3A_130, %dma_start3A_233] : memref<10000x128xf32, #tpu.memory_space<vmem_shared>> -> memref<40x128xf32, #tpu.memory_space<vmem_shared>>
      %dma_start3A_235 = arith.constant 0 : i32
      %dma_start3A_236 = tpu.memref_slice %arg20[%add3A_130, %dma_start3A_235] : memref<10000x128xf32, #tpu.memory_space<vmem_shared>> -> memref<40x128xf32, #tpu.memory_space<vmem_shared>>
      tpu.enqueue_dma source(%arg11 : memref<40x128xf32, #tpu.memory_space<vmem>>) target(%dma_start3A_236 : memref<40x128xf32, #tpu.memory_space<vmem_shared>>) target_semaphore(%run_scoped3A : memref<!tpu.dma_semaphore, #tpu.memory_space<semaphore_mem>>)
      %dma_wait3A_237 = arith.constant 0 : i32
      %dma_wait3A_238 = tpu.memref_slice %arg20[%add3A_130, %dma_wait3A_237] : memref<10000x128xf32, #tpu.memory_space<vmem_shared>> -> memref<40x128xf32, #tpu.memory_space<vmem_shared>>
      %dma_wait3A_239 = arith.constant 0 : i32
      %dma_wait3A_240 = tpu.memref_slice %arg20[%add3A_130, %dma_wait3A_239] : memref<10000x128xf32, #tpu.memory_space<vmem_shared>> -> memref<40x128xf32, #tpu.memory_space<vmem_shared>>
      tpu.wait_dma2 semaphore(%run_scoped3A : memref<!tpu.dma_semaphore, #tpu.memory_space<semaphore_mem>>) src(%arg11 : memref<40x128xf32, #tpu.memory_space<vmem>>) dst(%dma_wait3A_240 : memref<40x128xf32, #tpu.memory_space<vmem_shared>>)
      tpu.yield
    }) : () -> ()
    %add3A_131 = arith.constant 480 : i32
    %add3A_132 = arith.addi %mul3A_80, %add3A_131 : i32
    "tpu.region"() ({
      %run_scoped3A = tpu.sem_alloc : memref<!tpu.dma_semaphore, #tpu.memory_space<semaphore_mem>>
      %dma_start3A_233 = arith.constant 0 : i32
      %dma_start3A_234 = tpu.memref_slice %arg21[%add3A_132, %dma_start3A_233] : memref<10000x8xf32, #tpu.memory_space<vmem_shared>> -> memref<40x8xf32, #tpu.memory_space<vmem_shared>>
      %dma_start3A_235 = arith.constant 0 : i32
      %dma_start3A_236 = tpu.memref_slice %arg21[%add3A_132, %dma_start3A_235] : memref<10000x8xf32, #tpu.memory_space<vmem_shared>> -> memref<40x8xf32, #tpu.memory_space<vmem_shared>>
      tpu.enqueue_dma source(%arg12 : memref<40x8xf32, #tpu.memory_space<vmem>>) target(%dma_start3A_236 : memref<40x8xf32, #tpu.memory_space<vmem_shared>>) target_semaphore(%run_scoped3A : memref<!tpu.dma_semaphore, #tpu.memory_space<semaphore_mem>>)
      %dma_wait3A_237 = arith.constant 0 : i32
      %dma_wait3A_238 = tpu.memref_slice %arg21[%add3A_132, %dma_wait3A_237] : memref<10000x8xf32, #tpu.memory_space<vmem_shared>> -> memref<40x8xf32, #tpu.memory_space<vmem_shared>>
      %dma_wait3A_239 = arith.constant 0 : i32
      %dma_wait3A_240 = tpu.memref_slice %arg21[%add3A_132, %dma_wait3A_239] : memref<10000x8xf32, #tpu.memory_space<vmem_shared>> -> memref<40x8xf32, #tpu.memory_space<vmem_shared>>
      tpu.wait_dma2 semaphore(%run_scoped3A : memref<!tpu.dma_semaphore, #tpu.memory_space<semaphore_mem>>) src(%arg12 : memref<40x8xf32, #tpu.memory_space<vmem>>) dst(%dma_wait3A_240 : memref<40x8xf32, #tpu.memory_space<vmem_shared>>)
      tpu.yield
    }) : () -> ()
    %add3A_133 = arith.constant 520 : i32
    %add3A_134 = arith.addi %mul3A_80, %add3A_133 : i32
    "tpu.region"() ({
      %run_scoped3A = tpu.sem_alloc : memref<!tpu.dma_semaphore, #tpu.memory_space<semaphore_mem>>
      %dma_start3A_233 = arith.constant 0 : i32
      %dma_start3A_234 = tpu.memref_slice %arg20[%add3A_134, %dma_start3A_233] : memref<10000x128xf32, #tpu.memory_space<vmem_shared>> -> memref<40x128xf32, #tpu.memory_space<vmem_shared>>
      %dma_start3A_235 = arith.constant 0 : i32
      %dma_start3A_236 = tpu.memref_slice %arg20[%add3A_134, %dma_start3A_235] : memref<10000x128xf32, #tpu.memory_space<vmem_shared>> -> memref<40x128xf32, #tpu.memory_space<vmem_shared>>
      tpu.enqueue_dma source(%arg11 : memref<40x128xf32, #tpu.memory_space<vmem>>) target(%dma_start3A_236 : memref<40x128xf32, #tpu.memory_space<vmem_shared>>) target_semaphore(%run_scoped3A : memref<!tpu.dma_semaphore, #tpu.memory_space<semaphore_mem>>)
      %dma_wait3A_237 = arith.constant 0 : i32
      %dma_wait3A_238 = tpu.memref_slice %arg20[%add3A_134, %dma_wait3A_237] : memref<10000x128xf32, #tpu.memory_space<vmem_shared>> -> memref<40x128xf32, #tpu.memory_space<vmem_shared>>
      %dma_wait3A_239 = arith.constant 0 : i32
      %dma_wait3A_240 = tpu.memref_slice %arg20[%add3A_134, %dma_wait3A_239] : memref<10000x128xf32, #tpu.memory_space<vmem_shared>> -> memref<40x128xf32, #tpu.memory_space<vmem_shared>>
      tpu.wait_dma2 semaphore(%run_scoped3A : memref<!tpu.dma_semaphore, #tpu.memory_space<semaphore_mem>>) src(%arg11 : memref<40x128xf32, #tpu.memory_space<vmem>>) dst(%dma_wait3A_240 : memref<40x128xf32, #tpu.memory_space<vmem_shared>>)
      tpu.yield
    }) : () -> ()
    %add3A_135 = arith.constant 520 : i32
    %add3A_136 = arith.addi %mul3A_80, %add3A_135 : i32
    "tpu.region"() ({
      %run_scoped3A = tpu.sem_alloc : memref<!tpu.dma_semaphore, #tpu.memory_space<semaphore_mem>>
      %dma_start3A_233 = arith.constant 0 : i32
      %dma_start3A_234 = tpu.memref_slice %arg21[%add3A_136, %dma_start3A_233] : memref<10000x8xf32, #tpu.memory_space<vmem_shared>> -> memref<40x8xf32, #tpu.memory_space<vmem_shared>>
      %dma_start3A_235 = arith.constant 0 : i32
      %dma_start3A_236 = tpu.memref_slice %arg21[%add3A_136, %dma_start3A_235] : memref<10000x8xf32, #tpu.memory_space<vmem_shared>> -> memref<40x8xf32, #tpu.memory_space<vmem_shared>>
      tpu.enqueue_dma source(%arg12 : memref<40x8xf32, #tpu.memory_space<vmem>>) target(%dma_start3A_236 : memref<40x8xf32, #tpu.memory_space<vmem_shared>>) target_semaphore(%run_scoped3A : memref<!tpu.dma_semaphore, #tpu.memory_space<semaphore_mem>>)
      %dma_wait3A_237 = arith.constant 0 : i32
      %dma_wait3A_238 = tpu.memref_slice %arg21[%add3A_136, %dma_wait3A_237] : memref<10000x8xf32, #tpu.memory_space<vmem_shared>> -> memref<40x8xf32, #tpu.memory_space<vmem_shared>>
      %dma_wait3A_239 = arith.constant 0 : i32
      %dma_wait3A_240 = tpu.memref_slice %arg21[%add3A_136, %dma_wait3A_239] : memref<10000x8xf32, #tpu.memory_space<vmem_shared>> -> memref<40x8xf32, #tpu.memory_space<vmem_shared>>
      tpu.wait_dma2 semaphore(%run_scoped3A : memref<!tpu.dma_semaphore, #tpu.memory_space<semaphore_mem>>) src(%arg12 : memref<40x8xf32, #tpu.memory_space<vmem>>) dst(%dma_wait3A_240 : memref<40x8xf32, #tpu.memory_space<vmem_shared>>)
      tpu.yield
    }) : () -> ()
    %add3A_137 = arith.constant 560 : i32
    %add3A_138 = arith.addi %mul3A_80, %add3A_137 : i32
    "tpu.region"() ({
      %run_scoped3A = tpu.sem_alloc : memref<!tpu.dma_semaphore, #tpu.memory_space<semaphore_mem>>
      %dma_start3A_233 = arith.constant 0 : i32
      %dma_start3A_234 = tpu.memref_slice %arg20[%add3A_138, %dma_start3A_233] : memref<10000x128xf32, #tpu.memory_space<vmem_shared>> -> memref<40x128xf32, #tpu.memory_space<vmem_shared>>
      %dma_start3A_235 = arith.constant 0 : i32
      %dma_start3A_236 = tpu.memref_slice %arg20[%add3A_138, %dma_start3A_235] : memref<10000x128xf32, #tpu.memory_space<vmem_shared>> -> memref<40x128xf32, #tpu.memory_space<vmem_shared>>
      tpu.enqueue_dma source(%arg11 : memref<40x128xf32, #tpu.memory_space<vmem>>) target(%dma_start3A_236 : memref<40x128xf32, #tpu.memory_space<vmem_shared>>) target_semaphore(%run_scoped3A : memref<!tpu.dma_semaphore, #tpu.memory_space<semaphore_mem>>)
      %dma_wait3A_237 = arith.constant 0 : i32
      %dma_wait3A_238 = tpu.memref_slice %arg20[%add3A_138, %dma_wait3A_237] : memref<10000x128xf32, #tpu.memory_space<vmem_shared>> -> memref<40x128xf32, #tpu.memory_space<vmem_shared>>
      %dma_wait3A_239 = arith.constant 0 : i32
      %dma_wait3A_240 = tpu.memref_slice %arg20[%add3A_138, %dma_wait3A_239] : memref<10000x128xf32, #tpu.memory_space<vmem_shared>> -> memref<40x128xf32, #tpu.memory_space<vmem_shared>>
      tpu.wait_dma2 semaphore(%run_scoped3A : memref<!tpu.dma_semaphore, #tpu.memory_space<semaphore_mem>>) src(%arg11 : memref<40x128xf32, #tpu.memory_space<vmem>>) dst(%dma_wait3A_240 : memref<40x128xf32, #tpu.memory_space<vmem_shared>>)
      tpu.yield
    }) : () -> ()
    %add3A_139 = arith.constant 560 : i32
    %add3A_140 = arith.addi %mul3A_80, %add3A_139 : i32
    "tpu.region"() ({
      %run_scoped3A = tpu.sem_alloc : memref<!tpu.dma_semaphore, #tpu.memory_space<semaphore_mem>>
      %dma_start3A_233 = arith.constant 0 : i32
      %dma_start3A_234 = tpu.memref_slice %arg21[%add3A_140, %dma_start3A_233] : memref<10000x8xf32, #tpu.memory_space<vmem_shared>> -> memref<40x8xf32, #tpu.memory_space<vmem_shared>>
      %dma_start3A_235 = arith.constant 0 : i32
      %dma_start3A_236 = tpu.memref_slice %arg21[%add3A_140, %dma_start3A_235] : memref<10000x8xf32, #tpu.memory_space<vmem_shared>> -> memref<40x8xf32, #tpu.memory_space<vmem_shared>>
      tpu.enqueue_dma source(%arg12 : memref<40x8xf32, #tpu.memory_space<vmem>>) target(%dma_start3A_236 : memref<40x8xf32, #tpu.memory_space<vmem_shared>>) target_semaphore(%run_scoped3A : memref<!tpu.dma_semaphore, #tpu.memory_space<semaphore_mem>>)
      %dma_wait3A_237 = arith.constant 0 : i32
      %dma_wait3A_238 = tpu.memref_slice %arg21[%add3A_140, %dma_wait3A_237] : memref<10000x8xf32, #tpu.memory_space<vmem_shared>> -> memref<40x8xf32, #tpu.memory_space<vmem_shared>>
      %dma_wait3A_239 = arith.constant 0 : i32
      %dma_wait3A_240 = tpu.memref_slice %arg21[%add3A_140, %dma_wait3A_239] : memref<10000x8xf32, #tpu.memory_space<vmem_shared>> -> memref<40x8xf32, #tpu.memory_space<vmem_shared>>
      tpu.wait_dma2 semaphore(%run_scoped3A : memref<!tpu.dma_semaphore, #tpu.memory_space<semaphore_mem>>) src(%arg12 : memref<40x8xf32, #tpu.memory_space<vmem>>) dst(%dma_wait3A_240 : memref<40x8xf32, #tpu.memory_space<vmem_shared>>)
      tpu.yield
    }) : () -> ()
    %add3A_141 = arith.constant 600 : i32
    %add3A_142 = arith.addi %mul3A_80, %add3A_141 : i32
    "tpu.region"() ({
      %run_scoped3A = tpu.sem_alloc : memref<!tpu.dma_semaphore, #tpu.memory_space<semaphore_mem>>
      %dma_start3A_233 = arith.constant 0 : i32
      %dma_start3A_234 = arith.constant 0 : i32
      %dma_start3A_235 = tpu.memref_slice %arg11[%dma_start3A_233, %dma_start3A_234] : memref<40x128xf32, #tpu.memory_space<vmem>> -> memref<24x128xf32, #tpu.memory_space<vmem>>
      %dma_start3A_236 = arith.constant 0 : i32
      %dma_start3A_237 = tpu.memref_slice %arg20[%add3A_142, %dma_start3A_236] : memref<10000x128xf32, #tpu.memory_space<vmem_shared>> -> memref<24x128xf32, #tpu.memory_space<vmem_shared>>
      %dma_start3A_238 = arith.constant 0 : i32
      %dma_start3A_239 = tpu.memref_slice %arg20[%add3A_142, %dma_start3A_238] : memref<10000x128xf32, #tpu.memory_space<vmem_shared>> -> memref<24x128xf32, #tpu.memory_space<vmem_shared>>
      %dma_start3A_240 = arith.constant 0 : i32
      %dma_start3A_241 = arith.constant 0 : i32
      %dma_start3A_242 = tpu.memref_slice %arg11[%dma_start3A_240, %dma_start3A_241] : memref<40x128xf32, #tpu.memory_space<vmem>> -> memref<24x128xf32, #tpu.memory_space<vmem>>
      tpu.enqueue_dma source(%dma_start3A_242 : memref<24x128xf32, #tpu.memory_space<vmem>>) target(%dma_start3A_239 : memref<24x128xf32, #tpu.memory_space<vmem_shared>>) target_semaphore(%run_scoped3A : memref<!tpu.dma_semaphore, #tpu.memory_space<semaphore_mem>>)
      %dma_wait3A_243 = arith.constant 0 : i32
      %dma_wait3A_244 = arith.constant 0 : i32
      %dma_wait3A_245 = tpu.memref_slice %arg11[%dma_wait3A_243, %dma_wait3A_244] : memref<40x128xf32, #tpu.memory_space<vmem>> -> memref<24x128xf32, #tpu.memory_space<vmem>>
      %dma_wait3A_246 = arith.constant 0 : i32
      %dma_wait3A_247 = tpu.memref_slice %arg20[%add3A_142, %dma_wait3A_246] : memref<10000x128xf32, #tpu.memory_space<vmem_shared>> -> memref<24x128xf32, #tpu.memory_space<vmem_shared>>
      %dma_wait3A_248 = arith.constant 0 : i32
      %dma_wait3A_249 = tpu.memref_slice %arg20[%add3A_142, %dma_wait3A_248] : memref<10000x128xf32, #tpu.memory_space<vmem_shared>> -> memref<24x128xf32, #tpu.memory_space<vmem_shared>>
      %dma_wait3A_250 = arith.constant 0 : i32
      %dma_wait3A_251 = arith.constant 0 : i32
      %dma_wait3A_252 = tpu.memref_slice %arg11[%dma_wait3A_250, %dma_wait3A_251] : memref<40x128xf32, #tpu.memory_space<vmem>> -> memref<24x128xf32, #tpu.memory_space<vmem>>
      tpu.wait_dma2 semaphore(%run_scoped3A : memref<!tpu.dma_semaphore, #tpu.memory_space<semaphore_mem>>) src(%dma_wait3A_252 : memref<24x128xf32, #tpu.memory_space<vmem>>) dst(%dma_wait3A_249 : memref<24x128xf32, #tpu.memory_space<vmem_shared>>)
      tpu.yield
    }) : () -> ()
    %add3A_143 = arith.constant 600 : i32
    %add3A_144 = arith.addi %mul3A_80, %add3A_143 : i32
    "tpu.region"() ({
      %run_scoped3A = tpu.sem_alloc : memref<!tpu.dma_semaphore, #tpu.memory_space<semaphore_mem>>
      %dma_start3A_233 = arith.constant 0 : i32
      %dma_start3A_234 = arith.constant 0 : i32
      %dma_start3A_235 = tpu.memref_slice %arg12[%dma_start3A_233, %dma_start3A_234] : memref<40x8xf32, #tpu.memory_space<vmem>> -> memref<24x8xf32, #tpu.memory_space<vmem>>
      %dma_start3A_236 = arith.constant 0 : i32
      %dma_start3A_237 = tpu.memref_slice %arg21[%add3A_144, %dma_start3A_236] : memref<10000x8xf32, #tpu.memory_space<vmem_shared>> -> memref<24x8xf32, #tpu.memory_space<vmem_shared>>
      %dma_start3A_238 = arith.constant 0 : i32
      %dma_start3A_239 = tpu.memref_slice %arg21[%add3A_144, %dma_start3A_238] : memref<10000x8xf32, #tpu.memory_space<vmem_shared>> -> memref<24x8xf32, #tpu.memory_space<vmem_shared>>
      %dma_start3A_240 = arith.constant 0 : i32
      %dma_start3A_241 = arith.constant 0 : i32
      %dma_start3A_242 = tpu.memref_slice %arg12[%dma_start3A_240, %dma_start3A_241] : memref<40x8xf32, #tpu.memory_space<vmem>> -> memref<24x8xf32, #tpu.memory_space<vmem>>
      tpu.enqueue_dma source(%dma_start3A_242 : memref<24x8xf32, #tpu.memory_space<vmem>>) target(%dma_start3A_239 : memref<24x8xf32, #tpu.memory_space<vmem_shared>>) target_semaphore(%run_scoped3A : memref<!tpu.dma_semaphore, #tpu.memory_space<semaphore_mem>>)
      %dma_wait3A_243 = arith.constant 0 : i32
      %dma_wait3A_244 = arith.constant 0 : i32
      %dma_wait3A_245 = tpu.memref_slice %arg12[%dma_wait3A_243, %dma_wait3A_244] : memref<40x8xf32, #tpu.memory_space<vmem>> -> memref<24x8xf32, #tpu.memory_space<vmem>>
      %dma_wait3A_246 = arith.constant 0 : i32
      %dma_wait3A_247 = tpu.memref_slice %arg21[%add3A_144, %dma_wait3A_246] : memref<10000x8xf32, #tpu.memory_space<vmem_shared>> -> memref<24x8xf32, #tpu.memory_space<vmem_shared>>
      %dma_wait3A_248 = arith.constant 0 : i32
      %dma_wait3A_249 = tpu.memref_slice %arg21[%add3A_144, %dma_wait3A_248] : memref<10000x8xf32, #tpu.memory_space<vmem_shared>> -> memref<24x8xf32, #tpu.memory_space<vmem_shared>>
      %dma_wait3A_250 = arith.constant 0 : i32
      %dma_wait3A_251 = arith.constant 0 : i32
      %dma_wait3A_252 = tpu.memref_slice %arg12[%dma_wait3A_250, %dma_wait3A_251] : memref<40x8xf32, #tpu.memory_space<vmem>> -> memref<24x8xf32, #tpu.memory_space<vmem>>
      tpu.wait_dma2 semaphore(%run_scoped3A : memref<!tpu.dma_semaphore, #tpu.memory_space<semaphore_mem>>) src(%dma_wait3A_252 : memref<24x8xf32, #tpu.memory_space<vmem>>) dst(%dma_wait3A_249 : memref<24x8xf32, #tpu.memory_space<vmem_shared>>)
      tpu.yield
    }) : () -> ()
    %eq3A = arith.constant 15 : i32
    %eq3A_145 = arith.cmpi eq, %arg1, %eq3A : i32
    %convert_element_type3A = arith.extui %eq3A_145 : i1 to i32
    %cond3A = arith.constant 0 : i32
    %cond3A_146 = arith.cmpi ne, %convert_element_type3A, %cond3A : i32
    scf.if %cond3A_146 {
      "tpu.region"() ({
        %run_scoped3A = tpu.sem_alloc : memref<!tpu.dma_semaphore, #tpu.memory_space<semaphore_mem>>
        %dma_start3A_233 = arith.constant 0 : i32
        %dma_start3A_234 = arith.constant 0 : i32
        %dma_start3A_235 = tpu.memref_slice %arg11[%dma_start3A_233, %dma_start3A_234] : memref<40x128xf32, #tpu.memory_space<vmem>> -> memref<16x128xf32, #tpu.memory_space<vmem>>
        %dma_start3A_236 = arith.constant 9984 : i32
        %dma_start3A_237 = arith.constant 0 : i32
        %dma_start3A_238 = tpu.memref_slice %arg20[%dma_start3A_236, %dma_start3A_237] : memref<10000x128xf32, #tpu.memory_space<vmem_shared>> -> memref<16x128xf32, #tpu.memory_space<vmem_shared>>
        %dma_start3A_239 = arith.constant 9984 : i32
        %dma_start3A_240 = arith.constant 0 : i32
        %dma_start3A_241 = tpu.memref_slice %arg20[%dma_start3A_239, %dma_start3A_240] : memref<10000x128xf32, #tpu.memory_space<vmem_shared>> -> memref<16x128xf32, #tpu.memory_space<vmem_shared>>
        %dma_start3A_242 = arith.constant 0 : i32
        %dma_start3A_243 = arith.constant 0 : i32
        %dma_start3A_244 = tpu.memref_slice %arg11[%dma_start3A_242, %dma_start3A_243] : memref<40x128xf32, #tpu.memory_space<vmem>> -> memref<16x128xf32, #tpu.memory_space<vmem>>
        tpu.enqueue_dma source(%dma_start3A_244 : memref<16x128xf32, #tpu.memory_space<vmem>>) target(%dma_start3A_241 : memref<16x128xf32, #tpu.memory_space<vmem_shared>>) target_semaphore(%run_scoped3A : memref<!tpu.dma_semaphore, #tpu.memory_space<semaphore_mem>>)
        %dma_wait3A_245 = arith.constant 0 : i32
        %dma_wait3A_246 = arith.constant 0 : i32
        %dma_wait3A_247 = tpu.memref_slice %arg11[%dma_wait3A_245, %dma_wait3A_246] : memref<40x128xf32, #tpu.memory_space<vmem>> -> memref<16x128xf32, #tpu.memory_space<vmem>>
        %dma_wait3A_248 = arith.constant 9984 : i32
        %dma_wait3A_249 = arith.constant 0 : i32
        %dma_wait3A_250 = tpu.memref_slice %arg20[%dma_wait3A_248, %dma_wait3A_249] : memref<10000x128xf32, #tpu.memory_space<vmem_shared>> -> memref<16x128xf32, #tpu.memory_space<vmem_shared>>
        %dma_wait3A_251 = arith.constant 9984 : i32
        %dma_wait3A_252 = arith.constant 0 : i32
        %dma_wait3A_253 = tpu.memref_slice %arg20[%dma_wait3A_251, %dma_wait3A_252] : memref<10000x128xf32, #tpu.memory_space<vmem_shared>> -> memref<16x128xf32, #tpu.memory_space<vmem_shared>>
        %dma_wait3A_254 = arith.constant 0 : i32
        %dma_wait3A_255 = arith.constant 0 : i32
        %dma_wait3A_256 = tpu.memref_slice %arg11[%dma_wait3A_254, %dma_wait3A_255] : memref<40x128xf32, #tpu.memory_space<vmem>> -> memref<16x128xf32, #tpu.memory_space<vmem>>
        tpu.wait_dma2 semaphore(%run_scoped3A : memref<!tpu.dma_semaphore, #tpu.memory_space<semaphore_mem>>) src(%dma_wait3A_256 : memref<16x128xf32, #tpu.memory_space<vmem>>) dst(%dma_wait3A_253 : memref<16x128xf32, #tpu.memory_space<vmem_shared>>)
        tpu.yield
      }) : () -> ()
      "tpu.region"() ({
        %run_scoped3A = tpu.sem_alloc : memref<!tpu.dma_semaphore, #tpu.memory_space<semaphore_mem>>
        %dma_start3A_233 = arith.constant 0 : i32
        %dma_start3A_234 = arith.constant 0 : i32
        %dma_start3A_235 = tpu.memref_slice %arg12[%dma_start3A_233, %dma_start3A_234] : memref<40x8xf32, #tpu.memory_space<vmem>> -> memref<16x8xf32, #tpu.memory_space<vmem>>
        %dma_start3A_236 = arith.constant 9984 : i32
        %dma_start3A_237 = arith.constant 0 : i32
        %dma_start3A_238 = tpu.memref_slice %arg21[%dma_start3A_236, %dma_start3A_237] : memref<10000x8xf32, #tpu.memory_space<vmem_shared>> -> memref<16x8xf32, #tpu.memory_space<vmem_shared>>
        %dma_start3A_239 = arith.constant 9984 : i32
        %dma_start3A_240 = arith.constant 0 : i32
        %dma_start3A_241 = tpu.memref_slice %arg21[%dma_start3A_239, %dma_start3A_240] : memref<10000x8xf32, #tpu.memory_space<vmem_shared>> -> memref<16x8xf32, #tpu.memory_space<vmem_shared>>
        %dma_start3A_242 = arith.constant 0 : i32
        %dma_start3A_243 = arith.constant 0 : i32
        %dma_start3A_244 = tpu.memref_slice %arg12[%dma_start3A_242, %dma_start3A_243] : memref<40x8xf32, #tpu.memory_space<vmem>> -> memref<16x8xf32, #tpu.memory_space<vmem>>
        tpu.enqueue_dma source(%dma_start3A_244 : memref<16x8xf32, #tpu.memory_space<vmem>>) target(%dma_start3A_241 : memref<16x8xf32, #tpu.memory_space<vmem_shared>>) target_semaphore(%run_scoped3A : memref<!tpu.dma_semaphore, #tpu.memory_space<semaphore_mem>>)
        %dma_wait3A_245 = arith.constant 0 : i32
        %dma_wait3A_246 = arith.constant 0 : i32
        %dma_wait3A_247 = tpu.memref_slice %arg12[%dma_wait3A_245, %dma_wait3A_246] : memref<40x8xf32, #tpu.memory_space<vmem>> -> memref<16x8xf32, #tpu.memory_space<vmem>>
        %dma_wait3A_248 = arith.constant 9984 : i32
        %dma_wait3A_249 = arith.constant 0 : i32
        %dma_wait3A_250 = tpu.memref_slice %arg21[%dma_wait3A_248, %dma_wait3A_249] : memref<10000x8xf32, #tpu.memory_space<vmem_shared>> -> memref<16x8xf32, #tpu.memory_space<vmem_shared>>
        %dma_wait3A_251 = arith.constant 9984 : i32
        %dma_wait3A_252 = arith.constant 0 : i32
        %dma_wait3A_253 = tpu.memref_slice %arg21[%dma_wait3A_251, %dma_wait3A_252] : memref<10000x8xf32, #tpu.memory_space<vmem_shared>> -> memref<16x8xf32, #tpu.memory_space<vmem_shared>>
        %dma_wait3A_254 = arith.constant 0 : i32
        %dma_wait3A_255 = arith.constant 0 : i32
        %dma_wait3A_256 = tpu.memref_slice %arg12[%dma_wait3A_254, %dma_wait3A_255] : memref<40x8xf32, #tpu.memory_space<vmem>> -> memref<16x8xf32, #tpu.memory_space<vmem>>
        tpu.wait_dma2 semaphore(%run_scoped3A : memref<!tpu.dma_semaphore, #tpu.memory_space<semaphore_mem>>) src(%dma_wait3A_256 : memref<16x8xf32, #tpu.memory_space<vmem>>) dst(%dma_wait3A_253 : memref<16x8xf32, #tpu.memory_space<vmem_shared>>)
        tpu.yield
      }) : () -> ()
    } else {
    }
    %barrier3A = arith.constant 0 : index
    tpu.barrier barrier_id(%barrier3A)
    %dma_start3A = arith.constant 0 : i32
    %dma_start3A_147 = arith.constant 0 : i32
    %dma_start3A_148 = tpu.memref_slice %arg5[%mul3A_2, %dma_start3A, %dma_start3A_147] : memref<8000x2x40xi32, #tpu.memory_space<hbm>> -> memref<1x2x40xi32, #tpu.memory_space<hbm>>
    %dma_start3A_149 = tpu.memref_squeeze %dma_start3A_148 : memref<1x2x40xi32, #tpu.memory_space<hbm>> -> memref<2x40xi32, #tpu.memory_space<hbm>>
    %dma_start3A_150 = arith.constant 0 : i32
    %dma_start3A_151 = arith.constant 0 : i32
    %dma_start3A_152 = tpu.memref_slice %arg5[%mul3A_2, %dma_start3A_150, %dma_start3A_151] : memref<8000x2x40xi32, #tpu.memory_space<hbm>> -> memref<1x2x40xi32, #tpu.memory_space<hbm>>
    %dma_start3A_153 = tpu.memref_squeeze %dma_start3A_152 : memref<1x2x40xi32, #tpu.memory_space<hbm>> -> memref<2x40xi32, #tpu.memory_space<hbm>>
    tpu.enqueue_dma source(%dma_start3A_153 : memref<2x40xi32, #tpu.memory_space<hbm>>) target(%arg8 : memref<2x40xi32, #tpu.memory_space<vmem>>) target_semaphore(%arg22 : memref<!tpu.dma_semaphore, #tpu.memory_space<semaphore_mem>>)
    %dma_wait3A = arith.constant 0 : i32
    %dma_wait3A_154 = arith.constant 0 : i32
    %dma_wait3A_155 = tpu.memref_slice %arg5[%mul3A_2, %dma_wait3A, %dma_wait3A_154] : memref<8000x2x40xi32, #tpu.memory_space<hbm>> -> memref<1x2x40xi32, #tpu.memory_space<hbm>>
    %dma_wait3A_156 = tpu.memref_squeeze %dma_wait3A_155 : memref<1x2x40xi32, #tpu.memory_space<hbm>> -> memref<2x40xi32, #tpu.memory_space<hbm>>
    %dma_wait3A_157 = arith.constant 0 : i32
    %dma_wait3A_158 = arith.constant 0 : i32
    %dma_wait3A_159 = tpu.memref_slice %arg5[%mul3A_2, %dma_wait3A_157, %dma_wait3A_158] : memref<8000x2x40xi32, #tpu.memory_space<hbm>> -> memref<1x2x40xi32, #tpu.memory_space<hbm>>
    %dma_wait3A_160 = tpu.memref_squeeze %dma_wait3A_159 : memref<1x2x40xi32, #tpu.memory_space<hbm>> -> memref<2x40xi32, #tpu.memory_space<hbm>>
    tpu.wait_dma2 semaphore(%arg22 : memref<!tpu.dma_semaphore, #tpu.memory_space<semaphore_mem>>) src(%dma_wait3A_160 : memref<2x40xi32, #tpu.memory_space<hbm>>) dst(%arg8 : memref<2x40xi32, #tpu.memory_space<vmem>>)
    %dma_start3A_161 = arith.constant 0 : i32
    %dma_start3A_162 = arith.constant 0 : i32
    %dma_start3A_163 = tpu.memref_slice %arg8[%dma_start3A_161, %dma_start3A_162] : memref<2x40xi32, #tpu.memory_space<vmem>> -> memref<1x40xi32, #tpu.memory_space<vmem>>
    %dma_start3A_164 = tpu.memref_squeeze %dma_start3A_163 : memref<1x40xi32, #tpu.memory_space<vmem>> -> memref<40xi32, #tpu.memory_space<vmem>>
    %dma_start3A_165 = arith.constant 0 : i32
    %dma_start3A_166 = arith.constant 0 : i32
    %dma_start3A_167 = tpu.memref_slice %arg2[%dma_start3A_165, %dma_start3A_166] : memref<10000x256xf32, #tpu.memory_space<hbm>> -> memref<10000x256xf32, #tpu.memory_space<hbm>>
    tpu.enqueue_indirect_dma source(%dma_start3A_167 : memref<10000x256xf32, #tpu.memory_space<hbm>>) target(%arg9 : memref<40x256xf32, #tpu.memory_space<vmem>>) offsets(%dma_start3A_164 : memref<40xi32, #tpu.memory_space<vmem>>) semaphore(%arg23 : memref<!tpu.dma_semaphore, #tpu.memory_space<semaphore_mem>>)
    %dma_start3A_168 = arith.constant 1 : i32
    %dma_start3A_169 = arith.constant 0 : i32
    %dma_start3A_170 = tpu.memref_slice %arg8[%dma_start3A_168, %dma_start3A_169] : memref<2x40xi32, #tpu.memory_space<vmem>> -> memref<1x40xi32, #tpu.memory_space<vmem>>
    %dma_start3A_171 = tpu.memref_squeeze %dma_start3A_170 : memref<1x40xi32, #tpu.memory_space<vmem>> -> memref<40xi32, #tpu.memory_space<vmem>>
    %dma_start3A_172 = arith.constant 0 : i32
    %dma_start3A_173 = arith.constant 0 : i32
    %dma_start3A_174 = tpu.memref_slice %arg3[%dma_start3A_172, %dma_start3A_173] : memref<10000x128xf32, #tpu.memory_space<hbm>> -> memref<10000x128xf32, #tpu.memory_space<hbm>>
    tpu.enqueue_indirect_dma source(%dma_start3A_174 : memref<10000x128xf32, #tpu.memory_space<hbm>>) target(%arg10 : memref<40x128xf32, #tpu.memory_space<vmem>>) offsets(%dma_start3A_171 : memref<40xi32, #tpu.memory_space<vmem>>) semaphore(%arg23 : memref<!tpu.dma_semaphore, #tpu.memory_space<semaphore_mem>>)
    %mul3A_175 = arith.constant 40 : i32
    %mul3A_176 = arith.muli %mul3A_2, %mul3A_175 : i32
    %dma_start3A_177 = arith.constant 0 : i32
    %dma_start3A_178 = tpu.memref_slice %arg4[%mul3A_176, %dma_start3A_177] : memref<320000x128xf32, #tpu.memory_space<hbm>> -> memref<40x128xf32, #tpu.memory_space<hbm>>
    %dma_start3A_179 = arith.constant 0 : i32
    %dma_start3A_180 = tpu.memref_slice %arg4[%mul3A_176, %dma_start3A_179] : memref<320000x128xf32, #tpu.memory_space<hbm>> -> memref<40x128xf32, #tpu.memory_space<hbm>>
    tpu.enqueue_dma source(%dma_start3A_180 : memref<40x128xf32, #tpu.memory_space<hbm>>) target(%arg11 : memref<40x128xf32, #tpu.memory_space<vmem>>) target_semaphore(%arg23 : memref<!tpu.dma_semaphore, #tpu.memory_space<semaphore_mem>>)
    %add3A_181 = arith.constant 1 : i32
    %add3A_182 = arith.addi %mul3A_2, %add3A_181 : i32
    %dma_start3A_183 = arith.constant 0 : i32
    %dma_start3A_184 = arith.constant 0 : i32
    %dma_start3A_185 = tpu.memref_slice %arg5[%add3A_182, %dma_start3A_183, %dma_start3A_184] : memref<8000x2x40xi32, #tpu.memory_space<hbm>> -> memref<1x2x40xi32, #tpu.memory_space<hbm>>
    %dma_start3A_186 = tpu.memref_squeeze %dma_start3A_185 : memref<1x2x40xi32, #tpu.memory_space<hbm>> -> memref<2x40xi32, #tpu.memory_space<hbm>>
    %dma_start3A_187 = arith.constant 0 : i32
    %dma_start3A_188 = arith.constant 0 : i32
    %dma_start3A_189 = tpu.memref_slice %arg5[%add3A_182, %dma_start3A_187, %dma_start3A_188] : memref<8000x2x40xi32, #tpu.memory_space<hbm>> -> memref<1x2x40xi32, #tpu.memory_space<hbm>>
    %dma_start3A_190 = tpu.memref_squeeze %dma_start3A_189 : memref<1x2x40xi32, #tpu.memory_space<hbm>> -> memref<2x40xi32, #tpu.memory_space<hbm>>
    tpu.enqueue_dma source(%dma_start3A_190 : memref<2x40xi32, #tpu.memory_space<hbm>>) target(%arg14 : memref<2x40xi32, #tpu.memory_space<vmem>>) target_semaphore(%arg22 : memref<!tpu.dma_semaphore, #tpu.memory_space<semaphore_mem>>)
    %dma_wait3A_191 = arith.constant 0 : i32
    %dma_wait3A_192 = arith.constant 0 : i32
    %dma_wait3A_193 = tpu.memref_slice %arg5[%add3A_182, %dma_wait3A_191, %dma_wait3A_192] : memref<8000x2x40xi32, #tpu.memory_space<hbm>> -> memref<1x2x40xi32, #tpu.memory_space<hbm>>
    %dma_wait3A_194 = tpu.memref_squeeze %dma_wait3A_193 : memref<1x2x40xi32, #tpu.memory_space<hbm>> -> memref<2x40xi32, #tpu.memory_space<hbm>>
    %dma_wait3A_195 = arith.constant 0 : i32
    %dma_wait3A_196 = arith.constant 0 : i32
    %dma_wait3A_197 = tpu.memref_slice %arg5[%add3A_182, %dma_wait3A_195, %dma_wait3A_196] : memref<8000x2x40xi32, #tpu.memory_space<hbm>> -> memref<1x2x40xi32, #tpu.memory_space<hbm>>
    %dma_wait3A_198 = tpu.memref_squeeze %dma_wait3A_197 : memref<1x2x40xi32, #tpu.memory_space<hbm>> -> memref<2x40xi32, #tpu.memory_space<hbm>>
    tpu.wait_dma2 semaphore(%arg22 : memref<!tpu.dma_semaphore, #tpu.memory_space<semaphore_mem>>) src(%dma_wait3A_198 : memref<2x40xi32, #tpu.memory_space<hbm>>) dst(%arg14 : memref<2x40xi32, #tpu.memory_space<vmem>>)
    %add3A_199 = arith.constant 1 : i32
    %add3A_200 = arith.addi %mul3A_2, %add3A_199 : i32
    %dma_start3A_201 = arith.constant 0 : i32
    %dma_start3A_202 = arith.constant 0 : i32
    %dma_start3A_203 = tpu.memref_slice %arg14[%dma_start3A_201, %dma_start3A_202] : memref<2x40xi32, #tpu.memory_space<vmem>> -> memref<1x40xi32, #tpu.memory_space<vmem>>
    %dma_start3A_204 = tpu.memref_squeeze %dma_start3A_203 : memref<1x40xi32, #tpu.memory_space<vmem>> -> memref<40xi32, #tpu.memory_space<vmem>>
    %dma_start3A_205 = arith.constant 0 : i32
    %dma_start3A_206 = arith.constant 0 : i32
    %dma_start3A_207 = tpu.memref_slice %arg2[%dma_start3A_205, %dma_start3A_206] : memref<10000x256xf32, #tpu.memory_space<hbm>> -> memref<10000x256xf32, #tpu.memory_space<hbm>>
    tpu.enqueue_indirect_dma source(%dma_start3A_207 : memref<10000x256xf32, #tpu.memory_space<hbm>>) target(%arg15 : memref<40x256xf32, #tpu.memory_space<vmem>>) offsets(%dma_start3A_204 : memref<40xi32, #tpu.memory_space<vmem>>) semaphore(%arg24 : memref<!tpu.dma_semaphore, #tpu.memory_space<semaphore_mem>>)
    %dma_start3A_208 = arith.constant 1 : i32
    %dma_start3A_209 = arith.constant 0 : i32
    %dma_start3A_210 = tpu.memref_slice %arg14[%dma_start3A_208, %dma_start3A_209] : memref<2x40xi32, #tpu.memory_space<vmem>> -> memref<1x40xi32, #tpu.memory_space<vmem>>
    %dma_start3A_211 = tpu.memref_squeeze %dma_start3A_210 : memref<1x40xi32, #tpu.memory_space<vmem>> -> memref<40xi32, #tpu.memory_space<vmem>>
    %dma_start3A_212 = arith.constant 0 : i32
    %dma_start3A_213 = arith.constant 0 : i32
    %dma_start3A_214 = tpu.memref_slice %arg3[%dma_start3A_212, %dma_start3A_213] : memref<10000x128xf32, #tpu.memory_space<hbm>> -> memref<10000x128xf32, #tpu.memory_space<hbm>>
    tpu.enqueue_indirect_dma source(%dma_start3A_214 : memref<10000x128xf32, #tpu.memory_space<hbm>>) target(%arg16 : memref<40x128xf32, #tpu.memory_space<vmem>>) offsets(%dma_start3A_211 : memref<40xi32, #tpu.memory_space<vmem>>) semaphore(%arg24 : memref<!tpu.dma_semaphore, #tpu.memory_space<semaphore_mem>>)
    %mul3A_215 = arith.constant 40 : i32
    %mul3A_216 = arith.muli %add3A_200, %mul3A_215 : i32
    %dma_start3A_217 = arith.constant 0 : i32
    %dma_start3A_218 = tpu.memref_slice %arg4[%mul3A_216, %dma_start3A_217] : memref<320000x128xf32, #tpu.memory_space<hbm>> -> memref<40x128xf32, #tpu.memory_space<hbm>>
    %dma_start3A_219 = arith.constant 0 : i32
    %dma_start3A_220 = tpu.memref_slice %arg4[%mul3A_216, %dma_start3A_219] : memref<320000x128xf32, #tpu.memory_space<hbm>> -> memref<40x128xf32, #tpu.memory_space<hbm>>
    tpu.enqueue_dma source(%dma_start3A_220 : memref<40x128xf32, #tpu.memory_space<hbm>>) target(%arg17 : memref<40x128xf32, #tpu.memory_space<vmem>>) target_semaphore(%arg24 : memref<!tpu.dma_semaphore, #tpu.memory_space<semaphore_mem>>)
    %scan3A_221 = arith.constant 0 : i32
    %scan3A_222 = arith.constant 0 : i32
    %scan3A_223 = arith.constant 125 : i32
    %scan3A_224 = arith.addi %scan3A_222, %scan3A_223 : i32
    %scan3A_225 = arith.constant 1 : i32
    scf.for %scan3A_233 = %scan3A_222 to %scan3A_224 step %scan3A_225  : i32 {
      %mul3A_234 = arith.constant 2 : i32
      %mul3A_235 = arith.muli %scan3A_233, %mul3A_234 : i32
      %add3A_236 = arith.addi %mul3A_2, %mul3A_235 : i32
      %add3A_237 = arith.constant 1 : i32
      %add3A_238 = arith.addi %add3A_236, %add3A_237 : i32
      %add3A_239 = arith.constant 2 : i32
      %add3A_240 = arith.addi %add3A_236, %add3A_239 : i32
      %add3A_241 = arith.constant 3 : i32
      %add3A_242 = arith.addi %add3A_236, %add3A_241 : i32
      %lt3A = arith.constant 124 : i32
      %lt3A_243 = arith.cmpi slt, %scan3A_233, %lt3A : i32
      %get3A = arith.constant 1 : i32
      %get3A_244 = arith.index_cast %get3A : i32 to index
      %get3A_245 = arith.constant 0 : index
      %get3A_246 = tpu.vector_load %arg8[%get3A_244, %get3A_245] {strides = array<i32>} : memref<2x40xi32, #tpu.memory_space<vmem>>, vector<16xi32>,
      %swap3A = arith.constant 0 : index
      %swap3A_247 = tpu.vector_load %arg13[%swap3A] {strides = array<i32>} : memref<40xi32, #tpu.memory_space<vmem>>, vector<16xi32>,
      tpu.vector_store %arg13[%swap3A], %get3A_246 {strides = array<i32>} : memref<40xi32, #tpu.memory_space<vmem>>, vector<16xi32>,
      %get3A_248 = arith.constant 1 : i32
      %get3A_249 = arith.index_cast %get3A_248 : i32 to index
      %get3A_250 = arith.constant 16 : index
      %get3A_251 = tpu.vector_load %arg8[%get3A_249, %get3A_250] {strides = array<i32>} : memref<2x40xi32, #tpu.memory_space<vmem>>, vector<16xi32>,
      %swap3A_252 = arith.constant 16 : index
      %swap3A_253 = tpu.vector_load %arg13[%swap3A_252] {strides = array<i32>} : memref<40xi32, #tpu.memory_space<vmem>>, vector<16xi32>,
      tpu.vector_store %arg13[%swap3A_252], %get3A_251 {strides = array<i32>} : memref<40xi32, #tpu.memory_space<vmem>>, vector<16xi32>,
      %get3A_254 = arith.constant 1 : i32
      %get3A_255 = arith.index_cast %get3A_254 : i32 to index
      %get3A_256 = arith.constant 24 : index
      %get3A_257 = tpu.vector_load %arg8[%get3A_255, %get3A_256] {strides = array<i32>} : memref<2x40xi32, #tpu.memory_space<vmem>>, vector<16xi32>,
      %swap3A_258 = arith.constant 24 : index
      %swap3A_259 = tpu.vector_load %arg13[%swap3A_258] {strides = array<i32>} : memref<40xi32, #tpu.memory_space<vmem>>, vector<16xi32>,
      tpu.vector_store %arg13[%swap3A_258], %get3A_257 {strides = array<i32>} : memref<40xi32, #tpu.memory_space<vmem>>, vector<16xi32>,
      %dma_wait3A_260 = arith.constant 0 : i32
      %dma_wait3A_261 = arith.constant 0 : i32
      %dma_wait3A_262 = tpu.memref_slice %arg8[%dma_wait3A_260, %dma_wait3A_261] : memref<2x40xi32, #tpu.memory_space<vmem>> -> memref<1x40xi32, #tpu.memory_space<vmem>>
      %dma_wait3A_263 = tpu.memref_squeeze %dma_wait3A_262 : memref<1x40xi32, #tpu.memory_space<vmem>> -> memref<40xi32, #tpu.memory_space<vmem>>
      %dma_wait3A_264 = arith.constant 0 : i32
      %dma_wait3A_265 = arith.constant 0 : i32
      %dma_wait3A_266 = tpu.memref_slice %arg2[%dma_wait3A_264, %dma_wait3A_265] : memref<10000x256xf32, #tpu.memory_space<hbm>> -> memref<10000x256xf32, #tpu.memory_space<hbm>>
      tpu.wait_indirect_dma semaphore(%arg23 : memref<!tpu.dma_semaphore, #tpu.memory_space<semaphore_mem>>) src(%dma_wait3A_266 : memref<10000x256xf32, #tpu.memory_space<hbm>>) dst(%arg9 : memref<40x256xf32, #tpu.memory_space<vmem>>)
      %dma_wait3A_267 = arith.constant 1 : i32
      %dma_wait3A_268 = arith.constant 0 : i32
      %dma_wait3A_269 = tpu.memref_slice %arg8[%dma_wait3A_267, %dma_wait3A_268] : memref<2x40xi32, #tpu.memory_space<vmem>> -> memref<1x40xi32, #tpu.memory_space<vmem>>
      %dma_wait3A_270 = tpu.memref_squeeze %dma_wait3A_269 : memref<1x40xi32, #tpu.memory_space<vmem>> -> memref<40xi32, #tpu.memory_space<vmem>>
      %dma_wait3A_271 = arith.constant 0 : i32
      %dma_wait3A_272 = arith.constant 0 : i32
      %dma_wait3A_273 = tpu.memref_slice %arg3[%dma_wait3A_271, %dma_wait3A_272] : memref<10000x128xf32, #tpu.memory_space<hbm>> -> memref<10000x128xf32, #tpu.memory_space<hbm>>
      tpu.wait_indirect_dma semaphore(%arg23 : memref<!tpu.dma_semaphore, #tpu.memory_space<semaphore_mem>>) src(%dma_wait3A_273 : memref<10000x128xf32, #tpu.memory_space<hbm>>) dst(%arg10 : memref<40x128xf32, #tpu.memory_space<vmem>>)
      %mul3A_274 = arith.constant 40 : i32
      %mul3A_275 = arith.muli %add3A_236, %mul3A_274 : i32
      %dma_wait3A_276 = arith.constant 0 : i32
      %dma_wait3A_277 = tpu.memref_slice %arg4[%mul3A_275, %dma_wait3A_276] : memref<320000x128xf32, #tpu.memory_space<hbm>> -> memref<40x128xf32, #tpu.memory_space<hbm>>
      %dma_wait3A_278 = arith.constant 0 : i32
      %dma_wait3A_279 = tpu.memref_slice %arg4[%mul3A_275, %dma_wait3A_278] : memref<320000x128xf32, #tpu.memory_space<hbm>> -> memref<40x128xf32, #tpu.memory_space<hbm>>
      tpu.wait_dma2 semaphore(%arg23 : memref<!tpu.dma_semaphore, #tpu.memory_space<semaphore_mem>>) src(%dma_wait3A_279 : memref<40x128xf32, #tpu.memory_space<hbm>>) dst(%arg11 : memref<40x128xf32, #tpu.memory_space<vmem>>)
      %convert_element_type3A_280 = arith.extui %lt3A_243 : i1 to i32
      %cond3A_281 = arith.constant 0 : i32
      %cond3A_282 = arith.cmpi ne, %convert_element_type3A_280, %cond3A_281 : i32
      scf.if %cond3A_282 {
        %dma_start3A_366 = arith.constant 0 : i32
        %dma_start3A_367 = arith.constant 0 : i32
        %dma_start3A_368 = tpu.memref_slice %arg5[%add3A_240, %dma_start3A_366, %dma_start3A_367] : memref<8000x2x40xi32, #tpu.memory_space<hbm>> -> memref<1x2x40xi32, #tpu.memory_space<hbm>>
        %dma_start3A_369 = tpu.memref_squeeze %dma_start3A_368 : memref<1x2x40xi32, #tpu.memory_space<hbm>> -> memref<2x40xi32, #tpu.memory_space<hbm>>
        %dma_start3A_370 = arith.constant 0 : i32
        %dma_start3A_371 = arith.constant 0 : i32
        %dma_start3A_372 = tpu.memref_slice %arg5[%add3A_240, %dma_start3A_370, %dma_start3A_371] : memref<8000x2x40xi32, #tpu.memory_space<hbm>> -> memref<1x2x40xi32, #tpu.memory_space<hbm>>
        %dma_start3A_373 = tpu.memref_squeeze %dma_start3A_372 : memref<1x2x40xi32, #tpu.memory_space<hbm>> -> memref<2x40xi32, #tpu.memory_space<hbm>>
        tpu.enqueue_dma source(%dma_start3A_373 : memref<2x40xi32, #tpu.memory_space<hbm>>) target(%arg8 : memref<2x40xi32, #tpu.memory_space<vmem>>) target_semaphore(%arg22 : memref<!tpu.dma_semaphore, #tpu.memory_space<semaphore_mem>>)
      } else {
      }
      %scan3A_283 = arith.constant 0 : i32
      %scan3A_284 = arith.constant 0 : i32
      %scan3A_285 = arith.constant 3 : i32
      %scan3A_286 = arith.addi %scan3A_284, %scan3A_285 : i32
      %scan3A_287 = arith.constant 1 : i32
      scf.for %scan3A_366 = %scan3A_284 to %scan3A_286 step %scan3A_287  : i32 {
        %mul3A_367 = arith.constant 16 : i32
        %mul3A_368 = arith.muli %scan3A_366, %mul3A_367 : i32
        %add3A_369 = vector.broadcast %mul3A_368 : i32 to vector<16xi32>
        %add3A_370 = arith.addi %iota3A, %add3A_369 : vector<16xi32>
        %lt3A_371 = arith.constant 40 : i32
        %lt3A_372 = vector.broadcast %lt3A_371 : i32 to vector<16xi32>
        %lt3A_373 = arith.cmpi slt, %add3A_370, %lt3A_372 : vector<16xi32>
        %broadcast_in_dim3A_374 = arith.constant 0 : i32
        %broadcast_in_dim3A_375 = vector.broadcast %broadcast_in_dim3A_374 : i32 to vector<16xi32>
        %broadcast_in_dim3A_376 = arith.constant 0 : i32
        %broadcast_in_dim3A_377 = vector.broadcast %broadcast_in_dim3A_376 : i32 to vector<16xi32>
        %scan3A_378 = arith.constant 0 : i32
        %scan3A_379 = arith.constant 8 : i32
        %scan3A_380 = arith.addi %scan3A_378, %scan3A_379 : i32
        %scan3A_381 = arith.constant 1 : i32
        %scan3A_382:2 = scf.for %scan3A_384 = %scan3A_378 to %scan3A_380 step %scan3A_381 iter_args(%scan3A_385 = %broadcast_in_dim3A_375, %scan3A_386 = %broadcast_in_dim3A_377) -> (vector<16xi32>, vector<16xi32>)  : i32 {
          %or3A = arith.ori %scan3A_385, %iota3A : vector<16xi32>
          %gather3A = tpu.vector_load_idx %arg9[%add3A_370, %or3A] masked %lt3A_373 : memref<40x256xf32, #tpu.memory_space<vmem>>[vector<16xi32>, vector<16xi32>], vector<16xf32>, vector<16xi1>
          %gather3A_387 = tpu.vector_load_idx %arg10[%add3A_370, %or3A] masked %lt3A_373 : memref<40x128xf32, #tpu.memory_space<vmem>>[vector<16xi32>, vector<16xi32>], vector<16xf32>, vector<16xi1>
          %gather3A_388 = tpu.vector_load_idx %arg11[%add3A_370, %or3A] masked %lt3A_373 : memref<40x128xf32, #tpu.memory_space<vmem>>[vector<16xi32>, vector<16xi32>], vector<16xf32>, vector<16xi1>
          %mul3A_389 = arith.mulf %gather3A, %gather3A_387 : vector<16xf32>
          %mul3A_390 = arith.mulf %mul3A_389, %gather3A_388 : vector<16xf32>
          %add3A_391 = arith.addf %broadcast_in_dim3A_3, %mul3A_390 : vector<16xf32>
          %add3A_392 = arith.addi %iota3A, %broadcast_in_dim3A_5 : vector<16xi32>
          %and3A_393 = arith.andi %add3A_392, %broadcast_in_dim3A_7 : vector<16xi32>
          %or3A_394 = arith.ori %scan3A_385, %and3A_393 : vector<16xi32>
          %gather3A_395 = tpu.vector_load_idx %arg9[%add3A_370, %or3A_394] masked %lt3A_373 : memref<40x256xf32, #tpu.memory_space<vmem>>[vector<16xi32>, vector<16xi32>], vector<16xf32>, vector<16xi1>
          %gather3A_396 = tpu.vector_load_idx %arg10[%add3A_370, %or3A_394] masked %lt3A_373 : memref<40x128xf32, #tpu.memory_space<vmem>>[vector<16xi32>, vector<16xi32>], vector<16xf32>, vector<16xi1>
          %gather3A_397 = tpu.vector_load_idx %arg11[%add3A_370, %or3A_394] masked %lt3A_373 : memref<40x128xf32, #tpu.memory_space<vmem>>[vector<16xi32>, vector<16xi32>], vector<16xf32>, vector<16xi1>
          %mul3A_398 = arith.mulf %gather3A_395, %gather3A_396 : vector<16xf32>
          %mul3A_399 = arith.mulf %mul3A_398, %gather3A_397 : vector<16xf32>
          %add3A_400 = arith.addf %add3A_391, %mul3A_399 : vector<16xf32>
          %add3A_401 = arith.addi %and3A_393, %broadcast_in_dim3A_5 : vector<16xi32>
          %and3A_402 = arith.andi %add3A_401, %broadcast_in_dim3A_7 : vector<16xi32>
          %or3A_403 = arith.ori %scan3A_385, %and3A_402 : vector<16xi32>
          %gather3A_404 = tpu.vector_load_idx %arg9[%add3A_370, %or3A_403] masked %lt3A_373 : memref<40x256xf32, #tpu.memory_space<vmem>>[vector<16xi32>, vector<16xi32>], vector<16xf32>, vector<16xi1>
          %gather3A_405 = tpu.vector_load_idx %arg10[%add3A_370, %or3A_403] masked %lt3A_373 : memref<40x128xf32, #tpu.memory_space<vmem>>[vector<16xi32>, vector<16xi32>], vector<16xf32>, vector<16xi1>
          %gather3A_406 = tpu.vector_load_idx %arg11[%add3A_370, %or3A_403] masked %lt3A_373 : memref<40x128xf32, #tpu.memory_space<vmem>>[vector<16xi32>, vector<16xi32>], vector<16xf32>, vector<16xi1>
          %mul3A_407 = arith.mulf %gather3A_404, %gather3A_405 : vector<16xf32>
          %mul3A_408 = arith.mulf %mul3A_407, %gather3A_406 : vector<16xf32>
          %add3A_409 = arith.addf %add3A_400, %mul3A_408 : vector<16xf32>
          %add3A_410 = arith.addi %and3A_402, %broadcast_in_dim3A_5 : vector<16xi32>
          %and3A_411 = arith.andi %add3A_410, %broadcast_in_dim3A_7 : vector<16xi32>
          %or3A_412 = arith.ori %scan3A_385, %and3A_411 : vector<16xi32>
          %gather3A_413 = tpu.vector_load_idx %arg9[%add3A_370, %or3A_412] masked %lt3A_373 : memref<40x256xf32, #tpu.memory_space<vmem>>[vector<16xi32>, vector<16xi32>], vector<16xf32>, vector<16xi1>
          %gather3A_414 = tpu.vector_load_idx %arg10[%add3A_370, %or3A_412] masked %lt3A_373 : memref<40x128xf32, #tpu.memory_space<vmem>>[vector<16xi32>, vector<16xi32>], vector<16xf32>, vector<16xi1>
          %gather3A_415 = tpu.vector_load_idx %arg11[%add3A_370, %or3A_412] masked %lt3A_373 : memref<40x128xf32, #tpu.memory_space<vmem>>[vector<16xi32>, vector<16xi32>], vector<16xf32>, vector<16xi1>
          %mul3A_416 = arith.mulf %gather3A_413, %gather3A_414 : vector<16xf32>
          %mul3A_417 = arith.mulf %mul3A_416, %gather3A_415 : vector<16xf32>
          %add3A_418 = arith.addf %add3A_409, %mul3A_417 : vector<16xf32>
          %add3A_419 = arith.addi %and3A_411, %broadcast_in_dim3A_5 : vector<16xi32>
          %and3A_420 = arith.andi %add3A_419, %broadcast_in_dim3A_7 : vector<16xi32>
          %or3A_421 = arith.ori %scan3A_385, %and3A_420 : vector<16xi32>
          %gather3A_422 = tpu.vector_load_idx %arg9[%add3A_370, %or3A_421] masked %lt3A_373 : memref<40x256xf32, #tpu.memory_space<vmem>>[vector<16xi32>, vector<16xi32>], vector<16xf32>, vector<16xi1>
          %gather3A_423 = tpu.vector_load_idx %arg10[%add3A_370, %or3A_421] masked %lt3A_373 : memref<40x128xf32, #tpu.memory_space<vmem>>[vector<16xi32>, vector<16xi32>], vector<16xf32>, vector<16xi1>
          %gather3A_424 = tpu.vector_load_idx %arg11[%add3A_370, %or3A_421] masked %lt3A_373 : memref<40x128xf32, #tpu.memory_space<vmem>>[vector<16xi32>, vector<16xi32>], vector<16xf32>, vector<16xi1>
          %mul3A_425 = arith.mulf %gather3A_422, %gather3A_423 : vector<16xf32>
          %mul3A_426 = arith.mulf %mul3A_425, %gather3A_424 : vector<16xf32>
          %add3A_427 = arith.addf %add3A_418, %mul3A_426 : vector<16xf32>
          %add3A_428 = arith.addi %and3A_420, %broadcast_in_dim3A_5 : vector<16xi32>
          %and3A_429 = arith.andi %add3A_428, %broadcast_in_dim3A_7 : vector<16xi32>
          %or3A_430 = arith.ori %scan3A_385, %and3A_429 : vector<16xi32>
          %gather3A_431 = tpu.vector_load_idx %arg9[%add3A_370, %or3A_430] masked %lt3A_373 : memref<40x256xf32, #tpu.memory_space<vmem>>[vector<16xi32>, vector<16xi32>], vector<16xf32>, vector<16xi1>
          %gather3A_432 = tpu.vector_load_idx %arg10[%add3A_370, %or3A_430] masked %lt3A_373 : memref<40x128xf32, #tpu.memory_space<vmem>>[vector<16xi32>, vector<16xi32>], vector<16xf32>, vector<16xi1>
          %gather3A_433 = tpu.vector_load_idx %arg11[%add3A_370, %or3A_430] masked %lt3A_373 : memref<40x128xf32, #tpu.memory_space<vmem>>[vector<16xi32>, vector<16xi32>], vector<16xf32>, vector<16xi1>
          %mul3A_434 = arith.mulf %gather3A_431, %gather3A_432 : vector<16xf32>
          %mul3A_435 = arith.mulf %mul3A_434, %gather3A_433 : vector<16xf32>
          %add3A_436 = arith.addf %add3A_427, %mul3A_435 : vector<16xf32>
          %add3A_437 = arith.addi %and3A_429, %broadcast_in_dim3A_5 : vector<16xi32>
          %and3A_438 = arith.andi %add3A_437, %broadcast_in_dim3A_7 : vector<16xi32>
          %or3A_439 = arith.ori %scan3A_385, %and3A_438 : vector<16xi32>
          %gather3A_440 = tpu.vector_load_idx %arg9[%add3A_370, %or3A_439] masked %lt3A_373 : memref<40x256xf32, #tpu.memory_space<vmem>>[vector<16xi32>, vector<16xi32>], vector<16xf32>, vector<16xi1>
          %gather3A_441 = tpu.vector_load_idx %arg10[%add3A_370, %or3A_439] masked %lt3A_373 : memref<40x128xf32, #tpu.memory_space<vmem>>[vector<16xi32>, vector<16xi32>], vector<16xf32>, vector<16xi1>
          %gather3A_442 = tpu.vector_load_idx %arg11[%add3A_370, %or3A_439] masked %lt3A_373 : memref<40x128xf32, #tpu.memory_space<vmem>>[vector<16xi32>, vector<16xi32>], vector<16xf32>, vector<16xi1>
          %mul3A_443 = arith.mulf %gather3A_440, %gather3A_441 : vector<16xf32>
          %mul3A_444 = arith.mulf %mul3A_443, %gather3A_442 : vector<16xf32>
          %add3A_445 = arith.addf %add3A_436, %mul3A_444 : vector<16xf32>
          %add3A_446 = arith.addi %and3A_438, %broadcast_in_dim3A_5 : vector<16xi32>
          %and3A_447 = arith.andi %add3A_446, %broadcast_in_dim3A_7 : vector<16xi32>
          %or3A_448 = arith.ori %scan3A_385, %and3A_447 : vector<16xi32>
          %gather3A_449 = tpu.vector_load_idx %arg9[%add3A_370, %or3A_448] masked %lt3A_373 : memref<40x256xf32, #tpu.memory_space<vmem>>[vector<16xi32>, vector<16xi32>], vector<16xf32>, vector<16xi1>
          %gather3A_450 = tpu.vector_load_idx %arg10[%add3A_370, %or3A_448] masked %lt3A_373 : memref<40x128xf32, #tpu.memory_space<vmem>>[vector<16xi32>, vector<16xi32>], vector<16xf32>, vector<16xi1>
          %gather3A_451 = tpu.vector_load_idx %arg11[%add3A_370, %or3A_448] masked %lt3A_373 : memref<40x128xf32, #tpu.memory_space<vmem>>[vector<16xi32>, vector<16xi32>], vector<16xf32>, vector<16xi1>
          %mul3A_452 = arith.mulf %gather3A_449, %gather3A_450 : vector<16xf32>
          %mul3A_453 = arith.mulf %mul3A_452, %gather3A_451 : vector<16xf32>
          %add3A_454 = arith.addf %add3A_445, %mul3A_453 : vector<16xf32>
          %add3A_455 = arith.addi %and3A_447, %broadcast_in_dim3A_5 : vector<16xi32>
          %and3A_456 = arith.andi %add3A_455, %broadcast_in_dim3A_7 : vector<16xi32>
          %or3A_457 = arith.ori %scan3A_385, %and3A_456 : vector<16xi32>
          %gather3A_458 = tpu.vector_load_idx %arg9[%add3A_370, %or3A_457] masked %lt3A_373 : memref<40x256xf32, #tpu.memory_space<vmem>>[vector<16xi32>, vector<16xi32>], vector<16xf32>, vector<16xi1>
          %gather3A_459 = tpu.vector_load_idx %arg10[%add3A_370, %or3A_457] masked %lt3A_373 : memref<40x128xf32, #tpu.memory_space<vmem>>[vector<16xi32>, vector<16xi32>], vector<16xf32>, vector<16xi1>
          %gather3A_460 = tpu.vector_load_idx %arg11[%add3A_370, %or3A_457] masked %lt3A_373 : memref<40x128xf32, #tpu.memory_space<vmem>>[vector<16xi32>, vector<16xi32>], vector<16xf32>, vector<16xi1>
          %mul3A_461 = arith.mulf %gather3A_458, %gather3A_459 : vector<16xf32>
          %mul3A_462 = arith.mulf %mul3A_461, %gather3A_460 : vector<16xf32>
          %add3A_463 = arith.addf %add3A_454, %mul3A_462 : vector<16xf32>
          %add3A_464 = arith.addi %and3A_456, %broadcast_in_dim3A_5 : vector<16xi32>
          %and3A_465 = arith.andi %add3A_464, %broadcast_in_dim3A_7 : vector<16xi32>
          %or3A_466 = arith.ori %scan3A_385, %and3A_465 : vector<16xi32>
          %gather3A_467 = tpu.vector_load_idx %arg9[%add3A_370, %or3A_466] masked %lt3A_373 : memref<40x256xf32, #tpu.memory_space<vmem>>[vector<16xi32>, vector<16xi32>], vector<16xf32>, vector<16xi1>
          %gather3A_468 = tpu.vector_load_idx %arg10[%add3A_370, %or3A_466] masked %lt3A_373 : memref<40x128xf32, #tpu.memory_space<vmem>>[vector<16xi32>, vector<16xi32>], vector<16xf32>, vector<16xi1>
          %gather3A_469 = tpu.vector_load_idx %arg11[%add3A_370, %or3A_466] masked %lt3A_373 : memref<40x128xf32, #tpu.memory_space<vmem>>[vector<16xi32>, vector<16xi32>], vector<16xf32>, vector<16xi1>
          %mul3A_470 = arith.mulf %gather3A_467, %gather3A_468 : vector<16xf32>
          %mul3A_471 = arith.mulf %mul3A_470, %gather3A_469 : vector<16xf32>
          %add3A_472 = arith.addf %add3A_463, %mul3A_471 : vector<16xf32>
          %add3A_473 = arith.addi %and3A_465, %broadcast_in_dim3A_5 : vector<16xi32>
          %and3A_474 = arith.andi %add3A_473, %broadcast_in_dim3A_7 : vector<16xi32>
          %or3A_475 = arith.ori %scan3A_385, %and3A_474 : vector<16xi32>
          %gather3A_476 = tpu.vector_load_idx %arg9[%add3A_370, %or3A_475] masked %lt3A_373 : memref<40x256xf32, #tpu.memory_space<vmem>>[vector<16xi32>, vector<16xi32>], vector<16xf32>, vector<16xi1>
          %gather3A_477 = tpu.vector_load_idx %arg10[%add3A_370, %or3A_475] masked %lt3A_373 : memref<40x128xf32, #tpu.memory_space<vmem>>[vector<16xi32>, vector<16xi32>], vector<16xf32>, vector<16xi1>
          %gather3A_478 = tpu.vector_load_idx %arg11[%add3A_370, %or3A_475] masked %lt3A_373 : memref<40x128xf32, #tpu.memory_space<vmem>>[vector<16xi32>, vector<16xi32>], vector<16xf32>, vector<16xi1>
          %mul3A_479 = arith.mulf %gather3A_476, %gather3A_477 : vector<16xf32>
          %mul3A_480 = arith.mulf %mul3A_479, %gather3A_478 : vector<16xf32>
          %add3A_481 = arith.addf %add3A_472, %mul3A_480 : vector<16xf32>
          %add3A_482 = arith.addi %and3A_474, %broadcast_in_dim3A_5 : vector<16xi32>
          %and3A_483 = arith.andi %add3A_482, %broadcast_in_dim3A_7 : vector<16xi32>
          %or3A_484 = arith.ori %scan3A_385, %and3A_483 : vector<16xi32>
          %gather3A_485 = tpu.vector_load_idx %arg9[%add3A_370, %or3A_484] masked %lt3A_373 : memref<40x256xf32, #tpu.memory_space<vmem>>[vector<16xi32>, vector<16xi32>], vector<16xf32>, vector<16xi1>
          %gather3A_486 = tpu.vector_load_idx %arg10[%add3A_370, %or3A_484] masked %lt3A_373 : memref<40x128xf32, #tpu.memory_space<vmem>>[vector<16xi32>, vector<16xi32>], vector<16xf32>, vector<16xi1>
          %gather3A_487 = tpu.vector_load_idx %arg11[%add3A_370, %or3A_484] masked %lt3A_373 : memref<40x128xf32, #tpu.memory_space<vmem>>[vector<16xi32>, vector<16xi32>], vector<16xf32>, vector<16xi1>
          %mul3A_488 = arith.mulf %gather3A_485, %gather3A_486 : vector<16xf32>
          %mul3A_489 = arith.mulf %mul3A_488, %gather3A_487 : vector<16xf32>
          %add3A_490 = arith.addf %add3A_481, %mul3A_489 : vector<16xf32>
          %add3A_491 = arith.addi %and3A_483, %broadcast_in_dim3A_5 : vector<16xi32>
          %and3A_492 = arith.andi %add3A_491, %broadcast_in_dim3A_7 : vector<16xi32>
          %or3A_493 = arith.ori %scan3A_385, %and3A_492 : vector<16xi32>
          %gather3A_494 = tpu.vector_load_idx %arg9[%add3A_370, %or3A_493] masked %lt3A_373 : memref<40x256xf32, #tpu.memory_space<vmem>>[vector<16xi32>, vector<16xi32>], vector<16xf32>, vector<16xi1>
          %gather3A_495 = tpu.vector_load_idx %arg10[%add3A_370, %or3A_493] masked %lt3A_373 : memref<40x128xf32, #tpu.memory_space<vmem>>[vector<16xi32>, vector<16xi32>], vector<16xf32>, vector<16xi1>
          %gather3A_496 = tpu.vector_load_idx %arg11[%add3A_370, %or3A_493] masked %lt3A_373 : memref<40x128xf32, #tpu.memory_space<vmem>>[vector<16xi32>, vector<16xi32>], vector<16xf32>, vector<16xi1>
          %mul3A_497 = arith.mulf %gather3A_494, %gather3A_495 : vector<16xf32>
          %mul3A_498 = arith.mulf %mul3A_497, %gather3A_496 : vector<16xf32>
          %add3A_499 = arith.addf %add3A_490, %mul3A_498 : vector<16xf32>
          %add3A_500 = arith.addi %and3A_492, %broadcast_in_dim3A_5 : vector<16xi32>
          %and3A_501 = arith.andi %add3A_500, %broadcast_in_dim3A_7 : vector<16xi32>
          %or3A_502 = arith.ori %scan3A_385, %and3A_501 : vector<16xi32>
          %gather3A_503 = tpu.vector_load_idx %arg9[%add3A_370, %or3A_502] masked %lt3A_373 : memref<40x256xf32, #tpu.memory_space<vmem>>[vector<16xi32>, vector<16xi32>], vector<16xf32>, vector<16xi1>
          %gather3A_504 = tpu.vector_load_idx %arg10[%add3A_370, %or3A_502] masked %lt3A_373 : memref<40x128xf32, #tpu.memory_space<vmem>>[vector<16xi32>, vector<16xi32>], vector<16xf32>, vector<16xi1>
          %gather3A_505 = tpu.vector_load_idx %arg11[%add3A_370, %or3A_502] masked %lt3A_373 : memref<40x128xf32, #tpu.memory_space<vmem>>[vector<16xi32>, vector<16xi32>], vector<16xf32>, vector<16xi1>
          %mul3A_506 = arith.mulf %gather3A_503, %gather3A_504 : vector<16xf32>
          %mul3A_507 = arith.mulf %mul3A_506, %gather3A_505 : vector<16xf32>
          %add3A_508 = arith.addf %add3A_499, %mul3A_507 : vector<16xf32>
          %add3A_509 = arith.addi %and3A_501, %broadcast_in_dim3A_5 : vector<16xi32>
          %and3A_510 = arith.andi %add3A_509, %broadcast_in_dim3A_7 : vector<16xi32>
          %or3A_511 = arith.ori %scan3A_385, %and3A_510 : vector<16xi32>
          %gather3A_512 = tpu.vector_load_idx %arg9[%add3A_370, %or3A_511] masked %lt3A_373 : memref<40x256xf32, #tpu.memory_space<vmem>>[vector<16xi32>, vector<16xi32>], vector<16xf32>, vector<16xi1>
          %gather3A_513 = tpu.vector_load_idx %arg10[%add3A_370, %or3A_511] masked %lt3A_373 : memref<40x128xf32, #tpu.memory_space<vmem>>[vector<16xi32>, vector<16xi32>], vector<16xf32>, vector<16xi1>
          %gather3A_514 = tpu.vector_load_idx %arg11[%add3A_370, %or3A_511] masked %lt3A_373 : memref<40x128xf32, #tpu.memory_space<vmem>>[vector<16xi32>, vector<16xi32>], vector<16xf32>, vector<16xi1>
          %mul3A_515 = arith.mulf %gather3A_512, %gather3A_513 : vector<16xf32>
          %mul3A_516 = arith.mulf %mul3A_515, %gather3A_514 : vector<16xf32>
          %add3A_517 = arith.addf %add3A_508, %mul3A_516 : vector<16xf32>
          %add3A_518 = arith.addi %and3A_510, %broadcast_in_dim3A_5 : vector<16xi32>
          %and3A_519 = arith.andi %add3A_518, %broadcast_in_dim3A_7 : vector<16xi32>
          %or3A_520 = arith.ori %scan3A_385, %and3A_519 : vector<16xi32>
          %gather3A_521 = tpu.vector_load_idx %arg9[%add3A_370, %or3A_520] masked %lt3A_373 : memref<40x256xf32, #tpu.memory_space<vmem>>[vector<16xi32>, vector<16xi32>], vector<16xf32>, vector<16xi1>
          %gather3A_522 = tpu.vector_load_idx %arg10[%add3A_370, %or3A_520] masked %lt3A_373 : memref<40x128xf32, #tpu.memory_space<vmem>>[vector<16xi32>, vector<16xi32>], vector<16xf32>, vector<16xi1>
          %gather3A_523 = tpu.vector_load_idx %arg11[%add3A_370, %or3A_520] masked %lt3A_373 : memref<40x128xf32, #tpu.memory_space<vmem>>[vector<16xi32>, vector<16xi32>], vector<16xf32>, vector<16xi1>
          %mul3A_524 = arith.mulf %gather3A_521, %gather3A_522 : vector<16xf32>
          %mul3A_525 = arith.mulf %mul3A_524, %gather3A_523 : vector<16xf32>
          %add3A_526 = arith.addf %add3A_517, %mul3A_525 : vector<16xf32>
          %jit3A = arith.constant -5.000000e+00 : f32
          %jit3A_527 = arith.constant 5.000000e+00 : f32
          %max3A = vector.broadcast %jit3A : f32 to vector<16xf32>
          %max3A_528 = arith.maximumf %max3A, %add3A_526 : vector<16xf32>
          %min3A = vector.broadcast %jit3A_527 : f32 to vector<16xf32>
          %min3A_529 = arith.minimumf %min3A, %max3A_528 : vector<16xf32>
          %exp3A = math.exp %min3A_529 : vector<16xf32>
          tpu.vector_store_idx %arg12[%add3A_370, %scan3A_386], %exp3A masked %lt3A_373 : memref<40x8xf32, #tpu.memory_space<vmem>>[vector<16xi32>, vector<16xi32>], vector<16xf32>, vector<16xi1>
          %or3A_530 = arith.ori %scan3A_385, %iota3A : vector<16xi32>
          %add3A_531 = arith.addi %or3A_530, %broadcast_in_dim3A_9 : vector<16xi32>
          %gather3A_532 = tpu.vector_load_idx %arg9[%add3A_370, %add3A_531] masked %lt3A_373 : memref<40x256xf32, #tpu.memory_space<vmem>>[vector<16xi32>, vector<16xi32>], vector<16xf32>, vector<16xi1>
          %mul3A_533 = arith.mulf %gather3A_532, %exp3A : vector<16xf32>
          tpu.vector_store_idx %arg11[%add3A_370, %or3A_530], %mul3A_533 masked %lt3A_373 : memref<40x128xf32, #tpu.memory_space<vmem>>[vector<16xi32>, vector<16xi32>], vector<16xf32>, vector<16xi1>
          %add3A_534 = arith.addi %iota3A, %broadcast_in_dim3A_5 : vector<16xi32>
          %and3A_535 = arith.andi %add3A_534, %broadcast_in_dim3A_7 : vector<16xi32>
          %or3A_536 = arith.ori %scan3A_385, %and3A_535 : vector<16xi32>
          %add3A_537 = arith.addi %or3A_536, %broadcast_in_dim3A_9 : vector<16xi32>
          %gather3A_538 = tpu.vector_load_idx %arg9[%add3A_370, %add3A_537] masked %lt3A_373 : memref<40x256xf32, #tpu.memory_space<vmem>>[vector<16xi32>, vector<16xi32>], vector<16xf32>, vector<16xi1>
          %mul3A_539 = arith.mulf %gather3A_538, %exp3A : vector<16xf32>
          tpu.vector_store_idx %arg11[%add3A_370, %or3A_536], %mul3A_539 masked %lt3A_373 : memref<40x128xf32, #tpu.memory_space<vmem>>[vector<16xi32>, vector<16xi32>], vector<16xf32>, vector<16xi1>
          %add3A_540 = arith.addi %and3A_535, %broadcast_in_dim3A_5 : vector<16xi32>
          %and3A_541 = arith.andi %add3A_540, %broadcast_in_dim3A_7 : vector<16xi32>
          %or3A_542 = arith.ori %scan3A_385, %and3A_541 : vector<16xi32>
          %add3A_543 = arith.addi %or3A_542, %broadcast_in_dim3A_9 : vector<16xi32>
          %gather3A_544 = tpu.vector_load_idx %arg9[%add3A_370, %add3A_543] masked %lt3A_373 : memref<40x256xf32, #tpu.memory_space<vmem>>[vector<16xi32>, vector<16xi32>], vector<16xf32>, vector<16xi1>
          %mul3A_545 = arith.mulf %gather3A_544, %exp3A : vector<16xf32>
          tpu.vector_store_idx %arg11[%add3A_370, %or3A_542], %mul3A_545 masked %lt3A_373 : memref<40x128xf32, #tpu.memory_space<vmem>>[vector<16xi32>, vector<16xi32>], vector<16xf32>, vector<16xi1>
          %add3A_546 = arith.addi %and3A_541, %broadcast_in_dim3A_5 : vector<16xi32>
          %and3A_547 = arith.andi %add3A_546, %broadcast_in_dim3A_7 : vector<16xi32>
          %or3A_548 = arith.ori %scan3A_385, %and3A_547 : vector<16xi32>
          %add3A_549 = arith.addi %or3A_548, %broadcast_in_dim3A_9 : vector<16xi32>
          %gather3A_550 = tpu.vector_load_idx %arg9[%add3A_370, %add3A_549] masked %lt3A_373 : memref<40x256xf32, #tpu.memory_space<vmem>>[vector<16xi32>, vector<16xi32>], vector<16xf32>, vector<16xi1>
          %mul3A_551 = arith.mulf %gather3A_550, %exp3A : vector<16xf32>
          tpu.vector_store_idx %arg11[%add3A_370, %or3A_548], %mul3A_551 masked %lt3A_373 : memref<40x128xf32, #tpu.memory_space<vmem>>[vector<16xi32>, vector<16xi32>], vector<16xf32>, vector<16xi1>
          %add3A_552 = arith.addi %and3A_547, %broadcast_in_dim3A_5 : vector<16xi32>
          %and3A_553 = arith.andi %add3A_552, %broadcast_in_dim3A_7 : vector<16xi32>
          %or3A_554 = arith.ori %scan3A_385, %and3A_553 : vector<16xi32>
          %add3A_555 = arith.addi %or3A_554, %broadcast_in_dim3A_9 : vector<16xi32>
          %gather3A_556 = tpu.vector_load_idx %arg9[%add3A_370, %add3A_555] masked %lt3A_373 : memref<40x256xf32, #tpu.memory_space<vmem>>[vector<16xi32>, vector<16xi32>], vector<16xf32>, vector<16xi1>
          %mul3A_557 = arith.mulf %gather3A_556, %exp3A : vector<16xf32>
          tpu.vector_store_idx %arg11[%add3A_370, %or3A_554], %mul3A_557 masked %lt3A_373 : memref<40x128xf32, #tpu.memory_space<vmem>>[vector<16xi32>, vector<16xi32>], vector<16xf32>, vector<16xi1>
          %add3A_558 = arith.addi %and3A_553, %broadcast_in_dim3A_5 : vector<16xi32>
          %and3A_559 = arith.andi %add3A_558, %broadcast_in_dim3A_7 : vector<16xi32>
          %or3A_560 = arith.ori %scan3A_385, %and3A_559 : vector<16xi32>
          %add3A_561 = arith.addi %or3A_560, %broadcast_in_dim3A_9 : vector<16xi32>
          %gather3A_562 = tpu.vector_load_idx %arg9[%add3A_370, %add3A_561] masked %lt3A_373 : memref<40x256xf32, #tpu.memory_space<vmem>>[vector<16xi32>, vector<16xi32>], vector<16xf32>, vector<16xi1>
          %mul3A_563 = arith.mulf %gather3A_562, %exp3A : vector<16xf32>
          tpu.vector_store_idx %arg11[%add3A_370, %or3A_560], %mul3A_563 masked %lt3A_373 : memref<40x128xf32, #tpu.memory_space<vmem>>[vector<16xi32>, vector<16xi32>], vector<16xf32>, vector<16xi1>
          %add3A_564 = arith.addi %and3A_559, %broadcast_in_dim3A_5 : vector<16xi32>
          %and3A_565 = arith.andi %add3A_564, %broadcast_in_dim3A_7 : vector<16xi32>
          %or3A_566 = arith.ori %scan3A_385, %and3A_565 : vector<16xi32>
          %add3A_567 = arith.addi %or3A_566, %broadcast_in_dim3A_9 : vector<16xi32>
          %gather3A_568 = tpu.vector_load_idx %arg9[%add3A_370, %add3A_567] masked %lt3A_373 : memref<40x256xf32, #tpu.memory_space<vmem>>[vector<16xi32>, vector<16xi32>], vector<16xf32>, vector<16xi1>
          %mul3A_569 = arith.mulf %gather3A_568, %exp3A : vector<16xf32>
          tpu.vector_store_idx %arg11[%add3A_370, %or3A_566], %mul3A_569 masked %lt3A_373 : memref<40x128xf32, #tpu.memory_space<vmem>>[vector<16xi32>, vector<16xi32>], vector<16xf32>, vector<16xi1>
          %add3A_570 = arith.addi %and3A_565, %broadcast_in_dim3A_5 : vector<16xi32>
          %and3A_571 = arith.andi %add3A_570, %broadcast_in_dim3A_7 : vector<16xi32>
          %or3A_572 = arith.ori %scan3A_385, %and3A_571 : vector<16xi32>
          %add3A_573 = arith.addi %or3A_572, %broadcast_in_dim3A_9 : vector<16xi32>
          %gather3A_574 = tpu.vector_load_idx %arg9[%add3A_370, %add3A_573] masked %lt3A_373 : memref<40x256xf32, #tpu.memory_space<vmem>>[vector<16xi32>, vector<16xi32>], vector<16xf32>, vector<16xi1>
          %mul3A_575 = arith.mulf %gather3A_574, %exp3A : vector<16xf32>
          tpu.vector_store_idx %arg11[%add3A_370, %or3A_572], %mul3A_575 masked %lt3A_373 : memref<40x128xf32, #tpu.memory_space<vmem>>[vector<16xi32>, vector<16xi32>], vector<16xf32>, vector<16xi1>
          %add3A_576 = arith.addi %and3A_571, %broadcast_in_dim3A_5 : vector<16xi32>
          %and3A_577 = arith.andi %add3A_576, %broadcast_in_dim3A_7 : vector<16xi32>
          %or3A_578 = arith.ori %scan3A_385, %and3A_577 : vector<16xi32>
          %add3A_579 = arith.addi %or3A_578, %broadcast_in_dim3A_9 : vector<16xi32>
          %gather3A_580 = tpu.vector_load_idx %arg9[%add3A_370, %add3A_579] masked %lt3A_373 : memref<40x256xf32, #tpu.memory_space<vmem>>[vector<16xi32>, vector<16xi32>], vector<16xf32>, vector<16xi1>
          %mul3A_581 = arith.mulf %gather3A_580, %exp3A : vector<16xf32>
          tpu.vector_store_idx %arg11[%add3A_370, %or3A_578], %mul3A_581 masked %lt3A_373 : memref<40x128xf32, #tpu.memory_space<vmem>>[vector<16xi32>, vector<16xi32>], vector<16xf32>, vector<16xi1>
          %add3A_582 = arith.addi %and3A_577, %broadcast_in_dim3A_5 : vector<16xi32>
          %and3A_583 = arith.andi %add3A_582, %broadcast_in_dim3A_7 : vector<16xi32>
          %or3A_584 = arith.ori %scan3A_385, %and3A_583 : vector<16xi32>
          %add3A_585 = arith.addi %or3A_584, %broadcast_in_dim3A_9 : vector<16xi32>
          %gather3A_586 = tpu.vector_load_idx %arg9[%add3A_370, %add3A_585] masked %lt3A_373 : memref<40x256xf32, #tpu.memory_space<vmem>>[vector<16xi32>, vector<16xi32>], vector<16xf32>, vector<16xi1>
          %mul3A_587 = arith.mulf %gather3A_586, %exp3A : vector<16xf32>
          tpu.vector_store_idx %arg11[%add3A_370, %or3A_584], %mul3A_587 masked %lt3A_373 : memref<40x128xf32, #tpu.memory_space<vmem>>[vector<16xi32>, vector<16xi32>], vector<16xf32>, vector<16xi1>
          %add3A_588 = arith.addi %and3A_583, %broadcast_in_dim3A_5 : vector<16xi32>
          %and3A_589 = arith.andi %add3A_588, %broadcast_in_dim3A_7 : vector<16xi32>
          %or3A_590 = arith.ori %scan3A_385, %and3A_589 : vector<16xi32>
          %add3A_591 = arith.addi %or3A_590, %broadcast_in_dim3A_9 : vector<16xi32>
          %gather3A_592 = tpu.vector_load_idx %arg9[%add3A_370, %add3A_591] masked %lt3A_373 : memref<40x256xf32, #tpu.memory_space<vmem>>[vector<16xi32>, vector<16xi32>], vector<16xf32>, vector<16xi1>
          %mul3A_593 = arith.mulf %gather3A_592, %exp3A : vector<16xf32>
          tpu.vector_store_idx %arg11[%add3A_370, %or3A_590], %mul3A_593 masked %lt3A_373 : memref<40x128xf32, #tpu.memory_space<vmem>>[vector<16xi32>, vector<16xi32>], vector<16xf32>, vector<16xi1>
          %add3A_594 = arith.addi %and3A_589, %broadcast_in_dim3A_5 : vector<16xi32>
          %and3A_595 = arith.andi %add3A_594, %broadcast_in_dim3A_7 : vector<16xi32>
          %or3A_596 = arith.ori %scan3A_385, %and3A_595 : vector<16xi32>
          %add3A_597 = arith.addi %or3A_596, %broadcast_in_dim3A_9 : vector<16xi32>
          %gather3A_598 = tpu.vector_load_idx %arg9[%add3A_370, %add3A_597] masked %lt3A_373 : memref<40x256xf32, #tpu.memory_space<vmem>>[vector<16xi32>, vector<16xi32>], vector<16xf32>, vector<16xi1>
          %mul3A_599 = arith.mulf %gather3A_598, %exp3A : vector<16xf32>
          tpu.vector_store_idx %arg11[%add3A_370, %or3A_596], %mul3A_599 masked %lt3A_373 : memref<40x128xf32, #tpu.memory_space<vmem>>[vector<16xi32>, vector<16xi32>], vector<16xf32>, vector<16xi1>
          %add3A_600 = arith.addi %and3A_595, %broadcast_in_dim3A_5 : vector<16xi32>
          %and3A_601 = arith.andi %add3A_600, %broadcast_in_dim3A_7 : vector<16xi32>
          %or3A_602 = arith.ori %scan3A_385, %and3A_601 : vector<16xi32>
          %add3A_603 = arith.addi %or3A_602, %broadcast_in_dim3A_9 : vector<16xi32>
          %gather3A_604 = tpu.vector_load_idx %arg9[%add3A_370, %add3A_603] masked %lt3A_373 : memref<40x256xf32, #tpu.memory_space<vmem>>[vector<16xi32>, vector<16xi32>], vector<16xf32>, vector<16xi1>
          %mul3A_605 = arith.mulf %gather3A_604, %exp3A : vector<16xf32>
          tpu.vector_store_idx %arg11[%add3A_370, %or3A_602], %mul3A_605 masked %lt3A_373 : memref<40x128xf32, #tpu.memory_space<vmem>>[vector<16xi32>, vector<16xi32>], vector<16xf32>, vector<16xi1>
          %add3A_606 = arith.addi %and3A_601, %broadcast_in_dim3A_5 : vector<16xi32>
          %and3A_607 = arith.andi %add3A_606, %broadcast_in_dim3A_7 : vector<16xi32>
          %or3A_608 = arith.ori %scan3A_385, %and3A_607 : vector<16xi32>
          %add3A_609 = arith.addi %or3A_608, %broadcast_in_dim3A_9 : vector<16xi32>
          %gather3A_610 = tpu.vector_load_idx %arg9[%add3A_370, %add3A_609] masked %lt3A_373 : memref<40x256xf32, #tpu.memory_space<vmem>>[vector<16xi32>, vector<16xi32>], vector<16xf32>, vector<16xi1>
          %mul3A_611 = arith.mulf %gather3A_610, %exp3A : vector<16xf32>
          tpu.vector_store_idx %arg11[%add3A_370, %or3A_608], %mul3A_611 masked %lt3A_373 : memref<40x128xf32, #tpu.memory_space<vmem>>[vector<16xi32>, vector<16xi32>], vector<16xf32>, vector<16xi1>
          %add3A_612 = arith.addi %and3A_607, %broadcast_in_dim3A_5 : vector<16xi32>
          %and3A_613 = arith.andi %add3A_612, %broadcast_in_dim3A_7 : vector<16xi32>
          %or3A_614 = arith.ori %scan3A_385, %and3A_613 : vector<16xi32>
          %add3A_615 = arith.addi %or3A_614, %broadcast_in_dim3A_9 : vector<16xi32>
          %gather3A_616 = tpu.vector_load_idx %arg9[%add3A_370, %add3A_615] masked %lt3A_373 : memref<40x256xf32, #tpu.memory_space<vmem>>[vector<16xi32>, vector<16xi32>], vector<16xf32>, vector<16xi1>
          %mul3A_617 = arith.mulf %gather3A_616, %exp3A : vector<16xf32>
          tpu.vector_store_idx %arg11[%add3A_370, %or3A_614], %mul3A_617 masked %lt3A_373 : memref<40x128xf32, #tpu.memory_space<vmem>>[vector<16xi32>, vector<16xi32>], vector<16xf32>, vector<16xi1>
          %add3A_618 = arith.addi %and3A_613, %broadcast_in_dim3A_5 : vector<16xi32>
          %and3A_619 = arith.andi %add3A_618, %broadcast_in_dim3A_7 : vector<16xi32>
          %or3A_620 = arith.ori %scan3A_385, %and3A_619 : vector<16xi32>
          %add3A_621 = arith.addi %or3A_620, %broadcast_in_dim3A_9 : vector<16xi32>
          %gather3A_622 = tpu.vector_load_idx %arg9[%add3A_370, %add3A_621] masked %lt3A_373 : memref<40x256xf32, #tpu.memory_space<vmem>>[vector<16xi32>, vector<16xi32>], vector<16xf32>, vector<16xi1>
          %mul3A_623 = arith.mulf %gather3A_622, %exp3A : vector<16xf32>
          tpu.vector_store_idx %arg11[%add3A_370, %or3A_620], %mul3A_623 masked %lt3A_373 : memref<40x128xf32, #tpu.memory_space<vmem>>[vector<16xi32>, vector<16xi32>], vector<16xf32>, vector<16xi1>
          %add3A_624 = arith.constant 16 : i32
          %add3A_625 = vector.broadcast %add3A_624 : i32 to vector<16xi32>
          %add3A_626 = arith.addi %scan3A_385, %add3A_625 : vector<16xi32>
          %add3A_627 = arith.addi %scan3A_386, %broadcast_in_dim3A_5 : vector<16xi32>
          scf.yield %add3A_626, %add3A_627 : vector<16xi32>, vector<16xi32>
        }
        %scan3A_383 = arith.constant 8 : i32
      }
      %scan3A_288 = arith.constant 3 : i32
      %dma_start3A_289 = arith.constant 0 : i32
      %dma_start3A_290 = arith.constant 0 : i32
      %dma_start3A_291 = tpu.memref_slice %arg20[%dma_start3A_289, %dma_start3A_290] : memref<10000x128xf32, #tpu.memory_space<vmem_shared>> -> memref<10000x128xf32, #tpu.memory_space<vmem_shared>>
      tpu.enqueue_indirect_dma source(%arg11 : memref<40x128xf32, #tpu.memory_space<vmem>>) target(%dma_start3A_291 : memref<10000x128xf32, #tpu.memory_space<vmem_shared>>) offsets(%arg13 : memref<40xi32, #tpu.memory_space<vmem>>) semaphore(%arg25 : memref<!tpu.dma_semaphore, #tpu.memory_space<semaphore_mem>>) {add = true}
      %dma_start3A_292 = arith.constant 0 : i32
      %dma_start3A_293 = arith.constant 0 : i32
      %dma_start3A_294 = tpu.memref_slice %arg21[%dma_start3A_292, %dma_start3A_293] : memref<10000x8xf32, #tpu.memory_space<vmem_shared>> -> memref<10000x8xf32, #tpu.memory_space<vmem_shared>>
      tpu.enqueue_indirect_dma source(%arg12 : memref<40x8xf32, #tpu.memory_space<vmem>>) target(%dma_start3A_294 : memref<10000x8xf32, #tpu.memory_space<vmem_shared>>) offsets(%arg13 : memref<40xi32, #tpu.memory_space<vmem>>) semaphore(%arg25 : memref<!tpu.dma_semaphore, #tpu.memory_space<semaphore_mem>>) {add = true}
      %dma_wait3A_295 = arith.constant 0 : i32
      %dma_wait3A_296 = arith.constant 0 : i32
      %dma_wait3A_297 = tpu.memref_slice %arg20[%dma_wait3A_295, %dma_wait3A_296] : memref<10000x128xf32, #tpu.memory_space<vmem_shared>> -> memref<10000x128xf32, #tpu.memory_space<vmem_shared>>
      tpu.wait_indirect_dma semaphore(%arg25 : memref<!tpu.dma_semaphore, #tpu.memory_space<semaphore_mem>>) src(%arg11 : memref<40x128xf32, #tpu.memory_space<vmem>>) dst(%dma_wait3A_297 : memref<10000x128xf32, #tpu.memory_space<vmem_shared>>)
      %dma_wait3A_298 = arith.constant 0 : i32
      %dma_wait3A_299 = arith.constant 0 : i32
      %dma_wait3A_300 = tpu.memref_slice %arg21[%dma_wait3A_298, %dma_wait3A_299] : memref<10000x8xf32, #tpu.memory_space<vmem_shared>> -> memref<10000x8xf32, #tpu.memory_space<vmem_shared>>
      tpu.wait_indirect_dma semaphore(%arg25 : memref<!tpu.dma_semaphore, #tpu.memory_space<semaphore_mem>>) src(%arg12 : memref<40x8xf32, #tpu.memory_space<vmem>>) dst(%dma_wait3A_300 : memref<10000x8xf32, #tpu.memory_space<vmem_shared>>)
      %convert_element_type3A_301 = arith.extui %lt3A_243 : i1 to i32
      %cond3A_302 = arith.constant 0 : i32
      %cond3A_303 = arith.cmpi ne, %convert_element_type3A_301, %cond3A_302 : i32
      scf.if %cond3A_303 {
        %dma_wait3A_366 = arith.constant 0 : i32
        %dma_wait3A_367 = arith.constant 0 : i32
        %dma_wait3A_368 = tpu.memref_slice %arg5[%add3A_240, %dma_wait3A_366, %dma_wait3A_367] : memref<8000x2x40xi32, #tpu.memory_space<hbm>> -> memref<1x2x40xi32, #tpu.memory_space<hbm>>
        %dma_wait3A_369 = tpu.memref_squeeze %dma_wait3A_368 : memref<1x2x40xi32, #tpu.memory_space<hbm>> -> memref<2x40xi32, #tpu.memory_space<hbm>>
        %dma_wait3A_370 = arith.constant 0 : i32
        %dma_wait3A_371 = arith.constant 0 : i32
        %dma_wait3A_372 = tpu.memref_slice %arg5[%add3A_240, %dma_wait3A_370, %dma_wait3A_371] : memref<8000x2x40xi32, #tpu.memory_space<hbm>> -> memref<1x2x40xi32, #tpu.memory_space<hbm>>
        %dma_wait3A_373 = tpu.memref_squeeze %dma_wait3A_372 : memref<1x2x40xi32, #tpu.memory_space<hbm>> -> memref<2x40xi32, #tpu.memory_space<hbm>>
        tpu.wait_dma2 semaphore(%arg22 : memref<!tpu.dma_semaphore, #tpu.memory_space<semaphore_mem>>) src(%dma_wait3A_373 : memref<2x40xi32, #tpu.memory_space<hbm>>) dst(%arg8 : memref<2x40xi32, #tpu.memory_space<vmem>>)
        %dma_start3A_374 = arith.constant 0 : i32
        %dma_start3A_375 = arith.constant 0 : i32
        %dma_start3A_376 = tpu.memref_slice %arg8[%dma_start3A_374, %dma_start3A_375] : memref<2x40xi32, #tpu.memory_space<vmem>> -> memref<1x40xi32, #tpu.memory_space<vmem>>
        %dma_start3A_377 = tpu.memref_squeeze %dma_start3A_376 : memref<1x40xi32, #tpu.memory_space<vmem>> -> memref<40xi32, #tpu.memory_space<vmem>>
        %dma_start3A_378 = arith.constant 0 : i32
        %dma_start3A_379 = arith.constant 0 : i32
        %dma_start3A_380 = tpu.memref_slice %arg2[%dma_start3A_378, %dma_start3A_379] : memref<10000x256xf32, #tpu.memory_space<hbm>> -> memref<10000x256xf32, #tpu.memory_space<hbm>>
        tpu.enqueue_indirect_dma source(%dma_start3A_380 : memref<10000x256xf32, #tpu.memory_space<hbm>>) target(%arg9 : memref<40x256xf32, #tpu.memory_space<vmem>>) offsets(%dma_start3A_377 : memref<40xi32, #tpu.memory_space<vmem>>) semaphore(%arg23 : memref<!tpu.dma_semaphore, #tpu.memory_space<semaphore_mem>>)
        %dma_start3A_381 = arith.constant 1 : i32
        %dma_start3A_382 = arith.constant 0 : i32
        %dma_start3A_383 = tpu.memref_slice %arg8[%dma_start3A_381, %dma_start3A_382] : memref<2x40xi32, #tpu.memory_space<vmem>> -> memref<1x40xi32, #tpu.memory_space<vmem>>
        %dma_start3A_384 = tpu.memref_squeeze %dma_start3A_383 : memref<1x40xi32, #tpu.memory_space<vmem>> -> memref<40xi32, #tpu.memory_space<vmem>>
        %dma_start3A_385 = arith.constant 0 : i32
        %dma_start3A_386 = arith.constant 0 : i32
        %dma_start3A_387 = tpu.memref_slice %arg3[%dma_start3A_385, %dma_start3A_386] : memref<10000x128xf32, #tpu.memory_space<hbm>> -> memref<10000x128xf32, #tpu.memory_space<hbm>>
        tpu.enqueue_indirect_dma source(%dma_start3A_387 : memref<10000x128xf32, #tpu.memory_space<hbm>>) target(%arg10 : memref<40x128xf32, #tpu.memory_space<vmem>>) offsets(%dma_start3A_384 : memref<40xi32, #tpu.memory_space<vmem>>) semaphore(%arg23 : memref<!tpu.dma_semaphore, #tpu.memory_space<semaphore_mem>>)
        %mul3A_388 = arith.constant 40 : i32
        %mul3A_389 = arith.muli %add3A_240, %mul3A_388 : i32
        %dma_start3A_390 = arith.constant 0 : i32
        %dma_start3A_391 = tpu.memref_slice %arg4[%mul3A_389, %dma_start3A_390] : memref<320000x128xf32, #tpu.memory_space<hbm>> -> memref<40x128xf32, #tpu.memory_space<hbm>>
        %dma_start3A_392 = arith.constant 0 : i32
        %dma_start3A_393 = tpu.memref_slice %arg4[%mul3A_389, %dma_start3A_392] : memref<320000x128xf32, #tpu.memory_space<hbm>> -> memref<40x128xf32, #tpu.memory_space<hbm>>
        tpu.enqueue_dma source(%dma_start3A_393 : memref<40x128xf32, #tpu.memory_space<hbm>>) target(%arg11 : memref<40x128xf32, #tpu.memory_space<vmem>>) target_semaphore(%arg23 : memref<!tpu.dma_semaphore, #tpu.memory_space<semaphore_mem>>)
      } else {
      }
      %get3A_304 = arith.constant 1 : i32
      %get3A_305 = arith.index_cast %get3A_304 : i32 to index
      %get3A_306 = arith.constant 0 : index
      %get3A_307 = tpu.vector_load %arg14[%get3A_305, %get3A_306] {strides = array<i32>} : memref<2x40xi32, #tpu.memory_space<vmem>>, vector<16xi32>,
      %swap3A_308 = arith.constant 0 : index
      %swap3A_309 = tpu.vector_load %arg19[%swap3A_308] {strides = array<i32>} : memref<40xi32, #tpu.memory_space<vmem>>, vector<16xi32>,
      tpu.vector_store %arg19[%swap3A_308], %get3A_307 {strides = array<i32>} : memref<40xi32, #tpu.memory_space<vmem>>, vector<16xi32>,
      %get3A_310 = arith.constant 1 : i32
      %get3A_311 = arith.index_cast %get3A_310 : i32 to index
      %get3A_312 = arith.constant 16 : index
      %get3A_313 = tpu.vector_load %arg14[%get3A_311, %get3A_312] {strides = array<i32>} : memref<2x40xi32, #tpu.memory_space<vmem>>, vector<16xi32>,
      %swap3A_314 = arith.constant 16 : index
      %swap3A_315 = tpu.vector_load %arg19[%swap3A_314] {strides = array<i32>} : memref<40xi32, #tpu.memory_space<vmem>>, vector<16xi32>,
      tpu.vector_store %arg19[%swap3A_314], %get3A_313 {strides = array<i32>} : memref<40xi32, #tpu.memory_space<vmem>>, vector<16xi32>,
      %get3A_316 = arith.constant 1 : i32
      %get3A_317 = arith.index_cast %get3A_316 : i32 to index
      %get3A_318 = arith.constant 24 : index
      %get3A_319 = tpu.vector_load %arg14[%get3A_317, %get3A_318] {strides = array<i32>} : memref<2x40xi32, #tpu.memory_space<vmem>>, vector<16xi32>,
      %swap3A_320 = arith.constant 24 : index
      %swap3A_321 = tpu.vector_load %arg19[%swap3A_320] {strides = array<i32>} : memref<40xi32, #tpu.memory_space<vmem>>, vector<16xi32>,
      tpu.vector_store %arg19[%swap3A_320], %get3A_319 {strides = array<i32>} : memref<40xi32, #tpu.memory_space<vmem>>, vector<16xi32>,
      %dma_wait3A_322 = arith.constant 0 : i32
      %dma_wait3A_323 = arith.constant 0 : i32
      %dma_wait3A_324 = tpu.memref_slice %arg14[%dma_wait3A_322, %dma_wait3A_323] : memref<2x40xi32, #tpu.memory_space<vmem>> -> memref<1x40xi32, #tpu.memory_space<vmem>>
      %dma_wait3A_325 = tpu.memref_squeeze %dma_wait3A_324 : memref<1x40xi32, #tpu.memory_space<vmem>> -> memref<40xi32, #tpu.memory_space<vmem>>
      %dma_wait3A_326 = arith.constant 0 : i32
      %dma_wait3A_327 = arith.constant 0 : i32
      %dma_wait3A_328 = tpu.memref_slice %arg2[%dma_wait3A_326, %dma_wait3A_327] : memref<10000x256xf32, #tpu.memory_space<hbm>> -> memref<10000x256xf32, #tpu.memory_space<hbm>>
      tpu.wait_indirect_dma semaphore(%arg24 : memref<!tpu.dma_semaphore, #tpu.memory_space<semaphore_mem>>) src(%dma_wait3A_328 : memref<10000x256xf32, #tpu.memory_space<hbm>>) dst(%arg15 : memref<40x256xf32, #tpu.memory_space<vmem>>)
      %dma_wait3A_329 = arith.constant 1 : i32
      %dma_wait3A_330 = arith.constant 0 : i32
      %dma_wait3A_331 = tpu.memref_slice %arg14[%dma_wait3A_329, %dma_wait3A_330] : memref<2x40xi32, #tpu.memory_space<vmem>> -> memref<1x40xi32, #tpu.memory_space<vmem>>
      %dma_wait3A_332 = tpu.memref_squeeze %dma_wait3A_331 : memref<1x40xi32, #tpu.memory_space<vmem>> -> memref<40xi32, #tpu.memory_space<vmem>>
      %dma_wait3A_333 = arith.constant 0 : i32
      %dma_wait3A_334 = arith.constant 0 : i32
      %dma_wait3A_335 = tpu.memref_slice %arg3[%dma_wait3A_333, %dma_wait3A_334] : memref<10000x128xf32, #tpu.memory_space<hbm>> -> memref<10000x128xf32, #tpu.memory_space<hbm>>
      tpu.wait_indirect_dma semaphore(%arg24 : memref<!tpu.dma_semaphore, #tpu.memory_space<semaphore_mem>>) src(%dma_wait3A_335 : memref<10000x128xf32, #tpu.memory_space<hbm>>) dst(%arg16 : memref<40x128xf32, #tpu.memory_space<vmem>>)
      %mul3A_336 = arith.constant 40 : i32
      %mul3A_337 = arith.muli %add3A_238, %mul3A_336 : i32
      %dma_wait3A_338 = arith.constant 0 : i32
      %dma_wait3A_339 = tpu.memref_slice %arg4[%mul3A_337, %dma_wait3A_338] : memref<320000x128xf32, #tpu.memory_space<hbm>> -> memref<40x128xf32, #tpu.memory_space<hbm>>
      %dma_wait3A_340 = arith.constant 0 : i32
      %dma_wait3A_341 = tpu.memref_slice %arg4[%mul3A_337, %dma_wait3A_340] : memref<320000x128xf32, #tpu.memory_space<hbm>> -> memref<40x128xf32, #tpu.memory_space<hbm>>
      tpu.wait_dma2 semaphore(%arg24 : memref<!tpu.dma_semaphore, #tpu.memory_space<semaphore_mem>>) src(%dma_wait3A_341 : memref<40x128xf32, #tpu.memory_space<hbm>>) dst(%arg17 : memref<40x128xf32, #tpu.memory_space<vmem>>)
      %convert_element_type3A_342 = arith.extui %lt3A_243 : i1 to i32
      %cond3A_343 = arith.constant 0 : i32
      %cond3A_344 = arith.cmpi ne, %convert_element_type3A_342, %cond3A_343 : i32
      scf.if %cond3A_344 {
        %dma_start3A_366 = arith.constant 0 : i32
        %dma_start3A_367 = arith.constant 0 : i32
        %dma_start3A_368 = tpu.memref_slice %arg5[%add3A_242, %dma_start3A_366, %dma_start3A_367] : memref<8000x2x40xi32, #tpu.memory_space<hbm>> -> memref<1x2x40xi32, #tpu.memory_space<hbm>>
        %dma_start3A_369 = tpu.memref_squeeze %dma_start3A_368 : memref<1x2x40xi32, #tpu.memory_space<hbm>> -> memref<2x40xi32, #tpu.memory_space<hbm>>
        %dma_start3A_370 = arith.constant 0 : i32
        %dma_start3A_371 = arith.constant 0 : i32
        %dma_start3A_372 = tpu.memref_slice %arg5[%add3A_242, %dma_start3A_370, %dma_start3A_371] : memref<8000x2x40xi32, #tpu.memory_space<hbm>> -> memref<1x2x40xi32, #tpu.memory_space<hbm>>
        %dma_start3A_373 = tpu.memref_squeeze %dma_start3A_372 : memref<1x2x40xi32, #tpu.memory_space<hbm>> -> memref<2x40xi32, #tpu.memory_space<hbm>>
        tpu.enqueue_dma source(%dma_start3A_373 : memref<2x40xi32, #tpu.memory_space<hbm>>) target(%arg14 : memref<2x40xi32, #tpu.memory_space<vmem>>) target_semaphore(%arg22 : memref<!tpu.dma_semaphore, #tpu.memory_space<semaphore_mem>>)
      } else {
      }
      %scan3A_345 = arith.constant 0 : i32
      %scan3A_346 = arith.constant 0 : i32
      %scan3A_347 = arith.constant 3 : i32
      %scan3A_348 = arith.addi %scan3A_346, %scan3A_347 : i32
      %scan3A_349 = arith.constant 1 : i32
      scf.for %scan3A_366 = %scan3A_346 to %scan3A_348 step %scan3A_349  : i32 {
        %mul3A_367 = arith.constant 16 : i32
        %mul3A_368 = arith.muli %scan3A_366, %mul3A_367 : i32
        %add3A_369 = vector.broadcast %mul3A_368 : i32 to vector<16xi32>
        %add3A_370 = arith.addi %iota3A, %add3A_369 : vector<16xi32>
        %lt3A_371 = arith.constant 40 : i32
        %lt3A_372 = vector.broadcast %lt3A_371 : i32 to vector<16xi32>
        %lt3A_373 = arith.cmpi slt, %add3A_370, %lt3A_372 : vector<16xi32>
        %broadcast_in_dim3A_374 = arith.constant 0 : i32
        %broadcast_in_dim3A_375 = vector.broadcast %broadcast_in_dim3A_374 : i32 to vector<16xi32>
        %broadcast_in_dim3A_376 = arith.constant 0 : i32
        %broadcast_in_dim3A_377 = vector.broadcast %broadcast_in_dim3A_376 : i32 to vector<16xi32>
        %scan3A_378 = arith.constant 0 : i32
        %scan3A_379 = arith.constant 8 : i32
        %scan3A_380 = arith.addi %scan3A_378, %scan3A_379 : i32
        %scan3A_381 = arith.constant 1 : i32
        %scan3A_382:2 = scf.for %scan3A_384 = %scan3A_378 to %scan3A_380 step %scan3A_381 iter_args(%scan3A_385 = %broadcast_in_dim3A_375, %scan3A_386 = %broadcast_in_dim3A_377) -> (vector<16xi32>, vector<16xi32>)  : i32 {
          %or3A = arith.ori %scan3A_385, %iota3A : vector<16xi32>
          %gather3A = tpu.vector_load_idx %arg15[%add3A_370, %or3A] masked %lt3A_373 : memref<40x256xf32, #tpu.memory_space<vmem>>[vector<16xi32>, vector<16xi32>], vector<16xf32>, vector<16xi1>
          %gather3A_387 = tpu.vector_load_idx %arg16[%add3A_370, %or3A] masked %lt3A_373 : memref<40x128xf32, #tpu.memory_space<vmem>>[vector<16xi32>, vector<16xi32>], vector<16xf32>, vector<16xi1>
          %gather3A_388 = tpu.vector_load_idx %arg17[%add3A_370, %or3A] masked %lt3A_373 : memref<40x128xf32, #tpu.memory_space<vmem>>[vector<16xi32>, vector<16xi32>], vector<16xf32>, vector<16xi1>
          %mul3A_389 = arith.mulf %gather3A, %gather3A_387 : vector<16xf32>
          %mul3A_390 = arith.mulf %mul3A_389, %gather3A_388 : vector<16xf32>
          %add3A_391 = arith.addf %broadcast_in_dim3A_3, %mul3A_390 : vector<16xf32>
          %add3A_392 = arith.addi %iota3A, %broadcast_in_dim3A_5 : vector<16xi32>
          %and3A_393 = arith.andi %add3A_392, %broadcast_in_dim3A_7 : vector<16xi32>
          %or3A_394 = arith.ori %scan3A_385, %and3A_393 : vector<16xi32>
          %gather3A_395 = tpu.vector_load_idx %arg15[%add3A_370, %or3A_394] masked %lt3A_373 : memref<40x256xf32, #tpu.memory_space<vmem>>[vector<16xi32>, vector<16xi32>], vector<16xf32>, vector<16xi1>
          %gather3A_396 = tpu.vector_load_idx %arg16[%add3A_370, %or3A_394] masked %lt3A_373 : memref<40x128xf32, #tpu.memory_space<vmem>>[vector<16xi32>, vector<16xi32>], vector<16xf32>, vector<16xi1>
          %gather3A_397 = tpu.vector_load_idx %arg17[%add3A_370, %or3A_394] masked %lt3A_373 : memref<40x128xf32, #tpu.memory_space<vmem>>[vector<16xi32>, vector<16xi32>], vector<16xf32>, vector<16xi1>
          %mul3A_398 = arith.mulf %gather3A_395, %gather3A_396 : vector<16xf32>
          %mul3A_399 = arith.mulf %mul3A_398, %gather3A_397 : vector<16xf32>
          %add3A_400 = arith.addf %add3A_391, %mul3A_399 : vector<16xf32>
          %add3A_401 = arith.addi %and3A_393, %broadcast_in_dim3A_5 : vector<16xi32>
          %and3A_402 = arith.andi %add3A_401, %broadcast_in_dim3A_7 : vector<16xi32>
          %or3A_403 = arith.ori %scan3A_385, %and3A_402 : vector<16xi32>
          %gather3A_404 = tpu.vector_load_idx %arg15[%add3A_370, %or3A_403] masked %lt3A_373 : memref<40x256xf32, #tpu.memory_space<vmem>>[vector<16xi32>, vector<16xi32>], vector<16xf32>, vector<16xi1>
          %gather3A_405 = tpu.vector_load_idx %arg16[%add3A_370, %or3A_403] masked %lt3A_373 : memref<40x128xf32, #tpu.memory_space<vmem>>[vector<16xi32>, vector<16xi32>], vector<16xf32>, vector<16xi1>
          %gather3A_406 = tpu.vector_load_idx %arg17[%add3A_370, %or3A_403] masked %lt3A_373 : memref<40x128xf32, #tpu.memory_space<vmem>>[vector<16xi32>, vector<16xi32>], vector<16xf32>, vector<16xi1>
          %mul3A_407 = arith.mulf %gather3A_404, %gather3A_405 : vector<16xf32>
          %mul3A_408 = arith.mulf %mul3A_407, %gather3A_406 : vector<16xf32>
          %add3A_409 = arith.addf %add3A_400, %mul3A_408 : vector<16xf32>
          %add3A_410 = arith.addi %and3A_402, %broadcast_in_dim3A_5 : vector<16xi32>
          %and3A_411 = arith.andi %add3A_410, %broadcast_in_dim3A_7 : vector<16xi32>
          %or3A_412 = arith.ori %scan3A_385, %and3A_411 : vector<16xi32>
          %gather3A_413 = tpu.vector_load_idx %arg15[%add3A_370, %or3A_412] masked %lt3A_373 : memref<40x256xf32, #tpu.memory_space<vmem>>[vector<16xi32>, vector<16xi32>], vector<16xf32>, vector<16xi1>
          %gather3A_414 = tpu.vector_load_idx %arg16[%add3A_370, %or3A_412] masked %lt3A_373 : memref<40x128xf32, #tpu.memory_space<vmem>>[vector<16xi32>, vector<16xi32>], vector<16xf32>, vector<16xi1>
          %gather3A_415 = tpu.vector_load_idx %arg17[%add3A_370, %or3A_412] masked %lt3A_373 : memref<40x128xf32, #tpu.memory_space<vmem>>[vector<16xi32>, vector<16xi32>], vector<16xf32>, vector<16xi1>
          %mul3A_416 = arith.mulf %gather3A_413, %gather3A_414 : vector<16xf32>
          %mul3A_417 = arith.mulf %mul3A_416, %gather3A_415 : vector<16xf32>
          %add3A_418 = arith.addf %add3A_409, %mul3A_417 : vector<16xf32>
          %add3A_419 = arith.addi %and3A_411, %broadcast_in_dim3A_5 : vector<16xi32>
          %and3A_420 = arith.andi %add3A_419, %broadcast_in_dim3A_7 : vector<16xi32>
          %or3A_421 = arith.ori %scan3A_385, %and3A_420 : vector<16xi32>
          %gather3A_422 = tpu.vector_load_idx %arg15[%add3A_370, %or3A_421] masked %lt3A_373 : memref<40x256xf32, #tpu.memory_space<vmem>>[vector<16xi32>, vector<16xi32>], vector<16xf32>, vector<16xi1>
          %gather3A_423 = tpu.vector_load_idx %arg16[%add3A_370, %or3A_421] masked %lt3A_373 : memref<40x128xf32, #tpu.memory_space<vmem>>[vector<16xi32>, vector<16xi32>], vector<16xf32>, vector<16xi1>
          %gather3A_424 = tpu.vector_load_idx %arg17[%add3A_370, %or3A_421] masked %lt3A_373 : memref<40x128xf32, #tpu.memory_space<vmem>>[vector<16xi32>, vector<16xi32>], vector<16xf32>, vector<16xi1>
          %mul3A_425 = arith.mulf %gather3A_422, %gather3A_423 : vector<16xf32>
          %mul3A_426 = arith.mulf %mul3A_425, %gather3A_424 : vector<16xf32>
          %add3A_427 = arith.addf %add3A_418, %mul3A_426 : vector<16xf32>
          %add3A_428 = arith.addi %and3A_420, %broadcast_in_dim3A_5 : vector<16xi32>
          %and3A_429 = arith.andi %add3A_428, %broadcast_in_dim3A_7 : vector<16xi32>
          %or3A_430 = arith.ori %scan3A_385, %and3A_429 : vector<16xi32>
          %gather3A_431 = tpu.vector_load_idx %arg15[%add3A_370, %or3A_430] masked %lt3A_373 : memref<40x256xf32, #tpu.memory_space<vmem>>[vector<16xi32>, vector<16xi32>], vector<16xf32>, vector<16xi1>
          %gather3A_432 = tpu.vector_load_idx %arg16[%add3A_370, %or3A_430] masked %lt3A_373 : memref<40x128xf32, #tpu.memory_space<vmem>>[vector<16xi32>, vector<16xi32>], vector<16xf32>, vector<16xi1>
          %gather3A_433 = tpu.vector_load_idx %arg17[%add3A_370, %or3A_430] masked %lt3A_373 : memref<40x128xf32, #tpu.memory_space<vmem>>[vector<16xi32>, vector<16xi32>], vector<16xf32>, vector<16xi1>
          %mul3A_434 = arith.mulf %gather3A_431, %gather3A_432 : vector<16xf32>
          %mul3A_435 = arith.mulf %mul3A_434, %gather3A_433 : vector<16xf32>
          %add3A_436 = arith.addf %add3A_427, %mul3A_435 : vector<16xf32>
          %add3A_437 = arith.addi %and3A_429, %broadcast_in_dim3A_5 : vector<16xi32>
          %and3A_438 = arith.andi %add3A_437, %broadcast_in_dim3A_7 : vector<16xi32>
          %or3A_439 = arith.ori %scan3A_385, %and3A_438 : vector<16xi32>
          %gather3A_440 = tpu.vector_load_idx %arg15[%add3A_370, %or3A_439] masked %lt3A_373 : memref<40x256xf32, #tpu.memory_space<vmem>>[vector<16xi32>, vector<16xi32>], vector<16xf32>, vector<16xi1>
          %gather3A_441 = tpu.vector_load_idx %arg16[%add3A_370, %or3A_439] masked %lt3A_373 : memref<40x128xf32, #tpu.memory_space<vmem>>[vector<16xi32>, vector<16xi32>], vector<16xf32>, vector<16xi1>
          %gather3A_442 = tpu.vector_load_idx %arg17[%add3A_370, %or3A_439] masked %lt3A_373 : memref<40x128xf32, #tpu.memory_space<vmem>>[vector<16xi32>, vector<16xi32>], vector<16xf32>, vector<16xi1>
          %mul3A_443 = arith.mulf %gather3A_440, %gather3A_441 : vector<16xf32>
          %mul3A_444 = arith.mulf %mul3A_443, %gather3A_442 : vector<16xf32>
          %add3A_445 = arith.addf %add3A_436, %mul3A_444 : vector<16xf32>
          %add3A_446 = arith.addi %and3A_438, %broadcast_in_dim3A_5 : vector<16xi32>
          %and3A_447 = arith.andi %add3A_446, %broadcast_in_dim3A_7 : vector<16xi32>
          %or3A_448 = arith.ori %scan3A_385, %and3A_447 : vector<16xi32>
          %gather3A_449 = tpu.vector_load_idx %arg15[%add3A_370, %or3A_448] masked %lt3A_373 : memref<40x256xf32, #tpu.memory_space<vmem>>[vector<16xi32>, vector<16xi32>], vector<16xf32>, vector<16xi1>
          %gather3A_450 = tpu.vector_load_idx %arg16[%add3A_370, %or3A_448] masked %lt3A_373 : memref<40x128xf32, #tpu.memory_space<vmem>>[vector<16xi32>, vector<16xi32>], vector<16xf32>, vector<16xi1>
          %gather3A_451 = tpu.vector_load_idx %arg17[%add3A_370, %or3A_448] masked %lt3A_373 : memref<40x128xf32, #tpu.memory_space<vmem>>[vector<16xi32>, vector<16xi32>], vector<16xf32>, vector<16xi1>
          %mul3A_452 = arith.mulf %gather3A_449, %gather3A_450 : vector<16xf32>
          %mul3A_453 = arith.mulf %mul3A_452, %gather3A_451 : vector<16xf32>
          %add3A_454 = arith.addf %add3A_445, %mul3A_453 : vector<16xf32>
          %add3A_455 = arith.addi %and3A_447, %broadcast_in_dim3A_5 : vector<16xi32>
          %and3A_456 = arith.andi %add3A_455, %broadcast_in_dim3A_7 : vector<16xi32>
          %or3A_457 = arith.ori %scan3A_385, %and3A_456 : vector<16xi32>
          %gather3A_458 = tpu.vector_load_idx %arg15[%add3A_370, %or3A_457] masked %lt3A_373 : memref<40x256xf32, #tpu.memory_space<vmem>>[vector<16xi32>, vector<16xi32>], vector<16xf32>, vector<16xi1>
          %gather3A_459 = tpu.vector_load_idx %arg16[%add3A_370, %or3A_457] masked %lt3A_373 : memref<40x128xf32, #tpu.memory_space<vmem>>[vector<16xi32>, vector<16xi32>], vector<16xf32>, vector<16xi1>
          %gather3A_460 = tpu.vector_load_idx %arg17[%add3A_370, %or3A_457] masked %lt3A_373 : memref<40x128xf32, #tpu.memory_space<vmem>>[vector<16xi32>, vector<16xi32>], vector<16xf32>, vector<16xi1>
          %mul3A_461 = arith.mulf %gather3A_458, %gather3A_459 : vector<16xf32>
          %mul3A_462 = arith.mulf %mul3A_461, %gather3A_460 : vector<16xf32>
          %add3A_463 = arith.addf %add3A_454, %mul3A_462 : vector<16xf32>
          %add3A_464 = arith.addi %and3A_456, %broadcast_in_dim3A_5 : vector<16xi32>
          %and3A_465 = arith.andi %add3A_464, %broadcast_in_dim3A_7 : vector<16xi32>
          %or3A_466 = arith.ori %scan3A_385, %and3A_465 : vector<16xi32>
          %gather3A_467 = tpu.vector_load_idx %arg15[%add3A_370, %or3A_466] masked %lt3A_373 : memref<40x256xf32, #tpu.memory_space<vmem>>[vector<16xi32>, vector<16xi32>], vector<16xf32>, vector<16xi1>
          %gather3A_468 = tpu.vector_load_idx %arg16[%add3A_370, %or3A_466] masked %lt3A_373 : memref<40x128xf32, #tpu.memory_space<vmem>>[vector<16xi32>, vector<16xi32>], vector<16xf32>, vector<16xi1>
          %gather3A_469 = tpu.vector_load_idx %arg17[%add3A_370, %or3A_466] masked %lt3A_373 : memref<40x128xf32, #tpu.memory_space<vmem>>[vector<16xi32>, vector<16xi32>], vector<16xf32>, vector<16xi1>
          %mul3A_470 = arith.mulf %gather3A_467, %gather3A_468 : vector<16xf32>
          %mul3A_471 = arith.mulf %mul3A_470, %gather3A_469 : vector<16xf32>
          %add3A_472 = arith.addf %add3A_463, %mul3A_471 : vector<16xf32>
          %add3A_473 = arith.addi %and3A_465, %broadcast_in_dim3A_5 : vector<16xi32>
          %and3A_474 = arith.andi %add3A_473, %broadcast_in_dim3A_7 : vector<16xi32>
          %or3A_475 = arith.ori %scan3A_385, %and3A_474 : vector<16xi32>
          %gather3A_476 = tpu.vector_load_idx %arg15[%add3A_370, %or3A_475] masked %lt3A_373 : memref<40x256xf32, #tpu.memory_space<vmem>>[vector<16xi32>, vector<16xi32>], vector<16xf32>, vector<16xi1>
          %gather3A_477 = tpu.vector_load_idx %arg16[%add3A_370, %or3A_475] masked %lt3A_373 : memref<40x128xf32, #tpu.memory_space<vmem>>[vector<16xi32>, vector<16xi32>], vector<16xf32>, vector<16xi1>
          %gather3A_478 = tpu.vector_load_idx %arg17[%add3A_370, %or3A_475] masked %lt3A_373 : memref<40x128xf32, #tpu.memory_space<vmem>>[vector<16xi32>, vector<16xi32>], vector<16xf32>, vector<16xi1>
          %mul3A_479 = arith.mulf %gather3A_476, %gather3A_477 : vector<16xf32>
          %mul3A_480 = arith.mulf %mul3A_479, %gather3A_478 : vector<16xf32>
          %add3A_481 = arith.addf %add3A_472, %mul3A_480 : vector<16xf32>
          %add3A_482 = arith.addi %and3A_474, %broadcast_in_dim3A_5 : vector<16xi32>
          %and3A_483 = arith.andi %add3A_482, %broadcast_in_dim3A_7 : vector<16xi32>
          %or3A_484 = arith.ori %scan3A_385, %and3A_483 : vector<16xi32>
          %gather3A_485 = tpu.vector_load_idx %arg15[%add3A_370, %or3A_484] masked %lt3A_373 : memref<40x256xf32, #tpu.memory_space<vmem>>[vector<16xi32>, vector<16xi32>], vector<16xf32>, vector<16xi1>
          %gather3A_486 = tpu.vector_load_idx %arg16[%add3A_370, %or3A_484] masked %lt3A_373 : memref<40x128xf32, #tpu.memory_space<vmem>>[vector<16xi32>, vector<16xi32>], vector<16xf32>, vector<16xi1>
          %gather3A_487 = tpu.vector_load_idx %arg17[%add3A_370, %or3A_484] masked %lt3A_373 : memref<40x128xf32, #tpu.memory_space<vmem>>[vector<16xi32>, vector<16xi32>], vector<16xf32>, vector<16xi1>
          %mul3A_488 = arith.mulf %gather3A_485, %gather3A_486 : vector<16xf32>
          %mul3A_489 = arith.mulf %mul3A_488, %gather3A_487 : vector<16xf32>
          %add3A_490 = arith.addf %add3A_481, %mul3A_489 : vector<16xf32>
          %add3A_491 = arith.addi %and3A_483, %broadcast_in_dim3A_5 : vector<16xi32>
          %and3A_492 = arith.andi %add3A_491, %broadcast_in_dim3A_7 : vector<16xi32>
          %or3A_493 = arith.ori %scan3A_385, %and3A_492 : vector<16xi32>
          %gather3A_494 = tpu.vector_load_idx %arg15[%add3A_370, %or3A_493] masked %lt3A_373 : memref<40x256xf32, #tpu.memory_space<vmem>>[vector<16xi32>, vector<16xi32>], vector<16xf32>, vector<16xi1>
          %gather3A_495 = tpu.vector_load_idx %arg16[%add3A_370, %or3A_493] masked %lt3A_373 : memref<40x128xf32, #tpu.memory_space<vmem>>[vector<16xi32>, vector<16xi32>], vector<16xf32>, vector<16xi1>
          %gather3A_496 = tpu.vector_load_idx %arg17[%add3A_370, %or3A_493] masked %lt3A_373 : memref<40x128xf32, #tpu.memory_space<vmem>>[vector<16xi32>, vector<16xi32>], vector<16xf32>, vector<16xi1>
          %mul3A_497 = arith.mulf %gather3A_494, %gather3A_495 : vector<16xf32>
          %mul3A_498 = arith.mulf %mul3A_497, %gather3A_496 : vector<16xf32>
          %add3A_499 = arith.addf %add3A_490, %mul3A_498 : vector<16xf32>
          %add3A_500 = arith.addi %and3A_492, %broadcast_in_dim3A_5 : vector<16xi32>
          %and3A_501 = arith.andi %add3A_500, %broadcast_in_dim3A_7 : vector<16xi32>
          %or3A_502 = arith.ori %scan3A_385, %and3A_501 : vector<16xi32>
          %gather3A_503 = tpu.vector_load_idx %arg15[%add3A_370, %or3A_502] masked %lt3A_373 : memref<40x256xf32, #tpu.memory_space<vmem>>[vector<16xi32>, vector<16xi32>], vector<16xf32>, vector<16xi1>
          %gather3A_504 = tpu.vector_load_idx %arg16[%add3A_370, %or3A_502] masked %lt3A_373 : memref<40x128xf32, #tpu.memory_space<vmem>>[vector<16xi32>, vector<16xi32>], vector<16xf32>, vector<16xi1>
          %gather3A_505 = tpu.vector_load_idx %arg17[%add3A_370, %or3A_502] masked %lt3A_373 : memref<40x128xf32, #tpu.memory_space<vmem>>[vector<16xi32>, vector<16xi32>], vector<16xf32>, vector<16xi1>
          %mul3A_506 = arith.mulf %gather3A_503, %gather3A_504 : vector<16xf32>
          %mul3A_507 = arith.mulf %mul3A_506, %gather3A_505 : vector<16xf32>
          %add3A_508 = arith.addf %add3A_499, %mul3A_507 : vector<16xf32>
          %add3A_509 = arith.addi %and3A_501, %broadcast_in_dim3A_5 : vector<16xi32>
          %and3A_510 = arith.andi %add3A_509, %broadcast_in_dim3A_7 : vector<16xi32>
          %or3A_511 = arith.ori %scan3A_385, %and3A_510 : vector<16xi32>
          %gather3A_512 = tpu.vector_load_idx %arg15[%add3A_370, %or3A_511] masked %lt3A_373 : memref<40x256xf32, #tpu.memory_space<vmem>>[vector<16xi32>, vector<16xi32>], vector<16xf32>, vector<16xi1>
          %gather3A_513 = tpu.vector_load_idx %arg16[%add3A_370, %or3A_511] masked %lt3A_373 : memref<40x128xf32, #tpu.memory_space<vmem>>[vector<16xi32>, vector<16xi32>], vector<16xf32>, vector<16xi1>
          %gather3A_514 = tpu.vector_load_idx %arg17[%add3A_370, %or3A_511] masked %lt3A_373 : memref<40x128xf32, #tpu.memory_space<vmem>>[vector<16xi32>, vector<16xi32>], vector<16xf32>, vector<16xi1>
          %mul3A_515 = arith.mulf %gather3A_512, %gather3A_513 : vector<16xf32>
          %mul3A_516 = arith.mulf %mul3A_515, %gather3A_514 : vector<16xf32>
          %add3A_517 = arith.addf %add3A_508, %mul3A_516 : vector<16xf32>
          %add3A_518 = arith.addi %and3A_510, %broadcast_in_dim3A_5 : vector<16xi32>
          %and3A_519 = arith.andi %add3A_518, %broadcast_in_dim3A_7 : vector<16xi32>
          %or3A_520 = arith.ori %scan3A_385, %and3A_519 : vector<16xi32>
          %gather3A_521 = tpu.vector_load_idx %arg15[%add3A_370, %or3A_520] masked %lt3A_373 : memref<40x256xf32, #tpu.memory_space<vmem>>[vector<16xi32>, vector<16xi32>], vector<16xf32>, vector<16xi1>
          %gather3A_522 = tpu.vector_load_idx %arg16[%add3A_370, %or3A_520] masked %lt3A_373 : memref<40x128xf32, #tpu.memory_space<vmem>>[vector<16xi32>, vector<16xi32>], vector<16xf32>, vector<16xi1>
          %gather3A_523 = tpu.vector_load_idx %arg17[%add3A_370, %or3A_520] masked %lt3A_373 : memref<40x128xf32, #tpu.memory_space<vmem>>[vector<16xi32>, vector<16xi32>], vector<16xf32>, vector<16xi1>
          %mul3A_524 = arith.mulf %gather3A_521, %gather3A_522 : vector<16xf32>
          %mul3A_525 = arith.mulf %mul3A_524, %gather3A_523 : vector<16xf32>
          %add3A_526 = arith.addf %add3A_517, %mul3A_525 : vector<16xf32>
          %jit3A = arith.constant -5.000000e+00 : f32
          %jit3A_527 = arith.constant 5.000000e+00 : f32
          %max3A = vector.broadcast %jit3A : f32 to vector<16xf32>
          %max3A_528 = arith.maximumf %max3A, %add3A_526 : vector<16xf32>
          %min3A = vector.broadcast %jit3A_527 : f32 to vector<16xf32>
          %min3A_529 = arith.minimumf %min3A, %max3A_528 : vector<16xf32>
          %exp3A = math.exp %min3A_529 : vector<16xf32>
          tpu.vector_store_idx %arg18[%add3A_370, %scan3A_386], %exp3A masked %lt3A_373 : memref<40x8xf32, #tpu.memory_space<vmem>>[vector<16xi32>, vector<16xi32>], vector<16xf32>, vector<16xi1>
          %or3A_530 = arith.ori %scan3A_385, %iota3A : vector<16xi32>
          %add3A_531 = arith.addi %or3A_530, %broadcast_in_dim3A_9 : vector<16xi32>
          %gather3A_532 = tpu.vector_load_idx %arg15[%add3A_370, %add3A_531] masked %lt3A_373 : memref<40x256xf32, #tpu.memory_space<vmem>>[vector<16xi32>, vector<16xi32>], vector<16xf32>, vector<16xi1>
          %mul3A_533 = arith.mulf %gather3A_532, %exp3A : vector<16xf32>
          tpu.vector_store_idx %arg17[%add3A_370, %or3A_530], %mul3A_533 masked %lt3A_373 : memref<40x128xf32, #tpu.memory_space<vmem>>[vector<16xi32>, vector<16xi32>], vector<16xf32>, vector<16xi1>
          %add3A_534 = arith.addi %iota3A, %broadcast_in_dim3A_5 : vector<16xi32>
          %and3A_535 = arith.andi %add3A_534, %broadcast_in_dim3A_7 : vector<16xi32>
          %or3A_536 = arith.ori %scan3A_385, %and3A_535 : vector<16xi32>
          %add3A_537 = arith.addi %or3A_536, %broadcast_in_dim3A_9 : vector<16xi32>
          %gather3A_538 = tpu.vector_load_idx %arg15[%add3A_370, %add3A_537] masked %lt3A_373 : memref<40x256xf32, #tpu.memory_space<vmem>>[vector<16xi32>, vector<16xi32>], vector<16xf32>, vector<16xi1>
          %mul3A_539 = arith.mulf %gather3A_538, %exp3A : vector<16xf32>
          tpu.vector_store_idx %arg17[%add3A_370, %or3A_536], %mul3A_539 masked %lt3A_373 : memref<40x128xf32, #tpu.memory_space<vmem>>[vector<16xi32>, vector<16xi32>], vector<16xf32>, vector<16xi1>
          %add3A_540 = arith.addi %and3A_535, %broadcast_in_dim3A_5 : vector<16xi32>
          %and3A_541 = arith.andi %add3A_540, %broadcast_in_dim3A_7 : vector<16xi32>
          %or3A_542 = arith.ori %scan3A_385, %and3A_541 : vector<16xi32>
          %add3A_543 = arith.addi %or3A_542, %broadcast_in_dim3A_9 : vector<16xi32>
          %gather3A_544 = tpu.vector_load_idx %arg15[%add3A_370, %add3A_543] masked %lt3A_373 : memref<40x256xf32, #tpu.memory_space<vmem>>[vector<16xi32>, vector<16xi32>], vector<16xf32>, vector<16xi1>
          %mul3A_545 = arith.mulf %gather3A_544, %exp3A : vector<16xf32>
          tpu.vector_store_idx %arg17[%add3A_370, %or3A_542], %mul3A_545 masked %lt3A_373 : memref<40x128xf32, #tpu.memory_space<vmem>>[vector<16xi32>, vector<16xi32>], vector<16xf32>, vector<16xi1>
          %add3A_546 = arith.addi %and3A_541, %broadcast_in_dim3A_5 : vector<16xi32>
          %and3A_547 = arith.andi %add3A_546, %broadcast_in_dim3A_7 : vector<16xi32>
          %or3A_548 = arith.ori %scan3A_385, %and3A_547 : vector<16xi32>
          %add3A_549 = arith.addi %or3A_548, %broadcast_in_dim3A_9 : vector<16xi32>
          %gather3A_550 = tpu.vector_load_idx %arg15[%add3A_370, %add3A_549] masked %lt3A_373 : memref<40x256xf32, #tpu.memory_space<vmem>>[vector<16xi32>, vector<16xi32>], vector<16xf32>, vector<16xi1>
          %mul3A_551 = arith.mulf %gather3A_550, %exp3A : vector<16xf32>
          tpu.vector_store_idx %arg17[%add3A_370, %or3A_548], %mul3A_551 masked %lt3A_373 : memref<40x128xf32, #tpu.memory_space<vmem>>[vector<16xi32>, vector<16xi32>], vector<16xf32>, vector<16xi1>
          %add3A_552 = arith.addi %and3A_547, %broadcast_in_dim3A_5 : vector<16xi32>
          %and3A_553 = arith.andi %add3A_552, %broadcast_in_dim3A_7 : vector<16xi32>
          %or3A_554 = arith.ori %scan3A_385, %and3A_553 : vector<16xi32>
          %add3A_555 = arith.addi %or3A_554, %broadcast_in_dim3A_9 : vector<16xi32>
          %gather3A_556 = tpu.vector_load_idx %arg15[%add3A_370, %add3A_555] masked %lt3A_373 : memref<40x256xf32, #tpu.memory_space<vmem>>[vector<16xi32>, vector<16xi32>], vector<16xf32>, vector<16xi1>
          %mul3A_557 = arith.mulf %gather3A_556, %exp3A : vector<16xf32>
          tpu.vector_store_idx %arg17[%add3A_370, %or3A_554], %mul3A_557 masked %lt3A_373 : memref<40x128xf32, #tpu.memory_space<vmem>>[vector<16xi32>, vector<16xi32>], vector<16xf32>, vector<16xi1>
          %add3A_558 = arith.addi %and3A_553, %broadcast_in_dim3A_5 : vector<16xi32>
          %and3A_559 = arith.andi %add3A_558, %broadcast_in_dim3A_7 : vector<16xi32>
          %or3A_560 = arith.ori %scan3A_385, %and3A_559 : vector<16xi32>
          %add3A_561 = arith.addi %or3A_560, %broadcast_in_dim3A_9 : vector<16xi32>
          %gather3A_562 = tpu.vector_load_idx %arg15[%add3A_370, %add3A_561] masked %lt3A_373 : memref<40x256xf32, #tpu.memory_space<vmem>>[vector<16xi32>, vector<16xi32>], vector<16xf32>, vector<16xi1>
          %mul3A_563 = arith.mulf %gather3A_562, %exp3A : vector<16xf32>
          tpu.vector_store_idx %arg17[%add3A_370, %or3A_560], %mul3A_563 masked %lt3A_373 : memref<40x128xf32, #tpu.memory_space<vmem>>[vector<16xi32>, vector<16xi32>], vector<16xf32>, vector<16xi1>
          %add3A_564 = arith.addi %and3A_559, %broadcast_in_dim3A_5 : vector<16xi32>
          %and3A_565 = arith.andi %add3A_564, %broadcast_in_dim3A_7 : vector<16xi32>
          %or3A_566 = arith.ori %scan3A_385, %and3A_565 : vector<16xi32>
          %add3A_567 = arith.addi %or3A_566, %broadcast_in_dim3A_9 : vector<16xi32>
          %gather3A_568 = tpu.vector_load_idx %arg15[%add3A_370, %add3A_567] masked %lt3A_373 : memref<40x256xf32, #tpu.memory_space<vmem>>[vector<16xi32>, vector<16xi32>], vector<16xf32>, vector<16xi1>
          %mul3A_569 = arith.mulf %gather3A_568, %exp3A : vector<16xf32>
          tpu.vector_store_idx %arg17[%add3A_370, %or3A_566], %mul3A_569 masked %lt3A_373 : memref<40x128xf32, #tpu.memory_space<vmem>>[vector<16xi32>, vector<16xi32>], vector<16xf32>, vector<16xi1>
          %add3A_570 = arith.addi %and3A_565, %broadcast_in_dim3A_5 : vector<16xi32>
          %and3A_571 = arith.andi %add3A_570, %broadcast_in_dim3A_7 : vector<16xi32>
          %or3A_572 = arith.ori %scan3A_385, %and3A_571 : vector<16xi32>
          %add3A_573 = arith.addi %or3A_572, %broadcast_in_dim3A_9 : vector<16xi32>
          %gather3A_574 = tpu.vector_load_idx %arg15[%add3A_370, %add3A_573] masked %lt3A_373 : memref<40x256xf32, #tpu.memory_space<vmem>>[vector<16xi32>, vector<16xi32>], vector<16xf32>, vector<16xi1>
          %mul3A_575 = arith.mulf %gather3A_574, %exp3A : vector<16xf32>
          tpu.vector_store_idx %arg17[%add3A_370, %or3A_572], %mul3A_575 masked %lt3A_373 : memref<40x128xf32, #tpu.memory_space<vmem>>[vector<16xi32>, vector<16xi32>], vector<16xf32>, vector<16xi1>
          %add3A_576 = arith.addi %and3A_571, %broadcast_in_dim3A_5 : vector<16xi32>
          %and3A_577 = arith.andi %add3A_576, %broadcast_in_dim3A_7 : vector<16xi32>
          %or3A_578 = arith.ori %scan3A_385, %and3A_577 : vector<16xi32>
          %add3A_579 = arith.addi %or3A_578, %broadcast_in_dim3A_9 : vector<16xi32>
          %gather3A_580 = tpu.vector_load_idx %arg15[%add3A_370, %add3A_579] masked %lt3A_373 : memref<40x256xf32, #tpu.memory_space<vmem>>[vector<16xi32>, vector<16xi32>], vector<16xf32>, vector<16xi1>
          %mul3A_581 = arith.mulf %gather3A_580, %exp3A : vector<16xf32>
          tpu.vector_store_idx %arg17[%add3A_370, %or3A_578], %mul3A_581 masked %lt3A_373 : memref<40x128xf32, #tpu.memory_space<vmem>>[vector<16xi32>, vector<16xi32>], vector<16xf32>, vector<16xi1>
          %add3A_582 = arith.addi %and3A_577, %broadcast_in_dim3A_5 : vector<16xi32>
          %and3A_583 = arith.andi %add3A_582, %broadcast_in_dim3A_7 : vector<16xi32>
          %or3A_584 = arith.ori %scan3A_385, %and3A_583 : vector<16xi32>
          %add3A_585 = arith.addi %or3A_584, %broadcast_in_dim3A_9 : vector<16xi32>
          %gather3A_586 = tpu.vector_load_idx %arg15[%add3A_370, %add3A_585] masked %lt3A_373 : memref<40x256xf32, #tpu.memory_space<vmem>>[vector<16xi32>, vector<16xi32>], vector<16xf32>, vector<16xi1>
          %mul3A_587 = arith.mulf %gather3A_586, %exp3A : vector<16xf32>
          tpu.vector_store_idx %arg17[%add3A_370, %or3A_584], %mul3A_587 masked %lt3A_373 : memref<40x128xf32, #tpu.memory_space<vmem>>[vector<16xi32>, vector<16xi32>], vector<16xf32>, vector<16xi1>
          %add3A_588 = arith.addi %and3A_583, %broadcast_in_dim3A_5 : vector<16xi32>
          %and3A_589 = arith.andi %add3A_588, %broadcast_in_dim3A_7 : vector<16xi32>
          %or3A_590 = arith.ori %scan3A_385, %and3A_589 : vector<16xi32>
          %add3A_591 = arith.addi %or3A_590, %broadcast_in_dim3A_9 : vector<16xi32>
          %gather3A_592 = tpu.vector_load_idx %arg15[%add3A_370, %add3A_591] masked %lt3A_373 : memref<40x256xf32, #tpu.memory_space<vmem>>[vector<16xi32>, vector<16xi32>], vector<16xf32>, vector<16xi1>
          %mul3A_593 = arith.mulf %gather3A_592, %exp3A : vector<16xf32>
          tpu.vector_store_idx %arg17[%add3A_370, %or3A_590], %mul3A_593 masked %lt3A_373 : memref<40x128xf32, #tpu.memory_space<vmem>>[vector<16xi32>, vector<16xi32>], vector<16xf32>, vector<16xi1>
          %add3A_594 = arith.addi %and3A_589, %broadcast_in_dim3A_5 : vector<16xi32>
          %and3A_595 = arith.andi %add3A_594, %broadcast_in_dim3A_7 : vector<16xi32>
          %or3A_596 = arith.ori %scan3A_385, %and3A_595 : vector<16xi32>
          %add3A_597 = arith.addi %or3A_596, %broadcast_in_dim3A_9 : vector<16xi32>
          %gather3A_598 = tpu.vector_load_idx %arg15[%add3A_370, %add3A_597] masked %lt3A_373 : memref<40x256xf32, #tpu.memory_space<vmem>>[vector<16xi32>, vector<16xi32>], vector<16xf32>, vector<16xi1>
          %mul3A_599 = arith.mulf %gather3A_598, %exp3A : vector<16xf32>
          tpu.vector_store_idx %arg17[%add3A_370, %or3A_596], %mul3A_599 masked %lt3A_373 : memref<40x128xf32, #tpu.memory_space<vmem>>[vector<16xi32>, vector<16xi32>], vector<16xf32>, vector<16xi1>
          %add3A_600 = arith.addi %and3A_595, %broadcast_in_dim3A_5 : vector<16xi32>
          %and3A_601 = arith.andi %add3A_600, %broadcast_in_dim3A_7 : vector<16xi32>
          %or3A_602 = arith.ori %scan3A_385, %and3A_601 : vector<16xi32>
          %add3A_603 = arith.addi %or3A_602, %broadcast_in_dim3A_9 : vector<16xi32>
          %gather3A_604 = tpu.vector_load_idx %arg15[%add3A_370, %add3A_603] masked %lt3A_373 : memref<40x256xf32, #tpu.memory_space<vmem>>[vector<16xi32>, vector<16xi32>], vector<16xf32>, vector<16xi1>
          %mul3A_605 = arith.mulf %gather3A_604, %exp3A : vector<16xf32>
          tpu.vector_store_idx %arg17[%add3A_370, %or3A_602], %mul3A_605 masked %lt3A_373 : memref<40x128xf32, #tpu.memory_space<vmem>>[vector<16xi32>, vector<16xi32>], vector<16xf32>, vector<16xi1>
          %add3A_606 = arith.addi %and3A_601, %broadcast_in_dim3A_5 : vector<16xi32>
          %and3A_607 = arith.andi %add3A_606, %broadcast_in_dim3A_7 : vector<16xi32>
          %or3A_608 = arith.ori %scan3A_385, %and3A_607 : vector<16xi32>
          %add3A_609 = arith.addi %or3A_608, %broadcast_in_dim3A_9 : vector<16xi32>
          %gather3A_610 = tpu.vector_load_idx %arg15[%add3A_370, %add3A_609] masked %lt3A_373 : memref<40x256xf32, #tpu.memory_space<vmem>>[vector<16xi32>, vector<16xi32>], vector<16xf32>, vector<16xi1>
          %mul3A_611 = arith.mulf %gather3A_610, %exp3A : vector<16xf32>
          tpu.vector_store_idx %arg17[%add3A_370, %or3A_608], %mul3A_611 masked %lt3A_373 : memref<40x128xf32, #tpu.memory_space<vmem>>[vector<16xi32>, vector<16xi32>], vector<16xf32>, vector<16xi1>
          %add3A_612 = arith.addi %and3A_607, %broadcast_in_dim3A_5 : vector<16xi32>
          %and3A_613 = arith.andi %add3A_612, %broadcast_in_dim3A_7 : vector<16xi32>
          %or3A_614 = arith.ori %scan3A_385, %and3A_613 : vector<16xi32>
          %add3A_615 = arith.addi %or3A_614, %broadcast_in_dim3A_9 : vector<16xi32>
          %gather3A_616 = tpu.vector_load_idx %arg15[%add3A_370, %add3A_615] masked %lt3A_373 : memref<40x256xf32, #tpu.memory_space<vmem>>[vector<16xi32>, vector<16xi32>], vector<16xf32>, vector<16xi1>
          %mul3A_617 = arith.mulf %gather3A_616, %exp3A : vector<16xf32>
          tpu.vector_store_idx %arg17[%add3A_370, %or3A_614], %mul3A_617 masked %lt3A_373 : memref<40x128xf32, #tpu.memory_space<vmem>>[vector<16xi32>, vector<16xi32>], vector<16xf32>, vector<16xi1>
          %add3A_618 = arith.addi %and3A_613, %broadcast_in_dim3A_5 : vector<16xi32>
          %and3A_619 = arith.andi %add3A_618, %broadcast_in_dim3A_7 : vector<16xi32>
          %or3A_620 = arith.ori %scan3A_385, %and3A_619 : vector<16xi32>
          %add3A_621 = arith.addi %or3A_620, %broadcast_in_dim3A_9 : vector<16xi32>
          %gather3A_622 = tpu.vector_load_idx %arg15[%add3A_370, %add3A_621] masked %lt3A_373 : memref<40x256xf32, #tpu.memory_space<vmem>>[vector<16xi32>, vector<16xi32>], vector<16xf32>, vector<16xi1>
          %mul3A_623 = arith.mulf %gather3A_622, %exp3A : vector<16xf32>
          tpu.vector_store_idx %arg17[%add3A_370, %or3A_620], %mul3A_623 masked %lt3A_373 : memref<40x128xf32, #tpu.memory_space<vmem>>[vector<16xi32>, vector<16xi32>], vector<16xf32>, vector<16xi1>
          %add3A_624 = arith.constant 16 : i32
          %add3A_625 = vector.broadcast %add3A_624 : i32 to vector<16xi32>
          %add3A_626 = arith.addi %scan3A_385, %add3A_625 : vector<16xi32>
          %add3A_627 = arith.addi %scan3A_386, %broadcast_in_dim3A_5 : vector<16xi32>
          scf.yield %add3A_626, %add3A_627 : vector<16xi32>, vector<16xi32>
        }
        %scan3A_383 = arith.constant 8 : i32
      }
      %scan3A_350 = arith.constant 3 : i32
      %dma_start3A_351 = arith.constant 0 : i32
      %dma_start3A_352 = arith.constant 0 : i32
      %dma_start3A_353 = tpu.memref_slice %arg20[%dma_start3A_351, %dma_start3A_352] : memref<10000x128xf32, #tpu.memory_space<vmem_shared>> -> memref<10000x128xf32, #tpu.memory_space<vmem_shared>>
      tpu.enqueue_indirect_dma source(%arg17 : memref<40x128xf32, #tpu.memory_space<vmem>>) target(%dma_start3A_353 : memref<10000x128xf32, #tpu.memory_space<vmem_shared>>) offsets(%arg19 : memref<40xi32, #tpu.memory_space<vmem>>) semaphore(%arg25 : memref<!tpu.dma_semaphore, #tpu.memory_space<semaphore_mem>>) {add = true}
      %dma_start3A_354 = arith.constant 0 : i32
      %dma_start3A_355 = arith.constant 0 : i32
      %dma_start3A_356 = tpu.memref_slice %arg21[%dma_start3A_354, %dma_start3A_355] : memref<10000x8xf32, #tpu.memory_space<vmem_shared>> -> memref<10000x8xf32, #tpu.memory_space<vmem_shared>>
      tpu.enqueue_indirect_dma source(%arg18 : memref<40x8xf32, #tpu.memory_space<vmem>>) target(%dma_start3A_356 : memref<10000x8xf32, #tpu.memory_space<vmem_shared>>) offsets(%arg19 : memref<40xi32, #tpu.memory_space<vmem>>) semaphore(%arg25 : memref<!tpu.dma_semaphore, #tpu.memory_space<semaphore_mem>>) {add = true}
      %dma_wait3A_357 = arith.constant 0 : i32
      %dma_wait3A_358 = arith.constant 0 : i32
      %dma_wait3A_359 = tpu.memref_slice %arg20[%dma_wait3A_357, %dma_wait3A_358] : memref<10000x128xf32, #tpu.memory_space<vmem_shared>> -> memref<10000x128xf32, #tpu.memory_space<vmem_shared>>
      tpu.wait_indirect_dma semaphore(%arg25 : memref<!tpu.dma_semaphore, #tpu.memory_space<semaphore_mem>>) src(%arg17 : memref<40x128xf32, #tpu.memory_space<vmem>>) dst(%dma_wait3A_359 : memref<10000x128xf32, #tpu.memory_space<vmem_shared>>)
      %dma_wait3A_360 = arith.constant 0 : i32
      %dma_wait3A_361 = arith.constant 0 : i32
      %dma_wait3A_362 = tpu.memref_slice %arg21[%dma_wait3A_360, %dma_wait3A_361] : memref<10000x8xf32, #tpu.memory_space<vmem_shared>> -> memref<10000x8xf32, #tpu.memory_space<vmem_shared>>
      tpu.wait_indirect_dma semaphore(%arg25 : memref<!tpu.dma_semaphore, #tpu.memory_space<semaphore_mem>>) src(%arg18 : memref<40x8xf32, #tpu.memory_space<vmem>>) dst(%dma_wait3A_362 : memref<10000x8xf32, #tpu.memory_space<vmem_shared>>)
      %convert_element_type3A_363 = arith.extui %lt3A_243 : i1 to i32
      %cond3A_364 = arith.constant 0 : i32
      %cond3A_365 = arith.cmpi ne, %convert_element_type3A_363, %cond3A_364 : i32
      scf.if %cond3A_365 {
        %dma_wait3A_366 = arith.constant 0 : i32
        %dma_wait3A_367 = arith.constant 0 : i32
        %dma_wait3A_368 = tpu.memref_slice %arg5[%add3A_242, %dma_wait3A_366, %dma_wait3A_367] : memref<8000x2x40xi32, #tpu.memory_space<hbm>> -> memref<1x2x40xi32, #tpu.memory_space<hbm>>
        %dma_wait3A_369 = tpu.memref_squeeze %dma_wait3A_368 : memref<1x2x40xi32, #tpu.memory_space<hbm>> -> memref<2x40xi32, #tpu.memory_space<hbm>>
        %dma_wait3A_370 = arith.constant 0 : i32
        %dma_wait3A_371 = arith.constant 0 : i32
        %dma_wait3A_372 = tpu.memref_slice %arg5[%add3A_242, %dma_wait3A_370, %dma_wait3A_371] : memref<8000x2x40xi32, #tpu.memory_space<hbm>> -> memref<1x2x40xi32, #tpu.memory_space<hbm>>
        %dma_wait3A_373 = tpu.memref_squeeze %dma_wait3A_372 : memref<1x2x40xi32, #tpu.memory_space<hbm>> -> memref<2x40xi32, #tpu.memory_space<hbm>>
        tpu.wait_dma2 semaphore(%arg22 : memref<!tpu.dma_semaphore, #tpu.memory_space<semaphore_mem>>) src(%dma_wait3A_373 : memref<2x40xi32, #tpu.memory_space<hbm>>) dst(%arg14 : memref<2x40xi32, #tpu.memory_space<vmem>>)
        %dma_start3A_374 = arith.constant 0 : i32
        %dma_start3A_375 = arith.constant 0 : i32
        %dma_start3A_376 = tpu.memref_slice %arg14[%dma_start3A_374, %dma_start3A_375] : memref<2x40xi32, #tpu.memory_space<vmem>> -> memref<1x40xi32, #tpu.memory_space<vmem>>
        %dma_start3A_377 = tpu.memref_squeeze %dma_start3A_376 : memref<1x40xi32, #tpu.memory_space<vmem>> -> memref<40xi32, #tpu.memory_space<vmem>>
        %dma_start3A_378 = arith.constant 0 : i32
        %dma_start3A_379 = arith.constant 0 : i32
        %dma_start3A_380 = tpu.memref_slice %arg2[%dma_start3A_378, %dma_start3A_379] : memref<10000x256xf32, #tpu.memory_space<hbm>> -> memref<10000x256xf32, #tpu.memory_space<hbm>>
        tpu.enqueue_indirect_dma source(%dma_start3A_380 : memref<10000x256xf32, #tpu.memory_space<hbm>>) target(%arg15 : memref<40x256xf32, #tpu.memory_space<vmem>>) offsets(%dma_start3A_377 : memref<40xi32, #tpu.memory_space<vmem>>) semaphore(%arg24 : memref<!tpu.dma_semaphore, #tpu.memory_space<semaphore_mem>>)
        %dma_start3A_381 = arith.constant 1 : i32
        %dma_start3A_382 = arith.constant 0 : i32
        %dma_start3A_383 = tpu.memref_slice %arg14[%dma_start3A_381, %dma_start3A_382] : memref<2x40xi32, #tpu.memory_space<vmem>> -> memref<1x40xi32, #tpu.memory_space<vmem>>
        %dma_start3A_384 = tpu.memref_squeeze %dma_start3A_383 : memref<1x40xi32, #tpu.memory_space<vmem>> -> memref<40xi32, #tpu.memory_space<vmem>>
        %dma_start3A_385 = arith.constant 0 : i32
        %dma_start3A_386 = arith.constant 0 : i32
        %dma_start3A_387 = tpu.memref_slice %arg3[%dma_start3A_385, %dma_start3A_386] : memref<10000x128xf32, #tpu.memory_space<hbm>> -> memref<10000x128xf32, #tpu.memory_space<hbm>>
        tpu.enqueue_indirect_dma source(%dma_start3A_387 : memref<10000x128xf32, #tpu.memory_space<hbm>>) target(%arg16 : memref<40x128xf32, #tpu.memory_space<vmem>>) offsets(%dma_start3A_384 : memref<40xi32, #tpu.memory_space<vmem>>) semaphore(%arg24 : memref<!tpu.dma_semaphore, #tpu.memory_space<semaphore_mem>>)
        %mul3A_388 = arith.constant 40 : i32
        %mul3A_389 = arith.muli %add3A_242, %mul3A_388 : i32
        %dma_start3A_390 = arith.constant 0 : i32
        %dma_start3A_391 = tpu.memref_slice %arg4[%mul3A_389, %dma_start3A_390] : memref<320000x128xf32, #tpu.memory_space<hbm>> -> memref<40x128xf32, #tpu.memory_space<hbm>>
        %dma_start3A_392 = arith.constant 0 : i32
        %dma_start3A_393 = tpu.memref_slice %arg4[%mul3A_389, %dma_start3A_392] : memref<320000x128xf32, #tpu.memory_space<hbm>> -> memref<40x128xf32, #tpu.memory_space<hbm>>
        tpu.enqueue_dma source(%dma_start3A_393 : memref<40x128xf32, #tpu.memory_space<hbm>>) target(%arg17 : memref<40x128xf32, #tpu.memory_space<vmem>>) target_semaphore(%arg24 : memref<!tpu.dma_semaphore, #tpu.memory_space<semaphore_mem>>)
      } else {
      }
    }
    %scan3A_226 = arith.constant 125 : i32
    %barrier3A_227 = arith.constant 0 : index
    tpu.barrier barrier_id(%barrier3A_227)
    "tpu.region"() ({
      %run_scoped3A = tpu.sem_alloc : memref<!tpu.dma_semaphore, #tpu.memory_space<semaphore_mem>>
      %dma_start3A_233 = arith.constant 0 : i32
      %dma_start3A_234 = tpu.memref_slice %arg6[%arg0, %mul3A_80, %dma_start3A_233] : memref<2x10000x128xf32, #tpu.memory_space<hbm>> -> memref<1x624x128xf32, #tpu.memory_space<hbm>>
      %dma_start3A_235 = tpu.memref_squeeze %dma_start3A_234 : memref<1x624x128xf32, #tpu.memory_space<hbm>> -> memref<624x128xf32, #tpu.memory_space<hbm>>
      %dma_start3A_236 = arith.constant 0 : i32
      %dma_start3A_237 = tpu.memref_slice %arg20[%mul3A_80, %dma_start3A_236] : memref<10000x128xf32, #tpu.memory_space<vmem_shared>> -> memref<624x128xf32, #tpu.memory_space<vmem_shared>>
      tpu.enqueue_dma source(%dma_start3A_237 : memref<624x128xf32, #tpu.memory_space<vmem_shared>>) target(%dma_start3A_235 : memref<624x128xf32, #tpu.memory_space<hbm>>) target_semaphore(%run_scoped3A : memref<!tpu.dma_semaphore, #tpu.memory_space<semaphore_mem>>)
      %dma_wait3A_238 = arith.constant 0 : i32
      %dma_wait3A_239 = tpu.memref_slice %arg6[%arg0, %mul3A_80, %dma_wait3A_238] : memref<2x10000x128xf32, #tpu.memory_space<hbm>> -> memref<1x624x128xf32, #tpu.memory_space<hbm>>
      %dma_wait3A_240 = tpu.memref_squeeze %dma_wait3A_239 : memref<1x624x128xf32, #tpu.memory_space<hbm>> -> memref<624x128xf32, #tpu.memory_space<hbm>>
      %dma_wait3A_241 = arith.constant 0 : i32
      %dma_wait3A_242 = tpu.memref_slice %arg20[%mul3A_80, %dma_wait3A_241] : memref<10000x128xf32, #tpu.memory_space<vmem_shared>> -> memref<624x128xf32, #tpu.memory_space<vmem_shared>>
      tpu.wait_dma2 semaphore(%run_scoped3A : memref<!tpu.dma_semaphore, #tpu.memory_space<semaphore_mem>>) src(%dma_wait3A_242 : memref<624x128xf32, #tpu.memory_space<vmem_shared>>) dst(%dma_wait3A_240 : memref<624x128xf32, #tpu.memory_space<hbm>>)
      tpu.yield
    }) : () -> ()
    "tpu.region"() ({
      %run_scoped3A = tpu.sem_alloc : memref<!tpu.dma_semaphore, #tpu.memory_space<semaphore_mem>>
      %dma_start3A_233 = arith.constant 0 : i32
      %dma_start3A_234 = tpu.memref_slice %arg7[%arg0, %mul3A_80, %dma_start3A_233] : memref<2x10000x8xf32, #tpu.memory_space<hbm>> -> memref<1x624x8xf32, #tpu.memory_space<hbm>>
      %dma_start3A_235 = tpu.memref_squeeze %dma_start3A_234 : memref<1x624x8xf32, #tpu.memory_space<hbm>> -> memref<624x8xf32, #tpu.memory_space<hbm>>
      %dma_start3A_236 = arith.constant 0 : i32
      %dma_start3A_237 = tpu.memref_slice %arg21[%mul3A_80, %dma_start3A_236] : memref<10000x8xf32, #tpu.memory_space<vmem_shared>> -> memref<624x8xf32, #tpu.memory_space<vmem_shared>>
      tpu.enqueue_dma source(%dma_start3A_237 : memref<624x8xf32, #tpu.memory_space<vmem_shared>>) target(%dma_start3A_235 : memref<624x8xf32, #tpu.memory_space<hbm>>) target_semaphore(%run_scoped3A : memref<!tpu.dma_semaphore, #tpu.memory_space<semaphore_mem>>)
      %dma_wait3A_238 = arith.constant 0 : i32
      %dma_wait3A_239 = tpu.memref_slice %arg7[%arg0, %mul3A_80, %dma_wait3A_238] : memref<2x10000x8xf32, #tpu.memory_space<hbm>> -> memref<1x624x8xf32, #tpu.memory_space<hbm>>
      %dma_wait3A_240 = tpu.memref_squeeze %dma_wait3A_239 : memref<1x624x8xf32, #tpu.memory_space<hbm>> -> memref<624x8xf32, #tpu.memory_space<hbm>>
      %dma_wait3A_241 = arith.constant 0 : i32
      %dma_wait3A_242 = tpu.memref_slice %arg21[%mul3A_80, %dma_wait3A_241] : memref<10000x8xf32, #tpu.memory_space<vmem_shared>> -> memref<624x8xf32, #tpu.memory_space<vmem_shared>>
      tpu.wait_dma2 semaphore(%run_scoped3A : memref<!tpu.dma_semaphore, #tpu.memory_space<semaphore_mem>>) src(%dma_wait3A_242 : memref<624x8xf32, #tpu.memory_space<vmem_shared>>) dst(%dma_wait3A_240 : memref<624x8xf32, #tpu.memory_space<hbm>>)
      tpu.yield
    }) : () -> ()
    %eq3A_228 = arith.constant 15 : i32
    %eq3A_229 = arith.cmpi eq, %arg1, %eq3A_228 : i32
    %convert_element_type3A_230 = arith.extui %eq3A_229 : i1 to i32
    %cond3A_231 = arith.constant 0 : i32
    %cond3A_232 = arith.cmpi ne, %convert_element_type3A_230, %cond3A_231 : i32
    scf.if %cond3A_232 {
      "tpu.region"() ({
        %run_scoped3A = tpu.sem_alloc : memref<!tpu.dma_semaphore, #tpu.memory_space<semaphore_mem>>
        %dma_start3A_233 = arith.constant 9984 : i32
        %dma_start3A_234 = arith.constant 0 : i32
        %dma_start3A_235 = tpu.memref_slice %arg6[%arg0, %dma_start3A_233, %dma_start3A_234] : memref<2x10000x128xf32, #tpu.memory_space<hbm>> -> memref<1x16x128xf32, #tpu.memory_space<hbm>>
        %dma_start3A_236 = tpu.memref_squeeze %dma_start3A_235 : memref<1x16x128xf32, #tpu.memory_space<hbm>> -> memref<16x128xf32, #tpu.memory_space<hbm>>
        %dma_start3A_237 = arith.constant 9984 : i32
        %dma_start3A_238 = arith.constant 0 : i32
        %dma_start3A_239 = tpu.memref_slice %arg20[%dma_start3A_237, %dma_start3A_238] : memref<10000x128xf32, #tpu.memory_space<vmem_shared>> -> memref<16x128xf32, #tpu.memory_space<vmem_shared>>
        tpu.enqueue_dma source(%dma_start3A_239 : memref<16x128xf32, #tpu.memory_space<vmem_shared>>) target(%dma_start3A_236 : memref<16x128xf32, #tpu.memory_space<hbm>>) target_semaphore(%run_scoped3A : memref<!tpu.dma_semaphore, #tpu.memory_space<semaphore_mem>>)
        %dma_wait3A_240 = arith.constant 9984 : i32
        %dma_wait3A_241 = arith.constant 0 : i32
        %dma_wait3A_242 = tpu.memref_slice %arg6[%arg0, %dma_wait3A_240, %dma_wait3A_241] : memref<2x10000x128xf32, #tpu.memory_space<hbm>> -> memref<1x16x128xf32, #tpu.memory_space<hbm>>
        %dma_wait3A_243 = tpu.memref_squeeze %dma_wait3A_242 : memref<1x16x128xf32, #tpu.memory_space<hbm>> -> memref<16x128xf32, #tpu.memory_space<hbm>>
        %dma_wait3A_244 = arith.constant 9984 : i32
        %dma_wait3A_245 = arith.constant 0 : i32
        %dma_wait3A_246 = tpu.memref_slice %arg20[%dma_wait3A_244, %dma_wait3A_245] : memref<10000x128xf32, #tpu.memory_space<vmem_shared>> -> memref<16x128xf32, #tpu.memory_space<vmem_shared>>
        tpu.wait_dma2 semaphore(%run_scoped3A : memref<!tpu.dma_semaphore, #tpu.memory_space<semaphore_mem>>) src(%dma_wait3A_246 : memref<16x128xf32, #tpu.memory_space<vmem_shared>>) dst(%dma_wait3A_243 : memref<16x128xf32, #tpu.memory_space<hbm>>)
        tpu.yield
      }) : () -> ()
      "tpu.region"() ({
        %run_scoped3A = tpu.sem_alloc : memref<!tpu.dma_semaphore, #tpu.memory_space<semaphore_mem>>
        %dma_start3A_233 = arith.constant 9984 : i32
        %dma_start3A_234 = arith.constant 0 : i32
        %dma_start3A_235 = tpu.memref_slice %arg7[%arg0, %dma_start3A_233, %dma_start3A_234] : memref<2x10000x8xf32, #tpu.memory_space<hbm>> -> memref<1x16x8xf32, #tpu.memory_space<hbm>>
        %dma_start3A_236 = tpu.memref_squeeze %dma_start3A_235 : memref<1x16x8xf32, #tpu.memory_space<hbm>> -> memref<16x8xf32, #tpu.memory_space<hbm>>
        %dma_start3A_237 = arith.constant 9984 : i32
        %dma_start3A_238 = arith.constant 0 : i32
        %dma_start3A_239 = tpu.memref_slice %arg21[%dma_start3A_237, %dma_start3A_238] : memref<10000x8xf32, #tpu.memory_space<vmem_shared>> -> memref<16x8xf32, #tpu.memory_space<vmem_shared>>
        tpu.enqueue_dma source(%dma_start3A_239 : memref<16x8xf32, #tpu.memory_space<vmem_shared>>) target(%dma_start3A_236 : memref<16x8xf32, #tpu.memory_space<hbm>>) target_semaphore(%run_scoped3A : memref<!tpu.dma_semaphore, #tpu.memory_space<semaphore_mem>>)
        %dma_wait3A_240 = arith.constant 9984 : i32
        %dma_wait3A_241 = arith.constant 0 : i32
        %dma_wait3A_242 = tpu.memref_slice %arg7[%arg0, %dma_wait3A_240, %dma_wait3A_241] : memref<2x10000x8xf32, #tpu.memory_space<hbm>> -> memref<1x16x8xf32, #tpu.memory_space<hbm>>
        %dma_wait3A_243 = tpu.memref_squeeze %dma_wait3A_242 : memref<1x16x8xf32, #tpu.memory_space<hbm>> -> memref<16x8xf32, #tpu.memory_space<hbm>>
        %dma_wait3A_244 = arith.constant 9984 : i32
        %dma_wait3A_245 = arith.constant 0 : i32
        %dma_wait3A_246 = tpu.memref_slice %arg21[%dma_wait3A_244, %dma_wait3A_245] : memref<10000x8xf32, #tpu.memory_space<vmem_shared>> -> memref<16x8xf32, #tpu.memory_space<vmem_shared>>
        tpu.wait_dma2 semaphore(%run_scoped3A : memref<!tpu.dma_semaphore, #tpu.memory_space<semaphore_mem>>) src(%dma_wait3A_246 : memref<16x8xf32, #tpu.memory_space<vmem_shared>>) dst(%dma_wait3A_243 : memref<16x8xf32, #tpu.memory_space<hbm>>)
        tpu.yield
      }) : () -> ()
    } else {
    }
    return
  }
}

module attributes {stable_mosaic.version = 14 : i64} {
  func.func @_proj_body(%arg0: i32, %arg1: memref<1000x128xf32, #tpu.memory_space<vmem>>, %arg2: memref<128x256xf32, #tpu.memory_space<vmem>>, %arg3: memref<128x128xf32, #tpu.memory_space<vmem>>, %arg4: memref<1000x256xf32, #tpu.memory_space<vmem>>, %arg5: memref<1000x128xf32, #tpu.memory_space<vmem>>) attributes {dimension_semantics = [#tpu.dimension_semantics<arbitrary>], iteration_bounds = array<i64: 10>, scalar_prefetch = 0 : i64, scratch_operands = 0 : i64, tpu.core_type = #tpu.core_type<tc>, window_params = [{transform_indices = @transform_0, window_bounds = array<i64: 1000, 128>}, {pipeline_mode = #tpu.pipeline_mode<synchronous>, transform_indices = @transform_1, window_bounds = array<i64: 128, 256>}, {pipeline_mode = #tpu.pipeline_mode<synchronous>, transform_indices = @transform_2, window_bounds = array<i64: 128, 128>}, {transform_indices = @transform_3, window_bounds = array<i64: 1000, 256>}, {transform_indices = @transform_4, window_bounds = array<i64: 1000, 128>}]} {
    %get3A = arith.constant 0 : index
    %get3A_0 = arith.constant 0 : index
    %get3A_1 = vector.load %arg1[%get3A, %get3A_0] : memref<1000x128xf32, #tpu.memory_space<vmem>>, vector<1000x128xf32>
    %get3A_2 = arith.constant 0 : index
    %get3A_3 = arith.constant 0 : index
    %get3A_4 = vector.load %arg2[%get3A_2, %get3A_3] : memref<128x256xf32, #tpu.memory_space<vmem>>, vector<128x256xf32>
    %dot_general3A = arith.constant dense<0.000000e+00> : vector<1000x256xf32>
    %dot_general3A_5 = tpu.matmul %get3A_1, %get3A_4, %dot_general3A {dimension_numbers = #tpu.dot_dimension_numbers<[1], [0], [0], [1], [0, 0, 1, 1], [], []>, transpose_lhs_hint = false} : vector<1000x128xf32>, vector<128x256xf32>, vector<1000x256xf32> -> vector<1000x256xf32>
    %swap3A = arith.constant 0 : index
    %swap3A_6 = arith.constant 0 : index
    %swap3A_7 = vector.load %arg4[%swap3A, %swap3A_6] : memref<1000x256xf32, #tpu.memory_space<vmem>>, vector<1000x256xf32>
    tpu.vector_store %arg4[%swap3A, %swap3A_6], %dot_general3A_5 {strides = array<i32>} : memref<1000x256xf32, #tpu.memory_space<vmem>>, vector<1000x256xf32>,
    %get3A_8 = arith.constant 0 : index
    %get3A_9 = arith.constant 0 : index
    %get3A_10 = vector.load %arg3[%get3A_8, %get3A_9] : memref<128x128xf32, #tpu.memory_space<vmem>>, vector<128x128xf32>
    %dot_general3A_11 = arith.constant dense<0.000000e+00> : vector<1000x128xf32>
    %dot_general3A_12 = tpu.matmul %get3A_1, %get3A_10, %dot_general3A_11 {dimension_numbers = #tpu.dot_dimension_numbers<[1], [0], [0], [1], [0, 0, 1, 1], [], []>, transpose_lhs_hint = false} : vector<1000x128xf32>, vector<128x128xf32>, vector<1000x128xf32> -> vector<1000x128xf32>
    %mul3A = arith.constant 2.500000e-01 : f32
    %mul3A_13 = vector.broadcast %mul3A : f32 to vector<1000x128xf32>
    %mul3A_14 = arith.mulf %dot_general3A_12, %mul3A_13 : vector<1000x128xf32>
    %swap3A_15 = arith.constant 0 : index
    %swap3A_16 = arith.constant 0 : index
    %swap3A_17 = vector.load %arg5[%swap3A_15, %swap3A_16] : memref<1000x128xf32, #tpu.memory_space<vmem>>, vector<1000x128xf32>
    tpu.vector_store %arg5[%swap3A_15, %swap3A_16], %mul3A_14 {strides = array<i32>} : memref<1000x128xf32, #tpu.memory_space<vmem>>, vector<1000x128xf32>,
    return
  }
  func.func @transform_0(%arg0: i32) -> (i32, i32) {
    %c0_i32 = arith.constant 0 : i32
    %c0_i32_0 = arith.constant 0 : i32
    return %arg0, %c0_i32 : i32, i32
  }
  func.func @transform_1(%arg0: i32) -> (i32, i32) {
    %c0_i32 = arith.constant 0 : i32
    %c0_i32_0 = arith.constant 0 : i32
    %c0_i32_1 = arith.constant 0 : i32
    return %c0_i32, %c0_i32_0 : i32, i32
  }
  func.func @transform_2(%arg0: i32) -> (i32, i32) {
    %c0_i32 = arith.constant 0 : i32
    %c0_i32_0 = arith.constant 0 : i32
    %c0_i32_1 = arith.constant 0 : i32
    return %c0_i32, %c0_i32_0 : i32, i32
  }
  func.func @transform_3(%arg0: i32) -> (i32, i32) {
    %c0_i32 = arith.constant 0 : i32
    %c0_i32_0 = arith.constant 0 : i32
    return %arg0, %c0_i32 : i32, i32
  }
  func.func @transform_4(%arg0: i32) -> (i32, i32) {
    %c0_i32 = arith.constant 0 : i32
    %c0_i32_0 = arith.constant 0 : i32
    return %arg0, %c0_i32 : i32, i32
  }
}

module attributes {stable_mosaic.version = 14 : i64} {
  func.func @_ehm_body(%arg0: i32, %arg1: memref<2000x16xf32, #tpu.memory_space<vmem>>, %arg2: memref<16x128xf32, #tpu.memory_space<vmem>>, %arg3: memref<2000x128xf32, #tpu.memory_space<vmem>>) attributes {dimension_semantics = [#tpu.dimension_semantics<arbitrary>], iteration_bounds = array<i64: 160>, scalar_prefetch = 0 : i64, scratch_operands = 0 : i64, tpu.core_type = #tpu.core_type<tc>, window_params = [{transform_indices = @transform_0, window_bounds = array<i64: 2000, 16>}, {pipeline_mode = #tpu.pipeline_mode<synchronous>, transform_indices = @transform_1, window_bounds = array<i64: 16, 128>}, {transform_indices = @transform_2, window_bounds = array<i64: 2000, 128>}]} {
    %get3A = arith.constant 0 : index
    %get3A_0 = arith.constant 0 : index
    %get3A_1 = vector.load %arg1[%get3A, %get3A_0] : memref<2000x16xf32, #tpu.memory_space<vmem>>, vector<2000x16xf32>
    %get3A_2 = arith.constant 0 : index
    %get3A_3 = arith.constant 0 : index
    %get3A_4 = vector.load %arg2[%get3A_2, %get3A_3] : memref<16x128xf32, #tpu.memory_space<vmem>>, vector<16x128xf32>
    %dot_general3A = arith.constant dense<0.000000e+00> : vector<2000x128xf32>
    %dot_general3A_5 = tpu.matmul %get3A_1, %get3A_4, %dot_general3A {dimension_numbers = #tpu.dot_dimension_numbers<[1], [0], [0], [1], [0, 0, 1, 1], [], []>, transpose_lhs_hint = false} : vector<2000x16xf32>, vector<16x128xf32>, vector<2000x128xf32> -> vector<2000x128xf32>
    %swap3A = arith.constant 0 : index
    %swap3A_6 = arith.constant 0 : index
    %swap3A_7 = vector.load %arg3[%swap3A, %swap3A_6] : memref<2000x128xf32, #tpu.memory_space<vmem>>, vector<2000x128xf32>
    tpu.vector_store %arg3[%swap3A, %swap3A_6], %dot_general3A_5 {strides = array<i32>} : memref<2000x128xf32, #tpu.memory_space<vmem>>, vector<2000x128xf32>,
    return
  }
  func.func @transform_0(%arg0: i32) -> (i32, i32) {
    %c0_i32 = arith.constant 0 : i32
    %c0_i32_0 = arith.constant 0 : i32
    return %arg0, %c0_i32 : i32, i32
  }
  func.func @transform_1(%arg0: i32) -> (i32, i32) {
    %c0_i32 = arith.constant 0 : i32
    %c0_i32_0 = arith.constant 0 : i32
    %c0_i32_1 = arith.constant 0 : i32
    return %c0_i32, %c0_i32_0 : i32, i32
  }
  func.func @transform_2(%arg0: i32) -> (i32, i32) {
    %c0_i32 = arith.constant 0 : i32
    %c0_i32_0 = arith.constant 0 : i32
    return %arg0, %c0_i32 : i32, i32
  }
}

module attributes {stable_mosaic.version = 14 : i64} {
  func.func @_fin_body(%arg0: i32, %arg1: memref<2x1000x128xf32, #tpu.memory_space<vmem>>, %arg2: memref<2x1000x8xf32, #tpu.memory_space<vmem>>, %arg3: memref<8x128xf32, #tpu.memory_space<vmem>>, %arg4: memref<1000x128xf32, #tpu.memory_space<vmem>>) attributes {dimension_semantics = [#tpu.dimension_semantics<arbitrary>], iteration_bounds = array<i64: 10>, scalar_prefetch = 0 : i64, scratch_operands = 0 : i64, tpu.core_type = #tpu.core_type<tc>, window_params = [{transform_indices = @transform_0, window_bounds = array<i64: 2, 1000, 128>}, {transform_indices = @transform_1, window_bounds = array<i64: 2, 1000, 8>}, {pipeline_mode = #tpu.pipeline_mode<synchronous>, transform_indices = @transform_2, window_bounds = array<i64: 8, 128>}, {transform_indices = @transform_3, window_bounds = array<i64: 1000, 128>}]} {
    %get3A = arith.constant 0 : index
    %get3A_0 = arith.constant 0 : index
    %get3A_1 = arith.constant 0 : index
    %get3A_2 = vector.load %arg2[%get3A, %get3A_0, %get3A_1] : memref<2x1000x8xf32, #tpu.memory_space<vmem>>, vector<1x1000x8xf32>
    %get3A_3 = vector.shape_cast %get3A_2 : vector<1x1000x8xf32> to vector<1000x8xf32>
    %get3A_4 = arith.constant 1 : index
    %get3A_5 = arith.constant 0 : index
    %get3A_6 = arith.constant 0 : index
    %get3A_7 = vector.load %arg2[%get3A_4, %get3A_5, %get3A_6] : memref<2x1000x8xf32, #tpu.memory_space<vmem>>, vector<1x1000x8xf32>
    %get3A_8 = vector.shape_cast %get3A_7 : vector<1x1000x8xf32> to vector<1000x8xf32>
    %add3A = arith.addf %get3A_3, %get3A_8 : vector<1000x8xf32>
    %add3A_9 = arith.constant 9.99999997E-7 : f32
    %add3A_10 = vector.broadcast %add3A_9 : f32 to vector<1000x8xf32>
    %add3A_11 = arith.addf %add3A, %add3A_10 : vector<1000x8xf32>
    %div3A = arith.constant 1.000000e+00 : f32
    %div3A_12 = vector.broadcast %div3A : f32 to vector<1000x8xf32>
    %div3A_13 = arith.divf %div3A_12, %add3A_11 : vector<1000x8xf32>
    %get3A_14 = arith.constant 0 : index
    %get3A_15 = arith.constant 0 : index
    %get3A_16 = vector.load %arg3[%get3A_14, %get3A_15] : memref<8x128xf32, #tpu.memory_space<vmem>>, vector<8x128xf32>
    %dot_general3A = arith.constant dense<0.000000e+00> : vector<1000x128xf32>
    %dot_general3A_17 = tpu.matmul %div3A_13, %get3A_16, %dot_general3A {dimension_numbers = #tpu.dot_dimension_numbers<[1], [0], [0], [1], [0, 0, 1, 1], [], []>, transpose_lhs_hint = false} : vector<1000x8xf32>, vector<8x128xf32>, vector<1000x128xf32> -> vector<1000x128xf32>
    %get3A_18 = arith.constant 0 : index
    %get3A_19 = arith.constant 0 : index
    %get3A_20 = arith.constant 0 : index
    %get3A_21 = vector.load %arg1[%get3A_18, %get3A_19, %get3A_20] : memref<2x1000x128xf32, #tpu.memory_space<vmem>>, vector<1x1000x128xf32>
    %get3A_22 = vector.shape_cast %get3A_21 : vector<1x1000x128xf32> to vector<1000x128xf32>
    %get3A_23 = arith.constant 1 : index
    %get3A_24 = arith.constant 0 : index
    %get3A_25 = arith.constant 0 : index
    %get3A_26 = vector.load %arg1[%get3A_23, %get3A_24, %get3A_25] : memref<2x1000x128xf32, #tpu.memory_space<vmem>>, vector<1x1000x128xf32>
    %get3A_27 = vector.shape_cast %get3A_26 : vector<1x1000x128xf32> to vector<1000x128xf32>
    %add3A_28 = arith.addf %get3A_22, %get3A_27 : vector<1000x128xf32>
    %mul3A = arith.mulf %add3A_28, %dot_general3A_17 : vector<1000x128xf32>
    %swap3A = arith.constant 0 : index
    %swap3A_29 = arith.constant 0 : index
    %swap3A_30 = vector.load %arg4[%swap3A, %swap3A_29] : memref<1000x128xf32, #tpu.memory_space<vmem>>, vector<1000x128xf32>
    tpu.vector_store %arg4[%swap3A, %swap3A_29], %mul3A {strides = array<i32>} : memref<1000x128xf32, #tpu.memory_space<vmem>>, vector<1000x128xf32>,
    return
  }
  func.func @transform_0(%arg0: i32) -> (i32, i32, i32) {
    %c0_i32 = arith.constant 0 : i32
    %c0_i32_0 = arith.constant 0 : i32
    %c0_i32_1 = arith.constant 0 : i32
    return %c0_i32, %arg0, %c0_i32_0 : i32, i32, i32
  }
  func.func @transform_1(%arg0: i32) -> (i32, i32, i32) {
    %c0_i32 = arith.constant 0 : i32
    %c0_i32_0 = arith.constant 0 : i32
    %c0_i32_1 = arith.constant 0 : i32
    return %c0_i32, %arg0, %c0_i32_0 : i32, i32, i32
  }
  func.func @transform_2(%arg0: i32) -> (i32, i32) {
    %c0_i32 = arith.constant 0 : i32
    %c0_i32_0 = arith.constant 0 : i32
    %c0_i32_1 = arith.constant 0 : i32
    return %c0_i32, %c0_i32_0 : i32, i32
  }
  func.func @transform_3(%arg0: i32) -> (i32, i32) {
    %c0_i32 = arith.constant 0 : i32
    %c0_i32_0 = arith.constant 0 : i32
    return %arg0, %c0_i32 : i32, i32
  }
}

</mosaic_0001>

<sc_bundles>
// kernel: kernel.6.cloned.1.call-start
scs
__scs_entry_jumppad:
0x0: {  	(pc) =	sbr.rel $0x88, $3  }
0x1: {  	(tag) =	ssettag $0x0;
	lr =	simm.s32 $0x1  }
0x2: {  	[smem:$0x3F9A] =	sst lr;
	_ =	strace $0xD0000000  }
0x3: {  	_ = 	snop  }
0x4: {  	_ = 	snop  }
0x5: {  	_ = 	snop  }
0x6: {  	_ = 	snop  }
0x7: {  	_ = 	snop  }
__scs_overlays_trampoline_lowered:
0x8: {  	[smem:$0x3FA9] =	sst s0  }
0x9: {  	[smem:$0x3FAA] =	sst s1  }
0xa: {  	[smem:$0x3FAB] =	sst s2  }
0xb: {  	[smem:$0x3FAC] =	sst s3  }
0xc: {  	[smem:$0x3FAD] =	sst s4  }
0xd: {  	[smem:$0x3FAE] =	sst s5  }
0xe: {  	[smem:$0x3FAF] =	sst s6  }
0xf: {  	[smem:$0x3FB0] =	sst s7  }
0x10: {  	[smem:$0x3FB1] =	sst s8  }
0x11: {  	[smem:$0x3FB2] =	sst s9;
	s0 =	simm.s32 @!p0 $0x0  }
0x12: {  	s1 =	sld [smem:$0x3F98];
	s0 =	simm.s32 @p0 $0x1  }
0x13: {  	[smem:$0x3FB3] =	sst s0;
	s0 =	simm.s32 @!p1 $0x0  }
0x14: {  	s2 =	sld [smem:$0x3F97];
	s0 =	simm.s32 @p1 $0x1  }
0x15: {  	[smem:$0x3FB4] =	sst s0;
	s0 =	simm.s32 @!p2 $0x0  }
0x16: {  	s3 =	sld [smem:$0x3FDB];
	s0 =	simm.s32 @p2 $0x1  }
0x17: {  	s4 =	simm.s32 $0x1BF5;
	[smem:$0x3FB6] =	sst s0  }
0x18: {  	s0 =	sld [smem:$0x3F99];
	_ =	swait.ge [sflag:s4], $0x0  }
0x19: {  	s7 =	sld [smem:$0x3F9A]  }
0x1a: {  	s8 =	sadd.s32 $0xFFFFE003, lr  }
0x1b: {  	s9 =	sadd.s32 $0xFFFFFEF7, lr;
	s5 =	simm.s32 $0xFFFFFFFF;
	p2 =	slt.u32 s8, $0xFFFFF086  }
0x1c: {  	p1 =	slt.u32 s9, $0xF7A;
	s5 =	simm.s32 @!p2 $0x0  }
0x1d: {  	s5 =	simm.s32 @p1 $0x1;
	p0 =	seq.s32 s7, s2  }
0x1e: {  	s7 =	smul.u32 @!p0 $0xF7A, s2;
	p2 =	seq.s32 @!p0 s5, $0x0  }
0x1f: {  	s9 =	smul.u32 $0xF7A, s1;
	s8 =	simm.s32 @!p0 $0x1BF5;
	p2 =	por !p2, p0  }
0x20: {  	[sflag:s8] =	ssyncset.s32 @!p0 $0xFFFFF086;
	s6 =	sadd.s32 @!p0 s3, s7;
	s7 =	simm.s32 @!p0 $0x108  }
0x21: {  	s3 =	sadd.s32 s3, s9;
	s6 =	sadd.s32 @!p0 $0x88, s6;
	s7 =	simm.s32 @p2 $0x1082  }
0x22: {  	[simem:s7], [sflag:s8] =	dma.local @!p0 [hbm:s6], $0xF7A  }
0x23: {  	s9 =	sor.u32 $0xD0000000, s2;
	s6 =	simm.s32 $0x108;
	_ =	swait.ge @!p0 [sflag:s8], $0x0  }
0x24: {  	s3 =	sadd.s32 $0x88, s3;
	s6 =	simm.s32 @!p1 $0x1082;
	[sflag:s4] =	ssyncset.s32 $0xFFFFF086  }
0x25: {  	[simem:s6], [sflag:s4] =	dma.local [hbm:s3], $0xF7A  }
0x26: {  	[smem:$0x3F9A] =	sst s1;
	(tag) =	ssettag s2;
	_ =	strace s9  }
0x27: {  	s1 =	sld [smem:$0x3FAA]  }
0x28: {  	s2 =	sld [smem:$0x3FAB]  }
0x29: {  	s4 =	sld [smem:$0x3FAD]  }
0x2a: {  	p0 =	seq.s32 s5, $0x0;
	s5 =	sld [smem:$0x3FAE]  }
0x2b: {  	s6 =	sld [smem:$0x3FAF]  }
0x2c: {  	s7 =	sld [smem:$0x3FB0]  }
0x2d: {  	s3 =	simm.s32 $0x108;
	s8 =	sld [smem:$0x3FB1]  }
0x2e: {  	s3 =	simm.s32 @!p0 $0x1082;
	s9 =	sld [smem:$0x3FB2]  }
0x2f: {  	lr =	sadd.s32 s0, s3;
	s0 =	sld [smem:$0x3FA9]  }
0x30: {  	s3 =	sld [smem:$0x3FAC]  }
0x31: {  	[smem:$0x3FB5] =	sst s10  }
0x32: {  	s10 =	sld [smem:$0x3FB3];
	_ =	sdelay $0x3  }
0x33: {  	p0 =	seq.s32 s10, $0x1;
	s10 =	sld [smem:$0x3FB5];
	_ =	sdelay $0x3  }
0x34: {  	[smem:$0x3FB5] =	sst s10  }
0x35: {  	s10 =	sld [smem:$0x3FB4];
	_ =	sdelay $0x3  }
0x36: {  	p1 =	seq.s32 s10, $0x1;
	s10 =	sld [smem:$0x3FB5];
	_ =	sdelay $0x3  }
0x37: {  	[smem:$0x3FB5] =	sst s10  }
0x38: {  	s10 =	sld [smem:$0x3FB6]  }
0x39: {  	_ = 	snop;
	(pc) =	sbr.ind lr, $3  }
0x3a: {  	_ = 	snop  }
0x3b: {  	_ = 	snop  }
0x3c: {  	p2 =	seq.s32 s10, $0x1;
	s10 =	sld [smem:$0x3FB5]  }
0x3d: {  	_ =	shalt  }
0x3e: {  	_ =	shalt  }
0x3f: {  	_ =	shalt  }
0x40: {  	_ =	shalt  }
0x41: {  	_ =	shalt  }
0x42: {  	_ =	shalt  }
0x43: {  	_ =	shalt  }
0x44: {  	_ =	shalt  }
0x45: {  	_ =	shalt  }
0x46: {  	_ =	shalt  }
0x47: {  	_ =	shalt  }
0x48: {  	_ =	shalt  }
0x49: {  	_ =	shalt  }
0x4a: {  	_ =	shalt  }
0x4b: {  	_ =	shalt  }
0x4c: {  	_ =	shalt  }
0x4d: {  	_ =	shalt  }
0x4e: {  	_ =	shalt  }
0x4f: {  	_ =	shalt  }
0x50: {  	_ =	shalt  }
0x51: {  	_ =	shalt  }
0x52: {  	_ =	shalt  }
0x53: {  	_ =	shalt  }
0x54: {  	_ =	shalt  }
0x55: {  	_ =	shalt  }
0x56: {  	_ =	shalt  }
0x57: {  	_ =	shalt  }
0x58: {  	_ =	shalt  }
0x59: {  	_ =	shalt  }
0x5a: {  	_ =	shalt  }
0x5b: {  	_ =	shalt  }
0x5c: {  	_ =	shalt  }
0x5d: {  	_ =	shalt  }
0x5e: {  	_ =	shalt  }
0x5f: {  	_ =	shalt  }
0x60: {  	_ =	shalt  }
0x61: {  	_ =	shalt  }
0x62: {  	_ =	shalt  }
0x63: {  	_ =	shalt  }
0x64: {  	_ =	shalt  }
0x65: {  	_ =	shalt  }
0x66: {  	_ =	shalt  }
0x67: {  	_ =	shalt  }
0x68: {  	_ =	shalt  }
0x69: {  	_ =	shalt  }
0x6a: {  	_ =	shalt  }
0x6b: {  	_ =	shalt  }
0x6c: {  	_ =	shalt  }
0x6d: {  	_ =	shalt  }
0x6e: {  	_ =	shalt  }
0x6f: {  	_ =	shalt  }
0x70: {  	_ =	shalt  }
0x71: {  	_ =	shalt  }
0x72: {  	_ =	shalt  }
0x73: {  	_ =	shalt  }
0x74: {  	_ =	shalt  }
0x75: {  	_ =	shalt  }
0x76: {  	_ =	shalt  }
0x77: {  	_ =	shalt  }
0x78: {  	_ =	shalt  }
0x79: {  	_ =	shalt  }
0x7a: {  	_ =	shalt  }
0x7b: {  	_ =	shalt  }
0x7c: {  	_ =	shalt  }
0x7d: {  	_ =	shalt  }
0x7e: {  	_ =	shalt  }
0x7f: {  	_ =	shalt  }
0x80: {  	_ =	shalt  }
0x81: {  	_ =	shalt  }
0x82: {  	_ =	shalt  }
0x83: {  	_ =	shalt  }
0x84: {  	_ =	shalt  }
0x85: {  	_ =	shalt  }
0x86: {  	_ =	shalt  }
0x87: {  	_ =	shalt  }
.Lfunc_end0:
.L_simem_size_0:
called_computation_lowered:
.L_overlay_start_0:
0x88: {  	s2 =	sld [smem:$0x3FD9]  }
0x89: {  	s3 =	sld [smem:$0x3FFE];
	_ =	sdelay $0x1  }
0x8a: {  	s1 =	srdreg.scid  }
0x8b: {  	s0 =	sand.u32 $0x1, s1  }
0x8c: {  	s17 =	sshll.u32 s0, $0xA;
	s2 =	sadd.s32 s3, s2  }
0x8d: {  	s2 =	sadd.s32 s2, s17  }
0x8e: {  	[smem:$0x3FC1] =	sst s2  }
0x8f: {  	_ = 	snop  }
0x90: {  	s2 =	sld [smem:$0x3FD0];
	(tm) =	ssettm $0x1  }
0x91: {  	s18 =	sld [smem:$0x3FFB];
	_ =	sdelay $0x3  }
0x92: {  	_ =	strace s18  }
0x93: {  	s3 =	sld [smem:$0x3FFC];
	_ =	sdelay $0x3  }
0x94: {  	_ =	strace s3  }
0x95: {  	s3 =	sld [smem:$0x3FFD];
	_ =	sdelay $0x3  }
0x96: {  	_ =	strace s3  }
0x97: {  	_ =	strace $0x8FFFFFFF  }
0x98: {  	s19 =	sld [smem:$0x3FDB];
	_ =	sdelay $0x1  }
0x99: {  	s4 =	simm.s32 $_scs_section_size  }
0x9a: {  	s5 =	simm.s32 $_size__tile_overlayer_lowered;
	s6 =	simm.s32 $_tile_overlayer_lowered  }
0x9b: {  	s22 =	simm.s32 $0x1BFF;
	s21 =	sshll.u32 s6, $0x1;
	s3 =	sadd.s32 s4, s19  }
0x9c: {  	s7 =	simm.s32 $0x0;
	s20 =	sshll.u32 s5, $0x1;
	s5 =	sadd.s32 s21, s3  }
0x9d: {  	[timem:s7], [sflag:s22] =	dma.local [hbm:s5], s20  }
0x9e: {  	_ =	swait.ge [sflag:s22], s20  }
0x9f: {  	s4 =	ssub.s32 $0x0, s20;
	[sflag:s22] =	ssyncset.done $0x0  }
0xa0: {  	[sflag:s22] =	ssyncadd.s32 s4;
	_ =	sdelay $0x1  }
0xa1: {  	s23 =	simm.s32 $0x1B8B  }
0xa2: {  	_ =	swait.ge [sflag:s23], $0x1  }
0xa3: {  	[sflag:s23] =	ssyncset.done $0x0  }
0xa4: {  	s25 =	simm.s32 $0x1B8E;
	s24 =	sld [smem:$0x3FFE];
	[sflag:s23] =	ssyncadd.s32 $0xFFFFFFFF  }
0xa5: {  	s26 =	simm.s32 $execute0_lowered;
	[smem:$0x3FD2] =	sst s25  }
0xa6: {  	s5 =	sshll.u32 s26, $0x1;
	_ =	strace $0x80000046;
	[dreg:$0x1] =	wrdreg $0xFFFFFFFF  }
0xa7: {  	s28 =	simm.s32 $_size_execute0_lowered;
	s3 =	sadd.s32 s3, s5;
	[dreg:$0x0] =	wrdreg $0x0  }
0xa8: {  	s5 =	sshll.u32 s28, $0x1;
	[dreg:$0x2] =	wrdreg s3  }
0xa9: {  	[dreg:$0x3] =	wrdreg s5  }
0xaa: {  	[dreg:$0x4] =	wrdreg $0xC0  }
0xab: {  	_ =	task [dreg:s7], $0x5FFFF  }
0xac: {  	[dreg:$0x1] =	wrdreg $0xFFFFFFFF  }
0xad: {  	[dreg:$0x0] =	wrdreg $0x60  }
0xae: {  	[dreg:$0x2] =	wrdreg s24  }
0xaf: {  	[dreg:$0x3] =	wrdreg s2  }
0xb0: {  	[dreg:$0x4] =	wrdreg $0xA3700  }
0xb1: {  	[dreg:$0x5] =	wrdreg $0x1DBF00  }
0xb2: {  	[dreg:$0x6] =	wrdreg $0x9  }
0xb3: {  	_ =	task.clear_ibuf [dreg:s7], $0x7FFFF;
	_ =	strace $0x90000046  }
0xb4: {  	s29 =	simm.s32 $0x9;
	_ =	strace $0x80000048  }
0xb5: {  	_ =	swait.ge [sflag:s29], $0x1  }
0xb6: {  	[sflag:s29] =	ssyncadd.s32 $0xFFFFFFFF  }
0xb7: {  	_ =	strace $0x90000048  }
0xb8: {  	_ =	sfence  }
0xb9: {  	s30 =	sld [smem:$0x0];
	_ =	sdelay $0x2  }
0xba: {  	s31 =	sshll.u32 s1, $0xD;
	s1 =	sshrl.u32 s1, $0x2  }
0xbb: {  	s3 =	sand.u32 $0x4000, s31;
	s1 =	sadd.s32 s1, s30  }
0xbc: {  	s0 =	sor.u32 s3, s0;
	s1 =	sshll.u32 s1, $0x11  }
0xbd: {  	s0 =	sor.u32 s1, s0  }
0xbe: {  	s0 =	sadd.s32 $0x8F2B, s0  }
0xbf: {  	[sflag:s0] =	ssyncadd.remote.s32 $0x1  }
0xc0: {  	_ =	sfence.sel $0xFFFF  }
0xc1: {  	[dreg:$0x0] =	wrdreg $0xFFFFFFFF;
	(pc) =	sbr.abs _section_cstart, $3  }
0xc2: {  	[dreg:$0x1] =	wrdreg $0xFFFFFFFF  }
0xc3: {  	_ =	task.clear_ibuf [dreg:s7], $0x2FFFF;
	_ =	strace $0x9FFFFFFF  }
0xc4: {  	(tm) =	ssettm $0x7FFFFFFF  }
0xc5: {  	_ =	shalt  }
tec
execute0_lowered:
.L_overlay_start_1:
0x0: {  	(tag) =	ssettag $0x1  }
0x1: {  	s0 =	rddreg [dreg:$0x0]  }
0x2: {  	s1 =	rddreg [dreg:$0x1]  }
0x3: {  	s2 =	rddreg [dreg:$0x2];
	s4 =	simm.s32 $0x0;
	v16 =	vlaneseq.u32  }
0x4: {  	[smem:$0x7FF] =	sst s4;
	v0 =	vor.u32 $0x10, v16  }
0x5: {  	s3 =	rddreg [dreg:$0x3];
	v50 =	vor.u32 $0x20, v16;
	_ =	strace $0x80000047;
	[tilespmem:$0x1FBF0] =	vst v0  }
0x6: {  	v51 =	vor.u32 $0x30, v16;
	[tilespmem:$0x1FC00] =	vst v50  }
0x7: {  	v52 =	vor.u32 $0x40, v16;
	[tilespmem:$0x1FC10] =	vst v51  }
0x8: {  	s5 =	srdreg.scid;
	v53 =	vor.u32 $0x50, v16;
	[tilespmem:$0x1FC20] =	vst v52  }
0x9: {  	s28 =	simm.s32 $0xA348;
	s6 =	sadd.s32 $0x1800, s0;
	s7 =	sadd.s32 $0x545400, s0;
	v54 =	vor.u32 $0x60, v16;
	[tilespmem:$0x1FC30] =	vst v53  }
0xa: {  	s8 =	sadd.s32 $0x531A00, s0;
	s4 =	stileid.u32;
	s10 =	sadd.s32 $0x54A00, s0;
	v55 =	vor.u32 $0x70, v16;
	[tilespmem:$0x1FC40] =	vst v54  }
0xb: {  	s11 =	sand.u32 $0x1, s5;
	s12 =	sadd.s32 $0x4FA00, s0;
	v56 =	vor.u32 $0x90, v16;
	s5 =	smul.u32 $0x270, s4;
	[tilespmem:$0x1FC50] =	vst v55  }
0xc: {  	v57 =	vor.u32 $0xA0, v16;
	s17 =	ssub.s32 $0x2, s11;
	s13 =	smul.u32 $0x13800, s4;
	s14 =	sshll.u32 s4, $0x1;
	[tilespmem:$0x1FC60] =	vst v56  }
0xd: {  	v58 =	vor.u32 $0xB0, v16;
	s15 =	smul.u32 $0x1380, s4;
	[tilespmem:$0x1FC70] =	vst v57;
	p0 =	sne.s32 s4, $0xF;
	s9 =	sshrl.u32 s17, $0x1  }
0xe: {  	v59 =	vor.u32 $0xC0, v16;
	[tilespmem:$0x1FC80] =	vst v58;
	s0 =	ssub.s32 s17, s9;
	s9 =	sor.u32 s11, s14;
	s18 =	sadd.s32 $0x28, s5  }
0xf: {  	v1 =	vor.u32 $0xD0, v16;
	[tilespmem:$0x1FC90] =	vst v59;
	s29 =	sadd.s32 s13, s2;
	s30 =	sadd.s32 s15, s3;
	s19 =	sadd.s32 $0x50, s5  }
0x10: {  	v61 =	vor.u32 $0xE0, v16;
	[tilespmem:$0x1FCA0] =	vst v1;
	s17 =	sadd.s32 $0x78, s5;
	s26 =	sadd.s32 $0xA0, s5;
	s16 =	sshll.u32 s18, $0x7  }
0x11: {  	v3 =	vimm.s32 $0x43210765;
	v62 =	vor.u32 $0xF0, v16;
	[tilespmem:$0x1FCB0] =	vst v61;
	s14 =	sshll.u32 s18, $0x3;
	s20 =	sshll.u32 s19, $0x7;
	s18 =	sshll.u32 s17, $0x7  }
0x12: {  	v4 =	vimm.s32 $0x54321076;
	vm0 =	vcmask $0x3B1C;
	v63 =	vor.u32 $0x100, v16;
	[tilespmem:$0x1FCC0] =	vst v62;
	s23 =	sshll.u32 s17, $0x3;
	s31 =	sshll.u32 s26, $0x7;
	[dreg:$0x5] =	wrdreg s29  }
0x13: {  	v29 =	vimm.s32 $0x0;
	vm5 =	vcmask $0x3718;
	v8 =	vor.u32 $0x110, v16;
	[tilespmem:$0x1FCD0] =	vst v63;
	s17 =	sadd.s32 $0xF0, s5;
	s0 =	smax.u32 s0, $0x1;
	[dreg:$0x6] =	wrdreg s30  }
0x14: {  	vm2 =	vcmask $0x2304;
	v31 =	vimm.s32 $0x8;
	v17 =	vsel vm5, $0x8, v29;
	[tilespmem:$0x1FCE0] =	vst v8;
	s16 =	sadd.s32 s16, s2;
	s14 =	sadd.s32 s14, s3;
	[smem:$0x7FB] =	sst s0  }
0x15: {  	v11 =	vunpack.c.l.s4.s8 v3;
	v3 =	vunpack.c.l.s4.s8 v4;
	v4 =	vsel vm2, $0x8, v29;
	[tilespmem:$0x1FED0] =	vst v17;
	s22 =	sadd.s32 s18, s2;
	s18 =	sshll.u32 s17, $0x7;
	[dreg:$0x7] =	wrdreg s16  }
0x16: {  	vm1 =	vcmask $0x2708;
	v7 =	vsel vm0, $0x0, v31;
	[tilespmem:$0x1FEF0] =	vst v4;
	s0 =	simm.s32 $0x5050;
	[dreg:$0x8] =	wrdreg s14;
	s16 =	sshll.u32 s19, $0x3  }
0x17: {  	v42 =	vsel vm1, $0x0, v31;
	[tilespmem:$0x1FF10] =	vst v7;
	s19 =	smul.u32 $0x138800, s11;
	s14 =	sadd.s32 s20, s2;
	[dreg:$0xb] =	wrdreg s22  }
0x18: {  	v43 =	vsel vm2, $0x0, v31;
	[tilespmem:$0x1FF30] =	vst v42;
	s11 =	smul.u32 $0x13880, s11;
	[dreg:$0x9] =	wrdreg s14;
	s21 =	sadd.s32 s16, s3  }
0x19: {  	v37 =	vor.u32 $0x80, v16;
	[tilespmem:$0x1FF40] =	vst v43;
	s22 =	sadd.s32 $0x140, s5;
	s14 =	sadd.s32 s23, s3;
	[dreg:$0xa] =	wrdreg s21  }
0x1a: {  	vm6 =	vcmask $0x3314;
	v35 =	vimm.s32 $0x88878685;
	v12 =	vsel vm5, $0x0, v31;
	[tilespmem:$0x1FF80] =	vst v37;
	s23 =	sshll.u32 s22, $0x7;
	s13 =	sadd.s32 s13, s19;
	[dreg:$0xc] =	wrdreg s14  }
0x1b: {  	v36 =	vimm.s32 $0x8D8C8B8A;
	v24 =	vsel vm6, $0x0, v31;
	v13 =	vunpack.c.0.s8.s32 v35;
	[tilespmem:$0x1FFC0] =	vst v12;
	s24 =	sshrl.u32 s19, $0x3;
	s25 =	sadd.s32 s15, s11;
	s11 =	sshrl.u32 s11, $0x3  }
0x1c: {  	v39 =	vimm.s32 $0x85848382;
	v14 =	vunpack.c.0.s8.s32 v36;
	[tilespmem:$0x1FFD0] =	vst v24;
	s14 =	sadd.s32 $0xC8, s5;
	s19 =	sadd.s32 $0x118, s5;
	s13 =	sshrl.u32 s13, $0x3  }
0x1d: {  	v47 =	vimm.s32 $0x8A898887;
	v15 =	vunpack.c.0.s8.s32 v39;
	[tilespmem:$0x1FD90] =	vst v13;
	s11 =	sadd.s32 s12, s11;
	s15 =	sshll.u32 s14, $0x7;
	s20 =	sshll.u32 s19, $0x7  }
0x1e: {  	v49 =	vunpack.c.0.s8.s32 v47;
	[tilespmem:$0x1FDC0] =	vst v14;
	s21 =	sshll.u32 s19, $0x3;
	s19 =	sadd.s32 $0x1E0, s5;
	s13 =	sadd.s32 s10, s13  }
0x1f: {  	[tilespmem:$0x1FDE0] =	vst v15;
	s10 =	sadd.s32 s10, s24;
	[dreg:$0xd] =	wrdreg s13;
	s13 =	sshrl.u32 s25, $0x3  }
0x20: {  	v59 =	vor.u32 $0x120, v16;
	[tilespmem:$0x1FE50] =	vst v49;
	s25 =	sadd.s32 $0x168, s5;
	s13 =	sadd.s32 s12, s13;
	s12 =	sadd.s32 s31, s2  }
0x21: {  	v61 =	vor.u32 $0x130, v16;
	[tilespmem:$0x1FEA0] =	vst v59;
	s31 =	sadd.s32 $0x190, s5;
	[dreg:$0xe] =	wrdreg s13;
	s13 =	sshll.u32 s26, $0x3  }
0x22: {  	v62 =	vand.u32 $0x7, v16;
	[tilespmem:$0x1FEB0] =	vst v61;
	[dreg:$0xf] =	wrdreg s12;
	s26 =	sshll.u32 s25, $0x7;
	s12 =	sadd.s32 s13, s3  }
0x23: {  	vm4 =	vcmask $0x2F10;
	v52 =	vsel vm6, $0x8, v29;
	[tilespmem:$0x1FEC0] =	vst v62;
	s13 =	sshll.u32 s14, $0x3;
	[dreg:$0x10] =	wrdreg s12;
	s12 =	sadd.s32 s15, s2  }
0x24: {  	v8 =	vsel vm4, $0x0, v31;
	[tilespmem:$0x1FEE0] =	vst v52;
	s14 =	simm.s32 $0x50;
	s16 =	sadd.s32 s13, s3;
	[dreg:$0x11] =	wrdreg s12  }
0x25: {  	v60 =	vimm.s32 $0x7654321;
	v10 =	vimm.s32 $0x21076543;
	v55 =	vsel vm1, $0x8, v29;
	[tilespmem:$0x1FF20] =	vst v8;
	s13 =	sadd.s32 s18, s2;
	[dreg:$0x12] =	wrdreg s16;
	s12 =	sshll.u32 s17, $0x3  }
0x26: {  	v2 =	vimm.s32 $0x32107654;
	vm3 =	vcmask $0x2B0C;
	v54 =	vsel vm0, $0x8, v29;
	[tilespmem:$0x1FF70] =	vst v55;
	[dreg:$0x13] =	wrdreg s13;
	s13 =	sshll.u32 s22, $0x3;
	s12 =	sadd.s32 s12, s3  }
0x27: {  	v33 =	vimm.s32 $0x808F8E8D;
	v0 =	vunpack.c.l.s4.s8 v60;
	v60 =	vsel vm3, $0x0, v31;
	[tilespmem:$0x1FFA0] =	vst v54;
	s15 =	sshll.u32 s31, $0x3;
	s24 =	sadd.s32 s13, s3;
	[dreg:$0x14] =	wrdreg s12  }
0x28: {  	v2 =	vunpack.c.l.s4.s8 v2;
	v28 =	vshrl.u32 v16, $0x3;
	v63 =	vsel vm4, $0x8, v29;
	[tilespmem:$0x1FFB0] =	vst v60;
	s16 =	sadd.s32 $0x1B8, s5;
	s13 =	sadd.s32 s26, s2;
	[dreg:$0x18] =	wrdreg s24  }
0x29: {  	v1 =	vunpack.c.l.s4.s8 v10;
	v56 =	vsel vm3, $0x8, v29;
	v10 =	vunpack.c.0.s8.s32 v33;
	[tilespmem:$0x1FFE0] =	vst v63;
	s17 =	sshll.u32 s16, $0x7;
	s12 =	sadd.s32 s20, s2;
	[dreg:$0x19] =	wrdreg s13  }
0x2a: {  	v53 =	vmul.u32 $0x8, v28;
	[tilespmem:$0x1FFF0] =	vst v56;
	s13 =	sshll.u32 s31, $0x7;
	s20 =	sshll.u32 s19, $0x7;
	s24 =	sadd.s32 $0x230, s5  }
0x2b: {  	v20 =	vunpack.c.0.s8.s32 v2;
	[tilespmem:$0x1FD70] =	vst v10;
	s31 =	smul.u32 $0x9C4, s9;
	[dreg:$0x15] =	wrdreg s12;
	s12 =	sadd.s32 s21, s3  }
0x2c: {  	v38 =	vimm.s32 $0x81808F8E;
	v22 =	vunpack.c.0.s8.s32 v3;
	[tilespmem:$0x1FF90] =	vst v53;
	s21 =	sadd.s32 $0x208, s5;
	[dreg:$0x16] =	wrdreg s12;
	s12 =	sadd.s32 s23, s2  }
0x2d: {  	v57 =	vimm.s32 $0x8B8A8988;
	v2 =	vunpack.c.0.s8.s32 v38;
	[tilespmem:$0x1FD20] =	vst v20;
	s26 =	sshll.u32 s24, $0x3;
	s5 =	sadd.s32 $0x258, s5;
	[dreg:$0x17] =	wrdreg s12  }
0x2e: {  	v30 =	vmul.u32 $0xFFFFFFF8, v28;
	v58 =	vunpack.c.0.s8.s32 v57;
	[tilespmem:$0x1FD40] =	vst v22;
	s12 =	sshll.u32 s25, $0x3;
	s25 =	sshll.u32 s24, $0x7;
	s24 =	sadd.s32 $0x27000, s10  }
0x2f: {  	[tilespmem:$0x1FDD0] =	vst v2;
	s22 =	sshll.u32 s21, $0x7;
	s12 =	sadd.s32 s12, s3;
	[smem:$0x7F9] =	sst s24  }
0x30: {  	v0 =	vunpack.c.0.s8.s32 v0;
	v6 =	vadd.s32 $0x8, v30;
	[tilespmem:$0x1FE90] =	vst v58;
	s23 =	sshll.u32 s21, $0x3;
	[dreg:$0x1a] =	wrdreg s12;
	s12 =	sadd.s32 s13, s2  }
0x31: {  	v3 =	vimm.s32 $0x89888786;
	v1 =	vunpack.c.0.s8.s32 v1;
	[tilespmem:$0x1FF00] =	vst v6;
	s13 =	sshll.u32 s16, $0x3;
	[dreg:$0x1b] =	wrdreg s12;
	s12 =	sadd.s32 s15, s3  }
0x32: {  	v3 =	vunpack.c.0.s8.s32 v3;
	[tilespmem:$0x1FCF0] =	vst v0;
	s16 =	sshll.u32 s5, $0x7;
	s18 =	sadd.s32 s13, s3;
	[dreg:$0x1c] =	wrdreg s12  }
0x33: {  	vm0 =	vcmask $0x1F10;
	[tilespmem:$0x1FD10] =	vst v1;
	s5 =	sshll.u32 s5, $0x3;
	s13 =	sadd.s32 s20, s2;
	[dreg:$0x1e] =	wrdreg s18  }
0x34: {  	v9 =	vimm.s32 $0x10765432;
	v32 =	vimm.s32 $0x8C8B8A89;
	v2 =	vsel vm0, v2, v14;
	[tilespmem:$0x1FDF0] =	vst v3;
	s10 =	simm.s32 $0x0;
	s5 =	sadd.s32 s5, s3;
	[dreg:$0x1f] =	wrdreg s13  }
0x35: {  	v0 =	vunpack.c.l.s4.s8 v9;
	v9 =	vunpack.c.0.s8.s32 v32;
	v3 =	vsel vm0, v3, v15;
	[tilespmem:$0x1FE00] =	vst v2;
	s20 =	sadd.s32 s8, s31;
	s31 =	sadd.s32 $0x13800, s3;
	[smem:$0x7F4] =	sst s5  }
0x36: {  	[tilespmem:$0x1FE10] =	vst v3;
	v2 =	vcombine.low v3, v2;
	s12 =	sadd.s32 s17, s2;
	s17 =	smul.u32 $0xFA, s9;
	[smem:$0x7F5] =	sst s20  }
0x37: {  	v3 =	vimm.s32 $0x8E8D8C8B;
	v0 =	vunpack.c.0.s8.s32 v0;
	[tilespmem:$0x1FD60] =	vst v9;
	v40 =	vsel vm0, v10, v9;
	s24 =	simm.s32 $0x4;
	s9 =	smul.u32 $0x27100, s9;
	[smem:$0x7FD] =	sst s31  }
0x38: {  	v21 =	vimm.s32 $0x65432107;
	v3 =	vunpack.c.0.s8.s32 v3;
	[tilespmem:$0x1FDA0] =	vst v40;
	s5 =	simm.s32 $0x3C50;
	[dreg:$0x1d] =	wrdreg s12;
	s12 =	sshll.u32 s19, $0x3  }
0x39: {  	v34 =	vimm.s32 $0x84838281;
	[tilespmem:$0x1FD00] =	vst v0;
	v0 =	vunpack.c.0.s8.s32 v11;
	s13 =	simm.s32 $0x28;
	s20 =	simm.s32 $0x7A08;
	s12 =	sadd.s32 s12, s3  }
0x3a: {  	v23 =	vunpack.c.l.s4.s8 v21;
	v11 =	vunpack.c.0.s8.s32 v34;
	[tilespmem:$0x1FE20] =	vst v3;
	s15 =	sor.u32 $0x1, s17;
	s21 =	sadd.s32 s7, s9;
	[smem:$0x7EE] =	sst s12  }
0x3b: {  	v45 =	vimm.s32 $0x8281808F;
	[tilespmem:$0x1FD30] =	vst v0;
	s12 =	sadd.s32 s22, s2;
	s18 =	smul.u32 $0xA, s15;
	[smem:$0x7F6] =	sst s21  }
0x3c: {  	v46 =	vimm.s32 $0x86858483;
	v0 =	vunpack.c.0.s8.s32 v23;
	[tilespmem:$0x1FD80] =	vst v11;
	v41 =	vsel vm0, v13, v11;
	s19 =	smul.u32 $0x280, s15;
	[smem:$0x7EF] =	sst s12;
	s12 =	sadd.s32 s23, s3  }
0x3d: {  	[tilespmem:$0x1FDB0] =	vst v41;
	s15 =	simm.s32 $0x2850;
	s21 =	simm.s32 $0x8E08;
	[smem:$0x7F0] =	sst s12  }
0x3e: {  	v13 =	vand.u32 $0xFF, v2;
	v1 =	vcombine.low v41, v40;
	[tilespmem:$0x1FD50] =	vst v0;
	v0 =	vunpack.c.0.s8.s32 v45;
	s12 =	sadd.s32 s25, s2;
	s22 =	sadd.s32 s8, s18;
	s23 =	sadd.s32 s7, s19  }
0x3f: {  	v48 =	vimm.s32 $0x8F8E8D8C;
	[tilespmem:$0x1FF60] =	vst v13;
	s25 =	sadd.s32 $0x2700, s11;
	s11 =	simm.s32 $0x5;
	[smem:$0x7F1] =	sst s12  }
0x40: {  	v44 =	vand.u32 $0xFF, v1;
	v1 =	vunpack.c.0.s8.s32 v46;
	[tilespmem:$0x1FE30] =	vst v0;
	s18 =	simm.s32 $0x5208;
	s19 =	simm.s32 $0x51E0;
	[smem:$0x7F7] =	sst s22  }
.Ltmp0:
0x41: {  	v50 =	vimm.s32 $0x83828180;
	v0 =	vunpack.c.0.s8.s32 v48;
	[tilespmem:$0x1FF50] =	vst v44;
	s12 =	sadd.s32 s26, s3;
	[smem:$0x7F8] =	sst s23;
	(pc) =	sbr.rel .LBB2_1-.Ltmp0, $4  }
0x42: {  	v51 =	vimm.s32 $0x87868584;
	[tilespmem:$0x1FE40] =	vst v1;
	v1 =	vunpack.c.0.s8.s32 v50;
	[smem:$0x7FA] =	sst s25;
	s26 =	sadd.s32 $0x138000, s2;
	s22 =	simm.s32 $0x2  }
0x43: {  	[tilespmem:$0x1FE60] =	vst v0;
	v0 =	vunpack.c.0.s8.s32 v51;
	s23 =	simm.s32 $0x5190;
	s25 =	simm.s32 $0x3;
	[smem:$0x7F2] =	sst s12  }
0x44: {  	[tilespmem:$0x1FE70] =	vst v1;
	s12 =	sadd.s32 s16, s2;
	[smem:$0x7FC] =	sst s26;
	s16 =	simm.s32 $0x51B8  }
0x45: {  	v5 =	vimm.f32 $0.0e+00;
	[tilespmem:$0x1FE80] =	vst v0;
	s26 =	simm.s32 $0xA208;
	[smem:$0x7F3] =	sst s12;
	s12 =	simm.s32 $0x1  }
.LBB2_14:
0x46: {  	s4 =	stileid.u32;
	[bflag:$0x0] =	sbarrier.arrive $0xFFFF  }
0x47: {  	s4 =	sshll.u32 s4, $0x6;
	s29 =	rddreg [dreg:$0x5]  }
0x48: {  	s10 =	rddreg [dreg:$0xd];
	s4 =	sor.u32 $0x1C05, s4;
	s9 =	sshrl.u32 s29, $0x3  }
0x49: {  	[hbm:s10], [sflag:s4] =	dma.local [spmem:s9], $0x2700  }
0x4a: {  	_ =	swait.ge [sflag:s11], $0x2700  }
0x4b: {  	[sflag:s11] =	ssyncset.done $0x0;
	s30 =	rddreg [dreg:$0x6]  }
0x4c: {  	s31 =	rddreg [dreg:$0xe];
	[sflag:s11] =	ssyncadd.s32 $0xFFFFD900;
	s10 =	sshrl.u32 s30, $0x3  }
0x4d: {  	[hbm:s31], [sflag:s4] =	dma.local [spmem:s10], $0x270  }
0x4e: {  	_ =	swait.ge [sflag:s11], $0x270  }
0x4f: {  	s9 =	sld [smem:$0x7FC]  }
0x50: {  	s10 =	sld [smem:$0x7F9]  }
0x51: {  	[sflag:s11] =	ssyncset.done $0x0  }
0x52: {  	[sflag:s11] =	ssyncadd.s32 $0xFFFFFD90;
	s9 =	sshrl.u32 @!p0 s9, $0x3  }
0x53: {  	[hbm:s10], [sflag:s4] =	dma.local @!p0 [spmem:s9], $0x100  }
0x54: {  	s9 =	simm.s32 @!p0 $0x5  }
0x55: {  	_ =	swait.ge @!p0 [sflag:s9], $0x100  }
0x56: {  	s10 =	sld [smem:$0x7FD]  }
0x57: {  	s31 =	sld [smem:$0x7FA]  }
0x58: {  	[sflag:s9] =	ssyncset.done @!p0 $0x0  }
0x59: {  	[sflag:s9] =	ssyncadd.s32 @!p0 $0xFFFFFF00;
	s10 =	sshrl.u32 @!p0 s10, $0x3  }
0x5a: {  	[hbm:s31], [sflag:s4] =	dma.local @!p0 [spmem:s10], $0x10  }
0x5b: {  	_ =	swait.ge @!p0 [sflag:s9], $0x10  }
0x5c: {  	s4 =	sld [smem:$0x7ED]  }
0x5d: {  	s31 =	sld [smem:$0x7FB];
	_ =	sdelay $0x1  }
0x5e: {  	s10 =	sadd.s32 $0x1, s4  }
0x5f: {  	p1 =	sne.s32 s10, s31  }
.Ltmp1:
0x60: {  	_ = 	snop;
	(pc) =	sbr.rel @!p1 .LBB2_15-.Ltmp1, $3  }
0x61: {  	_ =	sdelay $0x1  }
0x62: {  	[sflag:s9] =	ssyncset.done @!p0 $0x0  }
0x63: {  	v5 =	vimm.f32 $0.0e+00;
	v55 =	vld [tilespmem:$0x1FF70];
	[sflag:s9] =	ssyncadd.s32 @!p0 $0xFFFFFFF0  }
.LBB2_1:
0x64: {  	[smem:$0x7ED] =	sst s10;
	s9 =	simm.s32 $0x0;
	s10 =	simm.s32 $0x200  }
.LBB2_2:
0x65: {  	p1 =	sne.s32 s10, $0x4E00;
	[tilespmem:s9+$0x3CC0] =	vst v5  }
0x66: {  	[tilespmem:s9+$0x3C50] =	vst v5  }
0x67: {  	[tilespmem:s9+$0x3C60] =	vst v5  }
.Ltmp2:
0x68: {  	[tilespmem:s9+$0x3C70] =	vst v5;
	(pc) =	sbr.rel @p1 .LBB2_2-.Ltmp2, $4  }
0x69: {  	[tilespmem:s9+$0x3C80] =	vst v5  }
0x6a: {  	[tilespmem:s9+$0x3C90] =	vst v5  }
0x6b: {  	[tilespmem:s9+$0x3CA0] =	vst v5  }
0x6c: {  	[tilespmem:s9+$0x3CB0] =	vst v5;
	s9 =	sshra.s32 s10, $0x2;
	s10 =	sadd.s32 $0x200, s10  }
0x6d: {  	[tilespmem:s9+$0x3CC0] =	vst v5  }
0x6e: {  	[tilespmem:s9+$0x3C50] =	vst v5;
	v0 =	vld [tilespmem:$0x1FBF0]  }
0x6f: {  	[tilespmem:s9+$0x3C60] =	vst v5;
	v41 =	vld [tilespmem:$0x1FC00]  }
0x70: {  	[tilespmem:s9+$0x3C70] =	vst v5;
	v42 =	vld [tilespmem:$0x1FC10]  }
0x71: {  	[tilespmem:s9+$0x3C80] =	vst v5;
	v43 =	vld [tilespmem:$0x1FC20]  }
0x72: {  	[tilespmem:s9+$0x3C90] =	vst v5;
	v44 =	vld [tilespmem:$0x1FC30]  }
0x73: {  	[tilespmem:s9+$0x3CA0] =	vst v5;
	v45 =	vld [tilespmem:$0x1FC40]  }
0x74: {  	[tilespmem:s9+$0x3CB0] =	vst v5;
	v46 =	vld [tilespmem:$0x1FC50]  }
0x75: {  	[tilespmem:v16+s0+$0x0] =	vst.idx.msk $0xffff, v5  }
0x76: {  	v47 =	vld [tilespmem:$0x1FC60];
	[tilespmem:v0+s0+$0x0] =	vst.idx.msk $0xffff, v5  }
0x77: {  	v48 =	vld [tilespmem:$0x1FC70];
	[tilespmem:v41+s0+$0x0] =	vst.idx.msk $0xffff, v5  }
0x78: {  	v49 =	vld [tilespmem:$0x1FC80];
	[tilespmem:v42+s0+$0x0] =	vst.idx.msk $0xffff, v5  }
0x79: {  	v50 =	vld [tilespmem:$0x1FC90];
	[tilespmem:v43+s0+$0x0] =	vst.idx.msk $0xffff, v5  }
0x7a: {  	v51 =	vld [tilespmem:$0x1FCA0];
	[tilespmem:v44+s0+$0x0] =	vst.idx.msk $0xffff, v5  }
0x7b: {  	v52 =	vld [tilespmem:$0x1FCB0];
	[tilespmem:v45+s0+$0x0] =	vst.idx.msk $0xffff, v5  }
0x7c: {  	v57 =	vld [tilespmem:$0x1FCC0];
	[tilespmem:v46+s0+$0x0] =	vst.idx.msk $0xffff, v5  }
0x7d: {  	v58 =	vld [tilespmem:$0x1FCD0];
	[tilespmem:v37+s0+$0x0] =	vst.idx.msk $0xffff, v5  }
0x7e: {  	v59 =	vld [tilespmem:$0x1FCE0];
	[tilespmem:v47+s0+$0x0] =	vst.idx.msk $0xffff, v5  }
0x7f: {  	v61 =	vld [tilespmem:$0x1FEA0];
	[tilespmem:v48+s0+$0x0] =	vst.idx.msk $0xffff, v5  }
0x80: {  	v62 =	vld [tilespmem:$0x1FEB0];
	[tilespmem:v49+s0+$0x0] =	vst.idx.msk $0xffff, v5  }
0x81: {  	[tilespmem:v50+s0+$0x0] =	vst.idx.msk $0xffff, v5  }
0x82: {  	[tilespmem:v51+s0+$0x0] =	vst.idx.msk $0xffff, v5  }
0x83: {  	[tilespmem:v52+s0+$0x0] =	vst.idx.msk $0xffff, v5  }
0x84: {  	[tilespmem:v57+s0+$0x0] =	vst.idx.msk $0xffff, v5  }
0x85: {  	[tilespmem:v58+s0+$0x0] =	vst.idx.msk $0xffff, v5  }
0x86: {  	[tilespmem:v59+s0+$0x0] =	vst.idx.msk $0xffff, v5  }
0x87: {  	[tilespmem:v61+s0+$0x0] =	vst.idx.msk $0xffff, v5  }
0x88: {  	[tilespmem:v62+s0+$0x0] =	vst.idx.msk $0xffff, v5  }
0x89: {  	[spmem:s29] =	stream.linear.scatter [tilespmem:s5], [sflag:$0x5], $0x1400, $0x38;
	[tilespmem:$0x1EF78] =	vst v63  }
0x8a: {  	_ =	swait.ge [sflag:s11], $0x1400  }
0x8b: {  	[sflag:s11] =	ssyncset.done $0x0  }
0x8c: {  	[sflag:s11] =	ssyncadd.s32 $0xFFFFEC00  }
0x8d: {  	[spmem:s30] =	stream.linear.scatter [tilespmem:s0], [sflag:$0x5], $0x140, $0x38;
	[tilespmem:$0x1EF78] =	vst v63  }
0x8e: {  	_ =	swait.ge [sflag:s11], $0x140  }
0x8f: {  	[sflag:s11] =	ssyncset.done $0x0  }
0x90: {  	s4 =	rddreg [dreg:$0x7];
	[sflag:s11] =	ssyncadd.s32 $0xFFFFFEC0  }
0x91: {  	[spmem:s4] =	stream.linear.scatter [tilespmem:s5], [sflag:$0x5], $0x1400, $0x38;
	[tilespmem:$0x1EF78] =	vst v63  }
0x92: {  	_ =	swait.ge [sflag:s11], $0x1400  }
0x93: {  	[sflag:s11] =	ssyncset.done $0x0  }
0x94: {  	s29 =	rddreg [dreg:$0x8];
	[sflag:s11] =	ssyncadd.s32 $0xFFFFEC00  }
0x95: {  	[spmem:s29] =	stream.linear.scatter [tilespmem:s0], [sflag:$0x5], $0x140, $0x38;
	[tilespmem:$0x1EF78] =	vst v63  }
0x96: {  	_ =	swait.ge [sflag:s11], $0x140  }
0x97: {  	[sflag:s11] =	ssyncset.done $0x0  }
0x98: {  	s30 =	rddreg [dreg:$0x9];
	[sflag:s11] =	ssyncadd.s32 $0xFFFFFEC0  }
0x99: {  	[spmem:s30] =	stream.linear.scatter [tilespmem:s5], [sflag:$0x5], $0x1400, $0x38;
	[tilespmem:$0x1EF78] =	vst v63  }
0x9a: {  	_ =	swait.ge [sflag:s11], $0x1400  }
0x9b: {  	[sflag:s11] =	ssyncset.done $0x0  }
0x9c: {  	s31 =	rddreg [dreg:$0xa];
	[sflag:s11] =	ssyncadd.s32 $0xFFFFEC00  }
0x9d: {  	[spmem:s31] =	stream.linear.scatter [tilespmem:s0], [sflag:$0x5], $0x140, $0x38;
	[tilespmem:$0x1EF78] =	vst v63  }
0x9e: {  	_ =	swait.ge [sflag:s11], $0x140  }
0x9f: {  	[sflag:s11] =	ssyncset.done $0x0  }
0xa0: {  	s9 =	rddreg [dreg:$0xb];
	[sflag:s11] =	ssyncadd.s32 $0xFFFFFEC0  }
0xa1: {  	[spmem:s9] =	stream.linear.scatter [tilespmem:s5], [sflag:$0x5], $0x1400, $0x38;
	[tilespmem:$0x1EF78] =	vst v63  }
0xa2: {  	_ =	swait.ge [sflag:s11], $0x1400  }
0xa3: {  	[sflag:s11] =	ssyncset.done $0x0  }
0xa4: {  	s10 =	rddreg [dreg:$0xc];
	[sflag:s11] =	ssyncadd.s32 $0xFFFFEC00  }
0xa5: {  	[spmem:s10] =	stream.linear.scatter [tilespmem:s0], [sflag:$0x5], $0x140, $0x38;
	[tilespmem:$0x1EF78] =	vst v63  }
0xa6: {  	_ =	swait.ge [sflag:s11], $0x140  }
0xa7: {  	[sflag:s11] =	ssyncset.done $0x0  }
0xa8: {  	s29 =	rddreg [dreg:$0xf];
	[sflag:s11] =	ssyncadd.s32 $0xFFFFFEC0  }
0xa9: {  	[spmem:s29] =	stream.linear.scatter [tilespmem:s5], [sflag:$0x5], $0x1400, $0x38;
	[tilespmem:$0x1EF78] =	vst v63  }
0xaa: {  	_ =	swait.ge [sflag:s11], $0x1400  }
0xab: {  	[sflag:s11] =	ssyncset.done $0x0  }
0xac: {  	s30 =	rddreg [dreg:$0x10];
	[sflag:s11] =	ssyncadd.s32 $0xFFFFEC00  }
0xad: {  	[spmem:s30] =	stream.linear.scatter [tilespmem:s0], [sflag:$0x5], $0x140, $0x38;
	[tilespmem:$0x1EF78] =	vst v63  }
0xae: {  	_ =	swait.ge [sflag:s11], $0x140  }
0xaf: {  	[sflag:s11] =	ssyncset.done $0x0  }
0xb0: {  	s31 =	rddreg [dreg:$0x11];
	[sflag:s11] =	ssyncadd.s32 $0xFFFFFEC0  }
0xb1: {  	[spmem:s31] =	stream.linear.scatter [tilespmem:s5], [sflag:$0x5], $0x1400, $0x38;
	[tilespmem:$0x1EF78] =	vst v63  }
0xb2: {  	_ =	swait.ge [sflag:s11], $0x1400  }
0xb3: {  	[sflag:s11] =	ssyncset.done $0x0  }
0xb4: {  	s9 =	rddreg [dreg:$0x12];
	[sflag:s11] =	ssyncadd.s32 $0xFFFFEC00  }
0xb5: {  	[spmem:s9] =	stream.linear.scatter [tilespmem:s0], [sflag:$0x5], $0x140, $0x38;
	[tilespmem:$0x1EF78] =	vst v63  }
0xb6: {  	_ =	swait.ge [sflag:s11], $0x140  }
0xb7: {  	[sflag:s11] =	ssyncset.done $0x0  }
0xb8: {  	s10 =	rddreg [dreg:$0x13];
	[sflag:s11] =	ssyncadd.s32 $0xFFFFFEC0  }
0xb9: {  	[spmem:s10] =	stream.linear.scatter [tilespmem:s5], [sflag:$0x5], $0x1400, $0x38;
	[tilespmem:$0x1EF78] =	vst v63  }
0xba: {  	_ =	swait.ge [sflag:s11], $0x1400  }
0xbb: {  	[sflag:s11] =	ssyncset.done $0x0  }
0xbc: {  	s29 =	rddreg [dreg:$0x14];
	[sflag:s11] =	ssyncadd.s32 $0xFFFFEC00  }
0xbd: {  	[spmem:s29] =	stream.linear.scatter [tilespmem:s0], [sflag:$0x5], $0x140, $0x38;
	[tilespmem:$0x1EF78] =	vst v63  }
0xbe: {  	_ =	swait.ge [sflag:s11], $0x140  }
0xbf: {  	[sflag:s11] =	ssyncset.done $0x0  }
0xc0: {  	s30 =	rddreg [dreg:$0x15];
	[sflag:s11] =	ssyncadd.s32 $0xFFFFFEC0  }
0xc1: {  	[spmem:s30] =	stream.linear.scatter [tilespmem:s5], [sflag:$0x5], $0x1400, $0x38;
	[tilespmem:$0x1EF78] =	vst v63  }
0xc2: {  	_ =	swait.ge [sflag:s11], $0x1400  }
0xc3: {  	[sflag:s11] =	ssyncset.done $0x0  }
0xc4: {  	s31 =	rddreg [dreg:$0x16];
	[sflag:s11] =	ssyncadd.s32 $0xFFFFEC00  }
0xc5: {  	[spmem:s31] =	stream.linear.scatter [tilespmem:s0], [sflag:$0x5], $0x140, $0x38;
	[tilespmem:$0x1EF78] =	vst v63  }
0xc6: {  	_ =	swait.ge [sflag:s11], $0x140  }
0xc7: {  	[sflag:s11] =	ssyncset.done $0x0  }
0xc8: {  	s9 =	rddreg [dreg:$0x17];
	[sflag:s11] =	ssyncadd.s32 $0xFFFFFEC0  }
0xc9: {  	[spmem:s9] =	stream.linear.scatter [tilespmem:s5], [sflag:$0x5], $0x1400, $0x38;
	[tilespmem:$0x1EF78] =	vst v63  }
0xca: {  	_ =	swait.ge [sflag:s11], $0x1400  }
0xcb: {  	[sflag:s11] =	ssyncset.done $0x0  }
0xcc: {  	s10 =	rddreg [dreg:$0x18];
	[sflag:s11] =	ssyncadd.s32 $0xFFFFEC00  }
0xcd: {  	[spmem:s10] =	stream.linear.scatter [tilespmem:s0], [sflag:$0x5], $0x140, $0x38;
	[tilespmem:$0x1EF78] =	vst v63  }
0xce: {  	_ =	swait.ge [sflag:s11], $0x140  }
0xcf: {  	[sflag:s11] =	ssyncset.done $0x0  }
0xd0: {  	s29 =	rddreg [dreg:$0x19];
	[sflag:s11] =	ssyncadd.s32 $0xFFFFFEC0  }
0xd1: {  	[spmem:s29] =	stream.linear.scatter [tilespmem:s5], [sflag:$0x5], $0x1400, $0x38;
	[tilespmem:$0x1EF78] =	vst v63  }
0xd2: {  	_ =	swait.ge [sflag:s11], $0x1400  }
0xd3: {  	[sflag:s11] =	ssyncset.done $0x0  }
0xd4: {  	s30 =	rddreg [dreg:$0x1a];
	[sflag:s11] =	ssyncadd.s32 $0xFFFFEC00  }
0xd5: {  	[spmem:s30] =	stream.linear.scatter [tilespmem:s0], [sflag:$0x5], $0x140, $0x38;
	[tilespmem:$0x1EF78] =	vst v63  }
0xd6: {  	_ =	swait.ge [sflag:s11], $0x140  }
0xd7: {  	[sflag:s11] =	ssyncset.done $0x0  }
0xd8: {  	s31 =	rddreg [dreg:$0x1b];
	[sflag:s11] =	ssyncadd.s32 $0xFFFFFEC0  }
0xd9: {  	[spmem:s31] =	stream.linear.scatter [tilespmem:s5], [sflag:$0x5], $0x1400, $0x38;
	[tilespmem:$0x1EF78] =	vst v63  }
0xda: {  	_ =	swait.ge [sflag:s11], $0x1400  }
0xdb: {  	[sflag:s11] =	ssyncset.done $0x0  }
0xdc: {  	s9 =	rddreg [dreg:$0x1c];
	[sflag:s11] =	ssyncadd.s32 $0xFFFFEC00  }
0xdd: {  	[spmem:s9] =	stream.linear.scatter [tilespmem:s0], [sflag:$0x5], $0x140, $0x38;
	[tilespmem:$0x1EF78] =	vst v63  }
0xde: {  	_ =	swait.ge [sflag:s11], $0x140  }
0xdf: {  	[sflag:s11] =	ssyncset.done $0x0  }
0xe0: {  	s10 =	rddreg [dreg:$0x1d];
	[sflag:s11] =	ssyncadd.s32 $0xFFFFFEC0  }
0xe1: {  	[spmem:s10] =	stream.linear.scatter [tilespmem:s5], [sflag:$0x5], $0x1400, $0x38;
	[tilespmem:$0x1EF78] =	vst v63  }
0xe2: {  	_ =	swait.ge [sflag:s11], $0x1400  }
0xe3: {  	[sflag:s11] =	ssyncset.done $0x0  }
0xe4: {  	s29 =	rddreg [dreg:$0x1e];
	[sflag:s11] =	ssyncadd.s32 $0xFFFFEC00  }
0xe5: {  	[spmem:s29] =	stream.linear.scatter [tilespmem:s0], [sflag:$0x5], $0x140, $0x38;
	[tilespmem:$0x1EF78] =	vst v63  }
0xe6: {  	_ =	swait.ge [sflag:s11], $0x140  }
0xe7: {  	[sflag:s11] =	ssyncset.done $0x0  }
0xe8: {  	s30 =	rddreg [dreg:$0x1f];
	[sflag:s11] =	ssyncadd.s32 $0xFFFFFEC0  }
0xe9: {  	[spmem:s30] =	stream.linear.scatter [tilespmem:s5], [sflag:$0x5], $0x1400, $0x38;
	[tilespmem:$0x1EF78] =	vst v63  }
0xea: {  	_ =	swait.ge [sflag:s11], $0x1400  }
0xeb: {  	s31 =	sld [smem:$0x7EE]  }
0xec: {  	[sflag:s11] =	ssyncset.done $0x0  }
0xed: {  	[sflag:s11] =	ssyncadd.s32 $0xFFFFEC00  }
0xee: {  	[spmem:s31] =	stream.linear.scatter [tilespmem:s0], [sflag:$0x5], $0x140, $0x38;
	[tilespmem:$0x1EF78] =	vst v63  }
0xef: {  	_ =	swait.ge [sflag:s11], $0x140  }
0xf0: {  	s9 =	sld [smem:$0x7EF]  }
0xf1: {  	[sflag:s11] =	ssyncset.done $0x0  }
0xf2: {  	[sflag:s11] =	ssyncadd.s32 $0xFFFFFEC0  }
0xf3: {  	[spmem:s9] =	stream.linear.scatter [tilespmem:s5], [sflag:$0x5], $0x1400, $0x38;
	[tilespmem:$0x1EF78] =	vst v63  }
0xf4: {  	_ =	swait.ge [sflag:s11], $0x1400  }
0xf5: {  	s10 =	sld [smem:$0x7F0]  }
0xf6: {  	[sflag:s11] =	ssyncset.done $0x0  }
0xf7: {  	[sflag:s11] =	ssyncadd.s32 $0xFFFFEC00  }
0xf8: {  	[spmem:s10] =	stream.linear.scatter [tilespmem:s0], [sflag:$0x5], $0x140, $0x38;
	[tilespmem:$0x1EF78] =	vst v63  }
0xf9: {  	_ =	swait.ge [sflag:s11], $0x140  }
0xfa: {  	s29 =	sld [smem:$0x7F1]  }
0xfb: {  	[sflag:s11] =	ssyncset.done $0x0  }
0xfc: {  	[sflag:s11] =	ssyncadd.s32 $0xFFFFFEC0  }
0xfd: {  	[spmem:s29] =	stream.linear.scatter [tilespmem:s5], [sflag:$0x5], $0x1400, $0x38;
	[tilespmem:$0x1EF78] =	vst v63  }
0xfe: {  	_ =	swait.ge [sflag:s11], $0x1400  }
0xff: {  	s30 =	sld [smem:$0x7F2]  }
0x100: {  	[sflag:s11] =	ssyncset.done $0x0  }
0x101: {  	[sflag:s11] =	ssyncadd.s32 $0xFFFFEC00  }
0x102: {  	[spmem:s30] =	stream.linear.scatter [tilespmem:s0], [sflag:$0x5], $0x140, $0x38;
	[tilespmem:$0x1EF78] =	vst v63  }
0x103: {  	_ =	swait.ge [sflag:s11], $0x140  }
0x104: {  	s31 =	sld [smem:$0x7F3]  }
0x105: {  	[sflag:s11] =	ssyncset.done $0x0  }
0x106: {  	[sflag:s11] =	ssyncadd.s32 $0xFFFFFEC0  }
0x107: {  	[spmem:s31] =	stream.linear.scatter [tilespmem:s5], [sflag:$0x5], $0xC00, $0x38;
	[tilespmem:$0x1EF78] =	vst v63  }
0x108: {  	_ =	swait.ge [sflag:s11], $0xC00  }
0x109: {  	s9 =	sld [smem:$0x7F4]  }
0x10a: {  	[sflag:s11] =	ssyncset.done $0x0  }
0x10b: {  	[sflag:s11] =	ssyncadd.s32 $0xFFFFF400  }
0x10c: {  	[spmem:s9] =	stream.linear.scatter [tilespmem:s0], [sflag:$0x5], $0xC0, $0x38;
	[tilespmem:$0x1EF78] =	vst v63  }
0x10d: {  	_ =	swait.ge [sflag:s11], $0xC0  }
0x10e: {  	s4 =	sld [smem:$0x7FC]  }
0x10f: {  	[sflag:s11] =	ssyncset.done $0x0  }
0x110: {  	s9 =	simm.s32 @!p0 $0x3C50;
	[sflag:s11] =	ssyncadd.s32 $0xFFFFFF40  }
0x111: {  	[spmem:s4] =	stream.linear.scatter @!p0 [tilespmem:s9], [sflag:$0x5], $0x800, $0x38;
	[tilespmem:$0x1EF78] =	vst v63  }
0x112: {  	s9 =	simm.s32 @!p0 $0x5  }
0x113: {  	_ =	swait.ge @!p0 [sflag:s9], $0x800  }
0x114: {  	s4 =	sld [smem:$0x7FD]  }
0x115: {  	[sflag:s9] =	ssyncset.done @!p0 $0x0  }
0x116: {  	s10 =	simm.s32 @!p0 $0x5050;
	[sflag:s9] =	ssyncadd.s32 @!p0 $0xFFFFF800  }
0x117: {  	[spmem:s4] =	stream.linear.scatter @!p0 [tilespmem:s10], [sflag:$0x5], $0x80, $0x38;
	[tilespmem:$0x1EF78] =	vst v63  }
0x118: {  	_ =	swait.ge @!p0 [sflag:s9], $0x80  }
0x119: {  	[sflag:s9] =	ssyncset.done @!p0 $0x0  }
0x11a: {  	[sflag:s9] =	ssyncadd.s32 @!p0 $0xFFFFFF80  }
0x11b: {  	[bflag:$0x0] =	sbarrier.arrive $0xFFFF  }
0x11c: {  	s10 =	sld [smem:$0x7F5];
	_ =	sdelay $0x1  }
0x11d: {  	s9 =	simm.s32 $0x0  }
0x11e: {  	[tilespmem:s9], [sflag:$0x1] =	stream.linear.gather [hbm4b:s10+s9], $0x50, $0x38;
	[tilespmem:$0x1EF78] =	vst v63  }
0x11f: {  	_ =	swait.ge [sflag:s12], $0x50  }
0x120: {  	[sflag:s12] =	ssyncset.done $0x0  }
0x121: {  	[sflag:s12] =	ssyncadd.s32 $0xFFFFFFB0  }
0x122: {  	[tilespmem:s14], [sflag:$0x2] =	stream.indirect.gather [hbm4b:s6+s13], $0x100, s9, s13, $0xb8;
	[tilespmem:$0x1EF78] =	vst v63  }
0x123: {  	s29 =	sld [smem:$0x7F6]  }
0x124: {  	[tilespmem:s15], [sflag:$0x2] =	stream.indirect.gather [hbm4b:s1+s13], $0x80, s13, s13, $0xb8;
	[tilespmem:$0x1EF78] =	vst v63  }
0x125: {  	s30 =	sld [smem:$0x7F7]  }
0x126: {  	[tilespmem:s5], [sflag:$0x2] =	stream.linear.gather [hbm4b:s29+s9], $0x1400, $0x38;
	[tilespmem:$0x1EF78] =	vst v63  }
0x127: {  	_ = 	snop  }
0x128: {  	[tilespmem:s16], [sflag:$0x1] =	stream.linear.gather [hbm4b:s30+s9], $0x50, $0x38;
	[tilespmem:$0x1EF78] =	vst v63  }
0x129: {  	_ =	swait.ge [sflag:s12], $0x50  }
0x12a: {  	[sflag:s12] =	ssyncset.done $0x0  }
0x12b: {  	[sflag:s12] =	ssyncadd.s32 $0xFFFFFFB0  }
0x12c: {  	[tilespmem:s18], [sflag:$0x3] =	stream.indirect.gather [hbm4b:s6+s13], $0x100, s16, s13, $0xb8;
	[tilespmem:$0x1EF78] =	vst v63  }
0x12d: {  	s31 =	sld [smem:$0x7F8]  }
0x12e: {  	[tilespmem:s20], [sflag:$0x3] =	stream.indirect.gather [hbm4b:s1+s13], $0x80, s19, s13, $0xb8;
	[tilespmem:$0x1EF78] =	vst v63  }
0x12f: {  	_ = 	snop  }
0x130: {  	[tilespmem:s21], [sflag:$0x3] =	stream.linear.gather [hbm4b:s31+s9], $0x1400, $0x38;
	[tilespmem:$0x1EF78] =	vst v63  }
.LBB2_4:
0x131: {  	v0 =	vld [tilespmem:$0x28]  }
0x132: {  	v1 =	vld [tilespmem:$0x38]  }
0x133: {  	v2 =	vld [tilespmem:$0x40];
	_ =	sdelay $0x2  }
0x134: {  	[tilespmem:$0x5190] =	vst v0  }
0x135: {  	[tilespmem:$0x51A0] =	vst v1  }
0x136: {  	[tilespmem:$0x51A8] =	vst v2  }
0x137: {  	_ =	swait.ge [sflag:s22], $0x2800  }
0x138: {  	[sflag:s22] =	ssyncset.done $0x0  }
0x139: {  	[sflag:s22] =	ssyncadd.s32 $0xFFFFD800  }
0x13a: {  	s10 =	sshll.u32 s9, $0x1;
	_ =	swait.ge [sflag:s22], $0x1400  }
0x13b: {  	s10 =	sadd.s32 s17, s10;
	[sflag:s22] =	ssyncset.done $0x0  }
0x13c: {  	p1 =	seq.s32 s9, $0x7C;
	s30 =	sadd.s32 $0x2, s10;
	[sflag:s22] =	ssyncadd.s32 $0xFFFFEC00  }
0x13d: {  	s29 =	smul.u32 @!p1 $0xA, s30;
	_ =	swait.ge [sflag:s22], $0x1400  }
0x13e: {  	[sflag:s22] =	ssyncset.done $0x0  }
0x13f: {  	s31 =	simm.s32 @!p1 $0x0;
	s29 =	sadd.s32 @!p1 s8, s29;
	[sflag:s22] =	ssyncadd.s32 $0xFFFFEC00  }
0x140: {  	[tilespmem:s31], [sflag:$0x1] =	stream.linear.gather @!p1 [hbm4b:s29+s31], $0x50, $0x38;
	[tilespmem:$0x1EF78] =	vst v63  }
0x141: {  	s10 =	sadd.s32 $0x3, s10;
	s31 =	simm.s32 $0x0  }
.LBB2_5:
0x142: {  	v0 =	vld [tilespmem:$0x1FF40];
	_ =	sdelay $0x3  }
0x143: {  	v2 =	vimm.s32 $0x0;
	v47 =	vld [tilespmem:$0x1FD40]  }
0x144: {  	v20 =	vor.u32 v0, v2;
	v0 =	vld [tilespmem:$0x1FF30];
	_ =	sdelay $0x1  }
0x145: {  	s29 =	sshll.u32 s31, $0x4  }
0x146: {  	v11 =	vor.u32 s29, v16  }
0x147: {  	v6 =	vshll.u32 v11, $0x7  }
0x148: {  	v38 =	vld [tilespmem:$0x1FD30];
	vm1 =	vlt.u32 v11, $0x28;
	v1 =	vor.u32 v47, v6;
	v21 =	vor.u32 v0, v2  }
0x149: {  	v44 =	vadd.s32 v1, v21;
	_ =	sdelay $0x2  }
0x14a: {  	v22 =	vor.u32 v60, v2  }
0x14b: {  	v52 =	vld [tilespmem:$0x1FD50];
	v25 =	vor.u32 v12, v2;
	v12 =	vor.u32 v55, v2;
	v19 =	vor.u32 v38, v6  }
0x14c: {  	v8 =	vadd.s32 v19, v22;
	[tilespmem:$0x1FAF0] =	vst v1;
	v41 =	vadd.s32 v1, v12;
	v1 =	vld.idx.msk [tilespmem:v44+s15+$0x0], vm1;
	_ =	sdelay $0x1  }
0x14d: {  	v4 =	vld [tilespmem:$0x1FF20]  }
0x14e: {  	v5 =	vld [tilespmem:$0x1FD10];
	_ =	sdelay $0x1  }
0x14f: {  	v39 =	vor.u32 v52, v6;
	[tilespmem:$0x1FB40] =	vst v1;
	v1 =	vld.idx.msk [tilespmem:v8+s15+$0x0], vm1  }
0x150: {  	v3 =	vadd.s32 v39, v20  }
0x151: {  	v9 =	vld [tilespmem:$0x1FD20]  }
0x152: {  	v24 =	vor.u32 v24, v2;
	v23 =	vor.u32 v4, v2;
	v60 =	vor.u32 v5, v6;
	v4 =	vld [tilespmem:$0x1FD00]  }
0x153: {  	v10 =	vld [tilespmem:$0x1FEC0];
	v27 =	vadd.s32 v60, v24  }
0x154: {  	[tilespmem:$0x1FB30] =	vst v1;
	v1 =	vld [tilespmem:$0x1FCF0]  }
0x155: {  	v7 =	vld.idx.msk [tilespmem:v3+s15+$0x0], vm1  }
0x156: {  	v0 =	vor.u32 v9, v6  }
0x157: {  	v40 =	vor.u32 v4, v6;
	v28 =	vadd.s32 v0, v23  }
0x158: {  	v13 =	vshll.u32 v11, $0x8;
	v45 =	vor.u32 v10, v6;
	v26 =	vadd.s32 v40, v25;
	v42 =	vld.idx.msk [tilespmem:v27+s15+$0x0], vm1  }
0x159: {  	v50 =	vor.u32 v4, v13;
	v46 =	vor.u32 v1, v6;
	v49 =	vor.u32 v1, v13;
	v1 =	vld [tilespmem:$0x1FED0]  }
0x15a: {  	v30 =	vld.idx.msk [tilespmem:v41+s15+$0x0], vm1;
	v25 =	vadd.s32 v50, v25;
	[tilespmem:$0x1FB50] =	vst v7;
	v7 =	vor.u32 v53, v2  }
0x15b: {  	v48 =	vor.u32 v10, v13;
	v31 =	vld.idx.msk [tilespmem:v41+s5+$0x0], vm1;
	v17 =	vadd.s32 v45, v7  }
0x15c: {  	v43 =	vld.idx.msk [tilespmem:v28+s15+$0x0], vm1;
	v7 =	vadd.s32 v48, v7  }
0x15d: {  	v35 =	vor.u32 v54, v2;
	v29 =	vld.idx.msk [tilespmem:v26+s15+$0x0], vm1  }
0x15e: {  	v15 =	vadd.s32 v46, v35;
	v36 =	vor.u32 v1, v2;
	v1 =	vld [tilespmem:$0x1FEE0]  }
0x15f: {  	[tilespmem:$0x1FB20] =	vst v8;
	v25 =	vld.idx.msk [tilespmem:v25+s14+$0x0], vm1;
	v8 =	vadd.s32 v49, v35  }
0x160: {  	v14 =	vld.idx.msk [tilespmem:v17+s5+$0x0], vm1  }
0x161: {  	v57 =	vor.u32 v63, v2;
	v51 =	vor.u32 v5, v13;
	v58 =	vor.u32 v38, v13;
	v34 =	vld.idx.msk [tilespmem:v7+s14+$0x0], vm1  }
0x162: {  	v59 =	vor.u32 v52, v13;
	[tilespmem:$0x1FB00] =	vst v19;
	v35 =	vld.idx.msk [tilespmem:v17+s15+$0x0], vm1;
	v16 =	vadd.s32 v40, v36  }
0x163: {  	v10 =	vadd.s32 v0, v57;
	v7 =	vld.idx.msk [tilespmem:v15+s15+$0x0], vm1;
	v33 =	vor.u32 v1, v2;
	v1 =	vor.u32 v56, v2  }
0x164: {  	v36 =	vadd.s32 v50, v36;
	v61 =	vld.idx.msk [tilespmem:v8+s14+$0x0], vm1;
	v56 =	vor.u32 v9, v13;
	v19 =	vadd.s32 v19, v1  }
0x165: {  	v4 =	vadd.s32 v56, v57;
	v57 =	vor.u32 v47, v13;
	v13 =	vadd.s32 v58, v1;
	v1 =	vld [tilespmem:$0x1FEF0]  }
0x166: {  	v32 =	vld.idx.msk [tilespmem:v15+s5+$0x0], vm1  }
0x167: {  	v62 =	vld.idx.msk [tilespmem:v16+s5+$0x0], vm1  }
0x168: {  	v18 =	vadd.s32 v60, v33;
	v6 =	vld.idx.msk [tilespmem:v16+s15+$0x0], vm1  }
0x169: {  	v34 =	vmul.f32 v35, v34;
	v36 =	vld.idx.msk [tilespmem:v36+s14+$0x0], vm1  }
0x16a: {  	v33 =	vadd.s32 v51, v33;
	v7 =	vmul.f32 v7, v61;
	v61 =	vld.idx.msk [tilespmem:v10+s15+$0x0], vm1;
	v1 =	vor.u32 v1, v2  }
0x16b: {  	v14 =	vmul.f32 v14, v34;
	v34 =	vadd.s32 v39, v1;
	v5 =	vadd.s32 v59, v1;
	v1 =	vld [tilespmem:$0x1FF10]  }
0x16c: {  	v35 =	vadd.s32 v57, v12;
	v12 =	vld.idx.msk [tilespmem:v10+s5+$0x0], vm1  }
0x16d: {  	v63 =	vld.idx.msk [tilespmem:v18+s5+$0x0], vm1  }
0x16e: {  	v8 =	vld.idx.msk [tilespmem:v18+s15+$0x0], vm1  }
0x16f: {  	v33 =	vld.idx.msk [tilespmem:v33+s14+$0x0], vm1  }
0x170: {  	v52 =	vor.u32 v1, v2;
	v1 =	vld [tilespmem:$0x1FF00]  }
0x171: {  	v14 =	vadd.f32 $0.0e+00, v14;
	v47 =	vmul.f32 v32, v7;
	v4 =	vld.idx.msk [tilespmem:v4+s14+$0x0], vm1;
	v6 =	vmul.f32 v6, v36  }
0x172: {  	v9 =	vld.idx.msk [tilespmem:v19+s5+$0x0], vm1  }
0x173: {  	v14 =	vadd.f32 v47, v14;
	v7 =	vld.idx.msk [tilespmem:v19+s15+$0x0], vm1;
	v6 =	vmul.f32 v62, v6  }
0x174: {  	v38 =	vld.idx.msk [tilespmem:v13+s14+$0x0], vm1;
	v8 =	vmul.f32 v8, v33;
	v36 =	vadd.s32 v46, v52  }
0x175: {  	v35 =	vld.idx.msk [tilespmem:v35+s14+$0x0], vm1;
	v6 =	vadd.f32 v6, v14;
	v32 =	vadd.s32 v49, v52;
	v1 =	vor.u32 v1, v2  }
0x176: {  	v4 =	vmul.f32 v61, v4;
	v47 =	vld.idx.msk [tilespmem:v34+s15+$0x0], vm1;
	v8 =	vmul.f32 v63, v8;
	v13 =	vadd.s32 v45, v1  }
0x177: {  	v5 =	vld.idx.msk [tilespmem:v5+s14+$0x0], vm1;
	v1 =	vadd.s32 v48, v1  }
0x178: {  	v14 =	vld.idx.msk [tilespmem:v34+s5+$0x0], vm1;
	v4 =	vmul.f32 v12, v4;
	v12 =	vadd.s32 v51, v24;
	v6 =	vadd.f32 v8, v6  }
0x179: {  	v52 =	vld.idx.msk [tilespmem:v36+s15+$0x0], vm1  }
0x17a: {  	v7 =	vmul.f32 v7, v38;
	v4 =	vadd.f32 v4, v6;
	v6 =	vld.idx.msk [tilespmem:v32+s14+$0x0], vm1  }
0x17b: {  	v63 =	vld.idx.msk [tilespmem:v13+s15+$0x0], vm1  }
0x17c: {  	v24 =	vmul.f32 v30, v35;
	v7 =	vmul.f32 v9, v7;
	v1 =	vld.idx.msk [tilespmem:v1+s14+$0x0], vm1  }
0x17d: {  	v23 =	vadd.s32 v56, v23;
	v12 =	vld.idx.msk [tilespmem:v12+s14+$0x0], vm1  }
0x17e: {  	v24 =	vmul.f32 v31, v24;
	v5 =	vmul.f32 v47, v5;
	v4 =	vadd.f32 v7, v4;
	v30 =	vld.idx.msk [tilespmem:v13+s5+$0x0], vm1  }
0x17f: {  	v31 =	vld.idx.msk [tilespmem:v26+s5+$0x0], vm1  }
0x180: {  	v20 =	vadd.s32 v59, v20;
	v7 =	vld.idx.msk [tilespmem:v36+s5+$0x0], vm1;
	v5 =	vmul.f32 v14, v5;
	v4 =	vadd.f32 v24, v4  }
0x181: {  	v32 =	vld.idx.msk [tilespmem:v27+s5+$0x0], vm1;
	v1 =	vmul.f32 v63, v1  }
0x182: {  	v6 =	vmul.f32 v52, v6;
	v4 =	vadd.f32 v5, v4;
	v5 =	vld.idx.msk [tilespmem:v23+s14+$0x0], vm1  }
0x183: {  	v12 =	vmul.f32 v42, v12;
	v42 =	vld [tilespmem:$0x1FB20];
	v1 =	vmul.f32 v30, v1  }
0x184: {  	v22 =	vadd.s32 v58, v22;
	v14 =	vadd.s32 v57, v21  }
0x185: {  	v20 =	vld.idx.msk [tilespmem:v20+s14+$0x0], vm1;
	v21 =	vmul.f32 v29, v25;
	v6 =	vmul.f32 v7, v6;
	v1 =	vadd.f32 v1, v4  }
0x186: {  	v7 =	vld.idx.msk [tilespmem:v28+s5+$0x0], vm1  }
0x187: {  	v8 =	vmul.f32 v31, v21;
	v33 =	vmul.f32 v32, v12;
	v12 =	vld [tilespmem:$0x1FB30];
	v1 =	vadd.f32 v6, v1  }
0x188: {  	v5 =	vmul.f32 v43, v5;
	v43 =	vld [tilespmem:$0x1FB40]  }
0x189: {  	v4 =	vld.idx.msk [tilespmem:v22+s14+$0x0], vm1;
	v1 =	vadd.f32 v8, v1  }
0x18a: {  	v6 =	vld.idx.msk [tilespmem:v14+s14+$0x0], vm1  }
0x18b: {  	v5 =	vmul.f32 v7, v5;
	v14 =	vld.idx.msk [tilespmem:v42+s5+$0x0], vm1;
	v1 =	vadd.f32 v33, v1  }
0x18c: {  	v35 =	vld.idx.msk [tilespmem:v44+s5+$0x0], vm1  }
0x18d: {  	v1 =	vadd.f32 v5, v1;
	v5 =	vld [tilespmem:$0x1FB50]  }
0x18e: {  	v4 =	vmul.f32 v12, v4  }
0x18f: {  	v7 =	vld.idx.msk [tilespmem:v3+s5+$0x0], vm1  }
0x190: {  	v6 =	vmul.f32 v43, v6;
	v4 =	vmul.f32 v14, v4;
	_ =	sdelay $0x1  }
0x191: {  	v1 =	vadd.f32 v4, v1;
	v4 =	vmul.f32 v35, v6;
	v5 =	vmul.f32 v5, v20;
	_ =	sdelay $0x1  }
0x192: {  	v1 =	vadd.f32 v4, v1;
	v4 =	vmul.f32 v7, v5;
	_ =	sdelay $0x1  }
0x193: {  	v1 =	vadd.f32 v4, v1;
	_ =	sdelay $0x1  }
0x194: {  	v1 =	vmax.f32 v1, $-5.000000000e+00  }
0x195: {  	v1 =	vmin.f32 v1, $5.000000000e+00  }
0x196: {  	v1 =	vmul.f32 $1.442695020e+00, v1;
	_ =	sdelay $0x1  }
0x197: {  	(erf) = vpow2.f32 v1;
	_ =	sdelay $0x2  }
0x198: {  	v5 =	vshll.u32 v11, $0x3;
	v1 =	vand.u32 $0xFFFFFFF8, v2  }
0x199: {  	[tilespmem:$0x1FB60] =	vst v5;
	v4 =	vand.u32 $0x7, v2;
	v1 =	vadd.s32 v5, v1;
	v5 =	vadd.s32 v37, v2  }
0x19a: {  	v1 =	vor.u32 v4, v1;
	v4 =	vand.u32 $0xFFFFFFF8, v5  }
0x19b: {  	v4 =	vadd.s32 v48, v4;
	_ =	sdelay $0x2  }
0x19c: {  	v20 =	vpop (erf)  }
0x19d: {  	[tilespmem:v1+s0+$0x0] =	vst.idx.msk vm1, v20  }
0x19e: {  	v1 =	vld.idx.msk [tilespmem:v4+s14+$0x0], vm1  }
0x19f: {  	v4 =	vld [tilespmem:$0x1FF50];
	_ =	sdelay $0x4  }
0x1a0: {  	v4 =	vadd.s32 v4, v2  }
0x1a1: {  	v4 =	vand.u32 $0xFFFFFFF8, v4  }
0x1a2: {  	v4 =	vadd.s32 v49, v4;
	_ =	sdelay $0x1  }
0x1a3: {  	v1 =	vmul.f32 v20, v1  }
0x1a4: {  	v62 =	vld [tilespmem:$0x1FE80]  }
0x1a5: {  	v47 =	vmov v27;
	v27 =	vld [tilespmem:$0x1FE70];
	[tilespmem:v17+s5+$0x0] =	vst.idx.msk vm1, v1  }
0x1a6: {  	v1 =	vld.idx.msk [tilespmem:v4+s14+$0x0], vm1  }
0x1a7: {  	v4 =	vld [tilespmem:$0x1FF60]  }
0x1a8: {  	v24 =	vld [tilespmem:$0x1FE50]  }
0x1a9: {  	v52 =	vld [tilespmem:$0x1FE20]  }
0x1aa: {  	v23 =	vld [tilespmem:$0x1FE40]  }
0x1ab: {  	v12 =	vld [tilespmem:$0x1FE30]  }
0x1ac: {  	v25 =	vld [tilespmem:$0x1FE60];
	v4 =	vadd.s32 v4, v2  }
0x1ad: {  	v63 =	vld [tilespmem:$0x1FE90];
	v4 =	vand.u32 $0xFFFFFFF8, v4  }
0x1ae: {  	v4 =	vadd.s32 v50, v4;
	_ =	sdelay $0x1  }
0x1af: {  	v14 =	vsel vm0, v24, v23;
	v61 =	vsel vm0, v12, v52;
	v1 =	vmul.f32 v20, v1  }
0x1b0: {  	v5 =	vcombine.low v14, v61  }
0x1b1: {  	v17 =	vsel vm0, v63, v62;
	[tilespmem:v15+s5+$0x0] =	vst.idx.msk vm1, v1;
	v15 =	vsel vm0, v27, v25  }
0x1b2: {  	v6 =	vcombine.low v17, v15;
	v1 =	vld.idx.msk [tilespmem:v4+s14+$0x0], vm1  }
0x1b3: {  	v30 =	vand.u32 $0xFF, v5;
	v5 =	vld [tilespmem:$0x1FD70]  }
0x1b4: {  	v31 =	vand.u32 $0xFF, v6;
	v6 =	vld [tilespmem:$0x1FD80]  }
0x1b5: {  	v4 =	vadd.s32 v30, v2  }
0x1b6: {  	v4 =	vand.u32 $0xFFFFFFF8, v4  }
0x1b7: {  	v4 =	vadd.s32 v51, v4;
	v1 =	vmul.f32 v20, v1;
	_ =	sdelay $0x1  }
0x1b8: {  	[tilespmem:v16+s5+$0x0] =	vst.idx.msk vm1, v1;
	v16 =	vsel vm0, v6, v5;
	v5 =	vld [tilespmem:$0x1FD60]  }
0x1b9: {  	v6 =	vld [tilespmem:$0x1FD90];
	_ =	sdelay $0x1  }
0x1ba: {  	v1 =	vld.idx.msk [tilespmem:v4+s14+$0x0], vm1  }
0x1bb: {  	v4 =	vadd.s32 v31, v2  }
0x1bc: {  	v4 =	vand.u32 $0xFFFFFFF8, v4  }
0x1bd: {  	v4 =	vadd.s32 v56, v4;
	v21 =	vsel vm0, v5, v6;
	v5 =	vld [tilespmem:$0x1FDD0]  }
0x1be: {  	v6 =	vld [tilespmem:$0x1FDE0]  }
0x1bf: {  	v1 =	vmul.f32 v1, v20;
	_ =	sdelay $0x1  }
0x1c0: {  	[tilespmem:v18+s5+$0x0] =	vst.idx.msk vm1, v1  }
0x1c1: {  	v7 =	vcombine.low v21, v16;
	v1 =	vld.idx.msk [tilespmem:v4+s14+$0x0], vm1  }
0x1c2: {  	v18 =	vsel vm0, v6, v5;
	v5 =	vld [tilespmem:$0x1FDC0]  }
0x1c3: {  	v32 =	vand.u32 $0xFF, v7;
	v6 =	vld [tilespmem:$0x1FDF0]  }
0x1c4: {  	v4 =	vadd.s32 v32, v2  }
0x1c5: {  	v4 =	vand.u32 $0xFFFFFFF8, v4  }
0x1c6: {  	v4 =	vadd.s32 v58, v4;
	_ =	sdelay $0x1  }
0x1c7: {  	v1 =	vmul.f32 v1, v20;
	v22 =	vsel vm0, v5, v6  }
0x1c8: {  	v35 =	vcombine.low v22, v18  }
0x1c9: {  	[tilespmem:v10+s5+$0x0] =	vst.idx.msk vm1, v1  }
0x1ca: {  	v1 =	vld.idx.msk [tilespmem:v4+s14+$0x0], vm1;
	v33 =	vand.u32 $0xFF, v35  }
0x1cb: {  	v4 =	vadd.s32 v33, v2  }
0x1cc: {  	v4 =	vand.u32 $0xFFFFFFF8, v4  }
0x1cd: {  	v4 =	vadd.s32 v57, v4;
	_ =	sdelay $0x1  }
0x1ce: {  	v24 =	vsel vm0, v52, v24;
	v23 =	vsel vm0, v23, v12;
	v1 =	vmul.f32 v1, v20  }
0x1cf: {  	v37 =	vcombine.low v24, v23  }
0x1d0: {  	[tilespmem:v19+s5+$0x0] =	vst.idx.msk vm1, v1  }
0x1d1: {  	v43 =	vand.u32 $0xFF, v37;
	v1 =	vld.idx.msk [tilespmem:v4+s14+$0x0], vm1  }
0x1d2: {  	v4 =	vadd.s32 v43, v2  }
0x1d3: {  	v4 =	vand.u32 $0xFFFFFFF8, v4  }
0x1d4: {  	v4 =	vadd.s32 v59, v4;
	_ =	sdelay $0x1  }
0x1d5: {  	v52 =	vsel vm0, v62, v27;
	v12 =	vsel vm0, v25, v63;
	v1 =	vmul.f32 v1, v20  }
0x1d6: {  	v11 =	vcombine.low v12, v52  }
0x1d7: {  	v5 =	vld [tilespmem:$0x1FDA0];
	[tilespmem:v41+s5+$0x0] =	vst.idx.msk vm1, v1  }
0x1d8: {  	v25 =	vand.u32 $0xFF, v11;
	v1 =	vld.idx.msk [tilespmem:v4+s14+$0x0], vm1  }
0x1d9: {  	v6 =	vld [tilespmem:$0x1FDB0];
	v4 =	vadd.s32 v25, v2  }
0x1da: {  	v4 =	vand.u32 $0xFFFFFFF8, v4  }
0x1db: {  	v4 =	vadd.s32 v48, v4;
	_ =	sdelay $0x1  }
0x1dc: {  	v1 =	vmul.f32 v1, v20  }
0x1dd: {  	v12 =	vcombine.low v5, v6  }
0x1de: {  	v5 =	vld [tilespmem:$0x1FE00];
	[tilespmem:v34+s5+$0x0] =	vst.idx.msk vm1, v1  }
0x1df: {  	v38 =	vmov v26;
	v26 =	vand.u32 $0xFF, v12;
	v1 =	vld.idx.msk [tilespmem:v4+s14+$0x0], vm1  }
0x1e0: {  	v6 =	vld [tilespmem:$0x1FE10];
	v4 =	vadd.s32 v26, v2  }
0x1e1: {  	v4 =	vand.u32 $0xFFFFFFF8, v4  }
0x1e2: {  	v4 =	vadd.s32 v49, v4;
	_ =	sdelay $0x1  }
0x1e3: {  	v1 =	vmul.f32 v1, v20  }
0x1e4: {  	v19 =	vcombine.low v5, v6  }
0x1e5: {  	[tilespmem:v13+s5+$0x0] =	vst.idx.msk vm1, v1  }
0x1e6: {  	v6 =	vand.u32 $0xFF, v19;
	v1 =	vld.idx.msk [tilespmem:v4+s14+$0x0], vm1  }
0x1e7: {  	v4 =	vadd.s32 v6, v2  }
0x1e8: {  	v4 =	vand.u32 $0xFFFFFFF8, v4  }
0x1e9: {  	v4 =	vadd.s32 v50, v4;
	_ =	sdelay $0x1  }
0x1ea: {  	v1 =	vmul.f32 v1, v20  }
0x1eb: {  	v9 =	vcombine.low v61, v14  }
0x1ec: {  	[tilespmem:v36+s5+$0x0] =	vst.idx.msk vm1, v1  }
0x1ed: {  	v13 =	vand.u32 $0xFF, v9;
	v1 =	vld.idx.msk [tilespmem:v4+s14+$0x0], vm1  }
0x1ee: {  	v4 =	vadd.s32 v13, v2  }
0x1ef: {  	v4 =	vand.u32 $0xFFFFFFF8, v4  }
0x1f0: {  	v4 =	vadd.s32 v51, v4;
	_ =	sdelay $0x1  }
0x1f1: {  	v1 =	vmul.f32 v1, v20  }
0x1f2: {  	v61 =	vcombine.low v15, v17  }
0x1f3: {  	[tilespmem:v38+s5+$0x0] =	vst.idx.msk vm1, v1  }
0x1f4: {  	v14 =	vand.u32 $0xFF, v61;
	v1 =	vld.idx.msk [tilespmem:v4+s14+$0x0], vm1  }
0x1f5: {  	v4 =	vadd.s32 v14, v2  }
0x1f6: {  	v4 =	vand.u32 $0xFFFFFFF8, v4  }
0x1f7: {  	v4 =	vadd.s32 v56, v4;
	_ =	sdelay $0x1  }
0x1f8: {  	v1 =	vmul.f32 v1, v20  }
0x1f9: {  	v62 =	vcombine.low v16, v21  }
0x1fa: {  	[tilespmem:v47+s5+$0x0] =	vst.idx.msk vm1, v1  }
0x1fb: {  	v15 =	vand.u32 $0xFF, v62;
	v1 =	vld.idx.msk [tilespmem:v4+s14+$0x0], vm1  }
0x1fc: {  	v4 =	vadd.s32 v15, v2  }
0x1fd: {  	[tilespmem:$0x1FB10] =	vst v39;
	v39 =	vmov v28;
	v4 =	vand.u32 $0xFFFFFFF8, v4  }
0x1fe: {  	v4 =	vadd.s32 v58, v4;
	_ =	sdelay $0x1  }
0x1ff: {  	v1 =	vmul.f32 v1, v20  }
0x200: {  	v63 =	vcombine.low v18, v22  }
0x201: {  	[tilespmem:v39+s5+$0x0] =	vst.idx.msk vm1, v1  }
0x202: {  	v17 =	vand.u32 $0xFF, v63;
	v1 =	vld.idx.msk [tilespmem:v4+s14+$0x0], vm1  }
0x203: {  	v4 =	vadd.s32 v17, v2  }
0x204: {  	v4 =	vand.u32 $0xFFFFFFF8, v4  }
0x205: {  	v4 =	vadd.s32 v57, v4;
	_ =	sdelay $0x1  }
0x206: {  	[tilespmem:$0x1FBB0] =	vst v43;
	v1 =	vmul.f32 v1, v20  }
0x207: {  	[tilespmem:$0x1FB70] =	vst v30  }
0x208: {  	[tilespmem:v42+s5+$0x0] =	vst.idx.msk vm1, v1  }
0x209: {  	[tilespmem:$0x1FB90] =	vst v31;
	v1 =	vcombine.low v23, v24;
	v4 =	vld.idx.msk [tilespmem:v4+s14+$0x0], vm1  }
0x20a: {  	[tilespmem:$0x1FB80] =	vst v32  }
0x20b: {  	[tilespmem:$0x1FBA0] =	vst v33;
	v16 =	vand.u32 $0xFF, v1  }
0x20c: {  	[tilespmem:$0x1FBC0] =	vst v26;
	v1 =	vadd.s32 v16, v2  }
0x20d: {  	[tilespmem:$0x1FBD0] =	vst v6;
	v1 =	vand.u32 $0xFFFFFFF8, v1  }
0x20e: {  	s29 =	simm.s32 $0x7;
	v61 =	vimm.s32 $0x0;
	[tilespmem:$0x1FBE0] =	vst v16;
	v1 =	vadd.s32 v59, v1;
	v4 =	vmul.f32 v4, v20  }
.LBB2_6:
0x20f: {  	_ = 	snop  }
0x210: {  	[tilespmem:v44+s5+$0x0] =	vst.idx.msk vm1, v4;
	v4 =	vld [tilespmem:$0x1FF40];
	_ =	sdelay $0x1  }
0x211: {  	v18 =	vld [tilespmem:$0x1FB10]  }
0x212: {  	v5 =	vld [tilespmem:$0x1FFB0]  }
0x213: {  	v2 =	vadd.s32 $0x10, v2;
	v1 =	vld.idx.msk [tilespmem:v1+s14+$0x0], vm1  }
0x214: {  	v30 =	vor.u32 v4, v2;
	v4 =	vld [tilespmem:$0x1FF30];
	_ =	sdelay $0x1  }
0x215: {  	v6 =	vld [tilespmem:$0x1FF20]  }
0x216: {  	v16 =	vld [tilespmem:$0x1FB00]  }
0x217: {  	v9 =	vmul.f32 v1, v20;
	v1 =	vld [tilespmem:$0x1FFD0]  }
0x218: {  	v34 =	vor.u32 v5, v2;
	v5 =	vld [tilespmem:$0x1FAF0];
	v32 =	vor.u32 v4, v2;
	v4 =	vadd.s32 v18, v30;
	_ =	sdelay $0x1  }
0x219: {  	v36 =	vor.u32 v6, v2  }
0x21a: {  	v10 =	vld [tilespmem:$0x1FFE0];
	v62 =	vadd.s32 v16, v34;
	v63 =	vadd.s32 v0, v36  }
0x21b: {  	[tilespmem:v3+s5+$0x0] =	vst.idx.msk vm1, v9;
	v9 =	vor.u32 v55, v2;
	v37 =	vor.u32 v1, v2;
	v1 =	vld [tilespmem:$0x1FFC0]  }
0x21c: {  	v21 =	vadd.s32 v5, v9;
	v3 =	vmov v4;
	v20 =	vld.idx.msk [tilespmem:v4+s15+$0x0], vm1;
	v4 =	vor.u32 v53, v2  }
0x21d: {  	v41 =	vld [tilespmem:$0x1FEF0];
	v22 =	vadd.s32 v48, v4;
	v28 =	vadd.s32 v45, v4;
	v4 =	vor.u32 v54, v2  }
0x21e: {  	v44 =	vadd.s32 v5, v32;
	v23 =	vadd.s32 v49, v4;
	v27 =	vadd.s32 v46, v4;
	v4 =	vld [tilespmem:$0x1FED0]  }
0x21f: {  	v31 =	vld.idx.msk [tilespmem:v62+s15+$0x0], vm1  }
0x220: {  	v33 =	vld.idx.msk [tilespmem:v63+s15+$0x0], vm1;
	v38 =	vor.u32 v1, v2;
	v1 =	vadd.s32 v60, v37  }
0x221: {  	v52 =	vld.idx.msk [tilespmem:v21+s15+$0x0], vm1  }
0x222: {  	v53 =	vld.idx.msk [tilespmem:v21+s5+$0x0], vm1  }
0x223: {  	v29 =	vld.idx.msk [tilespmem:v44+s15+$0x0], vm1;
	v19 =	vadd.s32 v40, v38;
	v4 =	vor.u32 v4, v2  }
0x224: {  	v55 =	vadd.s32 v50, v4;
	v26 =	vadd.s32 v40, v4;
	v4 =	vld [tilespmem:$0x1FEE0]  }
0x225: {  	v35 =	vld.idx.msk [tilespmem:v1+s15+$0x0], vm1  }
0x226: {  	v54 =	vld.idx.msk [tilespmem:v28+s5+$0x0], vm1  }
0x227: {  	v22 =	vld.idx.msk [tilespmem:v22+s14+$0x0], vm1  }
0x228: {  	v47 =	vld.idx.msk [tilespmem:v19+s15+$0x0], vm1  }
0x229: {  	v5 =	vld.idx.msk [tilespmem:v27+s5+$0x0], vm1;
	v4 =	vor.u32 v4, v2  }
0x22a: {  	v43 =	vmov v25;
	v6 =	vadd.s32 v51, v4;
	v25 =	vadd.s32 v60, v4;
	v4 =	vld.idx.msk [tilespmem:v28+s15+$0x0], vm1  }
0x22b: {  	v7 =	vld.idx.msk [tilespmem:v27+s15+$0x0], vm1  }
0x22c: {  	v8 =	vld.idx.msk [tilespmem:v23+s14+$0x0], vm1;
	v23 =	vor.u32 v10, v2  }
0x22d: {  	v11 =	vadd.s32 v56, v23;
	v24 =	vadd.s32 v0, v23;
	v23 =	vld [tilespmem:$0x1FFF0]  }
0x22e: {  	v39 =	vmov v13;
	v13 =	vld.idx.msk [tilespmem:v26+s15+$0x0], vm1  }
0x22f: {  	v4 =	vmul.f32 v4, v22;
	v22 =	vld.idx.msk [tilespmem:v55+s14+$0x0], vm1  }
0x230: {  	v55 =	vld.idx.msk [tilespmem:v25+s15+$0x0], vm1  }
0x231: {  	v7 =	vmul.f32 v7, v8;
	v6 =	vld.idx.msk [tilespmem:v6+s14+$0x0], vm1  }
0x232: {  	v8 =	vadd.s32 v57, v9;
	v10 =	vld.idx.msk [tilespmem:v26+s5+$0x0], vm1;
	v23 =	vor.u32 v23, v2;
	v4 =	vmul.f32 v54, v4  }
0x233: {  	v42 =	vmov v14;
	v9 =	vor.u32 v41, v2;
	v11 =	vld.idx.msk [tilespmem:v11+s14+$0x0], vm1;
	v14 =	vadd.s32 v58, v23  }
0x234: {  	v41 =	vmovc v15;
	v23 =	vadd.s32 v16, v23;
	v5 =	vmul.f32 v5, v7;
	v7 =	vld.idx.msk [tilespmem:v24+s15+$0x0], vm1;
	v15 =	vadd.f32 $0.0e+00, v4  }
0x235: {  	v4 =	vadd.s32 v18, v9;
	v18 =	vmovc v17;
	v17 =	vadd.s32 v59, v9;
	v9 =	vmul.f32 v13, v22;
	v13 =	vld [tilespmem:$0x1FF10]  }
0x236: {  	v6 =	vmul.f32 v55, v6;
	v55 =	vld [tilespmem:$0x1FF00]  }
0x237: {  	v8 =	vld.idx.msk [tilespmem:v8+s14+$0x0], vm1  }
0x238: {  	v12 =	vld.idx.msk [tilespmem:v25+s5+$0x0], vm1  }
0x239: {  	v16 =	vld.idx.msk [tilespmem:v23+s5+$0x0], vm1  }
0x23a: {  	v14 =	vld.idx.msk [tilespmem:v14+s14+$0x0], vm1;
	v5 =	vadd.f32 v5, v15;
	v13 =	vor.u32 v13, v2  }
0x23b: {  	v54 =	vld.idx.msk [tilespmem:v24+s5+$0x0], vm1;
	v10 =	vmul.f32 v10, v9;
	v55 =	vor.u32 v55, v2;
	v22 =	vadd.s32 v46, v13  }
0x23c: {  	v15 =	vld.idx.msk [tilespmem:v23+s15+$0x0], vm1;
	v9 =	vadd.s32 v45, v55  }
0x23d: {  	v6 =	vmul.f32 v12, v6;
	v5 =	vadd.f32 v10, v5;
	v10 =	vld.idx.msk [tilespmem:v4+s15+$0x0], vm1;
	v12 =	vadd.s32 v48, v55  }
0x23e: {  	v17 =	vld.idx.msk [tilespmem:v17+s14+$0x0], vm1;
	v13 =	vadd.s32 v49, v13  }
0x23f: {  	v5 =	vadd.f32 v6, v5;
	v6 =	vmul.f32 v7, v11;
	v7 =	vld.idx.msk [tilespmem:v4+s5+$0x0], vm1  }
0x240: {  	v38 =	vadd.s32 v50, v38;
	v11 =	vld.idx.msk [tilespmem:v22+s15+$0x0], vm1  }
0x241: {  	v14 =	vmul.f32 v15, v14;
	v6 =	vmul.f32 v54, v6;
	v54 =	vld.idx.msk [tilespmem:v9+s15+$0x0], vm1  }
0x242: {  	v8 =	vmul.f32 v52, v8;
	v15 =	vadd.s32 v51, v37;
	v12 =	vld.idx.msk [tilespmem:v12+s14+$0x0], vm1  }
0x243: {  	v5 =	vadd.f32 v6, v5;
	v6 =	vld.idx.msk [tilespmem:v13+s14+$0x0], vm1;
	v13 =	vmul.f32 v16, v14  }
0x244: {  	v8 =	vmul.f32 v53, v8;
	v14 =	vld.idx.msk [tilespmem:v9+s5+$0x0], vm1  }
0x245: {  	v10 =	vmul.f32 v10, v17;
	v17 =	vld.idx.msk [tilespmem:v38+s14+$0x0], vm1;
	v16 =	vadd.s32 v56, v36;
	v5 =	vadd.f32 v13, v5  }
0x246: {  	v34 =	vadd.s32 v58, v34;
	v13 =	vld.idx.msk [tilespmem:v22+s5+$0x0], vm1  }
0x247: {  	v7 =	vmul.f32 v7, v10;
	v10 =	vld.idx.msk [tilespmem:v15+s14+$0x0], vm1;
	v5 =	vadd.f32 v8, v5;
	v38 =	vmul.f32 v54, v12  }
0x248: {  	v15 =	vadd.s32 v57, v32;
	v12 =	vld.idx.msk [tilespmem:v19+s5+$0x0], vm1  }
0x249: {  	v36 =	vld.idx.msk [tilespmem:v1+s5+$0x0], vm1;
	v6 =	vmul.f32 v11, v6;
	v5 =	vadd.f32 v7, v5;
	v7 =	vmul.f32 v14, v38  }
0x24a: {  	v52 =	vld.idx.msk [tilespmem:v16+s14+$0x0], vm1;
	v16 =	vmul.f32 v47, v17  }
0x24b: {  	v17 =	vld.idx.msk [tilespmem:v34+s14+$0x0], vm1;
	v14 =	vadd.s32 v59, v30;
	v6 =	vmul.f32 v13, v6;
	v5 =	vadd.f32 v7, v5  }
0x24c: {  	v7 =	vld.idx.msk [tilespmem:v63+s5+$0x0], vm1  }
0x24d: {  	v10 =	vmul.f32 v35, v10;
	v13 =	vld.idx.msk [tilespmem:v15+s14+$0x0], vm1;
	v5 =	vadd.f32 v6, v5;
	v6 =	vmul.f32 v12, v16  }
0x24e: {  	v12 =	vld.idx.msk [tilespmem:v62+s5+$0x0], vm1  }
0x24f: {  	v38 =	vld.idx.msk [tilespmem:v44+s5+$0x0], vm1;
	v11 =	vmul.f32 v33, v52;
	v5 =	vadd.f32 v6, v5;
	v6 =	vmul.f32 v36, v10  }
0x250: {  	v14 =	vld.idx.msk [tilespmem:v14+s14+$0x0], vm1  }
0x251: {  	v47 =	vmul.f32 v31, v17;
	v5 =	vadd.f32 v6, v5;
	v6 =	vmul.f32 v7, v11  }
0x252: {  	v7 =	vld.idx.msk [tilespmem:v3+s5+$0x0], vm1  }
0x253: {  	v34 =	vmul.f32 v29, v13;
	v5 =	vadd.f32 v6, v5;
	v6 =	vmul.f32 v12, v47;
	_ =	sdelay $0x1  }
0x254: {  	v36 =	vmul.f32 v20, v14;
	v5 =	vadd.f32 v6, v5;
	v6 =	vmul.f32 v38, v34;
	_ =	sdelay $0x1  }
0x255: {  	v5 =	vadd.f32 v6, v5;
	v6 =	vmul.f32 v7, v36;
	_ =	sdelay $0x1  }
0x256: {  	v5 =	vadd.f32 v6, v5;
	_ =	sdelay $0x1  }
0x257: {  	v5 =	vmax.f32 v5, $-5.000000000e+00  }
0x258: {  	v5 =	vmin.f32 v5, $5.000000000e+00  }
0x259: {  	v37 =	vld [tilespmem:$0x1FF80];
	v5 =	vmul.f32 $1.442695020e+00, v5  }
0x25a: {  	v7 =	vld [tilespmem:$0x1FB60]  }
0x25b: {  	(erf) = vpow2.f32 v5;
	_ =	sdelay $0x1  }
0x25c: {  	v61 =	vadd.s32 $0x1, v61  }
0x25d: {  	v5 =	vand.u32 $0xFFFFFFF8, v61  }
0x25e: {  	v6 =	vand.u32 $0x7, v61;
	v5 =	vadd.s32 v7, v5;
	v7 =	vadd.s32 v37, v2  }
0x25f: {  	v5 =	vor.u32 v6, v5;
	v6 =	vand.u32 $0xFFFFFFF8, v7  }
0x260: {  	v6 =	vadd.s32 v48, v6;
	_ =	sdelay $0x2  }
0x261: {  	v20 =	vpop (erf)  }
0x262: {  	[tilespmem:v5+s0+$0x0] =	vst.idx.msk vm1, v20  }
0x263: {  	v5 =	vld.idx.msk [tilespmem:v6+s14+$0x0], vm1  }
0x264: {  	v6 =	vld [tilespmem:$0x1FF50];
	_ =	sdelay $0x4  }
0x265: {  	v6 =	vadd.s32 v6, v2  }
0x266: {  	v6 =	vand.u32 $0xFFFFFFF8, v6  }
0x267: {  	v6 =	vadd.s32 v49, v6;
	_ =	sdelay $0x1  }
0x268: {  	v5 =	vmul.f32 v20, v5;
	_ =	sdelay $0x1  }
0x269: {  	[tilespmem:v28+s5+$0x0] =	vst.idx.msk vm1, v5  }
0x26a: {  	v5 =	vld.idx.msk [tilespmem:v6+s14+$0x0], vm1  }
0x26b: {  	v6 =	vld [tilespmem:$0x1FF60];
	_ =	sdelay $0x4  }
0x26c: {  	v6 =	vadd.s32 v6, v2  }
0x26d: {  	v6 =	vand.u32 $0xFFFFFFF8, v6  }
0x26e: {  	v6 =	vadd.s32 v50, v6  }
0x26f: {  	v30 =	vld [tilespmem:$0x1FB70]  }
0x270: {  	v5 =	vmul.f32 v20, v5;
	_ =	sdelay $0x1  }
0x271: {  	[tilespmem:v27+s5+$0x0] =	vst.idx.msk vm1, v5  }
0x272: {  	v5 =	vld.idx.msk [tilespmem:v6+s14+$0x0], vm1  }
0x273: {  	v6 =	vadd.s32 v30, v2  }
0x274: {  	v6 =	vand.u32 $0xFFFFFFF8, v6  }
0x275: {  	v6 =	vadd.s32 v51, v6  }
0x276: {  	v52 =	vld [tilespmem:$0x1FB90]  }
0x277: {  	v5 =	vmul.f32 v20, v5;
	_ =	sdelay $0x1  }
0x278: {  	[tilespmem:v26+s5+$0x0] =	vst.idx.msk vm1, v5  }
0x279: {  	v5 =	vld.idx.msk [tilespmem:v6+s14+$0x0], vm1  }
0x27a: {  	v6 =	vadd.s32 v52, v2  }
0x27b: {  	v6 =	vand.u32 $0xFFFFFFF8, v6  }
0x27c: {  	v6 =	vadd.s32 v56, v6  }
0x27d: {  	v32 =	vld [tilespmem:$0x1FB80]  }
0x27e: {  	v5 =	vmul.f32 v5, v20;
	_ =	sdelay $0x1  }
0x27f: {  	[tilespmem:v25+s5+$0x0] =	vst.idx.msk vm1, v5  }
0x280: {  	v5 =	vld.idx.msk [tilespmem:v6+s14+$0x0], vm1  }
0x281: {  	v6 =	vadd.s32 v32, v2  }
0x282: {  	v6 =	vand.u32 $0xFFFFFFF8, v6  }
0x283: {  	v6 =	vadd.s32 v58, v6  }
0x284: {  	v33 =	vld [tilespmem:$0x1FBA0]  }
0x285: {  	v5 =	vmul.f32 v5, v20;
	_ =	sdelay $0x1  }
0x286: {  	[tilespmem:v24+s5+$0x0] =	vst.idx.msk vm1, v5  }
0x287: {  	v5 =	vld.idx.msk [tilespmem:v6+s14+$0x0], vm1  }
0x288: {  	v6 =	vadd.s32 v33, v2  }
0x289: {  	v6 =	vand.u32 $0xFFFFFFF8, v6  }
0x28a: {  	v6 =	vadd.s32 v57, v6  }
0x28b: {  	v35 =	vld [tilespmem:$0x1FBB0]  }
0x28c: {  	v5 =	vmul.f32 v5, v20;
	_ =	sdelay $0x1  }
0x28d: {  	[tilespmem:v23+s5+$0x0] =	vst.idx.msk vm1, v5  }
0x28e: {  	v5 =	vld.idx.msk [tilespmem:v6+s14+$0x0], vm1  }
0x28f: {  	v6 =	vadd.s32 v35, v2  }
0x290: {  	v6 =	vand.u32 $0xFFFFFFF8, v6  }
0x291: {  	v6 =	vadd.s32 v59, v6;
	_ =	sdelay $0x1  }
0x292: {  	v5 =	vmul.f32 v5, v20;
	_ =	sdelay $0x1  }
0x293: {  	[tilespmem:v21+s5+$0x0] =	vst.idx.msk vm1, v5  }
0x294: {  	v5 =	vld.idx.msk [tilespmem:v6+s14+$0x0], vm1  }
0x295: {  	v6 =	vadd.s32 v43, v2  }
0x296: {  	v6 =	vand.u32 $0xFFFFFFF8, v6  }
0x297: {  	v6 =	vadd.s32 v48, v6  }
0x298: {  	v26 =	vld [tilespmem:$0x1FBC0]  }
0x299: {  	v5 =	vmul.f32 v5, v20;
	_ =	sdelay $0x1  }
0x29a: {  	[tilespmem:v4+s5+$0x0] =	vst.idx.msk vm1, v5  }
0x29b: {  	v4 =	vld.idx.msk [tilespmem:v6+s14+$0x0], vm1  }
0x29c: {  	v5 =	vadd.s32 v26, v2  }
0x29d: {  	v5 =	vand.u32 $0xFFFFFFF8, v5  }
0x29e: {  	v5 =	vadd.s32 v49, v5  }
0x29f: {  	v6 =	vld [tilespmem:$0x1FBD0]  }
0x2a0: {  	v4 =	vmul.f32 v4, v20;
	_ =	sdelay $0x1  }
0x2a1: {  	[tilespmem:v9+s5+$0x0] =	vst.idx.msk vm1, v4  }
0x2a2: {  	v4 =	vld.idx.msk [tilespmem:v5+s14+$0x0], vm1  }
0x2a3: {  	v5 =	vadd.s32 v6, v2  }
0x2a4: {  	v5 =	vand.u32 $0xFFFFFFF8, v5  }
0x2a5: {  	v5 =	vadd.s32 v50, v5;
	_ =	sdelay $0x1  }
0x2a6: {  	v4 =	vmul.f32 v4, v20;
	_ =	sdelay $0x1  }
0x2a7: {  	[tilespmem:v22+s5+$0x0] =	vst.idx.msk vm1, v4  }
0x2a8: {  	v4 =	vld.idx.msk [tilespmem:v5+s14+$0x0], vm1  }
0x2a9: {  	v7 =	vadd.s32 v39, v2  }
0x2aa: {  	v5 =	vand.u32 $0xFFFFFFF8, v7  }
0x2ab: {  	v5 =	vadd.s32 v51, v5;
	_ =	sdelay $0x1  }
0x2ac: {  	v4 =	vmul.f32 v4, v20;
	_ =	sdelay $0x1  }
0x2ad: {  	[tilespmem:v19+s5+$0x0] =	vst.idx.msk vm1, v4  }
0x2ae: {  	v4 =	vld.idx.msk [tilespmem:v5+s14+$0x0], vm1  }
0x2af: {  	v38 =	vadd.s32 v42, v2  }
0x2b0: {  	v8 =	vand.u32 $0xFFFFFFF8, v38  }
0x2b1: {  	v5 =	vadd.s32 v56, v8;
	_ =	sdelay $0x1  }
0x2b2: {  	v4 =	vmul.f32 v4, v20;
	_ =	sdelay $0x1  }
0x2b3: {  	[tilespmem:v1+s5+$0x0] =	vst.idx.msk vm1, v4  }
0x2b4: {  	v1 =	vld.idx.msk [tilespmem:v5+s14+$0x0], vm1  }
0x2b5: {  	v47 =	vadd.s32 v41, v2  }
0x2b6: {  	v4 =	vand.u32 $0xFFFFFFF8, v47  }
0x2b7: {  	v4 =	vadd.s32 v58, v4;
	_ =	sdelay $0x1  }
0x2b8: {  	v1 =	vmul.f32 v1, v20;
	_ =	sdelay $0x1  }
0x2b9: {  	[tilespmem:v63+s5+$0x0] =	vst.idx.msk vm1, v1  }
0x2ba: {  	v1 =	vld.idx.msk [tilespmem:v4+s14+$0x0], vm1  }
0x2bb: {  	v52 =	vadd.s32 v18, v2  }
0x2bc: {  	v11 =	vand.u32 $0xFFFFFFF8, v52  }
0x2bd: {  	v4 =	vadd.s32 v57, v11;
	_ =	sdelay $0x1  }
0x2be: {  	v1 =	vmul.f32 v1, v20  }
0x2bf: {  	v16 =	vld [tilespmem:$0x1FBE0]  }
0x2c0: {  	[tilespmem:v62+s5+$0x0] =	vst.idx.msk vm1, v1  }
0x2c1: {  	p2 =	sne.s32 s29, $0x1;
	v4 =	vld.idx.msk [tilespmem:v4+s14+$0x0], vm1  }
.Ltmp3:
0x2c2: {  	_ = 	snop;
	(pc) =	sbr.rel @p2 .LBB2_6-.Ltmp3, $4  }
0x2c3: {  	_ = 	snop  }
0x2c4: {  	v53 =	vld [tilespmem:$0x1FF90];
	v12 =	vadd.s32 v16, v2  }
0x2c5: {  	v55 =	vld [tilespmem:$0x1FF70];
	v15 =	vmov v41;
	v17 =	vmov v18;
	v12 =	vand.u32 $0xFFFFFFF8, v12  }
0x2c6: {  	s29 =	sadd.s32 $0xFFFFFFFF, s29;
	v54 =	vld [tilespmem:$0x1FFA0];
	v13 =	vmovc v39;
	v14 =	vmovc v42;
	v25 =	vmov v43;
	v1 =	vadd.s32 v59, v12;
	v4 =	vmul.f32 v4, v20  }
0x2c7: {  	_ =	sdelay $0x4  }
0x2c8: {  	[tilespmem:v44+s5+$0x0] =	vst.idx.msk vm1, v4  }
0x2c9: {  	v0 =	vld.idx.msk [tilespmem:v1+s14+$0x0], vm1  }
0x2ca: {  	s31 =	sadd.s32 $0x1, s31  }
0x2cb: {  	p2 =	sne.s32 s31, $0x3  }
.Ltmp4:
0x2cc: {  	v63 =	vld [tilespmem:$0x1FFE0];
	(pc) =	sbr.rel @p2 .LBB2_5-.Ltmp4, $4  }
0x2cd: {  	v56 =	vld [tilespmem:$0x1FFF0]  }
0x2ce: {  	v12 =	vld [tilespmem:$0x1FFC0];
	v0 =	vmul.f32 v0, v20  }
0x2cf: {  	v24 =	vld [tilespmem:$0x1FFD0]  }
0x2d0: {  	v16 =	vlaneseq.u32;
	v60 =	vld [tilespmem:$0x1FFB0];
	[tilespmem:v3+s5+$0x0] =	vst.idx.msk vm1, v0  }
0x2d1: {  	[spmem:s2] =	stream.indirect.scatter.add.f32 [tilespmem:s5], [sflag:$0x4], $0x80, s23, s13, $0xb8;
	[tilespmem:$0x1EF78] =	vst v63  }
0x2d2: {  	_ = 	snop  }
0x2d3: {  	[spmem:s3] =	stream.indirect.scatter.add.f32 [tilespmem:s0], [sflag:$0x4], $0x8, s23, s13, $0xb8;
	[tilespmem:$0x1EF78] =	vst v63  }
0x2d4: {  	_ =	swait.ge [sflag:s24], $0x1400  }
0x2d5: {  	[sflag:s24] =	ssyncset.done $0x0  }
0x2d6: {  	[sflag:s24] =	ssyncadd.s32 $0xFFFFEC00  }
0x2d7: {  	_ =	swait.ge [sflag:s24], $0x140  }
0x2d8: {  	[sflag:s24] =	ssyncset.done $0x0  }
0x2d9: {  	s29 =	simm.s32 @!p1 $0x1;
	[sflag:s24] =	ssyncadd.s32 $0xFFFFFEC0  }
0x2da: {  	_ =	swait.ge @!p1 [sflag:s29], $0x50  }
0x2db: {  	s31 =	simm.s32 @!p1 $0x0;
	[sflag:s29] =	ssyncset.done @!p1 $0x0  }
0x2dc: {  	s4 =	simm.s32 @!p1 $0x50;
	[sflag:s29] =	ssyncadd.s32 @!p1 $0xFFFFFFB0;
	s29 =	simm.s32 @!p1 $0x28  }
0x2dd: {  	[tilespmem:s4], [sflag:$0x2] =	stream.indirect.gather @!p1 [hbm4b:s6+s29], $0x100, s31, s29, $0xb8;
	[tilespmem:$0x1EF78] =	vst v63  }
0x2de: {  	s30 =	smul.u32 @!p1 $0x280, s30;
	s4 =	simm.s32 @!p1 $0x2850  }
0x2df: {  	[tilespmem:s4], [sflag:$0x2] =	stream.indirect.gather @!p1 [hbm4b:s1+s29], $0x80, s29, s29, $0xb8;
	[tilespmem:$0x1EF78] =	vst v63  }
0x2e0: {  	s4 =	sadd.s32 @!p1 s7, s30;
	s29 =	simm.s32 @!p1 $0x3C50  }
0x2e1: {  	[tilespmem:s29], [sflag:$0x2] =	stream.linear.gather @!p1 [hbm4b:s4+s31], $0x1400, $0x38;
	[tilespmem:$0x1EF78] =	vst v63  }
0x2e2: {  	v0 =	vld [tilespmem:$0x51E0]  }
0x2e3: {  	v1 =	vld [tilespmem:$0x51F0]  }
0x2e4: {  	v2 =	vld [tilespmem:$0x51F8];
	_ =	sdelay $0x2  }
0x2e5: {  	[tilespmem:$0xA348] =	vst v0  }
0x2e6: {  	[tilespmem:$0xA358] =	vst v1  }
0x2e7: {  	[tilespmem:$0xA360] =	vst v2  }
0x2e8: {  	_ =	swait.ge [sflag:s25], $0x2800  }
0x2e9: {  	[sflag:s25] =	ssyncset.done $0x0  }
0x2ea: {  	[sflag:s25] =	ssyncadd.s32 $0xFFFFD800  }
0x2eb: {  	_ =	swait.ge [sflag:s25], $0x1400  }
0x2ec: {  	[sflag:s25] =	ssyncset.done $0x0  }
0x2ed: {  	[sflag:s25] =	ssyncadd.s32 $0xFFFFEC00  }
0x2ee: {  	_ =	swait.ge [sflag:s25], $0x1400  }
0x2ef: {  	[tilespmem:$0x1FAA0] =	vst v43  }
0x2f0: {  	[tilespmem:$0x1FAB0] =	vst v39  }
0x2f1: {  	s4 =	smul.u32 @!p1 $0xA, s10;
	[tilespmem:$0x1FAC0] =	vst v42  }
0x2f2: {  	s30 =	simm.s32 $0x0;
	[sflag:s25] =	ssyncset.done $0x0;
	[tilespmem:$0x1FAD0] =	vst v41  }
0x2f3: {  	s29 =	simm.s32 @!p1 $0x51B8;
	s4 =	sadd.s32 @!p1 s8, s4;
	v17 =	vld [tilespmem:$0x1FED0];
	[tilespmem:$0x1FAE0] =	vst v18;
	[sflag:s25] =	ssyncadd.s32 $0xFFFFEC00  }
0x2f4: {  	v52 =	vld [tilespmem:$0x1FEE0];
	[tilespmem:s29], [sflag:$0x1] =	stream.linear.gather @!p1 [hbm4b:s4+s31], $0x50, $0x38  }
.LBB2_9:
0x2f5: {  	v23 =	vld [tilespmem:$0x1FD10]  }
0x2f6: {  	v13 =	vld [tilespmem:$0x1FEC0]  }
0x2f7: {  	s4 =	sshll.u32 s30, $0x4;
	v15 =	vld [tilespmem:$0x1FD20]  }
0x2f8: {  	v20 =	vld [tilespmem:$0x1FCF0];
	v19 =	vor.u32 s4, v16  }
0x2f9: {  	v0 =	vimm.s32 $0x0;
	v51 =	vld [tilespmem:$0x1FD40];
	v5 =	vshll.u32 v19, $0x7;
	vm1 =	vlt.u32 v19, $0x28  }
0x2fa: {  	v57 =	vld [tilespmem:$0x1FEF0];
	v7 =	vshll.u32 v19, $0x8;
	v6 =	vor.u32 v52, v0;
	v47 =	vor.u32 v23, v5  }
0x2fb: {  	v55 =	vld [tilespmem:$0x1FF70];
	v8 =	vor.u32 v53, v0;
	v52 =	vor.u32 v63, v0;
	v4 =	vadd.s32 v47, v6  }
0x2fc: {  	v16 =	vld [tilespmem:$0x1FD00];
	v3 =	vor.u32 v13, v7;
	v40 =	vor.u32 v15, v7;
	v28 =	vor.u32 v13, v5  }
0x2fd: {  	v58 =	vor.u32 v20, v5;
	v45 =	vor.u32 v20, v7;
	v20 =	vld [tilespmem:$0x1FF10];
	v10 =	vadd.s32 v3, v8  }
0x2fe: {  	v38 =	vor.u32 v15, v5;
	v15 =	vor.u32 v54, v0;
	v54 =	vld [tilespmem:$0x1FF00];
	v53 =	vadd.s32 v40, v52  }
0x2ff: {  	v37 =	vor.u32 v57, v0;
	v57 =	vld [tilespmem:$0x1FD30];
	v25 =	vadd.s32 v28, v8  }
0x300: {  	v22 =	vadd.s32 v38, v52;
	v14 =	vld.idx.msk [tilespmem:v4+s21+$0x0], vm1  }
0x301: {  	v26 =	vadd.s32 v58, v15;
	v8 =	vld.idx.msk [tilespmem:v4+s20+$0x0], vm1  }
0x302: {  	v10 =	vld.idx.msk [tilespmem:v10+s18+$0x0], vm1  }
0x303: {  	v13 =	vld.idx.msk [tilespmem:v53+s18+$0x0], vm1  }
0x304: {  	v9 =	vor.u32 v17, v0;
	v17 =	vld.idx.msk [tilespmem:v25+s21+$0x0], vm1  }
0x305: {  	v15 =	vadd.s32 v45, v15;
	v27 =	vld.idx.msk [tilespmem:v22+s21+$0x0], vm1  }
0x306: {  	vm2 =	vmmov vm1;
	v46 =	vor.u32 v23, v7;
	v29 =	vld.idx.msk [tilespmem:v26+s21+$0x0], vm1  }
0x307: {  	v48 =	vor.u32 v51, v5;
	v36 =	vor.u32 v55, v0;
	v6 =	vadd.s32 v46, v6;
	v30 =	vld.idx.msk [tilespmem:v22+s20+$0x0], vm1  }
0x308: {  	v2 =	vmov v24;
	v1 =	vor.u32 v16, v5;
	v24 =	vadd.s32 v48, v36;
	v35 =	vld.idx.msk [tilespmem:v26+s20+$0x0], vm1  }
0x309: {  	v11 =	vor.u32 v12, v0;
	v21 =	vadd.s32 v1, v9;
	v53 =	vld [tilespmem:$0x1FD50]  }
0x30a: {  	v44 =	vor.u32 v16, v7;
	[tilespmem:$0x1FA60] =	vst v1;
	v1 =	vadd.s32 v1, v11;
	v15 =	vld.idx.msk [tilespmem:v15+s18+$0x0], vm1  }
0x30b: {  	v9 =	vadd.s32 v44, v9;
	v59 =	vld.idx.msk [tilespmem:v25+s20+$0x0], vm1  }
0x30c: {  	v6 =	vld.idx.msk [tilespmem:v6+s18+$0x0], vm2  }
0x30d: {  	v11 =	vadd.s32 v44, v11;
	v33 =	vor.u32 v54, v0;
	v61 =	vld.idx.msk [tilespmem:v24+s20+$0x0], vm2  }
0x30e: {  	v31 =	vor.u32 v20, v0;
	v20 =	vadd.s32 v28, v33;
	v12 =	vld.idx.msk [tilespmem:v21+s21+$0x0], vm1  }
0x30f: {  	v16 =	vld.idx.msk [tilespmem:v1+s20+$0x0], vm1  }
0x310: {  	v33 =	vadd.s32 v3, v33;
	v32 =	vld.idx.msk [tilespmem:v9+s18+$0x0], vm1  }
0x311: {  	v51 =	vor.u32 v51, v7;
	v9 =	vadd.s32 v58, v31;
	v34 =	vld.idx.msk [tilespmem:v21+s20+$0x0], vm1  }
0x312: {  	v36 =	vadd.s32 v51, v36;
	v11 =	vld.idx.msk [tilespmem:v11+s18+$0x0], vm2  }
0x313: {  	v50 =	vor.u32 v57, v5;
	v31 =	vadd.s32 v45, v31;
	v52 =	vld.idx.msk [tilespmem:v20+s20+$0x0], vm2  }
0x314: {  	v49 =	vor.u32 v53, v5;
	v5 =	vor.u32 v56, v0;
	v56 =	vor.u32 v53, v7;
	v53 =	vld.idx.msk [tilespmem:v24+s21+$0x0], vm2  }
0x315: {  	v33 =	vld.idx.msk [tilespmem:v33+s18+$0x0], vm2;
	v23 =	vadd.s32 v49, v37  }
0x316: {  	[tilespmem:$0x1FA70] =	vst v28;
	v28 =	vadd.s32 v50, v5;
	v62 =	vld.idx.msk [tilespmem:v9+s20+$0x0], vm2  }
0x317: {  	v57 =	vor.u32 v57, v7;
	v37 =	vadd.s32 v56, v37;
	v32 =	vmul.f32 v34, v32;
	v34 =	vld.idx.msk [tilespmem:v36+s18+$0x0], vm2  }
0x318: {  	v6 =	vmul.f32 v8, v6;
	v5 =	vadd.s32 v57, v5;
	v8 =	vld.idx.msk [tilespmem:v31+s18+$0x0], vm2  }
0x319: {  	v59 =	vmul.f32 v59, v10;
	v15 =	vmul.f32 v35, v15;
	v36 =	vld [tilespmem:$0x1FF30]  }
0x31a: {  	v13 =	vmul.f32 v30, v13;
	v54 =	vld.idx.msk [tilespmem:v23+s20+$0x0], vm2  }
0x31b: {  	v7 =	vmul.f32 v17, v59;
	v15 =	vmul.f32 v29, v15;
	v17 =	vld.idx.msk [tilespmem:v28+s20+$0x0], vm2  }
0x31c: {  	v13 =	vmul.f32 v27, v13;
	v6 =	vmul.f32 v14, v6;
	v14 =	vor.u32 v60, v0;
	v35 =	vld.idx.msk [tilespmem:v37+s18+$0x0], vm2  }
0x31d: {  	v27 =	vadd.s32 v50, v14;
	v14 =	vadd.s32 v57, v14;
	v7 =	vadd.f32 $0.0e+00, v7;
	v5 =	vld.idx.msk [tilespmem:v5+s18+$0x0], vm2  }
0x31e: {  	v37 =	vld [tilespmem:$0x1FF20]  }
0x31f: {  	v12 =	vmul.f32 v12, v32;
	v10 =	vld.idx.msk [tilespmem:v28+s21+$0x0], vm2;
	v7 =	vadd.f32 v15, v7  }
0x320: {  	v15 =	vld [tilespmem:$0x1FF40]  }
0x321: {  	v32 =	vor.u32 v2, v0;
	v31 =	vor.u32 v36, v0;
	v7 =	vadd.f32 v12, v7;
	v12 =	vld.idx.msk [tilespmem:v20+s21+$0x0], vm2  }
0x322: {  	v30 =	vadd.s32 v47, v32;
	v60 =	vadd.s32 v48, v31;
	v14 =	vld.idx.msk [tilespmem:v14+s18+$0x0], vm2  }
0x323: {  	v6 =	vadd.f32 v6, v7;
	v7 =	vld.idx.msk [tilespmem:v1+s21+$0x0], vm2;
	v55 =	vor.u32 v37, v0;
	v5 =	vmul.f32 v17, v5  }
0x324: {  	v17 =	vmul.f32 v61, v34;
	v34 =	vld.idx.msk [tilespmem:v23+s21+$0x0], vm2;
	v29 =	vadd.s32 v38, v55  }
0x325: {  	v37 =	vld.idx.msk [tilespmem:v9+s21+$0x0], vm2;
	v6 =	vadd.f32 v13, v6;
	v13 =	vadd.s32 v46, v32;
	v5 =	vmul.f32 v10, v5  }
0x326: {  	v61 =	vld.idx.msk [tilespmem:v27+s20+$0x0], vm2;
	v10 =	vadd.s32 v40, v55  }
0x327: {  	v35 =	vmul.f32 v54, v35;
	v36 =	vld.idx.msk [tilespmem:v60+s20+$0x0], vm2;
	v17 =	vmul.f32 v53, v17;
	v5 =	vadd.f32 v5, v6  }
0x328: {  	[tilespmem:$0x1FA80] =	vst v47;
	v55 =	vld.idx.msk [tilespmem:v30+s20+$0x0], vm2  }
0x329: {  	v33 =	vmul.f32 v52, v33;
	v47 =	vld.idx.msk [tilespmem:v29+s20+$0x0], vm2;
	v5 =	vadd.f32 v17, v5;
	v17 =	vmul.f32 v34, v35  }
0x32a: {  	v8 =	vmul.f32 v62, v8;
	v31 =	vadd.s32 v51, v31;
	v13 =	vld.idx.msk [tilespmem:v13+s18+$0x0], vm2  }
0x32b: {  	v15 =	vor.u32 v15, v0;
	v12 =	vmul.f32 v12, v33;
	v10 =	vld.idx.msk [tilespmem:v10+s18+$0x0], vm2;
	v5 =	vadd.f32 v17, v5  }
0x32c: {  	v11 =	vmul.f32 v16, v11;
	v59 =	vadd.s32 v49, v15;
	v17 =	vld.idx.msk [tilespmem:v30+s21+$0x0], vm2  }
0x32d: {  	v15 =	vadd.s32 v56, v15;
	v62 =	vld.idx.msk [tilespmem:v60+s21+$0x0], vm2;
	v8 =	vmul.f32 v37, v8;
	v5 =	vadd.f32 v12, v5  }
0x32e: {  	v12 =	vld.idx.msk [tilespmem:v29+s21+$0x0], vm2  }
0x32f: {  	v33 =	vld.idx.msk [tilespmem:v31+s18+$0x0], vm2;
	v7 =	vmul.f32 v7, v11;
	v34 =	vmul.f32 v55, v13;
	v5 =	vadd.f32 v8, v5  }
0x330: {  	v35 =	vld.idx.msk [tilespmem:v27+s21+$0x0], vm2  }
0x331: {  	v32 =	vld.idx.msk [tilespmem:v59+s20+$0x0], vm2;
	v6 =	vmul.f32 v47, v10;
	v55 =	vmul.f32 v17, v34;
	v5 =	vadd.f32 v7, v5  }
0x332: {  	v47 =	vld.idx.msk [tilespmem:v15+s18+$0x0], vm2  }
0x333: {  	v14 =	vmul.f32 v61, v14;
	v6 =	vmul.f32 v12, v6;
	v5 =	vadd.f32 v55, v5  }
0x334: {  	v12 =	vld.idx.msk [tilespmem:v59+s21+$0x0], vm2  }
0x335: {  	v14 =	vmul.f32 v35, v14;
	v8 =	vmul.f32 v36, v33;
	v5 =	vadd.f32 v6, v5;
	_ =	sdelay $0x1  }
0x336: {  	v31 =	vmul.f32 v62, v8;
	v7 =	vmul.f32 v32, v47;
	v5 =	vadd.f32 v14, v5;
	_ =	sdelay $0x1  }
0x337: {  	v32 =	vmul.f32 v12, v7;
	v5 =	vadd.f32 v31, v5;
	_ =	sdelay $0x1  }
0x338: {  	v5 =	vadd.f32 v32, v5;
	_ =	sdelay $0x1  }
0x339: {  	v5 =	vmax.f32 v5, $-5.000000000e+00  }
0x33a: {  	v5 =	vmin.f32 v5, $5.000000000e+00  }
0x33b: {  	v5 =	vmul.f32 $1.442695020e+00, v5  }
0x33c: {  	v37 =	vld [tilespmem:$0x1FF80]  }
0x33d: {  	(erf) = vpow2.f32 v5;
	_ =	sdelay $0x2  }
0x33e: {  	v33 =	vshll.u32 v19, $0x3;
	v5 =	vand.u32 $0xFFFFFFF8, v0  }
0x33f: {  	v35 =	vadd.s32 v37, v0;
	v34 =	vand.u32 $0x7, v0;
	v5 =	vadd.s32 v33, v5  }
0x340: {  	v36 =	vand.u32 $0xFFFFFFF8, v35;
	v5 =	vor.u32 v34, v5  }
0x341: {  	v6 =	vadd.s32 v3, v36  }
0x342: {  	v47 =	vld [tilespmem:$0x1FF50];
	_ =	sdelay $0x1  }
0x343: {  	v19 =	vpop (erf)  }
0x344: {  	[tilespmem:v5+s26+$0x0] =	vst.idx.msk vm2, v19  }
0x345: {  	v5 =	vld.idx.msk [tilespmem:v6+s18+$0x0], vm2  }
0x346: {  	v6 =	vadd.s32 v47, v0  }
0x347: {  	v6 =	vand.u32 $0xFFFFFFF8, v6  }
0x348: {  	v6 =	vadd.s32 v45, v6  }
0x349: {  	v55 =	vld [tilespmem:$0x1FF60]  }
0x34a: {  	v5 =	vmul.f32 v19, v5;
	_ =	sdelay $0x1  }
0x34b: {  	[tilespmem:v25+s21+$0x0] =	vst.idx.msk vm2, v5  }
0x34c: {  	v5 =	vld.idx.msk [tilespmem:v6+s18+$0x0], vm2  }
0x34d: {  	v6 =	vadd.s32 v55, v0  }
0x34e: {  	v6 =	vand.u32 $0xFFFFFFF8, v6  }
0x34f: {  	v6 =	vadd.s32 v44, v6  }
0x350: {  	v61 =	vld [tilespmem:$0x1FB70]  }
0x351: {  	v5 =	vmul.f32 v19, v5;
	_ =	sdelay $0x1  }
0x352: {  	[tilespmem:v26+s21+$0x0] =	vst.idx.msk vm2, v5  }
0x353: {  	v5 =	vld.idx.msk [tilespmem:v6+s18+$0x0], vm2  }
0x354: {  	v6 =	vadd.s32 v61, v0  }
0x355: {  	v6 =	vand.u32 $0xFFFFFFF8, v6  }
0x356: {  	v6 =	vadd.s32 v46, v6;
	_ =	sdelay $0x1  }
0x357: {  	v5 =	vmul.f32 v19, v5;
	_ =	sdelay $0x1  }
0x358: {  	v62 =	vld [tilespmem:$0x1FB90];
	[tilespmem:v21+s21+$0x0] =	vst.idx.msk vm2, v5  }
0x359: {  	v5 =	vld.idx.msk [tilespmem:v6+s18+$0x0], vm2;
	_ =	sdelay $0x3  }
0x35a: {  	v6 =	vadd.s32 v62, v0  }
0x35b: {  	v6 =	vand.u32 $0xFFFFFFF8, v6;
	v5 =	vmul.f32 v5, v19  }
0x35c: {  	v6 =	vadd.s32 v40, v6  }
0x35d: {  	[tilespmem:v4+s21+$0x0] =	vst.idx.msk vm2, v5;
	v5 =	vld [tilespmem:$0x1FB80];
	_ =	sdelay $0x3  }
0x35e: {  	v4 =	vld.idx.msk [tilespmem:v6+s18+$0x0], vm2  }
0x35f: {  	v5 =	vadd.s32 v5, v0  }
0x360: {  	v5 =	vand.u32 $0xFFFFFFF8, v5  }
0x361: {  	v5 =	vadd.s32 v57, v5;
	_ =	sdelay $0x1  }
0x362: {  	v4 =	vmul.f32 v4, v19;
	_ =	sdelay $0x1  }
0x363: {  	[tilespmem:v22+s21+$0x0] =	vst.idx.msk vm2, v4  }
0x364: {  	v4 =	vld.idx.msk [tilespmem:v5+s18+$0x0], vm2  }
0x365: {  	v5 =	vld [tilespmem:$0x1FBA0];
	_ =	sdelay $0x4  }
0x366: {  	v5 =	vadd.s32 v5, v0  }
0x367: {  	v5 =	vand.u32 $0xFFFFFFF8, v5  }
0x368: {  	v5 =	vadd.s32 v51, v5;
	_ =	sdelay $0x1  }
0x369: {  	v4 =	vmul.f32 v4, v19;
	_ =	sdelay $0x1  }
0x36a: {  	[tilespmem:v28+s21+$0x0] =	vst.idx.msk vm2, v4  }
0x36b: {  	v4 =	vld.idx.msk [tilespmem:v5+s18+$0x0], vm2  }
0x36c: {  	v5 =	vld [tilespmem:$0x1FBB0];
	_ =	sdelay $0x4  }
0x36d: {  	v5 =	vadd.s32 v5, v0  }
0x36e: {  	v5 =	vand.u32 $0xFFFFFFF8, v5  }
0x36f: {  	v5 =	vadd.s32 v56, v5;
	_ =	sdelay $0x1  }
0x370: {  	v4 =	vmul.f32 v4, v19;
	_ =	sdelay $0x1  }
0x371: {  	[tilespmem:v24+s21+$0x0] =	vst.idx.msk vm2, v4  }
0x372: {  	v4 =	vld.idx.msk [tilespmem:v5+s18+$0x0], vm2  }
0x373: {  	v5 =	vadd.s32 v43, v0  }
0x374: {  	v5 =	vand.u32 $0xFFFFFFF8, v5  }
0x375: {  	v5 =	vadd.s32 v3, v5;
	_ =	sdelay $0x1  }
0x376: {  	v4 =	vmul.f32 v4, v19;
	_ =	sdelay $0x1  }
0x377: {  	[tilespmem:v23+s21+$0x0] =	vst.idx.msk vm2, v4  }
0x378: {  	v4 =	vld.idx.msk [tilespmem:v5+s18+$0x0], vm2  }
0x379: {  	v5 =	vld [tilespmem:$0x1FBC0];
	_ =	sdelay $0x4  }
0x37a: {  	v5 =	vadd.s32 v5, v0  }
0x37b: {  	v5 =	vand.u32 $0xFFFFFFF8, v5  }
0x37c: {  	v5 =	vadd.s32 v45, v5;
	_ =	sdelay $0x1  }
0x37d: {  	v4 =	vmul.f32 v4, v19;
	_ =	sdelay $0x1  }
0x37e: {  	[tilespmem:v20+s21+$0x0] =	vst.idx.msk vm2, v4  }
0x37f: {  	v4 =	vld.idx.msk [tilespmem:v5+s18+$0x0], vm2  }
0x380: {  	v5 =	vld [tilespmem:$0x1FBD0];
	_ =	sdelay $0x4  }
0x381: {  	v5 =	vadd.s32 v5, v0  }
0x382: {  	v5 =	vand.u32 $0xFFFFFFF8, v5  }
0x383: {  	v5 =	vadd.s32 v44, v5;
	_ =	sdelay $0x1  }
0x384: {  	v4 =	vmul.f32 v4, v19;
	_ =	sdelay $0x1  }
0x385: {  	[tilespmem:v9+s21+$0x0] =	vst.idx.msk vm2, v4  }
0x386: {  	v4 =	vld.idx.msk [tilespmem:v5+s18+$0x0], vm2  }
0x387: {  	v5 =	vadd.s32 v39, v0  }
0x388: {  	v5 =	vand.u32 $0xFFFFFFF8, v5  }
0x389: {  	v5 =	vadd.s32 v46, v5;
	_ =	sdelay $0x1  }
0x38a: {  	v4 =	vmul.f32 v4, v19;
	_ =	sdelay $0x1  }
0x38b: {  	[tilespmem:v1+s21+$0x0] =	vst.idx.msk vm2, v4  }
0x38c: {  	v1 =	vld.idx.msk [tilespmem:v5+s18+$0x0], vm2  }
0x38d: {  	v4 =	vadd.s32 v42, v0  }
0x38e: {  	v4 =	vand.u32 $0xFFFFFFF8, v4  }
0x38f: {  	v4 =	vadd.s32 v40, v4;
	_ =	sdelay $0x1  }
0x390: {  	v1 =	vmul.f32 v1, v19;
	_ =	sdelay $0x1  }
0x391: {  	[tilespmem:v30+s21+$0x0] =	vst.idx.msk vm2, v1  }
0x392: {  	v1 =	vld.idx.msk [tilespmem:v4+s18+$0x0], vm2  }
0x393: {  	v4 =	vadd.s32 v41, v0  }
0x394: {  	v4 =	vand.u32 $0xFFFFFFF8, v4  }
0x395: {  	v4 =	vadd.s32 v57, v4;
	_ =	sdelay $0x1  }
0x396: {  	v1 =	vmul.f32 v1, v19;
	_ =	sdelay $0x1  }
0x397: {  	[tilespmem:v29+s21+$0x0] =	vst.idx.msk vm2, v1  }
0x398: {  	v1 =	vld.idx.msk [tilespmem:v4+s18+$0x0], vm2;
	_ =	sdelay $0x4  }
0x399: {  	v1 =	vmul.f32 v1, v19  }
0x39a: {  	v4 =	vadd.s32 v18, v0  }
0x39b: {  	v4 =	vand.u32 $0xFFFFFFF8, v4;
	[tilespmem:v27+s21+$0x0] =	vst.idx.msk vm2, v1;
	v1 =	vld [tilespmem:$0x1FBE0]  }
0x39c: {  	v4 =	vadd.s32 v51, v4  }
0x39d: {  	v52 =	vld [tilespmem:$0x1FEE0]  }
0x39e: {  	v54 =	vld [tilespmem:$0x1FFA0]  }
0x39f: {  	v53 =	vld [tilespmem:$0x1FF90]  }
0x3a0: {  	v17 =	vld [tilespmem:$0x1FED0];
	v1 =	vadd.s32 v1, v0  }
0x3a1: {  	s31 =	simm.s32 $0x7;
	[tilespmem:$0x1FA90] =	vst v33;
	v62 =	vimm.s32 $0x0;
	v61 =	vand.u32 $0xFFFFFFF8, v1;
	v1 =	vld.idx.msk [tilespmem:v4+s18+$0x0], vm2  }
.LBB2_10:
0x3a2: {  	_ =	sdelay $0x1  }
0x3a3: {  	v2 =	vld [tilespmem:$0x1FBE0];
	_ =	sdelay $0x1  }
0x3a4: {  	v1 =	vmul.f32 v1, v19  }
0x3a5: {  	v47 =	vld [tilespmem:$0x1FA80]  }
0x3a6: {  	v0 =	vadd.s32 $0x10, v0;
	v5 =	vadd.s32 v56, v61;
	[tilespmem:v60+s21+$0x0] =	vst.idx.msk vm2, v1;
	v1 =	vld [tilespmem:$0x1FFC0]  }
0x3a7: {  	v4 =	vadd.s32 v2, v0  }
0x3a8: {  	v4 =	vand.u32 $0xFFFFFFF8, v4  }
0x3a9: {  	v61 =	vmov v4;
	v4 =	vor.u32 v52, v0  }
0x3aa: {  	v25 =	vadd.s32 v47, v4;
	v14 =	vadd.s32 v46, v4;
	v4 =	vld [tilespmem:$0x1FF70]  }
0x3ab: {  	v6 =	vor.u32 v1, v0;
	v1 =	vld.idx.msk [tilespmem:v5+s18+$0x0], vm2  }
0x3ac: {  	v2 =	vld [tilespmem:$0x1FA60];
	_ =	sdelay $0x1  }
0x3ad: {  	v23 =	vld [tilespmem:$0x1FA70]  }
0x3ae: {  	v8 =	vor.u32 v17, v0;
	v9 =	vor.u32 v53, v0;
	v60 =	vld [tilespmem:$0x1FF20]  }
0x3af: {  	v10 =	vadd.s32 v3, v9;
	v33 =	vor.u32 v4, v0;
	v4 =	vld [tilespmem:$0x1FFF0];
	v11 =	vmul.f32 v1, v19  }
0x3b0: {  	v26 =	vadd.s32 v2, v8;
	v5 =	vor.u32 v63, v0;
	v1 =	vadd.s32 v2, v6;
	v2 =	vld [tilespmem:$0x1FF10]  }
0x3b1: {  	v55 =	vadd.s32 v40, v5;
	[tilespmem:v59+s21+$0x0] =	vst.idx.msk vm2, v11;
	v59 =	vld [tilespmem:$0x1FFD0]  }
0x3b2: {  	v29 =	vadd.s32 v23, v9;
	v24 =	vadd.s32 v38, v5;
	v5 =	vld.idx.msk [tilespmem:v25+s21+$0x0], vm1  }
0x3b3: {  	v7 =	vor.u32 v54, v0;
	v11 =	vld.idx.msk [tilespmem:v25+s20+$0x0], vm1  }
0x3b4: {  	v28 =	vadd.s32 v58, v7;
	v10 =	vld.idx.msk [tilespmem:v10+s18+$0x0], vm1  }
0x3b5: {  	v12 =	vld.idx.msk [tilespmem:v26+s21+$0x0], vm1  }
0x3b6: {  	v8 =	vadd.s32 v44, v8;
	v9 =	vld.idx.msk [tilespmem:v55+s18+$0x0], vm1  }
0x3b7: {  	v15 =	vld.idx.msk [tilespmem:v29+s21+$0x0], vm1  }
0x3b8: {  	v16 =	vld.idx.msk [tilespmem:v24+s21+$0x0], vm1  }
0x3b9: {  	v7 =	vadd.s32 v45, v7;
	v55 =	vmov v17;
	v17 =	vld.idx.msk [tilespmem:v28+s21+$0x0], vm1  }
0x3ba: {  	v19 =	vld.idx.msk [tilespmem:v24+s20+$0x0], vm1  }
0x3bb: {  	v8 =	vld.idx.msk [tilespmem:v8+s18+$0x0], vm1  }
0x3bc: {  	vm2 =	vmmov vm1;
	v30 =	vld.idx.msk [tilespmem:v26+s20+$0x0], vm1  }
0x3bd: {  	v32 =	vld.idx.msk [tilespmem:v28+s20+$0x0], vm1  }
0x3be: {  	v34 =	vor.u32 v4, v0;
	v4 =	vadd.s32 v48, v33;
	v7 =	vld.idx.msk [tilespmem:v7+s18+$0x0], vm1  }
0x3bf: {  	v35 =	vld.idx.msk [tilespmem:v29+s20+$0x0], vm1  }
0x3c0: {  	v6 =	vadd.s32 v44, v6;
	v13 =	vld.idx.msk [tilespmem:v1+s20+$0x0], vm1  }
0x3c1: {  	v21 =	vor.u32 v2, v0;
	v2 =	vld [tilespmem:$0x1FF00]  }
0x3c2: {  	v27 =	vadd.s32 v50, v34;
	v14 =	vld.idx.msk [tilespmem:v14+s18+$0x0], vm2  }
0x3c3: {  	v8 =	vmul.f32 v30, v8;
	v30 =	vld.idx.msk [tilespmem:v4+s21+$0x0], vm2  }
0x3c4: {  	v33 =	vadd.s32 v51, v33;
	v7 =	vmul.f32 v32, v7;
	v32 =	vor.u32 v59, v0;
	v59 =	vld [tilespmem:$0x1FF30]  }
0x3c5: {  	v9 =	vmul.f32 v19, v9;
	v6 =	vld.idx.msk [tilespmem:v6+s18+$0x0], vm2  }
0x3c6: {  	v10 =	vmul.f32 v35, v10;
	v22 =	vor.u32 v2, v0;
	v2 =	vld [tilespmem:$0x1FEF0]  }
0x3c7: {  	v20 =	vadd.s32 v58, v21;
	v9 =	vmul.f32 v16, v9;
	v16 =	vld.idx.msk [tilespmem:v27+s21+$0x0], vm2  }
0x3c8: {  	v34 =	vadd.s32 v57, v34;
	v10 =	vmul.f32 v15, v10;
	v15 =	vld.idx.msk [tilespmem:v27+s20+$0x0], vm2  }
0x3c9: {  	v7 =	vmul.f32 v17, v7;
	v17 =	vadd.s32 v45, v21;
	v21 =	vld.idx.msk [tilespmem:v33+s18+$0x0], vm2  }
0x3ca: {  	v33 =	vor.u32 v60, v0;
	v11 =	vmul.f32 v11, v14;
	v14 =	vld.idx.msk [tilespmem:v4+s20+$0x0], vm2  }
0x3cb: {  	v60 =	vld [tilespmem:$0x1FF40];
	v10 =	vadd.f32 $0.0e+00, v10;
	v31 =	vor.u32 v2, v0;
	v2 =	vmovc v52;
	v52 =	vmovc v63;
	v63 =	vadd.s32 v23, v22  }
0x3cc: {  	v36 =	vld.idx.msk [tilespmem:v20+s20+$0x0], vm2;
	v22 =	vadd.s32 v3, v22  }
0x3cd: {  	v8 =	vmul.f32 v12, v8;
	v7 =	vadd.f32 v7, v10;
	v10 =	vld.idx.msk [tilespmem:v34+s18+$0x0], vm2  }
0x3ce: {  	v17 =	vld.idx.msk [tilespmem:v17+s18+$0x0], vm2;
	v5 =	vmul.f32 v5, v11;
	v23 =	vadd.s32 v49, v31  }
0x3cf: {  	v31 =	vadd.s32 v56, v31;
	v7 =	vadd.f32 v8, v7;
	v11 =	vmul.f32 v14, v21;
	v21 =	vld [tilespmem:$0x1FFB0]  }
0x3d0: {  	v19 =	vld.idx.msk [tilespmem:v63+s20+$0x0], vm2  }
0x3d1: {  	v35 =	vor.u32 v60, v0;
	v5 =	vadd.f32 v5, v7;
	v22 =	vld.idx.msk [tilespmem:v22+s18+$0x0], vm2  }
0x3d2: {  	v34 =	vor.u32 v59, v0;
	v59 =	vadd.s32 v49, v35;
	v8 =	vld.idx.msk [tilespmem:v63+s21+$0x0], vm2  }
0x3d3: {  	v5 =	vadd.f32 v9, v5;
	v9 =	vadd.s32 v47, v32;
	v47 =	vadd.s32 v46, v32;
	v12 =	vld.idx.msk [tilespmem:v23+s20+$0x0], vm2  }
0x3d4: {  	v31 =	vld.idx.msk [tilespmem:v31+s18+$0x0], vm2  }
0x3d5: {  	v11 =	vmul.f32 v30, v11;
	v30 =	vld.idx.msk [tilespmem:v1+s21+$0x0], vm2  }
0x3d6: {  	v10 =	vmul.f32 v15, v10;
	v17 =	vmul.f32 v36, v17;
	v36 =	vadd.s32 v51, v34;
	v15 =	vld.idx.msk [tilespmem:v23+s21+$0x0], vm2  }
0x3d7: {  	v60 =	vadd.s32 v48, v34;
	v32 =	vld.idx.msk [tilespmem:v59+s20+$0x0], vm2  }
0x3d8: {  	v10 =	vmul.f32 v16, v10;
	v16 =	vadd.s32 v40, v33;
	v47 =	vld.idx.msk [tilespmem:v47+s18+$0x0], vm2  }
0x3d9: {  	v6 =	vmul.f32 v13, v6;
	v14 =	vor.u32 v21, v0;
	v7 =	vmul.f32 v12, v31;
	v12 =	vld.idx.msk [tilespmem:v20+s21+$0x0], vm2  }
0x3da: {  	v5 =	vadd.f32 v10, v5;
	v21 =	vadd.s32 v50, v14;
	v34 =	vld.idx.msk [tilespmem:v9+s21+$0x0], vm2  }
0x3db: {  	v19 =	vmul.f32 v19, v22;
	v22 =	vadd.s32 v38, v33;
	v6 =	vmul.f32 v30, v6;
	v30 =	vld.idx.msk [tilespmem:v36+s18+$0x0], vm2  }
0x3dc: {  	v14 =	vadd.s32 v57, v14;
	v31 =	vld.idx.msk [tilespmem:v60+s21+$0x0], vm2  }
0x3dd: {  	v5 =	vadd.f32 v11, v5;
	v7 =	vmul.f32 v15, v7;
	v15 =	vld.idx.msk [tilespmem:v16+s18+$0x0], vm2  }
0x3de: {  	v10 =	vmul.f32 v12, v17;
	v17 =	vld.idx.msk [tilespmem:v9+s20+$0x0], vm2  }
0x3df: {  	v8 =	vmul.f32 v8, v19;
	v13 =	vld.idx.msk [tilespmem:v21+s20+$0x0], vm2;
	v5 =	vadd.f32 v7, v5  }
0x3e0: {  	v12 =	vld.idx.msk [tilespmem:v22+s20+$0x0], vm2  }
0x3e1: {  	v16 =	vadd.s32 v56, v35;
	v14 =	vld.idx.msk [tilespmem:v14+s18+$0x0], vm2;
	v5 =	vadd.f32 v8, v5  }
0x3e2: {  	v35 =	vld.idx.msk [tilespmem:v22+s21+$0x0], vm2  }
0x3e3: {  	v19 =	vld.idx.msk [tilespmem:v60+s20+$0x0], vm2;
	v5 =	vadd.f32 v10, v5;
	v36 =	vmul.f32 v17, v47  }
0x3e4: {  	v47 =	vld.idx.msk [tilespmem:v21+s21+$0x0], vm2  }
0x3e5: {  	v17 =	vmovc v55;
	v12 =	vmul.f32 v12, v15;
	v5 =	vadd.f32 v6, v5;
	v55 =	vmul.f32 v34, v36  }
0x3e6: {  	v15 =	vld.idx.msk [tilespmem:v16+s18+$0x0], vm2  }
0x3e7: {  	v33 =	vmul.f32 v13, v14;
	v34 =	vmul.f32 v35, v12;
	v5 =	vadd.f32 v55, v5  }
0x3e8: {  	v35 =	vld.idx.msk [tilespmem:v59+s21+$0x0], vm2  }
0x3e9: {  	v36 =	vmul.f32 v19, v30;
	v47 =	vmul.f32 v47, v33;
	v5 =	vadd.f32 v34, v5;
	_ =	sdelay $0x1  }
0x3ea: {  	v11 =	vmul.f32 v31, v36;
	v55 =	vmul.f32 v32, v15;
	v5 =	vadd.f32 v47, v5;
	_ =	sdelay $0x1  }
0x3eb: {  	v12 =	vmul.f32 v35, v55;
	v5 =	vadd.f32 v11, v5;
	_ =	sdelay $0x1  }
0x3ec: {  	v5 =	vadd.f32 v12, v5;
	_ =	sdelay $0x1  }
0x3ed: {  	v5 =	vmax.f32 v5, $-5.000000000e+00  }
0x3ee: {  	v5 =	vmin.f32 v5, $5.000000000e+00  }
0x3ef: {  	v5 =	vmul.f32 $1.442695020e+00, v5  }
0x3f0: {  	v14 =	vld [tilespmem:$0x1FA90]  }
0x3f1: {  	(erf) = vpow2.f32 v5;
	_ =	sdelay $0x1  }
0x3f2: {  	v62 =	vadd.s32 $0x1, v62  }
0x3f3: {  	v5 =	vand.u32 $0xFFFFFFF8, v62  }
0x3f4: {  	v13 =	vand.u32 $0x7, v62;
	v30 =	vadd.s32 v37, v0;
	v5 =	vadd.s32 v14, v5  }
0x3f5: {  	v31 =	vand.u32 $0xFFFFFFF8, v30;
	v5 =	vor.u32 v13, v5  }
0x3f6: {  	v6 =	vadd.s32 v3, v31  }
0x3f7: {  	v32 =	vld [tilespmem:$0x1FF50];
	_ =	sdelay $0x1  }
0x3f8: {  	v19 =	vpop (erf)  }
0x3f9: {  	[tilespmem:v5+s26+$0x0] =	vst.idx.msk vm2, v19  }
0x3fa: {  	v5 =	vld.idx.msk [tilespmem:v6+s18+$0x0], vm2  }
0x3fb: {  	v6 =	vadd.s32 v32, v0  }
0x3fc: {  	v6 =	vand.u32 $0xFFFFFFF8, v6  }
0x3fd: {  	v6 =	vadd.s32 v45, v6  }
0x3fe: {  	v33 =	vld [tilespmem:$0x1FF60]  }
0x3ff: {  	v5 =	vmul.f32 v19, v5;
	_ =	sdelay $0x1  }
0x400: {  	[tilespmem:v29+s21+$0x0] =	vst.idx.msk vm2, v5  }
0x401: {  	v5 =	vld.idx.msk [tilespmem:v6+s18+$0x0], vm2  }
0x402: {  	v6 =	vadd.s32 v33, v0  }
0x403: {  	v6 =	vand.u32 $0xFFFFFFF8, v6  }
0x404: {  	v6 =	vadd.s32 v44, v6  }
0x405: {  	v34 =	vld [tilespmem:$0x1FB70]  }
0x406: {  	v5 =	vmul.f32 v19, v5;
	_ =	sdelay $0x1  }
0x407: {  	[tilespmem:v28+s21+$0x0] =	vst.idx.msk vm2, v5  }
0x408: {  	v5 =	vld.idx.msk [tilespmem:v6+s18+$0x0], vm2  }
0x409: {  	v6 =	vadd.s32 v34, v0  }
0x40a: {  	v6 =	vand.u32 $0xFFFFFFF8, v6  }
0x40b: {  	v6 =	vadd.s32 v46, v6  }
0x40c: {  	v35 =	vld [tilespmem:$0x1FB90]  }
0x40d: {  	v5 =	vmul.f32 v19, v5;
	_ =	sdelay $0x1  }
0x40e: {  	[tilespmem:v26+s21+$0x0] =	vst.idx.msk vm2, v5  }
0x40f: {  	v5 =	vld.idx.msk [tilespmem:v6+s18+$0x0], vm2  }
0x410: {  	v6 =	vadd.s32 v35, v0  }
0x411: {  	v6 =	vand.u32 $0xFFFFFFF8, v6  }
0x412: {  	v6 =	vadd.s32 v40, v6  }
0x413: {  	v36 =	vld [tilespmem:$0x1FB80]  }
0x414: {  	v5 =	vmul.f32 v5, v19;
	_ =	sdelay $0x1  }
0x415: {  	[tilespmem:v25+s21+$0x0] =	vst.idx.msk vm2, v5  }
0x416: {  	v5 =	vld.idx.msk [tilespmem:v6+s18+$0x0], vm2  }
0x417: {  	v6 =	vadd.s32 v36, v0  }
0x418: {  	v6 =	vand.u32 $0xFFFFFFF8, v6  }
0x419: {  	v6 =	vadd.s32 v57, v6  }
0x41a: {  	v47 =	vld [tilespmem:$0x1FBA0]  }
0x41b: {  	v5 =	vmul.f32 v5, v19;
	_ =	sdelay $0x1  }
0x41c: {  	[tilespmem:v24+s21+$0x0] =	vst.idx.msk vm2, v5  }
0x41d: {  	v5 =	vld.idx.msk [tilespmem:v6+s18+$0x0], vm2  }
0x41e: {  	v6 =	vadd.s32 v47, v0  }
0x41f: {  	v6 =	vand.u32 $0xFFFFFFF8, v6  }
0x420: {  	v6 =	vadd.s32 v51, v6;
	_ =	sdelay $0x1  }
0x421: {  	v5 =	vmul.f32 v5, v19;
	_ =	sdelay $0x1  }
0x422: {  	v55 =	vld [tilespmem:$0x1FBB0];
	[tilespmem:v27+s21+$0x0] =	vst.idx.msk vm2, v5  }
0x423: {  	v5 =	vld.idx.msk [tilespmem:v6+s18+$0x0], vm2;
	_ =	sdelay $0x3  }
0x424: {  	v6 =	vadd.s32 v55, v0  }
0x425: {  	v6 =	vand.u32 $0xFFFFFFF8, v6;
	v5 =	vmul.f32 v5, v19  }
0x426: {  	v6 =	vadd.s32 v56, v6  }
0x427: {  	[tilespmem:v4+s21+$0x0] =	vst.idx.msk vm2, v5;
	v5 =	vld [tilespmem:$0x1FAA0];
	_ =	sdelay $0x3  }
0x428: {  	v4 =	vld.idx.msk [tilespmem:v6+s18+$0x0], vm2  }
0x429: {  	v5 =	vadd.s32 v5, v0  }
0x42a: {  	v5 =	vand.u32 $0xFFFFFFF8, v5  }
0x42b: {  	v5 =	vadd.s32 v3, v5;
	_ =	sdelay $0x1  }
0x42c: {  	v4 =	vmul.f32 v4, v19;
	_ =	sdelay $0x1  }
0x42d: {  	[tilespmem:v23+s21+$0x0] =	vst.idx.msk vm2, v4  }
0x42e: {  	v4 =	vld.idx.msk [tilespmem:v5+s18+$0x0], vm2  }
0x42f: {  	v5 =	vld [tilespmem:$0x1FBC0];
	_ =	sdelay $0x4  }
0x430: {  	v5 =	vadd.s32 v5, v0  }
0x431: {  	v4 =	vmul.f32 v4, v19;
	v5 =	vand.u32 $0xFFFFFFF8, v5  }
0x432: {  	v5 =	vadd.s32 v45, v5  }
0x433: {  	[tilespmem:v63+s21+$0x0] =	vst.idx.msk vm2, v4;
	v63 =	vmov v52;
	v52 =	vmov v2;
	v2 =	vld [tilespmem:$0x1FBD0];
	_ =	sdelay $0x3  }
0x434: {  	v4 =	vld.idx.msk [tilespmem:v5+s18+$0x0], vm2  }
0x435: {  	v5 =	vadd.s32 v2, v0  }
0x436: {  	v5 =	vand.u32 $0xFFFFFFF8, v5  }
0x437: {  	v5 =	vadd.s32 v44, v5  }
0x438: {  	v2 =	vld [tilespmem:$0x1FAB0]  }
0x439: {  	v4 =	vmul.f32 v4, v19;
	_ =	sdelay $0x1  }
0x43a: {  	[tilespmem:v20+s21+$0x0] =	vst.idx.msk vm2, v4  }
0x43b: {  	v4 =	vld.idx.msk [tilespmem:v5+s18+$0x0], vm2  }
0x43c: {  	v5 =	vadd.s32 v2, v0  }
0x43d: {  	v5 =	vand.u32 $0xFFFFFFF8, v5  }
0x43e: {  	v5 =	vadd.s32 v46, v5  }
0x43f: {  	v2 =	vld [tilespmem:$0x1FAC0]  }
0x440: {  	v4 =	vmul.f32 v4, v19;
	_ =	sdelay $0x1  }
0x441: {  	[tilespmem:v1+s21+$0x0] =	vst.idx.msk vm2, v4  }
0x442: {  	v1 =	vld.idx.msk [tilespmem:v5+s18+$0x0], vm2  }
0x443: {  	v4 =	vadd.s32 v2, v0  }
0x444: {  	v4 =	vand.u32 $0xFFFFFFF8, v4  }
0x445: {  	v4 =	vadd.s32 v40, v4  }
0x446: {  	v2 =	vld [tilespmem:$0x1FAD0]  }
0x447: {  	v1 =	vmul.f32 v1, v19;
	_ =	sdelay $0x1  }
0x448: {  	[tilespmem:v9+s21+$0x0] =	vst.idx.msk vm2, v1  }
0x449: {  	v1 =	vld.idx.msk [tilespmem:v4+s18+$0x0], vm2  }
0x44a: {  	v4 =	vadd.s32 v2, v0  }
0x44b: {  	v4 =	vand.u32 $0xFFFFFFF8, v4  }
0x44c: {  	v4 =	vadd.s32 v57, v4  }
0x44d: {  	v2 =	vld [tilespmem:$0x1FAE0]  }
0x44e: {  	v1 =	vmul.f32 v1, v19;
	_ =	sdelay $0x1  }
0x44f: {  	[tilespmem:v22+s21+$0x0] =	vst.idx.msk vm2, v1  }
0x450: {  	v1 =	vld.idx.msk [tilespmem:v4+s18+$0x0], vm2  }
0x451: {  	v4 =	vadd.s32 v2, v0  }
0x452: {  	v4 =	vand.u32 $0xFFFFFFF8, v4  }
0x453: {  	p2 =	sne.s32 s31, $0x1;
	v4 =	vadd.s32 v51, v4  }
.Ltmp5:
0x454: {  	_ = 	snop;
	(pc) =	sbr.rel @p2 .LBB2_10-.Ltmp5, $3  }
0x455: {  	v1 =	vmul.f32 v1, v19;
	_ =	sdelay $0x1  }
0x456: {  	[tilespmem:v21+s21+$0x0] =	vst.idx.msk vm2, v1  }
0x457: {  	s31 =	sadd.s32 $0xFFFFFFFF, s31;
	v1 =	vld.idx.msk [tilespmem:v4+s18+$0x0], vm2  }
0x458: {  	_ =	sdelay $0x1  }
0x459: {  	v0 =	vadd.s32 v56, v61;
	_ =	sdelay $0x1  }
0x45a: {  	v1 =	vmul.f32 v1, v19;
	_ =	sdelay $0x1  }
0x45b: {  	[tilespmem:v60+s21+$0x0] =	vst.idx.msk vm2, v1  }
0x45c: {  	v0 =	vld.idx.msk [tilespmem:v0+s18+$0x0], vm2  }
0x45d: {  	s30 =	sadd.s32 $0x1, s30  }
0x45e: {  	p2 =	sne.s32 s30, $0x3  }
.Ltmp6:
0x45f: {  	_ = 	snop;
	(pc) =	sbr.rel @p2 .LBB2_9-.Ltmp6, $4  }
0x460: {  	v56 =	vld [tilespmem:$0x1FFF0]  }
0x461: {  	v12 =	vld [tilespmem:$0x1FFC0];
	v0 =	vmul.f32 v0, v19  }
0x462: {  	v24 =	vld [tilespmem:$0x1FFD0]  }
0x463: {  	v16 =	vlaneseq.u32;
	v60 =	vld [tilespmem:$0x1FFB0];
	[tilespmem:v59+s21+$0x0] =	vst.idx.msk vm2, v0  }
0x464: {  	[spmem:s2] =	stream.indirect.scatter.add.f32 [tilespmem:s21], [sflag:$0x4], $0x80, s28, s13, $0xb8;
	[tilespmem:$0x1EF78] =	vst v63  }
0x465: {  	_ = 	snop  }
0x466: {  	[spmem:s3] =	stream.indirect.scatter.add.f32 [tilespmem:s26], [sflag:$0x4], $0x8, s28, s13, $0xb8;
	[tilespmem:$0x1EF78] =	vst v63  }
0x467: {  	_ =	swait.ge [sflag:s24], $0x1400  }
.Ltmp7:
0x468: {  	[sflag:s24] =	ssyncset.done $0x0;
	(pc) =	sbr.rel @p1 .LBB2_14-.Ltmp7, $4  }
0x469: {  	[sflag:s24] =	ssyncadd.s32 $0xFFFFEC00  }
0x46a: {  	_ =	swait.ge [sflag:s24], $0x140  }
0x46b: {  	[sflag:s24] =	ssyncset.done $0x0  }
0x46c: {  	[sflag:s24] =	ssyncadd.s32 $0xFFFFFEC0  }
0x46d: {  	_ =	swait.ge [sflag:s12], $0x50  }
0x46e: {  	[sflag:s12] =	ssyncset.done $0x0  }
0x46f: {  	[sflag:s12] =	ssyncadd.s32 $0xFFFFFFB0  }
0x470: {  	[tilespmem:s18], [sflag:$0x3] =	stream.indirect.gather [hbm4b:s6+s13], $0x100, s16, s13, $0xb8;
	[tilespmem:$0x1EF78] =	vst v63  }
.Ltmp8:
0x471: {  	_ = 	snop;
	(pc) =	sbr.rel .LBB2_4-.Ltmp8, $4  }
0x472: {  	s4 =	smul.u32 $0x280, s10  }
0x473: {  	[tilespmem:s20], [sflag:$0x3] =	stream.indirect.gather [hbm4b:s1+s13], $0x80, s19, s13, $0xb8;
	[tilespmem:$0x1EF78] =	vst v63  }
0x474: {  	s31 =	simm.s32 $0x0;
	s9 =	sadd.s32 $0x1, s9;
	s4 =	sadd.s32 s7, s4  }
0x475: {  	v55 =	vld [tilespmem:$0x1FF70];
	[tilespmem:s21], [sflag:$0x3] =	stream.linear.gather [hbm4b:s4+s31], $0x1400, $0x38  }
.LBB2_15:
0x476: {  	_ =	sfence.sel $0x180000  }
0x477: {  	[bflag:$0x0] =	sbarrier.arrive $0xFFFF  }
0x478: {  	_ =	strace $0x90000047  }
0x479: {  	s0 =	stileid.u32;
	[bflag:$0x2] =	sbarrier.arrive $0xFFFF  }
0x47a: {  	p0 =	sne.s32 s0, $0x0;
	s0 =	rddreg [dreg:$0x4]  }
0x47b: {  	s0 =	sadd.s32 @!p0 $0x100000, s0  }
0x47c: {  	[sflag:s0] =	ssyncadd.tile.s32 @!p0 $0x1;
	_ =	shalt  }
.Lfunc_end2:
_tile_overlayer_lowered:
.L_overlay_start_2:
0x47d: {  	(tag) =	ssettag $0x2  }
0x47e: {  	s0 =	rddreg [dreg:$0x0];
	s2 =	stileid.u32  }
0x47f: {  	s1 =	rddreg [dreg:$0x1];
	p0 =	sne.s32 s2, $0x0  }
0x480: {  	s3 =	rddreg [dreg:$0x2];
	[bflag:$0x3] =	sbarrier.arrive $0xFFFF;
	s2 =	simm.s32 @!p0 $0x1C05  }
0x481: {  	[timem:s3], [sflag:s2] =	dma.local @!p0 [hbm:s0], s1  }
0x482: {  	s0 =	simm.s32 @!p0 $0x5  }
0x483: {  	_ =	swait.ge @!p0 [sflag:s0], s1  }
0x484: {  	s1 =	ssub.s32 @!p0 $0x0, s1;
	[sflag:s0] =	ssyncset.done @!p0 $0x0  }
0x485: {  	[sflag:s0] =	ssyncadd.s32 @!p0 s1  }
0x486: {  	[bflag:$0x3] =	sbarrier.arrive $0xFFFF  }
0x487: {  	_ =	shalt  }

</sc_bundles>
